<compile_context>
chip_gen: v7x
topology: tpu7x:2x2x1
jax: 0.10.2.dev20260603
libtpu: 0.0.44.dev20260713+nightly
codegen_flags: <defaults>
</compile_context>

<pallas_src>
import functools

import jax
import jax.numpy as jnp
from jax import lax
from jax.experimental import pallas as pl
from jax.experimental.pallas import tpu as pltpu
from jax.experimental.pallas import tpu_sc as plsc

N_NODES = 10000
N_EDGES = 320000
IN_FEATS = 128
H_FEATS = 16
NSEG = H_FEATS

NC = 2
NS = 16
NW = NC * NS
CHUNK = 128
NCHUNK = 80
EPT = NCHUNK * CHUNK
E_PAD = NW * EPT
N_PAD_SLOTS = 112
N_TOT = N_NODES + N_PAD_SLOTS
FLAT = NSEG * N_TOT
GA, GB = 8, 8

_MESH = plsc.VectorSubcoreMesh(core_axis_name="c", subcore_axis_name="s")



@functools.partial(
    pl.kernel,
    out_type=[
        jax.ShapeDtypeStruct((NC * N_TOT,), jnp.float32),
        jax.ShapeDtypeStruct((NC * N_TOT,), jnp.float32),
    ],
    mesh=_MESH,
    scratch_types=[
        pltpu.VMEM((NCHUNK, CHUNK), jnp.int32),
        pltpu.VMEM((NCHUNK, CHUNK), jnp.int32),
        pltpu.VMEM((CHUNK,), jnp.float32),
        pltpu.VMEM_SHARED((N_TOT,), jnp.float32),
        pltpu.VMEM_SHARED((N_TOT,), jnp.float32),
        pltpu.SemaphoreType.DMA,
    ],
)
def _sc_degrees(src_hbm, dst_hbm, z1_hbm, ones_hbm, dout_hbm, din_hbm,
                src_v, dst_v, ones_v, dout_s, din_s, sem_d):
    cid = lax.axis_index("c")
    sid = lax.axis_index("s")
    wid = sid * NC + cid

    pltpu.sync_copy(src_hbm.at[wid], src_v)
    pltpu.sync_copy(dst_hbm.at[wid], dst_v)
    pltpu.sync_copy(ones_hbm, ones_v)

    @pl.when(sid == 0)
    def _():
        pltpu.sync_copy(z1_hbm, dout_s)

    @pl.when(sid == 1)
    def _():
        pltpu.sync_copy(z1_hbm, din_s)

    plsc.subcore_barrier()

    def drain_deg(j):
        pltpu.make_async_copy(ones_v, dout_s.at[src_v.at[j]], sem_d).wait()
        pltpu.make_async_copy(ones_v, din_s.at[dst_v.at[j]], sem_d).wait()

    def body(j, carry):
        @pl.when(j > 0)
        def _():
            drain_deg(j)

        pltpu.async_copy(ones_v, dout_s.at[src_v.at[j]], sem_d, add=True)
        pltpu.async_copy(ones_v, din_s.at[dst_v.at[j]], sem_d, add=True)
        return carry

    lax.fori_loop(0, NCHUNK, body, 0)
    drain_deg(NCHUNK - 1)
    plsc.subcore_barrier()

    @pl.when(sid == 0)
    def _():
        pltpu.sync_copy(dout_s, dout_hbm.at[pl.ds(cid * N_TOT, N_TOT)])

    @pl.when(sid == 1)
    def _():
        pltpu.sync_copy(din_s, din_hbm.at[pl.ds(cid * N_TOT, N_TOT)])


@functools.partial(
    pl.kernel,
    out_type=[
        jax.ShapeDtypeStruct((NC * FLAT,), jnp.float32),
    ],
    mesh=_MESH,
    scratch_types=(
        [
            pltpu.VMEM((NCHUNK, CHUNK), jnp.int32),
            pltpu.VMEM((NCHUNK, CHUNK), jnp.int32),
            pltpu.VMEM((GB, CHUNK), jnp.float32),
        ]
        + [pltpu.VMEM_SHARED((N_TOT,), jnp.float32)] * NSEG
        + [pltpu.VMEM_SHARED((N_TOT,), jnp.float32)] * NSEG
        + [pltpu.SemaphoreType.DMA, pltpu.SemaphoreType.DMA]
    ),
)
def _sc_edge_pass(src_hbm, dst_hbm, tab_hbm, z1_hbm, agg_hbm, *refs):
    src_v, dst_v, cols_v = refs[0], refs[1], refs[2]
    tab_s = refs[3:3 + NSEG]
    agg_s = refs[3 + NSEG:3 + 2 * NSEG]
    sem_g, sem_s = refs[3 + 2 * NSEG], refs[4 + 2 * NSEG]
    cid = lax.axis_index("c")
    sid = lax.axis_index("s")
    wid = sid * NC + cid

    pltpu.sync_copy(src_hbm.at[wid], src_v)
    pltpu.sync_copy(dst_hbm.at[wid], dst_v)
    for k in range(NSEG):
        @pl.when(sid == k % NS)
        def _(k=k):
            pltpu.sync_copy(tab_hbm.at[pl.ds(k * N_TOT, N_TOT)], tab_s[k])
            pltpu.sync_copy(z1_hbm, agg_s[k])

    plsc.subcore_barrier()

    def run_group(off, size):
        def drain_scat(j):
            for k in range(size):
                seg = off + k
                sidx = dst_v
                pltpu.make_async_copy(cols_v.at[k],
                                      agg_s[seg].at[sidx.at[j]],
                                      sem_s).wait()

        def body(j, carry):
            gath = []
            for k in range(size):
                seg = off + k
                gidx, sidx = src_v, dst_v

                @pl.when(j > 0)
                def _(k=k, seg=seg, sidx=sidx):
                    pltpu.make_async_copy(cols_v.at[k],
                                          agg_s[seg].at[sidx.at[j]],
                                          sem_s).wait()

                gath.append(pltpu.async_copy(tab_s[seg].at[gidx.at[j]],
                                             cols_v.at[k], sem_g))
            for k in range(size):
                seg = off + k
                sidx = dst_v
                gath[k].wait()
                pltpu.async_copy(cols_v.at[k], agg_s[seg].at[sidx.at[j]],
                                 sem_s, add=True)
            return carry

        lax.fori_loop(0, NCHUNK, body, 0)
        drain_scat(NCHUNK - 1)

    run_group(0, GA)
    run_group(GA, GB)
    plsc.subcore_barrier()

    for k in range(NSEG):
        @pl.when(sid == k % NS)
        def _(k=k):
            pltpu.sync_copy(agg_s[k],
                            agg_hbm.at[pl.ds(cid * FLAT + k * N_TOT, N_TOT)])


@functools.partial(
    pl.kernel,
    out_type=[
        jax.ShapeDtypeStruct((NC * N_TOT,), jnp.float32),
    ],
    mesh=_MESH,
    scratch_types=[
        pltpu.VMEM((NCHUNK, CHUNK), jnp.int32),
        pltpu.VMEM((NCHUNK, CHUNK), jnp.int32),
        pltpu.VMEM((CHUNK,), jnp.float32),
        pltpu.VMEM_SHARED((N_TOT,), jnp.float32),
        pltpu.VMEM_SHARED((N_TOT,), jnp.float32),
        pltpu.SemaphoreType.DMA,
        pltpu.SemaphoreType.DMA,
    ],
)
def _sc_layer2(src_hbm, dst_hbm, c_hbm, z1_hbm, agg2_hbm,
               src_v, dst_v, cbuf_v, c_s, agg2_s, sem_g, sem_s):
    cid = lax.axis_index("c")
    sid = lax.axis_index("s")
    wid = sid * NC + cid

    pltpu.sync_copy(src_hbm.at[wid], src_v)
    pltpu.sync_copy(dst_hbm.at[wid], dst_v)

    @pl.when(sid == 0)
    def _():
        pltpu.sync_copy(c_hbm, c_s)

    @pl.when(sid == 1)
    def _():
        pltpu.sync_copy(z1_hbm, agg2_s)

    plsc.subcore_barrier()

    def drain_scat(j):
        pltpu.make_async_copy(cbuf_v, agg2_s.at[dst_v.at[j]], sem_s).wait()

    def body(j, carry):
        @pl.when(j > 0)
        def _():
            drain_scat(j)

        pltpu.async_copy(c_s.at[src_v.at[j]], cbuf_v, sem_g).wait()
        pltpu.async_copy(cbuf_v, agg2_s.at[dst_v.at[j]], sem_s, add=True)
        return carry

    lax.fori_loop(0, NCHUNK, body, 0)
    drain_scat(NCHUNK - 1)
    plsc.subcore_barrier()

    @pl.when(sid == 0)
    def _():
        pltpu.sync_copy(agg2_s, agg2_hbm.at[pl.ds(cid * N_TOT, N_TOT)])



def _tc_matmul_body(x_ref, w_ref, o_ref):
    o_ref[...] = jnp.dot(x_ref[...], w_ref[...],
                         preferred_element_type=jnp.float32)


def _tc_norms_body(p_ref, do_ref, di_ref, h_ref, nd_ref, ns_ref):
    do = do_ref[0] + do_ref[1]
    di = di_ref[0] + di_ref[1]
    ns = jnp.where(do > 0.0, lax.rsqrt(do), 0.0)
    nd = jnp.where(di > 0.0, lax.rsqrt(di), 0.0)
    h_ref[...] = p_ref[...] * ns[:, None]
    nd_ref[...] = nd
    ns_ref[...] = ns


def _tc_c_body(agg_ref, nd_ref, ns_ref, b1_ref, w2_ref, c_ref):
    aggt = agg_ref[0] + agg_ref[1]
    r = jnp.maximum(aggt * nd_ref[...][None, :] + b1_ref[...], 0.0)
    c = jnp.sum(r * w2_ref[...], axis=0) * ns_ref[...]
    rowid = lax.broadcasted_iota(jnp.int32, (N_TOT,), 0)
    c_ref[...] = jnp.where(rowid < N_NODES, c, 0.0)


def _tc_out_body(agg2_ref, nd_ref, b2_ref, o_ref):
    agg2 = agg2_ref[0] + agg2_ref[1]
    rowid = lax.broadcasted_iota(jnp.int32, (N_TOT,), 0)
    s = jnp.sum(jnp.where(rowid < N_NODES, agg2 * nd_ref[...], 0.0))
    o_ref[...] = s.reshape(1, 1) / N_NODES + b2_ref[...]



def kernel(in_feat, edge_index, W1, b1, W2, b2):
    xp = jnp.pad(in_feat, ((0, N_TOT - N_NODES), (0, 0)))
    pad_idx = N_NODES + (jnp.arange(E_PAD - N_EDGES, dtype=jnp.int32)
                         % N_PAD_SLOTS)
    src_r = jnp.concatenate([edge_index[0], pad_idx]).reshape(NW, NCHUNK, CHUNK)
    dst_r = jnp.concatenate([edge_index[1], pad_idx]).reshape(NW, NCHUNK, CHUNK)
    z1 = jnp.zeros((N_TOT,), jnp.float32)
    ones = jnp.ones((CHUNK,), jnp.float32)

    p = pl.pallas_call(
        _tc_matmul_body,
        out_shape=jax.ShapeDtypeStruct((N_TOT, H_FEATS), jnp.float32),
    )(xp, W1)

    dout_p, din_p = _sc_degrees(src_r, dst_r, z1, ones)

    h1s, nd, ns = pl.pallas_call(
        _tc_norms_body,
        out_shape=[
            jax.ShapeDtypeStruct((N_TOT, H_FEATS), jnp.float32),
            jax.ShapeDtypeStruct((N_TOT,), jnp.float32),
            jax.ShapeDtypeStruct((N_TOT,), jnp.float32),
        ],
    )(p, dout_p.reshape(NC, N_TOT), din_p.reshape(NC, N_TOT))

    tab = h1s.T.reshape(FLAT)

    (agg_p,) = _sc_edge_pass(src_r, dst_r, tab, z1)

    c = pl.pallas_call(
        _tc_c_body,
        out_shape=jax.ShapeDtypeStruct((N_TOT,), jnp.float32),
    )(agg_p.reshape(NC, NSEG, N_TOT), nd, ns,
      b1.reshape(H_FEATS, 1), W2.reshape(H_FEATS, 1))

    (agg2_p,) = _sc_layer2(src_r, dst_r, c, z1)

    out = pl.pallas_call(
        _tc_out_body,
        out_shape=jax.ShapeDtypeStruct((1, 1), jnp.float32),
    )(agg2_p.reshape(NC, N_TOT), nd, b2.reshape(1, 1))
    return out

# --- scband reference (transcript-rebuilt; emitter-appended) ---
"""Pipeline reference for scband-gcn-24043226923838 (READ-ONLY COPY).

The authoritative reference and input builder live on the scoring server;
editing this copy changes nothing except your own understanding.
"""

import jax, jax.numpy as jnp
import numpy as np

N_NODES = 10000
N_EDGES = 320000
IN_FEATS = 128
H_FEATS = 16


def setup_inputs(seed: int = 0) -> dict:
    key = jax.random.key(seed)
    k1, k2, k3, k4 = jax.random.split(key, 4)
    x = jax.random.normal(k1, (N_NODES, IN_FEATS), dtype=jnp.float32)
    edge_index = jax.random.randint(k2, (2, N_EDGES), 0, N_NODES, dtype=jnp.int32)
    W1 = jax.random.normal(k3, (IN_FEATS, H_FEATS), dtype=jnp.float32) * 0.1
    b1 = jnp.zeros((H_FEATS,), dtype=jnp.float32)
    W2 = jax.random.normal(k4, (H_FEATS, 1), dtype=jnp.float32) * 0.1
    b2 = jnp.zeros((1,), dtype=jnp.float32)
    return {"in_feat": x, "edge_index": edge_index, "W1": W1, "b1": b1, "W2": W2, "b2": b2}


def _graph_conv(x, src, dst, W, b, n_nodes):
    # DGL GraphConv with norm='both':
    # out = D_in^{-1/2} * A * D_out^{-1/2} * X * W + b
    ones = jnp.ones((src.shape[0],), dtype=jnp.float32)
    deg_out = jax.ops.segment_sum(ones, src, num_segments=n_nodes)
    deg_in = jax.ops.segment_sum(ones, dst, num_segments=n_nodes)
    norm_src = jnp.where(deg_out > 0, deg_out ** -0.5, 0.0)
    norm_dst = jnp.where(deg_in > 0, deg_in ** -0.5, 0.0)
    h = x @ W  # project first (mult_first when in_feats > out_feats)
    h = h * norm_src[:, None]
    msgs = jnp.take(h, src, axis=0)  # gather messages along edges
    agg = jax.ops.segment_sum(msgs, dst, num_segments=n_nodes)  # scatter-add
    out = agg * norm_dst[:, None] + b
    return out


def reference(in_feat, edge_index, W1, b1, W2, b2):
    src = edge_index[0]
    dst = edge_index[1]
    h = _graph_conv(in_feat, src, dst, W1, b1, N_NODES)
    h = jax.nn.relu(h)
    h = _graph_conv(h, src, dst, W2, b2, N_NODES)
    # dgl.mean_nodes over a single (batched-as-one) graph -> [1, 1]
    return jnp.mean(h, axis=0, keepdims=True)

if __name__ == "__main__":
    import jax
    _d = setup_inputs()
    print(jax.jit(kernel)(*tuple(_d.values())))

</pallas_src>

<mosaic_0001>
#map = affine_map<(d0, d1) -> (0, 0, 0)>
#map1 = affine_map<(d0, d1) -> (0)>
module attributes {stable_mosaic.version = 14 : i64} {
  func.func @_sc_edge_pass(%arg0: i32, %arg1: i32, %arg2: memref<32x80x128xi32, #tpu.memory_space<hbm>>, %arg3: memref<32x80x128xi32, #tpu.memory_space<hbm>>, %arg4: memref<161792xf32, #tpu.memory_space<hbm>>, %arg5: memref<10112xf32, #tpu.memory_space<hbm>>, %arg6: memref<323584xf32, #tpu.memory_space<hbm>>, %arg7: memref<80x128xi32, #tpu.memory_space<vmem>>, %arg8: memref<80x128xi32, #tpu.memory_space<vmem>>, %arg9: memref<8x128xf32, #tpu.memory_space<vmem>>, %arg10: memref<10112xf32, #tpu.memory_space<vmem_shared>>, %arg11: memref<10112xf32, #tpu.memory_space<vmem_shared>>, %arg12: memref<10112xf32, #tpu.memory_space<vmem_shared>>, %arg13: memref<10112xf32, #tpu.memory_space<vmem_shared>>, %arg14: memref<10112xf32, #tpu.memory_space<vmem_shared>>, %arg15: memref<10112xf32, #tpu.memory_space<vmem_shared>>, %arg16: memref<10112xf32, #tpu.memory_space<vmem_shared>>, %arg17: memref<10112xf32, #tpu.memory_space<vmem_shared>>, %arg18: memref<10112xf32, #tpu.memory_space<vmem_shared>>, %arg19: memref<10112xf32, #tpu.memory_space<vmem_shared>>, %arg20: memref<10112xf32, #tpu.memory_space<vmem_shared>>, %arg21: memref<10112xf32, #tpu.memory_space<vmem_shared>>, %arg22: memref<10112xf32, #tpu.memory_space<vmem_shared>>, %arg23: memref<10112xf32, #tpu.memory_space<vmem_shared>>, %arg24: memref<10112xf32, #tpu.memory_space<vmem_shared>>, %arg25: memref<10112xf32, #tpu.memory_space<vmem_shared>>, %arg26: memref<10112xf32, #tpu.memory_space<vmem_shared>>, %arg27: memref<10112xf32, #tpu.memory_space<vmem_shared>>, %arg28: memref<10112xf32, #tpu.memory_space<vmem_shared>>, %arg29: memref<10112xf32, #tpu.memory_space<vmem_shared>>, %arg30: memref<10112xf32, #tpu.memory_space<vmem_shared>>, %arg31: memref<10112xf32, #tpu.memory_space<vmem_shared>>, %arg32: memref<10112xf32, #tpu.memory_space<vmem_shared>>, %arg33: memref<10112xf32, #tpu.memory_space<vmem_shared>>, %arg34: memref<10112xf32, #tpu.memory_space<vmem_shared>>, %arg35: memref<10112xf32, #tpu.memory_space<vmem_shared>>, %arg36: memref<10112xf32, #tpu.memory_space<vmem_shared>>, %arg37: memref<10112xf32, #tpu.memory_space<vmem_shared>>, %arg38: memref<10112xf32, #tpu.memory_space<vmem_shared>>, %arg39: memref<10112xf32, #tpu.memory_space<vmem_shared>>, %arg40: memref<10112xf32, #tpu.memory_space<vmem_shared>>, %arg41: memref<10112xf32, #tpu.memory_space<vmem_shared>>, %arg42: memref<!tpu.dma_semaphore, #tpu.memory_space<semaphore_mem>>, %arg43: memref<!tpu.dma_semaphore, #tpu.memory_space<semaphore_mem>>) attributes {dimension_semantics = [#tpu.dimension_semantics<core_parallel>, #tpu.dimension_semantics<subcore_parallel>], iteration_bounds = array<i64: 2, 16>, scalar_prefetch = 0 : i64, scratch_operands = 37 : i64, tpu.core_type = #tpu.core_type<sc_vector_subcore>, window_params = [{transform_indices = #map}, {transform_indices = #map}, {transform_indices = #map1}, {transform_indices = #map1}, {transform_indices = #map1}]} {
    %mul3A = arith.constant 2 : i32
    %mul3A_0 = arith.muli %arg1, %mul3A : i32
    %add3A = arith.addi %mul3A_0, %arg0 : i32
    "tpu.region"() ({
      %run_scoped3A = tpu.sem_alloc : memref<!tpu.dma_semaphore, #tpu.memory_space<semaphore_mem>>
      %dma_start3A = arith.constant 0 : i32
      %dma_start3A_329 = arith.constant 0 : i32
      %dma_start3A_330 = tpu.memref_slice %arg2[%add3A, %dma_start3A, %dma_start3A_329] : memref<32x80x128xi32, #tpu.memory_space<hbm>> -> memref<1x80x128xi32, #tpu.memory_space<hbm>>
      %dma_start3A_331 = tpu.memref_squeeze %dma_start3A_330 : memref<1x80x128xi32, #tpu.memory_space<hbm>> -> memref<80x128xi32, #tpu.memory_space<hbm>>
      %dma_start3A_332 = arith.constant 0 : i32
      %dma_start3A_333 = arith.constant 0 : i32
      %dma_start3A_334 = tpu.memref_slice %arg2[%add3A, %dma_start3A_332, %dma_start3A_333] : memref<32x80x128xi32, #tpu.memory_space<hbm>> -> memref<1x80x128xi32, #tpu.memory_space<hbm>>
      %dma_start3A_335 = tpu.memref_squeeze %dma_start3A_334 : memref<1x80x128xi32, #tpu.memory_space<hbm>> -> memref<80x128xi32, #tpu.memory_space<hbm>>
      tpu.enqueue_dma source(%dma_start3A_335 : memref<80x128xi32, #tpu.memory_space<hbm>>) target(%arg7 : memref<80x128xi32, #tpu.memory_space<vmem>>) target_semaphore(%run_scoped3A : memref<!tpu.dma_semaphore, #tpu.memory_space<semaphore_mem>>)
      %dma_wait3A_336 = arith.constant 0 : i32
      %dma_wait3A_337 = arith.constant 0 : i32
      %dma_wait3A_338 = tpu.memref_slice %arg2[%add3A, %dma_wait3A_336, %dma_wait3A_337] : memref<32x80x128xi32, #tpu.memory_space<hbm>> -> memref<1x80x128xi32, #tpu.memory_space<hbm>>
      %dma_wait3A_339 = tpu.memref_squeeze %dma_wait3A_338 : memref<1x80x128xi32, #tpu.memory_space<hbm>> -> memref<80x128xi32, #tpu.memory_space<hbm>>
      %dma_wait3A_340 = arith.constant 0 : i32
      %dma_wait3A_341 = arith.constant 0 : i32
      %dma_wait3A_342 = tpu.memref_slice %arg2[%add3A, %dma_wait3A_340, %dma_wait3A_341] : memref<32x80x128xi32, #tpu.memory_space<hbm>> -> memref<1x80x128xi32, #tpu.memory_space<hbm>>
      %dma_wait3A_343 = tpu.memref_squeeze %dma_wait3A_342 : memref<1x80x128xi32, #tpu.memory_space<hbm>> -> memref<80x128xi32, #tpu.memory_space<hbm>>
      tpu.wait_dma2 semaphore(%run_scoped3A : memref<!tpu.dma_semaphore, #tpu.memory_space<semaphore_mem>>) src(%dma_wait3A_343 : memref<80x128xi32, #tpu.memory_space<hbm>>) dst(%arg7 : memref<80x128xi32, #tpu.memory_space<vmem>>)
      tpu.yield
    }) : () -> ()
    "tpu.region"() ({
      %run_scoped3A = tpu.sem_alloc : memref<!tpu.dma_semaphore, #tpu.memory_space<semaphore_mem>>
      %dma_start3A = arith.constant 0 : i32
      %dma_start3A_329 = arith.constant 0 : i32
      %dma_start3A_330 = tpu.memref_slice %arg3[%add3A, %dma_start3A, %dma_start3A_329] : memref<32x80x128xi32, #tpu.memory_space<hbm>> -> memref<1x80x128xi32, #tpu.memory_space<hbm>>
      %dma_start3A_331 = tpu.memref_squeeze %dma_start3A_330 : memref<1x80x128xi32, #tpu.memory_space<hbm>> -> memref<80x128xi32, #tpu.memory_space<hbm>>
      %dma_start3A_332 = arith.constant 0 : i32
      %dma_start3A_333 = arith.constant 0 : i32
      %dma_start3A_334 = tpu.memref_slice %arg3[%add3A, %dma_start3A_332, %dma_start3A_333] : memref<32x80x128xi32, #tpu.memory_space<hbm>> -> memref<1x80x128xi32, #tpu.memory_space<hbm>>
      %dma_start3A_335 = tpu.memref_squeeze %dma_start3A_334 : memref<1x80x128xi32, #tpu.memory_space<hbm>> -> memref<80x128xi32, #tpu.memory_space<hbm>>
      tpu.enqueue_dma source(%dma_start3A_335 : memref<80x128xi32, #tpu.memory_space<hbm>>) target(%arg8 : memref<80x128xi32, #tpu.memory_space<vmem>>) target_semaphore(%run_scoped3A : memref<!tpu.dma_semaphore, #tpu.memory_space<semaphore_mem>>)
      %dma_wait3A_336 = arith.constant 0 : i32
      %dma_wait3A_337 = arith.constant 0 : i32
      %dma_wait3A_338 = tpu.memref_slice %arg3[%add3A, %dma_wait3A_336, %dma_wait3A_337] : memref<32x80x128xi32, #tpu.memory_space<hbm>> -> memref<1x80x128xi32, #tpu.memory_space<hbm>>
      %dma_wait3A_339 = tpu.memref_squeeze %dma_wait3A_338 : memref<1x80x128xi32, #tpu.memory_space<hbm>> -> memref<80x128xi32, #tpu.memory_space<hbm>>
      %dma_wait3A_340 = arith.constant 0 : i32
      %dma_wait3A_341 = arith.constant 0 : i32
      %dma_wait3A_342 = tpu.memref_slice %arg3[%add3A, %dma_wait3A_340, %dma_wait3A_341] : memref<32x80x128xi32, #tpu.memory_space<hbm>> -> memref<1x80x128xi32, #tpu.memory_space<hbm>>
      %dma_wait3A_343 = tpu.memref_squeeze %dma_wait3A_342 : memref<1x80x128xi32, #tpu.memory_space<hbm>> -> memref<80x128xi32, #tpu.memory_space<hbm>>
      tpu.wait_dma2 semaphore(%run_scoped3A : memref<!tpu.dma_semaphore, #tpu.memory_space<semaphore_mem>>) src(%dma_wait3A_343 : memref<80x128xi32, #tpu.memory_space<hbm>>) dst(%arg8 : memref<80x128xi32, #tpu.memory_space<vmem>>)
      tpu.yield
    }) : () -> ()
    %eq3A = arith.constant 0 : i32
    %eq3A_1 = arith.cmpi eq, %arg1, %eq3A : i32
    %convert_element_type3A = arith.extui %eq3A_1 : i1 to i32
    %cond3A = arith.constant 0 : i32
    %cond3A_2 = arith.cmpi ne, %convert_element_type3A, %cond3A : i32
    scf.if %cond3A_2 {
      "tpu.region"() ({
        %run_scoped3A = tpu.sem_alloc : memref<!tpu.dma_semaphore, #tpu.memory_space<semaphore_mem>>
        %dma_start3A = arith.constant 0 : i32
        %dma_start3A_329 = tpu.memref_slice %arg4[%dma_start3A] : memref<161792xf32, #tpu.memory_space<hbm>> -> memref<10112xf32, #tpu.memory_space<hbm>>
        tpu.enqueue_dma source(%dma_start3A_329 : memref<10112xf32, #tpu.memory_space<hbm>>) target(%arg10 : memref<10112xf32, #tpu.memory_space<vmem_shared>>) target_semaphore(%run_scoped3A : memref<!tpu.dma_semaphore, #tpu.memory_space<semaphore_mem>>)
        %dma_wait3A_330 = arith.constant 0 : i32
        %dma_wait3A_331 = tpu.memref_slice %arg4[%dma_wait3A_330] : memref<161792xf32, #tpu.memory_space<hbm>> -> memref<10112xf32, #tpu.memory_space<hbm>>
        tpu.wait_dma2 semaphore(%run_scoped3A : memref<!tpu.dma_semaphore, #tpu.memory_space<semaphore_mem>>) src(%dma_wait3A_331 : memref<10112xf32, #tpu.memory_space<hbm>>) dst(%arg10 : memref<10112xf32, #tpu.memory_space<vmem_shared>>)
        tpu.yield
      }) : () -> ()
      "tpu.region"() ({
        %run_scoped3A = tpu.sem_alloc : memref<!tpu.dma_semaphore, #tpu.memory_space<semaphore_mem>>
        tpu.enqueue_dma source(%arg5 : memref<10112xf32, #tpu.memory_space<hbm>>) target(%arg26 : memref<10112xf32, #tpu.memory_space<vmem_shared>>) target_semaphore(%run_scoped3A : memref<!tpu.dma_semaphore, #tpu.memory_space<semaphore_mem>>)
        tpu.wait_dma2 semaphore(%run_scoped3A : memref<!tpu.dma_semaphore, #tpu.memory_space<semaphore_mem>>) src(%arg5 : memref<10112xf32, #tpu.memory_space<hbm>>) dst(%arg26 : memref<10112xf32, #tpu.memory_space<vmem_shared>>)
        tpu.yield
      }) : () -> ()
    } else {
    }
    %eq3A_3 = arith.constant 1 : i32
    %eq3A_4 = arith.cmpi eq, %arg1, %eq3A_3 : i32
    %convert_element_type3A_5 = arith.extui %eq3A_4 : i1 to i32
    %cond3A_6 = arith.constant 0 : i32
    %cond3A_7 = arith.cmpi ne, %convert_element_type3A_5, %cond3A_6 : i32
    scf.if %cond3A_7 {
      "tpu.region"() ({
        %run_scoped3A = tpu.sem_alloc : memref<!tpu.dma_semaphore, #tpu.memory_space<semaphore_mem>>
        %dma_start3A = arith.constant 10112 : i32
        %dma_start3A_329 = tpu.memref_slice %arg4[%dma_start3A] : memref<161792xf32, #tpu.memory_space<hbm>> -> memref<10112xf32, #tpu.memory_space<hbm>>
        tpu.enqueue_dma source(%dma_start3A_329 : memref<10112xf32, #tpu.memory_space<hbm>>) target(%arg11 : memref<10112xf32, #tpu.memory_space<vmem_shared>>) target_semaphore(%run_scoped3A : memref<!tpu.dma_semaphore, #tpu.memory_space<semaphore_mem>>)
        %dma_wait3A_330 = arith.constant 10112 : i32
        %dma_wait3A_331 = tpu.memref_slice %arg4[%dma_wait3A_330] : memref<161792xf32, #tpu.memory_space<hbm>> -> memref<10112xf32, #tpu.memory_space<hbm>>
        tpu.wait_dma2 semaphore(%run_scoped3A : memref<!tpu.dma_semaphore, #tpu.memory_space<semaphore_mem>>) src(%dma_wait3A_331 : memref<10112xf32, #tpu.memory_space<hbm>>) dst(%arg11 : memref<10112xf32, #tpu.memory_space<vmem_shared>>)
        tpu.yield
      }) : () -> ()
      "tpu.region"() ({
        %run_scoped3A = tpu.sem_alloc : memref<!tpu.dma_semaphore, #tpu.memory_space<semaphore_mem>>
        tpu.enqueue_dma source(%arg5 : memref<10112xf32, #tpu.memory_space<hbm>>) target(%arg27 : memref<10112xf32, #tpu.memory_space<vmem_shared>>) target_semaphore(%run_scoped3A : memref<!tpu.dma_semaphore, #tpu.memory_space<semaphore_mem>>)
        tpu.wait_dma2 semaphore(%run_scoped3A : memref<!tpu.dma_semaphore, #tpu.memory_space<semaphore_mem>>) src(%arg5 : memref<10112xf32, #tpu.memory_space<hbm>>) dst(%arg27 : memref<10112xf32, #tpu.memory_space<vmem_shared>>)
        tpu.yield
      }) : () -> ()
    } else {
    }
    %eq3A_8 = arith.constant 2 : i32
    %eq3A_9 = arith.cmpi eq, %arg1, %eq3A_8 : i32
    %convert_element_type3A_10 = arith.extui %eq3A_9 : i1 to i32
    %cond3A_11 = arith.constant 0 : i32
    %cond3A_12 = arith.cmpi ne, %convert_element_type3A_10, %cond3A_11 : i32
    scf.if %cond3A_12 {
      "tpu.region"() ({
        %run_scoped3A = tpu.sem_alloc : memref<!tpu.dma_semaphore, #tpu.memory_space<semaphore_mem>>
        %dma_start3A = arith.constant 20224 : i32
        %dma_start3A_329 = tpu.memref_slice %arg4[%dma_start3A] : memref<161792xf32, #tpu.memory_space<hbm>> -> memref<10112xf32, #tpu.memory_space<hbm>>
        tpu.enqueue_dma source(%dma_start3A_329 : memref<10112xf32, #tpu.memory_space<hbm>>) target(%arg12 : memref<10112xf32, #tpu.memory_space<vmem_shared>>) target_semaphore(%run_scoped3A : memref<!tpu.dma_semaphore, #tpu.memory_space<semaphore_mem>>)
        %dma_wait3A_330 = arith.constant 20224 : i32
        %dma_wait3A_331 = tpu.memref_slice %arg4[%dma_wait3A_330] : memref<161792xf32, #tpu.memory_space<hbm>> -> memref<10112xf32, #tpu.memory_space<hbm>>
        tpu.wait_dma2 semaphore(%run_scoped3A : memref<!tpu.dma_semaphore, #tpu.memory_space<semaphore_mem>>) src(%dma_wait3A_331 : memref<10112xf32, #tpu.memory_space<hbm>>) dst(%arg12 : memref<10112xf32, #tpu.memory_space<vmem_shared>>)
        tpu.yield
      }) : () -> ()
      "tpu.region"() ({
        %run_scoped3A = tpu.sem_alloc : memref<!tpu.dma_semaphore, #tpu.memory_space<semaphore_mem>>
        tpu.enqueue_dma source(%arg5 : memref<10112xf32, #tpu.memory_space<hbm>>) target(%arg28 : memref<10112xf32, #tpu.memory_space<vmem_shared>>) target_semaphore(%run_scoped3A : memref<!tpu.dma_semaphore, #tpu.memory_space<semaphore_mem>>)
        tpu.wait_dma2 semaphore(%run_scoped3A : memref<!tpu.dma_semaphore, #tpu.memory_space<semaphore_mem>>) src(%arg5 : memref<10112xf32, #tpu.memory_space<hbm>>) dst(%arg28 : memref<10112xf32, #tpu.memory_space<vmem_shared>>)
        tpu.yield
      }) : () -> ()
    } else {
    }
    %eq3A_13 = arith.constant 3 : i32
    %eq3A_14 = arith.cmpi eq, %arg1, %eq3A_13 : i32
    %convert_element_type3A_15 = arith.extui %eq3A_14 : i1 to i32
    %cond3A_16 = arith.constant 0 : i32
    %cond3A_17 = arith.cmpi ne, %convert_element_type3A_15, %cond3A_16 : i32
    scf.if %cond3A_17 {
      "tpu.region"() ({
        %run_scoped3A = tpu.sem_alloc : memref<!tpu.dma_semaphore, #tpu.memory_space<semaphore_mem>>
        %dma_start3A = arith.constant 30336 : i32
        %dma_start3A_329 = tpu.memref_slice %arg4[%dma_start3A] : memref<161792xf32, #tpu.memory_space<hbm>> -> memref<10112xf32, #tpu.memory_space<hbm>>
        tpu.enqueue_dma source(%dma_start3A_329 : memref<10112xf32, #tpu.memory_space<hbm>>) target(%arg13 : memref<10112xf32, #tpu.memory_space<vmem_shared>>) target_semaphore(%run_scoped3A : memref<!tpu.dma_semaphore, #tpu.memory_space<semaphore_mem>>)
        %dma_wait3A_330 = arith.constant 30336 : i32
        %dma_wait3A_331 = tpu.memref_slice %arg4[%dma_wait3A_330] : memref<161792xf32, #tpu.memory_space<hbm>> -> memref<10112xf32, #tpu.memory_space<hbm>>
        tpu.wait_dma2 semaphore(%run_scoped3A : memref<!tpu.dma_semaphore, #tpu.memory_space<semaphore_mem>>) src(%dma_wait3A_331 : memref<10112xf32, #tpu.memory_space<hbm>>) dst(%arg13 : memref<10112xf32, #tpu.memory_space<vmem_shared>>)
        tpu.yield
      }) : () -> ()
      "tpu.region"() ({
        %run_scoped3A = tpu.sem_alloc : memref<!tpu.dma_semaphore, #tpu.memory_space<semaphore_mem>>
        tpu.enqueue_dma source(%arg5 : memref<10112xf32, #tpu.memory_space<hbm>>) target(%arg29 : memref<10112xf32, #tpu.memory_space<vmem_shared>>) target_semaphore(%run_scoped3A : memref<!tpu.dma_semaphore, #tpu.memory_space<semaphore_mem>>)
        tpu.wait_dma2 semaphore(%run_scoped3A : memref<!tpu.dma_semaphore, #tpu.memory_space<semaphore_mem>>) src(%arg5 : memref<10112xf32, #tpu.memory_space<hbm>>) dst(%arg29 : memref<10112xf32, #tpu.memory_space<vmem_shared>>)
        tpu.yield
      }) : () -> ()
    } else {
    }
    %eq3A_18 = arith.constant 4 : i32
    %eq3A_19 = arith.cmpi eq, %arg1, %eq3A_18 : i32
    %convert_element_type3A_20 = arith.extui %eq3A_19 : i1 to i32
    %cond3A_21 = arith.constant 0 : i32
    %cond3A_22 = arith.cmpi ne, %convert_element_type3A_20, %cond3A_21 : i32
    scf.if %cond3A_22 {
      "tpu.region"() ({
        %run_scoped3A = tpu.sem_alloc : memref<!tpu.dma_semaphore, #tpu.memory_space<semaphore_mem>>
        %dma_start3A = arith.constant 40448 : i32
        %dma_start3A_329 = tpu.memref_slice %arg4[%dma_start3A] : memref<161792xf32, #tpu.memory_space<hbm>> -> memref<10112xf32, #tpu.memory_space<hbm>>
        tpu.enqueue_dma source(%dma_start3A_329 : memref<10112xf32, #tpu.memory_space<hbm>>) target(%arg14 : memref<10112xf32, #tpu.memory_space<vmem_shared>>) target_semaphore(%run_scoped3A : memref<!tpu.dma_semaphore, #tpu.memory_space<semaphore_mem>>)
        %dma_wait3A_330 = arith.constant 40448 : i32
        %dma_wait3A_331 = tpu.memref_slice %arg4[%dma_wait3A_330] : memref<161792xf32, #tpu.memory_space<hbm>> -> memref<10112xf32, #tpu.memory_space<hbm>>
        tpu.wait_dma2 semaphore(%run_scoped3A : memref<!tpu.dma_semaphore, #tpu.memory_space<semaphore_mem>>) src(%dma_wait3A_331 : memref<10112xf32, #tpu.memory_space<hbm>>) dst(%arg14 : memref<10112xf32, #tpu.memory_space<vmem_shared>>)
        tpu.yield
      }) : () -> ()
      "tpu.region"() ({
        %run_scoped3A = tpu.sem_alloc : memref<!tpu.dma_semaphore, #tpu.memory_space<semaphore_mem>>
        tpu.enqueue_dma source(%arg5 : memref<10112xf32, #tpu.memory_space<hbm>>) target(%arg30 : memref<10112xf32, #tpu.memory_space<vmem_shared>>) target_semaphore(%run_scoped3A : memref<!tpu.dma_semaphore, #tpu.memory_space<semaphore_mem>>)
        tpu.wait_dma2 semaphore(%run_scoped3A : memref<!tpu.dma_semaphore, #tpu.memory_space<semaphore_mem>>) src(%arg5 : memref<10112xf32, #tpu.memory_space<hbm>>) dst(%arg30 : memref<10112xf32, #tpu.memory_space<vmem_shared>>)
        tpu.yield
      }) : () -> ()
    } else {
    }
    %eq3A_23 = arith.constant 5 : i32
    %eq3A_24 = arith.cmpi eq, %arg1, %eq3A_23 : i32
    %convert_element_type3A_25 = arith.extui %eq3A_24 : i1 to i32
    %cond3A_26 = arith.constant 0 : i32
    %cond3A_27 = arith.cmpi ne, %convert_element_type3A_25, %cond3A_26 : i32
    scf.if %cond3A_27 {
      "tpu.region"() ({
        %run_scoped3A = tpu.sem_alloc : memref<!tpu.dma_semaphore, #tpu.memory_space<semaphore_mem>>
        %dma_start3A = arith.constant 50560 : i32
        %dma_start3A_329 = tpu.memref_slice %arg4[%dma_start3A] : memref<161792xf32, #tpu.memory_space<hbm>> -> memref<10112xf32, #tpu.memory_space<hbm>>
        tpu.enqueue_dma source(%dma_start3A_329 : memref<10112xf32, #tpu.memory_space<hbm>>) target(%arg15 : memref<10112xf32, #tpu.memory_space<vmem_shared>>) target_semaphore(%run_scoped3A : memref<!tpu.dma_semaphore, #tpu.memory_space<semaphore_mem>>)
        %dma_wait3A_330 = arith.constant 50560 : i32
        %dma_wait3A_331 = tpu.memref_slice %arg4[%dma_wait3A_330] : memref<161792xf32, #tpu.memory_space<hbm>> -> memref<10112xf32, #tpu.memory_space<hbm>>
        tpu.wait_dma2 semaphore(%run_scoped3A : memref<!tpu.dma_semaphore, #tpu.memory_space<semaphore_mem>>) src(%dma_wait3A_331 : memref<10112xf32, #tpu.memory_space<hbm>>) dst(%arg15 : memref<10112xf32, #tpu.memory_space<vmem_shared>>)
        tpu.yield
      }) : () -> ()
      "tpu.region"() ({
        %run_scoped3A = tpu.sem_alloc : memref<!tpu.dma_semaphore, #tpu.memory_space<semaphore_mem>>
        tpu.enqueue_dma source(%arg5 : memref<10112xf32, #tpu.memory_space<hbm>>) target(%arg31 : memref<10112xf32, #tpu.memory_space<vmem_shared>>) target_semaphore(%run_scoped3A : memref<!tpu.dma_semaphore, #tpu.memory_space<semaphore_mem>>)
        tpu.wait_dma2 semaphore(%run_scoped3A : memref<!tpu.dma_semaphore, #tpu.memory_space<semaphore_mem>>) src(%arg5 : memref<10112xf32, #tpu.memory_space<hbm>>) dst(%arg31 : memref<10112xf32, #tpu.memory_space<vmem_shared>>)
        tpu.yield
      }) : () -> ()
    } else {
    }
    %eq3A_28 = arith.constant 6 : i32
    %eq3A_29 = arith.cmpi eq, %arg1, %eq3A_28 : i32
    %convert_element_type3A_30 = arith.extui %eq3A_29 : i1 to i32
    %cond3A_31 = arith.constant 0 : i32
    %cond3A_32 = arith.cmpi ne, %convert_element_type3A_30, %cond3A_31 : i32
    scf.if %cond3A_32 {
      "tpu.region"() ({
        %run_scoped3A = tpu.sem_alloc : memref<!tpu.dma_semaphore, #tpu.memory_space<semaphore_mem>>
        %dma_start3A = arith.constant 60672 : i32
        %dma_start3A_329 = tpu.memref_slice %arg4[%dma_start3A] : memref<161792xf32, #tpu.memory_space<hbm>> -> memref<10112xf32, #tpu.memory_space<hbm>>
        tpu.enqueue_dma source(%dma_start3A_329 : memref<10112xf32, #tpu.memory_space<hbm>>) target(%arg16 : memref<10112xf32, #tpu.memory_space<vmem_shared>>) target_semaphore(%run_scoped3A : memref<!tpu.dma_semaphore, #tpu.memory_space<semaphore_mem>>)
        %dma_wait3A_330 = arith.constant 60672 : i32
        %dma_wait3A_331 = tpu.memref_slice %arg4[%dma_wait3A_330] : memref<161792xf32, #tpu.memory_space<hbm>> -> memref<10112xf32, #tpu.memory_space<hbm>>
        tpu.wait_dma2 semaphore(%run_scoped3A : memref<!tpu.dma_semaphore, #tpu.memory_space<semaphore_mem>>) src(%dma_wait3A_331 : memref<10112xf32, #tpu.memory_space<hbm>>) dst(%arg16 : memref<10112xf32, #tpu.memory_space<vmem_shared>>)
        tpu.yield
      }) : () -> ()
      "tpu.region"() ({
        %run_scoped3A = tpu.sem_alloc : memref<!tpu.dma_semaphore, #tpu.memory_space<semaphore_mem>>
        tpu.enqueue_dma source(%arg5 : memref<10112xf32, #tpu.memory_space<hbm>>) target(%arg32 : memref<10112xf32, #tpu.memory_space<vmem_shared>>) target_semaphore(%run_scoped3A : memref<!tpu.dma_semaphore, #tpu.memory_space<semaphore_mem>>)
        tpu.wait_dma2 semaphore(%run_scoped3A : memref<!tpu.dma_semaphore, #tpu.memory_space<semaphore_mem>>) src(%arg5 : memref<10112xf32, #tpu.memory_space<hbm>>) dst(%arg32 : memref<10112xf32, #tpu.memory_space<vmem_shared>>)
        tpu.yield
      }) : () -> ()
    } else {
    }
    %eq3A_33 = arith.constant 7 : i32
    %eq3A_34 = arith.cmpi eq, %arg1, %eq3A_33 : i32
    %convert_element_type3A_35 = arith.extui %eq3A_34 : i1 to i32
    %cond3A_36 = arith.constant 0 : i32
    %cond3A_37 = arith.cmpi ne, %convert_element_type3A_35, %cond3A_36 : i32
    scf.if %cond3A_37 {
      "tpu.region"() ({
        %run_scoped3A = tpu.sem_alloc : memref<!tpu.dma_semaphore, #tpu.memory_space<semaphore_mem>>
        %dma_start3A = arith.constant 70784 : i32
        %dma_start3A_329 = tpu.memref_slice %arg4[%dma_start3A] : memref<161792xf32, #tpu.memory_space<hbm>> -> memref<10112xf32, #tpu.memory_space<hbm>>
        tpu.enqueue_dma source(%dma_start3A_329 : memref<10112xf32, #tpu.memory_space<hbm>>) target(%arg17 : memref<10112xf32, #tpu.memory_space<vmem_shared>>) target_semaphore(%run_scoped3A : memref<!tpu.dma_semaphore, #tpu.memory_space<semaphore_mem>>)
        %dma_wait3A_330 = arith.constant 70784 : i32
        %dma_wait3A_331 = tpu.memref_slice %arg4[%dma_wait3A_330] : memref<161792xf32, #tpu.memory_space<hbm>> -> memref<10112xf32, #tpu.memory_space<hbm>>
        tpu.wait_dma2 semaphore(%run_scoped3A : memref<!tpu.dma_semaphore, #tpu.memory_space<semaphore_mem>>) src(%dma_wait3A_331 : memref<10112xf32, #tpu.memory_space<hbm>>) dst(%arg17 : memref<10112xf32, #tpu.memory_space<vmem_shared>>)
        tpu.yield
      }) : () -> ()
      "tpu.region"() ({
        %run_scoped3A = tpu.sem_alloc : memref<!tpu.dma_semaphore, #tpu.memory_space<semaphore_mem>>
        tpu.enqueue_dma source(%arg5 : memref<10112xf32, #tpu.memory_space<hbm>>) target(%arg33 : memref<10112xf32, #tpu.memory_space<vmem_shared>>) target_semaphore(%run_scoped3A : memref<!tpu.dma_semaphore, #tpu.memory_space<semaphore_mem>>)
        tpu.wait_dma2 semaphore(%run_scoped3A : memref<!tpu.dma_semaphore, #tpu.memory_space<semaphore_mem>>) src(%arg5 : memref<10112xf32, #tpu.memory_space<hbm>>) dst(%arg33 : memref<10112xf32, #tpu.memory_space<vmem_shared>>)
        tpu.yield
      }) : () -> ()
    } else {
    }
    %eq3A_38 = arith.constant 8 : i32
    %eq3A_39 = arith.cmpi eq, %arg1, %eq3A_38 : i32
    %convert_element_type3A_40 = arith.extui %eq3A_39 : i1 to i32
    %cond3A_41 = arith.constant 0 : i32
    %cond3A_42 = arith.cmpi ne, %convert_element_type3A_40, %cond3A_41 : i32
    scf.if %cond3A_42 {
      "tpu.region"() ({
        %run_scoped3A = tpu.sem_alloc : memref<!tpu.dma_semaphore, #tpu.memory_space<semaphore_mem>>
        %dma_start3A = arith.constant 80896 : i32
        %dma_start3A_329 = tpu.memref_slice %arg4[%dma_start3A] : memref<161792xf32, #tpu.memory_space<hbm>> -> memref<10112xf32, #tpu.memory_space<hbm>>
        tpu.enqueue_dma source(%dma_start3A_329 : memref<10112xf32, #tpu.memory_space<hbm>>) target(%arg18 : memref<10112xf32, #tpu.memory_space<vmem_shared>>) target_semaphore(%run_scoped3A : memref<!tpu.dma_semaphore, #tpu.memory_space<semaphore_mem>>)
        %dma_wait3A_330 = arith.constant 80896 : i32
        %dma_wait3A_331 = tpu.memref_slice %arg4[%dma_wait3A_330] : memref<161792xf32, #tpu.memory_space<hbm>> -> memref<10112xf32, #tpu.memory_space<hbm>>
        tpu.wait_dma2 semaphore(%run_scoped3A : memref<!tpu.dma_semaphore, #tpu.memory_space<semaphore_mem>>) src(%dma_wait3A_331 : memref<10112xf32, #tpu.memory_space<hbm>>) dst(%arg18 : memref<10112xf32, #tpu.memory_space<vmem_shared>>)
        tpu.yield
      }) : () -> ()
      "tpu.region"() ({
        %run_scoped3A = tpu.sem_alloc : memref<!tpu.dma_semaphore, #tpu.memory_space<semaphore_mem>>
        tpu.enqueue_dma source(%arg5 : memref<10112xf32, #tpu.memory_space<hbm>>) target(%arg34 : memref<10112xf32, #tpu.memory_space<vmem_shared>>) target_semaphore(%run_scoped3A : memref<!tpu.dma_semaphore, #tpu.memory_space<semaphore_mem>>)
        tpu.wait_dma2 semaphore(%run_scoped3A : memref<!tpu.dma_semaphore, #tpu.memory_space<semaphore_mem>>) src(%arg5 : memref<10112xf32, #tpu.memory_space<hbm>>) dst(%arg34 : memref<10112xf32, #tpu.memory_space<vmem_shared>>)
        tpu.yield
      }) : () -> ()
    } else {
    }
    %eq3A_43 = arith.constant 9 : i32
    %eq3A_44 = arith.cmpi eq, %arg1, %eq3A_43 : i32
    %convert_element_type3A_45 = arith.extui %eq3A_44 : i1 to i32
    %cond3A_46 = arith.constant 0 : i32
    %cond3A_47 = arith.cmpi ne, %convert_element_type3A_45, %cond3A_46 : i32
    scf.if %cond3A_47 {
      "tpu.region"() ({
        %run_scoped3A = tpu.sem_alloc : memref<!tpu.dma_semaphore, #tpu.memory_space<semaphore_mem>>
        %dma_start3A = arith.constant 91008 : i32
        %dma_start3A_329 = tpu.memref_slice %arg4[%dma_start3A] : memref<161792xf32, #tpu.memory_space<hbm>> -> memref<10112xf32, #tpu.memory_space<hbm>>
        tpu.enqueue_dma source(%dma_start3A_329 : memref<10112xf32, #tpu.memory_space<hbm>>) target(%arg19 : memref<10112xf32, #tpu.memory_space<vmem_shared>>) target_semaphore(%run_scoped3A : memref<!tpu.dma_semaphore, #tpu.memory_space<semaphore_mem>>)
        %dma_wait3A_330 = arith.constant 91008 : i32
        %dma_wait3A_331 = tpu.memref_slice %arg4[%dma_wait3A_330] : memref<161792xf32, #tpu.memory_space<hbm>> -> memref<10112xf32, #tpu.memory_space<hbm>>
        tpu.wait_dma2 semaphore(%run_scoped3A : memref<!tpu.dma_semaphore, #tpu.memory_space<semaphore_mem>>) src(%dma_wait3A_331 : memref<10112xf32, #tpu.memory_space<hbm>>) dst(%arg19 : memref<10112xf32, #tpu.memory_space<vmem_shared>>)
        tpu.yield
      }) : () -> ()
      "tpu.region"() ({
        %run_scoped3A = tpu.sem_alloc : memref<!tpu.dma_semaphore, #tpu.memory_space<semaphore_mem>>
        tpu.enqueue_dma source(%arg5 : memref<10112xf32, #tpu.memory_space<hbm>>) target(%arg35 : memref<10112xf32, #tpu.memory_space<vmem_shared>>) target_semaphore(%run_scoped3A : memref<!tpu.dma_semaphore, #tpu.memory_space<semaphore_mem>>)
        tpu.wait_dma2 semaphore(%run_scoped3A : memref<!tpu.dma_semaphore, #tpu.memory_space<semaphore_mem>>) src(%arg5 : memref<10112xf32, #tpu.memory_space<hbm>>) dst(%arg35 : memref<10112xf32, #tpu.memory_space<vmem_shared>>)
        tpu.yield
      }) : () -> ()
    } else {
    }
    %eq3A_48 = arith.constant 10 : i32
    %eq3A_49 = arith.cmpi eq, %arg1, %eq3A_48 : i32
    %convert_element_type3A_50 = arith.extui %eq3A_49 : i1 to i32
    %cond3A_51 = arith.constant 0 : i32
    %cond3A_52 = arith.cmpi ne, %convert_element_type3A_50, %cond3A_51 : i32
    scf.if %cond3A_52 {
      "tpu.region"() ({
        %run_scoped3A = tpu.sem_alloc : memref<!tpu.dma_semaphore, #tpu.memory_space<semaphore_mem>>
        %dma_start3A = arith.constant 101120 : i32
        %dma_start3A_329 = tpu.memref_slice %arg4[%dma_start3A] : memref<161792xf32, #tpu.memory_space<hbm>> -> memref<10112xf32, #tpu.memory_space<hbm>>
        tpu.enqueue_dma source(%dma_start3A_329 : memref<10112xf32, #tpu.memory_space<hbm>>) target(%arg20 : memref<10112xf32, #tpu.memory_space<vmem_shared>>) target_semaphore(%run_scoped3A : memref<!tpu.dma_semaphore, #tpu.memory_space<semaphore_mem>>)
        %dma_wait3A_330 = arith.constant 101120 : i32
        %dma_wait3A_331 = tpu.memref_slice %arg4[%dma_wait3A_330] : memref<161792xf32, #tpu.memory_space<hbm>> -> memref<10112xf32, #tpu.memory_space<hbm>>
        tpu.wait_dma2 semaphore(%run_scoped3A : memref<!tpu.dma_semaphore, #tpu.memory_space<semaphore_mem>>) src(%dma_wait3A_331 : memref<10112xf32, #tpu.memory_space<hbm>>) dst(%arg20 : memref<10112xf32, #tpu.memory_space<vmem_shared>>)
        tpu.yield
      }) : () -> ()
      "tpu.region"() ({
        %run_scoped3A = tpu.sem_alloc : memref<!tpu.dma_semaphore, #tpu.memory_space<semaphore_mem>>
        tpu.enqueue_dma source(%arg5 : memref<10112xf32, #tpu.memory_space<hbm>>) target(%arg36 : memref<10112xf32, #tpu.memory_space<vmem_shared>>) target_semaphore(%run_scoped3A : memref<!tpu.dma_semaphore, #tpu.memory_space<semaphore_mem>>)
        tpu.wait_dma2 semaphore(%run_scoped3A : memref<!tpu.dma_semaphore, #tpu.memory_space<semaphore_mem>>) src(%arg5 : memref<10112xf32, #tpu.memory_space<hbm>>) dst(%arg36 : memref<10112xf32, #tpu.memory_space<vmem_shared>>)
        tpu.yield
      }) : () -> ()
    } else {
    }
    %eq3A_53 = arith.constant 11 : i32
    %eq3A_54 = arith.cmpi eq, %arg1, %eq3A_53 : i32
    %convert_element_type3A_55 = arith.extui %eq3A_54 : i1 to i32
    %cond3A_56 = arith.constant 0 : i32
    %cond3A_57 = arith.cmpi ne, %convert_element_type3A_55, %cond3A_56 : i32
    scf.if %cond3A_57 {
      "tpu.region"() ({
        %run_scoped3A = tpu.sem_alloc : memref<!tpu.dma_semaphore, #tpu.memory_space<semaphore_mem>>
        %dma_start3A = arith.constant 111232 : i32
        %dma_start3A_329 = tpu.memref_slice %arg4[%dma_start3A] : memref<161792xf32, #tpu.memory_space<hbm>> -> memref<10112xf32, #tpu.memory_space<hbm>>
        tpu.enqueue_dma source(%dma_start3A_329 : memref<10112xf32, #tpu.memory_space<hbm>>) target(%arg21 : memref<10112xf32, #tpu.memory_space<vmem_shared>>) target_semaphore(%run_scoped3A : memref<!tpu.dma_semaphore, #tpu.memory_space<semaphore_mem>>)
        %dma_wait3A_330 = arith.constant 111232 : i32
        %dma_wait3A_331 = tpu.memref_slice %arg4[%dma_wait3A_330] : memref<161792xf32, #tpu.memory_space<hbm>> -> memref<10112xf32, #tpu.memory_space<hbm>>
        tpu.wait_dma2 semaphore(%run_scoped3A : memref<!tpu.dma_semaphore, #tpu.memory_space<semaphore_mem>>) src(%dma_wait3A_331 : memref<10112xf32, #tpu.memory_space<hbm>>) dst(%arg21 : memref<10112xf32, #tpu.memory_space<vmem_shared>>)
        tpu.yield
      }) : () -> ()
      "tpu.region"() ({
        %run_scoped3A = tpu.sem_alloc : memref<!tpu.dma_semaphore, #tpu.memory_space<semaphore_mem>>
        tpu.enqueue_dma source(%arg5 : memref<10112xf32, #tpu.memory_space<hbm>>) target(%arg37 : memref<10112xf32, #tpu.memory_space<vmem_shared>>) target_semaphore(%run_scoped3A : memref<!tpu.dma_semaphore, #tpu.memory_space<semaphore_mem>>)
        tpu.wait_dma2 semaphore(%run_scoped3A : memref<!tpu.dma_semaphore, #tpu.memory_space<semaphore_mem>>) src(%arg5 : memref<10112xf32, #tpu.memory_space<hbm>>) dst(%arg37 : memref<10112xf32, #tpu.memory_space<vmem_shared>>)
        tpu.yield
      }) : () -> ()
    } else {
    }
    %eq3A_58 = arith.constant 12 : i32
    %eq3A_59 = arith.cmpi eq, %arg1, %eq3A_58 : i32
    %convert_element_type3A_60 = arith.extui %eq3A_59 : i1 to i32
    %cond3A_61 = arith.constant 0 : i32
    %cond3A_62 = arith.cmpi ne, %convert_element_type3A_60, %cond3A_61 : i32
    scf.if %cond3A_62 {
      "tpu.region"() ({
        %run_scoped3A = tpu.sem_alloc : memref<!tpu.dma_semaphore, #tpu.memory_space<semaphore_mem>>
        %dma_start3A = arith.constant 121344 : i32
        %dma_start3A_329 = tpu.memref_slice %arg4[%dma_start3A] : memref<161792xf32, #tpu.memory_space<hbm>> -> memref<10112xf32, #tpu.memory_space<hbm>>
        tpu.enqueue_dma source(%dma_start3A_329 : memref<10112xf32, #tpu.memory_space<hbm>>) target(%arg22 : memref<10112xf32, #tpu.memory_space<vmem_shared>>) target_semaphore(%run_scoped3A : memref<!tpu.dma_semaphore, #tpu.memory_space<semaphore_mem>>)
        %dma_wait3A_330 = arith.constant 121344 : i32
        %dma_wait3A_331 = tpu.memref_slice %arg4[%dma_wait3A_330] : memref<161792xf32, #tpu.memory_space<hbm>> -> memref<10112xf32, #tpu.memory_space<hbm>>
        tpu.wait_dma2 semaphore(%run_scoped3A : memref<!tpu.dma_semaphore, #tpu.memory_space<semaphore_mem>>) src(%dma_wait3A_331 : memref<10112xf32, #tpu.memory_space<hbm>>) dst(%arg22 : memref<10112xf32, #tpu.memory_space<vmem_shared>>)
        tpu.yield
      }) : () -> ()
      "tpu.region"() ({
        %run_scoped3A = tpu.sem_alloc : memref<!tpu.dma_semaphore, #tpu.memory_space<semaphore_mem>>
        tpu.enqueue_dma source(%arg5 : memref<10112xf32, #tpu.memory_space<hbm>>) target(%arg38 : memref<10112xf32, #tpu.memory_space<vmem_shared>>) target_semaphore(%run_scoped3A : memref<!tpu.dma_semaphore, #tpu.memory_space<semaphore_mem>>)
        tpu.wait_dma2 semaphore(%run_scoped3A : memref<!tpu.dma_semaphore, #tpu.memory_space<semaphore_mem>>) src(%arg5 : memref<10112xf32, #tpu.memory_space<hbm>>) dst(%arg38 : memref<10112xf32, #tpu.memory_space<vmem_shared>>)
        tpu.yield
      }) : () -> ()
    } else {
    }
    %eq3A_63 = arith.constant 13 : i32
    %eq3A_64 = arith.cmpi eq, %arg1, %eq3A_63 : i32
    %convert_element_type3A_65 = arith.extui %eq3A_64 : i1 to i32
    %cond3A_66 = arith.constant 0 : i32
    %cond3A_67 = arith.cmpi ne, %convert_element_type3A_65, %cond3A_66 : i32
    scf.if %cond3A_67 {
      "tpu.region"() ({
        %run_scoped3A = tpu.sem_alloc : memref<!tpu.dma_semaphore, #tpu.memory_space<semaphore_mem>>
        %dma_start3A = arith.constant 131456 : i32
        %dma_start3A_329 = tpu.memref_slice %arg4[%dma_start3A] : memref<161792xf32, #tpu.memory_space<hbm>> -> memref<10112xf32, #tpu.memory_space<hbm>>
        tpu.enqueue_dma source(%dma_start3A_329 : memref<10112xf32, #tpu.memory_space<hbm>>) target(%arg23 : memref<10112xf32, #tpu.memory_space<vmem_shared>>) target_semaphore(%run_scoped3A : memref<!tpu.dma_semaphore, #tpu.memory_space<semaphore_mem>>)
        %dma_wait3A_330 = arith.constant 131456 : i32
        %dma_wait3A_331 = tpu.memref_slice %arg4[%dma_wait3A_330] : memref<161792xf32, #tpu.memory_space<hbm>> -> memref<10112xf32, #tpu.memory_space<hbm>>
        tpu.wait_dma2 semaphore(%run_scoped3A : memref<!tpu.dma_semaphore, #tpu.memory_space<semaphore_mem>>) src(%dma_wait3A_331 : memref<10112xf32, #tpu.memory_space<hbm>>) dst(%arg23 : memref<10112xf32, #tpu.memory_space<vmem_shared>>)
        tpu.yield
      }) : () -> ()
      "tpu.region"() ({
        %run_scoped3A = tpu.sem_alloc : memref<!tpu.dma_semaphore, #tpu.memory_space<semaphore_mem>>
        tpu.enqueue_dma source(%arg5 : memref<10112xf32, #tpu.memory_space<hbm>>) target(%arg39 : memref<10112xf32, #tpu.memory_space<vmem_shared>>) target_semaphore(%run_scoped3A : memref<!tpu.dma_semaphore, #tpu.memory_space<semaphore_mem>>)
        tpu.wait_dma2 semaphore(%run_scoped3A : memref<!tpu.dma_semaphore, #tpu.memory_space<semaphore_mem>>) src(%arg5 : memref<10112xf32, #tpu.memory_space<hbm>>) dst(%arg39 : memref<10112xf32, #tpu.memory_space<vmem_shared>>)
        tpu.yield
      }) : () -> ()
    } else {
    }
    %eq3A_68 = arith.constant 14 : i32
    %eq3A_69 = arith.cmpi eq, %arg1, %eq3A_68 : i32
    %convert_element_type3A_70 = arith.extui %eq3A_69 : i1 to i32
    %cond3A_71 = arith.constant 0 : i32
    %cond3A_72 = arith.cmpi ne, %convert_element_type3A_70, %cond3A_71 : i32
    scf.if %cond3A_72 {
      "tpu.region"() ({
        %run_scoped3A = tpu.sem_alloc : memref<!tpu.dma_semaphore, #tpu.memory_space<semaphore_mem>>
        %dma_start3A = arith.constant 141568 : i32
        %dma_start3A_329 = tpu.memref_slice %arg4[%dma_start3A] : memref<161792xf32, #tpu.memory_space<hbm>> -> memref<10112xf32, #tpu.memory_space<hbm>>
        tpu.enqueue_dma source(%dma_start3A_329 : memref<10112xf32, #tpu.memory_space<hbm>>) target(%arg24 : memref<10112xf32, #tpu.memory_space<vmem_shared>>) target_semaphore(%run_scoped3A : memref<!tpu.dma_semaphore, #tpu.memory_space<semaphore_mem>>)
        %dma_wait3A_330 = arith.constant 141568 : i32
        %dma_wait3A_331 = tpu.memref_slice %arg4[%dma_wait3A_330] : memref<161792xf32, #tpu.memory_space<hbm>> -> memref<10112xf32, #tpu.memory_space<hbm>>
        tpu.wait_dma2 semaphore(%run_scoped3A : memref<!tpu.dma_semaphore, #tpu.memory_space<semaphore_mem>>) src(%dma_wait3A_331 : memref<10112xf32, #tpu.memory_space<hbm>>) dst(%arg24 : memref<10112xf32, #tpu.memory_space<vmem_shared>>)
        tpu.yield
      }) : () -> ()
      "tpu.region"() ({
        %run_scoped3A = tpu.sem_alloc : memref<!tpu.dma_semaphore, #tpu.memory_space<semaphore_mem>>
        tpu.enqueue_dma source(%arg5 : memref<10112xf32, #tpu.memory_space<hbm>>) target(%arg40 : memref<10112xf32, #tpu.memory_space<vmem_shared>>) target_semaphore(%run_scoped3A : memref<!tpu.dma_semaphore, #tpu.memory_space<semaphore_mem>>)
        tpu.wait_dma2 semaphore(%run_scoped3A : memref<!tpu.dma_semaphore, #tpu.memory_space<semaphore_mem>>) src(%arg5 : memref<10112xf32, #tpu.memory_space<hbm>>) dst(%arg40 : memref<10112xf32, #tpu.memory_space<vmem_shared>>)
        tpu.yield
      }) : () -> ()
    } else {
    }
    %eq3A_73 = arith.constant 15 : i32
    %eq3A_74 = arith.cmpi eq, %arg1, %eq3A_73 : i32
    %convert_element_type3A_75 = arith.extui %eq3A_74 : i1 to i32
    %cond3A_76 = arith.constant 0 : i32
    %cond3A_77 = arith.cmpi ne, %convert_element_type3A_75, %cond3A_76 : i32
    scf.if %cond3A_77 {
      "tpu.region"() ({
        %run_scoped3A = tpu.sem_alloc : memref<!tpu.dma_semaphore, #tpu.memory_space<semaphore_mem>>
        %dma_start3A = arith.constant 151680 : i32
        %dma_start3A_329 = tpu.memref_slice %arg4[%dma_start3A] : memref<161792xf32, #tpu.memory_space<hbm>> -> memref<10112xf32, #tpu.memory_space<hbm>>
        tpu.enqueue_dma source(%dma_start3A_329 : memref<10112xf32, #tpu.memory_space<hbm>>) target(%arg25 : memref<10112xf32, #tpu.memory_space<vmem_shared>>) target_semaphore(%run_scoped3A : memref<!tpu.dma_semaphore, #tpu.memory_space<semaphore_mem>>)
        %dma_wait3A_330 = arith.constant 151680 : i32
        %dma_wait3A_331 = tpu.memref_slice %arg4[%dma_wait3A_330] : memref<161792xf32, #tpu.memory_space<hbm>> -> memref<10112xf32, #tpu.memory_space<hbm>>
        tpu.wait_dma2 semaphore(%run_scoped3A : memref<!tpu.dma_semaphore, #tpu.memory_space<semaphore_mem>>) src(%dma_wait3A_331 : memref<10112xf32, #tpu.memory_space<hbm>>) dst(%arg25 : memref<10112xf32, #tpu.memory_space<vmem_shared>>)
        tpu.yield
      }) : () -> ()
      "tpu.region"() ({
        %run_scoped3A = tpu.sem_alloc : memref<!tpu.dma_semaphore, #tpu.memory_space<semaphore_mem>>
        tpu.enqueue_dma source(%arg5 : memref<10112xf32, #tpu.memory_space<hbm>>) target(%arg41 : memref<10112xf32, #tpu.memory_space<vmem_shared>>) target_semaphore(%run_scoped3A : memref<!tpu.dma_semaphore, #tpu.memory_space<semaphore_mem>>)
        tpu.wait_dma2 semaphore(%run_scoped3A : memref<!tpu.dma_semaphore, #tpu.memory_space<semaphore_mem>>) src(%arg5 : memref<10112xf32, #tpu.memory_space<hbm>>) dst(%arg41 : memref<10112xf32, #tpu.memory_space<vmem_shared>>)
        tpu.yield
      }) : () -> ()
    } else {
    }
    %barrier3A = arith.constant 0 : index
    tpu.barrier barrier_id(%barrier3A)
    %scan3A = arith.constant 0 : i32
    %scan3A_78 = arith.constant 0 : i32
    %scan3A_79 = arith.constant 80 : i32
    %scan3A_80 = arith.addi %scan3A_78, %scan3A_79 : i32
    %scan3A_81 = arith.constant 1 : i32
    scf.for %scan3A_329 = %scan3A_78 to %scan3A_80 step %scan3A_81  : i32 {
      %gt3A = arith.constant 0 : i32
      %gt3A_330 = arith.cmpi sgt, %scan3A_329, %gt3A : i32
      %convert_element_type3A_331 = arith.extui %gt3A_330 : i1 to i32
      %cond3A_332 = arith.constant 0 : i32
      %cond3A_333 = arith.cmpi ne, %convert_element_type3A_331, %cond3A_332 : i32
      scf.if %cond3A_333 {
        %dma_wait3A_584 = arith.constant 0 : i32
        %dma_wait3A_585 = arith.constant 0 : i32
        %dma_wait3A_586 = tpu.memref_slice %arg9[%dma_wait3A_584, %dma_wait3A_585] : memref<8x128xf32, #tpu.memory_space<vmem>> -> memref<1x128xf32, #tpu.memory_space<vmem>>
        %dma_wait3A_587 = tpu.memref_squeeze %dma_wait3A_586 : memref<1x128xf32, #tpu.memory_space<vmem>> -> memref<128xf32, #tpu.memory_space<vmem>>
        %dma_wait3A_588 = arith.constant 0 : i32
        %dma_wait3A_589 = tpu.memref_slice %arg8[%scan3A_329, %dma_wait3A_588] : memref<80x128xi32, #tpu.memory_space<vmem>> -> memref<1x128xi32, #tpu.memory_space<vmem>>
        %dma_wait3A_590 = tpu.memref_squeeze %dma_wait3A_589 : memref<1x128xi32, #tpu.memory_space<vmem>> -> memref<128xi32, #tpu.memory_space<vmem>>
        %dma_wait3A_591 = arith.constant 0 : i32
        %dma_wait3A_592 = tpu.memref_slice %arg26[%dma_wait3A_591] : memref<10112xf32, #tpu.memory_space<vmem_shared>> -> memref<10112xf32, #tpu.memory_space<vmem_shared>>
        tpu.wait_indirect_dma semaphore(%arg43 : memref<!tpu.dma_semaphore, #tpu.memory_space<semaphore_mem>>) src(%dma_wait3A_587 : memref<128xf32, #tpu.memory_space<vmem>>) dst(%dma_wait3A_592 : memref<10112xf32, #tpu.memory_space<vmem_shared>>)
      } else {
      }
      %dma_start3A = arith.constant 0 : i32
      %dma_start3A_334 = arith.constant 0 : i32
      %dma_start3A_335 = tpu.memref_slice %arg9[%dma_start3A, %dma_start3A_334] : memref<8x128xf32, #tpu.memory_space<vmem>> -> memref<1x128xf32, #tpu.memory_space<vmem>>
      %dma_start3A_336 = tpu.memref_squeeze %dma_start3A_335 : memref<1x128xf32, #tpu.memory_space<vmem>> -> memref<128xf32, #tpu.memory_space<vmem>>
      %dma_start3A_337 = arith.constant 0 : i32
      %dma_start3A_338 = tpu.memref_slice %arg7[%scan3A_329, %dma_start3A_337] : memref<80x128xi32, #tpu.memory_space<vmem>> -> memref<1x128xi32, #tpu.memory_space<vmem>>
      %dma_start3A_339 = tpu.memref_squeeze %dma_start3A_338 : memref<1x128xi32, #tpu.memory_space<vmem>> -> memref<128xi32, #tpu.memory_space<vmem>>
      %dma_start3A_340 = arith.constant 0 : i32
      %dma_start3A_341 = tpu.memref_slice %arg10[%dma_start3A_340] : memref<10112xf32, #tpu.memory_space<vmem_shared>> -> memref<10112xf32, #tpu.memory_space<vmem_shared>>
      tpu.enqueue_indirect_dma source(%dma_start3A_341 : memref<10112xf32, #tpu.memory_space<vmem_shared>>) target(%dma_start3A_336 : memref<128xf32, #tpu.memory_space<vmem>>) offsets(%dma_start3A_339 : memref<128xi32, #tpu.memory_space<vmem>>) semaphore(%arg42 : memref<!tpu.dma_semaphore, #tpu.memory_space<semaphore_mem>>)
      %gt3A_342 = arith.constant 0 : i32
      %gt3A_343 = arith.cmpi sgt, %scan3A_329, %gt3A_342 : i32
      %convert_element_type3A_344 = arith.extui %gt3A_343 : i1 to i32
      %cond3A_345 = arith.constant 0 : i32
      %cond3A_346 = arith.cmpi ne, %convert_element_type3A_344, %cond3A_345 : i32
      scf.if %cond3A_346 {
        %dma_wait3A_584 = arith.constant 1 : i32
        %dma_wait3A_585 = arith.constant 0 : i32
        %dma_wait3A_586 = tpu.memref_slice %arg9[%dma_wait3A_584, %dma_wait3A_585] : memref<8x128xf32, #tpu.memory_space<vmem>> -> memref<1x128xf32, #tpu.memory_space<vmem>>
        %dma_wait3A_587 = tpu.memref_squeeze %dma_wait3A_586 : memref<1x128xf32, #tpu.memory_space<vmem>> -> memref<128xf32, #tpu.memory_space<vmem>>
        %dma_wait3A_588 = arith.constant 0 : i32
        %dma_wait3A_589 = tpu.memref_slice %arg8[%scan3A_329, %dma_wait3A_588] : memref<80x128xi32, #tpu.memory_space<vmem>> -> memref<1x128xi32, #tpu.memory_space<vmem>>
        %dma_wait3A_590 = tpu.memref_squeeze %dma_wait3A_589 : memref<1x128xi32, #tpu.memory_space<vmem>> -> memref<128xi32, #tpu.memory_space<vmem>>
        %dma_wait3A_591 = arith.constant 0 : i32
        %dma_wait3A_592 = tpu.memref_slice %arg27[%dma_wait3A_591] : memref<10112xf32, #tpu.memory_space<vmem_shared>> -> memref<10112xf32, #tpu.memory_space<vmem_shared>>
        tpu.wait_indirect_dma semaphore(%arg43 : memref<!tpu.dma_semaphore, #tpu.memory_space<semaphore_mem>>) src(%dma_wait3A_587 : memref<128xf32, #tpu.memory_space<vmem>>) dst(%dma_wait3A_592 : memref<10112xf32, #tpu.memory_space<vmem_shared>>)
      } else {
      }
      %dma_start3A_347 = arith.constant 1 : i32
      %dma_start3A_348 = arith.constant 0 : i32
      %dma_start3A_349 = tpu.memref_slice %arg9[%dma_start3A_347, %dma_start3A_348] : memref<8x128xf32, #tpu.memory_space<vmem>> -> memref<1x128xf32, #tpu.memory_space<vmem>>
      %dma_start3A_350 = tpu.memref_squeeze %dma_start3A_349 : memref<1x128xf32, #tpu.memory_space<vmem>> -> memref<128xf32, #tpu.memory_space<vmem>>
      %dma_start3A_351 = arith.constant 0 : i32
      %dma_start3A_352 = tpu.memref_slice %arg7[%scan3A_329, %dma_start3A_351] : memref<80x128xi32, #tpu.memory_space<vmem>> -> memref<1x128xi32, #tpu.memory_space<vmem>>
      %dma_start3A_353 = tpu.memref_squeeze %dma_start3A_352 : memref<1x128xi32, #tpu.memory_space<vmem>> -> memref<128xi32, #tpu.memory_space<vmem>>
      %dma_start3A_354 = arith.constant 0 : i32
      %dma_start3A_355 = tpu.memref_slice %arg11[%dma_start3A_354] : memref<10112xf32, #tpu.memory_space<vmem_shared>> -> memref<10112xf32, #tpu.memory_space<vmem_shared>>
      tpu.enqueue_indirect_dma source(%dma_start3A_355 : memref<10112xf32, #tpu.memory_space<vmem_shared>>) target(%dma_start3A_350 : memref<128xf32, #tpu.memory_space<vmem>>) offsets(%dma_start3A_353 : memref<128xi32, #tpu.memory_space<vmem>>) semaphore(%arg42 : memref<!tpu.dma_semaphore, #tpu.memory_space<semaphore_mem>>)
      %gt3A_356 = arith.constant 0 : i32
      %gt3A_357 = arith.cmpi sgt, %scan3A_329, %gt3A_356 : i32
      %convert_element_type3A_358 = arith.extui %gt3A_357 : i1 to i32
      %cond3A_359 = arith.constant 0 : i32
      %cond3A_360 = arith.cmpi ne, %convert_element_type3A_358, %cond3A_359 : i32
      scf.if %cond3A_360 {
        %dma_wait3A_584 = arith.constant 2 : i32
        %dma_wait3A_585 = arith.constant 0 : i32
        %dma_wait3A_586 = tpu.memref_slice %arg9[%dma_wait3A_584, %dma_wait3A_585] : memref<8x128xf32, #tpu.memory_space<vmem>> -> memref<1x128xf32, #tpu.memory_space<vmem>>
        %dma_wait3A_587 = tpu.memref_squeeze %dma_wait3A_586 : memref<1x128xf32, #tpu.memory_space<vmem>> -> memref<128xf32, #tpu.memory_space<vmem>>
        %dma_wait3A_588 = arith.constant 0 : i32
        %dma_wait3A_589 = tpu.memref_slice %arg8[%scan3A_329, %dma_wait3A_588] : memref<80x128xi32, #tpu.memory_space<vmem>> -> memref<1x128xi32, #tpu.memory_space<vmem>>
        %dma_wait3A_590 = tpu.memref_squeeze %dma_wait3A_589 : memref<1x128xi32, #tpu.memory_space<vmem>> -> memref<128xi32, #tpu.memory_space<vmem>>
        %dma_wait3A_591 = arith.constant 0 : i32
        %dma_wait3A_592 = tpu.memref_slice %arg28[%dma_wait3A_591] : memref<10112xf32, #tpu.memory_space<vmem_shared>> -> memref<10112xf32, #tpu.memory_space<vmem_shared>>
        tpu.wait_indirect_dma semaphore(%arg43 : memref<!tpu.dma_semaphore, #tpu.memory_space<semaphore_mem>>) src(%dma_wait3A_587 : memref<128xf32, #tpu.memory_space<vmem>>) dst(%dma_wait3A_592 : memref<10112xf32, #tpu.memory_space<vmem_shared>>)
      } else {
      }
      %dma_start3A_361 = arith.constant 2 : i32
      %dma_start3A_362 = arith.constant 0 : i32
      %dma_start3A_363 = tpu.memref_slice %arg9[%dma_start3A_361, %dma_start3A_362] : memref<8x128xf32, #tpu.memory_space<vmem>> -> memref<1x128xf32, #tpu.memory_space<vmem>>
      %dma_start3A_364 = tpu.memref_squeeze %dma_start3A_363 : memref<1x128xf32, #tpu.memory_space<vmem>> -> memref<128xf32, #tpu.memory_space<vmem>>
      %dma_start3A_365 = arith.constant 0 : i32
      %dma_start3A_366 = tpu.memref_slice %arg7[%scan3A_329, %dma_start3A_365] : memref<80x128xi32, #tpu.memory_space<vmem>> -> memref<1x128xi32, #tpu.memory_space<vmem>>
      %dma_start3A_367 = tpu.memref_squeeze %dma_start3A_366 : memref<1x128xi32, #tpu.memory_space<vmem>> -> memref<128xi32, #tpu.memory_space<vmem>>
      %dma_start3A_368 = arith.constant 0 : i32
      %dma_start3A_369 = tpu.memref_slice %arg12[%dma_start3A_368] : memref<10112xf32, #tpu.memory_space<vmem_shared>> -> memref<10112xf32, #tpu.memory_space<vmem_shared>>
      tpu.enqueue_indirect_dma source(%dma_start3A_369 : memref<10112xf32, #tpu.memory_space<vmem_shared>>) target(%dma_start3A_364 : memref<128xf32, #tpu.memory_space<vmem>>) offsets(%dma_start3A_367 : memref<128xi32, #tpu.memory_space<vmem>>) semaphore(%arg42 : memref<!tpu.dma_semaphore, #tpu.memory_space<semaphore_mem>>)
      %gt3A_370 = arith.constant 0 : i32
      %gt3A_371 = arith.cmpi sgt, %scan3A_329, %gt3A_370 : i32
      %convert_element_type3A_372 = arith.extui %gt3A_371 : i1 to i32
      %cond3A_373 = arith.constant 0 : i32
      %cond3A_374 = arith.cmpi ne, %convert_element_type3A_372, %cond3A_373 : i32
      scf.if %cond3A_374 {
        %dma_wait3A_584 = arith.constant 3 : i32
        %dma_wait3A_585 = arith.constant 0 : i32
        %dma_wait3A_586 = tpu.memref_slice %arg9[%dma_wait3A_584, %dma_wait3A_585] : memref<8x128xf32, #tpu.memory_space<vmem>> -> memref<1x128xf32, #tpu.memory_space<vmem>>
        %dma_wait3A_587 = tpu.memref_squeeze %dma_wait3A_586 : memref<1x128xf32, #tpu.memory_space<vmem>> -> memref<128xf32, #tpu.memory_space<vmem>>
        %dma_wait3A_588 = arith.constant 0 : i32
        %dma_wait3A_589 = tpu.memref_slice %arg8[%scan3A_329, %dma_wait3A_588] : memref<80x128xi32, #tpu.memory_space<vmem>> -> memref<1x128xi32, #tpu.memory_space<vmem>>
        %dma_wait3A_590 = tpu.memref_squeeze %dma_wait3A_589 : memref<1x128xi32, #tpu.memory_space<vmem>> -> memref<128xi32, #tpu.memory_space<vmem>>
        %dma_wait3A_591 = arith.constant 0 : i32
        %dma_wait3A_592 = tpu.memref_slice %arg29[%dma_wait3A_591] : memref<10112xf32, #tpu.memory_space<vmem_shared>> -> memref<10112xf32, #tpu.memory_space<vmem_shared>>
        tpu.wait_indirect_dma semaphore(%arg43 : memref<!tpu.dma_semaphore, #tpu.memory_space<semaphore_mem>>) src(%dma_wait3A_587 : memref<128xf32, #tpu.memory_space<vmem>>) dst(%dma_wait3A_592 : memref<10112xf32, #tpu.memory_space<vmem_shared>>)
      } else {
      }
      %dma_start3A_375 = arith.constant 3 : i32
      %dma_start3A_376 = arith.constant 0 : i32
      %dma_start3A_377 = tpu.memref_slice %arg9[%dma_start3A_375, %dma_start3A_376] : memref<8x128xf32, #tpu.memory_space<vmem>> -> memref<1x128xf32, #tpu.memory_space<vmem>>
      %dma_start3A_378 = tpu.memref_squeeze %dma_start3A_377 : memref<1x128xf32, #tpu.memory_space<vmem>> -> memref<128xf32, #tpu.memory_space<vmem>>
      %dma_start3A_379 = arith.constant 0 : i32
      %dma_start3A_380 = tpu.memref_slice %arg7[%scan3A_329, %dma_start3A_379] : memref<80x128xi32, #tpu.memory_space<vmem>> -> memref<1x128xi32, #tpu.memory_space<vmem>>
      %dma_start3A_381 = tpu.memref_squeeze %dma_start3A_380 : memref<1x128xi32, #tpu.memory_space<vmem>> -> memref<128xi32, #tpu.memory_space<vmem>>
      %dma_start3A_382 = arith.constant 0 : i32
      %dma_start3A_383 = tpu.memref_slice %arg13[%dma_start3A_382] : memref<10112xf32, #tpu.memory_space<vmem_shared>> -> memref<10112xf32, #tpu.memory_space<vmem_shared>>
      tpu.enqueue_indirect_dma source(%dma_start3A_383 : memref<10112xf32, #tpu.memory_space<vmem_shared>>) target(%dma_start3A_378 : memref<128xf32, #tpu.memory_space<vmem>>) offsets(%dma_start3A_381 : memref<128xi32, #tpu.memory_space<vmem>>) semaphore(%arg42 : memref<!tpu.dma_semaphore, #tpu.memory_space<semaphore_mem>>)
      %gt3A_384 = arith.constant 0 : i32
      %gt3A_385 = arith.cmpi sgt, %scan3A_329, %gt3A_384 : i32
      %convert_element_type3A_386 = arith.extui %gt3A_385 : i1 to i32
      %cond3A_387 = arith.constant 0 : i32
      %cond3A_388 = arith.cmpi ne, %convert_element_type3A_386, %cond3A_387 : i32
      scf.if %cond3A_388 {
        %dma_wait3A_584 = arith.constant 4 : i32
        %dma_wait3A_585 = arith.constant 0 : i32
        %dma_wait3A_586 = tpu.memref_slice %arg9[%dma_wait3A_584, %dma_wait3A_585] : memref<8x128xf32, #tpu.memory_space<vmem>> -> memref<1x128xf32, #tpu.memory_space<vmem>>
        %dma_wait3A_587 = tpu.memref_squeeze %dma_wait3A_586 : memref<1x128xf32, #tpu.memory_space<vmem>> -> memref<128xf32, #tpu.memory_space<vmem>>
        %dma_wait3A_588 = arith.constant 0 : i32
        %dma_wait3A_589 = tpu.memref_slice %arg8[%scan3A_329, %dma_wait3A_588] : memref<80x128xi32, #tpu.memory_space<vmem>> -> memref<1x128xi32, #tpu.memory_space<vmem>>
        %dma_wait3A_590 = tpu.memref_squeeze %dma_wait3A_589 : memref<1x128xi32, #tpu.memory_space<vmem>> -> memref<128xi32, #tpu.memory_space<vmem>>
        %dma_wait3A_591 = arith.constant 0 : i32
        %dma_wait3A_592 = tpu.memref_slice %arg30[%dma_wait3A_591] : memref<10112xf32, #tpu.memory_space<vmem_shared>> -> memref<10112xf32, #tpu.memory_space<vmem_shared>>
        tpu.wait_indirect_dma semaphore(%arg43 : memref<!tpu.dma_semaphore, #tpu.memory_space<semaphore_mem>>) src(%dma_wait3A_587 : memref<128xf32, #tpu.memory_space<vmem>>) dst(%dma_wait3A_592 : memref<10112xf32, #tpu.memory_space<vmem_shared>>)
      } else {
      }
      %dma_start3A_389 = arith.constant 4 : i32
      %dma_start3A_390 = arith.constant 0 : i32
      %dma_start3A_391 = tpu.memref_slice %arg9[%dma_start3A_389, %dma_start3A_390] : memref<8x128xf32, #tpu.memory_space<vmem>> -> memref<1x128xf32, #tpu.memory_space<vmem>>
      %dma_start3A_392 = tpu.memref_squeeze %dma_start3A_391 : memref<1x128xf32, #tpu.memory_space<vmem>> -> memref<128xf32, #tpu.memory_space<vmem>>
      %dma_start3A_393 = arith.constant 0 : i32
      %dma_start3A_394 = tpu.memref_slice %arg7[%scan3A_329, %dma_start3A_393] : memref<80x128xi32, #tpu.memory_space<vmem>> -> memref<1x128xi32, #tpu.memory_space<vmem>>
      %dma_start3A_395 = tpu.memref_squeeze %dma_start3A_394 : memref<1x128xi32, #tpu.memory_space<vmem>> -> memref<128xi32, #tpu.memory_space<vmem>>
      %dma_start3A_396 = arith.constant 0 : i32
      %dma_start3A_397 = tpu.memref_slice %arg14[%dma_start3A_396] : memref<10112xf32, #tpu.memory_space<vmem_shared>> -> memref<10112xf32, #tpu.memory_space<vmem_shared>>
      tpu.enqueue_indirect_dma source(%dma_start3A_397 : memref<10112xf32, #tpu.memory_space<vmem_shared>>) target(%dma_start3A_392 : memref<128xf32, #tpu.memory_space<vmem>>) offsets(%dma_start3A_395 : memref<128xi32, #tpu.memory_space<vmem>>) semaphore(%arg42 : memref<!tpu.dma_semaphore, #tpu.memory_space<semaphore_mem>>)
      %gt3A_398 = arith.constant 0 : i32
      %gt3A_399 = arith.cmpi sgt, %scan3A_329, %gt3A_398 : i32
      %convert_element_type3A_400 = arith.extui %gt3A_399 : i1 to i32
      %cond3A_401 = arith.constant 0 : i32
      %cond3A_402 = arith.cmpi ne, %convert_element_type3A_400, %cond3A_401 : i32
      scf.if %cond3A_402 {
        %dma_wait3A_584 = arith.constant 5 : i32
        %dma_wait3A_585 = arith.constant 0 : i32
        %dma_wait3A_586 = tpu.memref_slice %arg9[%dma_wait3A_584, %dma_wait3A_585] : memref<8x128xf32, #tpu.memory_space<vmem>> -> memref<1x128xf32, #tpu.memory_space<vmem>>
        %dma_wait3A_587 = tpu.memref_squeeze %dma_wait3A_586 : memref<1x128xf32, #tpu.memory_space<vmem>> -> memref<128xf32, #tpu.memory_space<vmem>>
        %dma_wait3A_588 = arith.constant 0 : i32
        %dma_wait3A_589 = tpu.memref_slice %arg8[%scan3A_329, %dma_wait3A_588] : memref<80x128xi32, #tpu.memory_space<vmem>> -> memref<1x128xi32, #tpu.memory_space<vmem>>
        %dma_wait3A_590 = tpu.memref_squeeze %dma_wait3A_589 : memref<1x128xi32, #tpu.memory_space<vmem>> -> memref<128xi32, #tpu.memory_space<vmem>>
        %dma_wait3A_591 = arith.constant 0 : i32
        %dma_wait3A_592 = tpu.memref_slice %arg31[%dma_wait3A_591] : memref<10112xf32, #tpu.memory_space<vmem_shared>> -> memref<10112xf32, #tpu.memory_space<vmem_shared>>
        tpu.wait_indirect_dma semaphore(%arg43 : memref<!tpu.dma_semaphore, #tpu.memory_space<semaphore_mem>>) src(%dma_wait3A_587 : memref<128xf32, #tpu.memory_space<vmem>>) dst(%dma_wait3A_592 : memref<10112xf32, #tpu.memory_space<vmem_shared>>)
      } else {
      }
      %dma_start3A_403 = arith.constant 5 : i32
      %dma_start3A_404 = arith.constant 0 : i32
      %dma_start3A_405 = tpu.memref_slice %arg9[%dma_start3A_403, %dma_start3A_404] : memref<8x128xf32, #tpu.memory_space<vmem>> -> memref<1x128xf32, #tpu.memory_space<vmem>>
      %dma_start3A_406 = tpu.memref_squeeze %dma_start3A_405 : memref<1x128xf32, #tpu.memory_space<vmem>> -> memref<128xf32, #tpu.memory_space<vmem>>
      %dma_start3A_407 = arith.constant 0 : i32
      %dma_start3A_408 = tpu.memref_slice %arg7[%scan3A_329, %dma_start3A_407] : memref<80x128xi32, #tpu.memory_space<vmem>> -> memref<1x128xi32, #tpu.memory_space<vmem>>
      %dma_start3A_409 = tpu.memref_squeeze %dma_start3A_408 : memref<1x128xi32, #tpu.memory_space<vmem>> -> memref<128xi32, #tpu.memory_space<vmem>>
      %dma_start3A_410 = arith.constant 0 : i32
      %dma_start3A_411 = tpu.memref_slice %arg15[%dma_start3A_410] : memref<10112xf32, #tpu.memory_space<vmem_shared>> -> memref<10112xf32, #tpu.memory_space<vmem_shared>>
      tpu.enqueue_indirect_dma source(%dma_start3A_411 : memref<10112xf32, #tpu.memory_space<vmem_shared>>) target(%dma_start3A_406 : memref<128xf32, #tpu.memory_space<vmem>>) offsets(%dma_start3A_409 : memref<128xi32, #tpu.memory_space<vmem>>) semaphore(%arg42 : memref<!tpu.dma_semaphore, #tpu.memory_space<semaphore_mem>>)
      %gt3A_412 = arith.constant 0 : i32
      %gt3A_413 = arith.cmpi sgt, %scan3A_329, %gt3A_412 : i32
      %convert_element_type3A_414 = arith.extui %gt3A_413 : i1 to i32
      %cond3A_415 = arith.constant 0 : i32
      %cond3A_416 = arith.cmpi ne, %convert_element_type3A_414, %cond3A_415 : i32
      scf.if %cond3A_416 {
        %dma_wait3A_584 = arith.constant 6 : i32
        %dma_wait3A_585 = arith.constant 0 : i32
        %dma_wait3A_586 = tpu.memref_slice %arg9[%dma_wait3A_584, %dma_wait3A_585] : memref<8x128xf32, #tpu.memory_space<vmem>> -> memref<1x128xf32, #tpu.memory_space<vmem>>
        %dma_wait3A_587 = tpu.memref_squeeze %dma_wait3A_586 : memref<1x128xf32, #tpu.memory_space<vmem>> -> memref<128xf32, #tpu.memory_space<vmem>>
        %dma_wait3A_588 = arith.constant 0 : i32
        %dma_wait3A_589 = tpu.memref_slice %arg8[%scan3A_329, %dma_wait3A_588] : memref<80x128xi32, #tpu.memory_space<vmem>> -> memref<1x128xi32, #tpu.memory_space<vmem>>
        %dma_wait3A_590 = tpu.memref_squeeze %dma_wait3A_589 : memref<1x128xi32, #tpu.memory_space<vmem>> -> memref<128xi32, #tpu.memory_space<vmem>>
        %dma_wait3A_591 = arith.constant 0 : i32
        %dma_wait3A_592 = tpu.memref_slice %arg32[%dma_wait3A_591] : memref<10112xf32, #tpu.memory_space<vmem_shared>> -> memref<10112xf32, #tpu.memory_space<vmem_shared>>
        tpu.wait_indirect_dma semaphore(%arg43 : memref<!tpu.dma_semaphore, #tpu.memory_space<semaphore_mem>>) src(%dma_wait3A_587 : memref<128xf32, #tpu.memory_space<vmem>>) dst(%dma_wait3A_592 : memref<10112xf32, #tpu.memory_space<vmem_shared>>)
      } else {
      }
      %dma_start3A_417 = arith.constant 6 : i32
      %dma_start3A_418 = arith.constant 0 : i32
      %dma_start3A_419 = tpu.memref_slice %arg9[%dma_start3A_417, %dma_start3A_418] : memref<8x128xf32, #tpu.memory_space<vmem>> -> memref<1x128xf32, #tpu.memory_space<vmem>>
      %dma_start3A_420 = tpu.memref_squeeze %dma_start3A_419 : memref<1x128xf32, #tpu.memory_space<vmem>> -> memref<128xf32, #tpu.memory_space<vmem>>
      %dma_start3A_421 = arith.constant 0 : i32
      %dma_start3A_422 = tpu.memref_slice %arg7[%scan3A_329, %dma_start3A_421] : memref<80x128xi32, #tpu.memory_space<vmem>> -> memref<1x128xi32, #tpu.memory_space<vmem>>
      %dma_start3A_423 = tpu.memref_squeeze %dma_start3A_422 : memref<1x128xi32, #tpu.memory_space<vmem>> -> memref<128xi32, #tpu.memory_space<vmem>>
      %dma_start3A_424 = arith.constant 0 : i32
      %dma_start3A_425 = tpu.memref_slice %arg16[%dma_start3A_424] : memref<10112xf32, #tpu.memory_space<vmem_shared>> -> memref<10112xf32, #tpu.memory_space<vmem_shared>>
      tpu.enqueue_indirect_dma source(%dma_start3A_425 : memref<10112xf32, #tpu.memory_space<vmem_shared>>) target(%dma_start3A_420 : memref<128xf32, #tpu.memory_space<vmem>>) offsets(%dma_start3A_423 : memref<128xi32, #tpu.memory_space<vmem>>) semaphore(%arg42 : memref<!tpu.dma_semaphore, #tpu.memory_space<semaphore_mem>>)
      %gt3A_426 = arith.constant 0 : i32
      %gt3A_427 = arith.cmpi sgt, %scan3A_329, %gt3A_426 : i32
      %convert_element_type3A_428 = arith.extui %gt3A_427 : i1 to i32
      %cond3A_429 = arith.constant 0 : i32
      %cond3A_430 = arith.cmpi ne, %convert_element_type3A_428, %cond3A_429 : i32
      scf.if %cond3A_430 {
        %dma_wait3A_584 = arith.constant 7 : i32
        %dma_wait3A_585 = arith.constant 0 : i32
        %dma_wait3A_586 = tpu.memref_slice %arg9[%dma_wait3A_584, %dma_wait3A_585] : memref<8x128xf32, #tpu.memory_space<vmem>> -> memref<1x128xf32, #tpu.memory_space<vmem>>
        %dma_wait3A_587 = tpu.memref_squeeze %dma_wait3A_586 : memref<1x128xf32, #tpu.memory_space<vmem>> -> memref<128xf32, #tpu.memory_space<vmem>>
        %dma_wait3A_588 = arith.constant 0 : i32
        %dma_wait3A_589 = tpu.memref_slice %arg8[%scan3A_329, %dma_wait3A_588] : memref<80x128xi32, #tpu.memory_space<vmem>> -> memref<1x128xi32, #tpu.memory_space<vmem>>
        %dma_wait3A_590 = tpu.memref_squeeze %dma_wait3A_589 : memref<1x128xi32, #tpu.memory_space<vmem>> -> memref<128xi32, #tpu.memory_space<vmem>>
        %dma_wait3A_591 = arith.constant 0 : i32
        %dma_wait3A_592 = tpu.memref_slice %arg33[%dma_wait3A_591] : memref<10112xf32, #tpu.memory_space<vmem_shared>> -> memref<10112xf32, #tpu.memory_space<vmem_shared>>
        tpu.wait_indirect_dma semaphore(%arg43 : memref<!tpu.dma_semaphore, #tpu.memory_space<semaphore_mem>>) src(%dma_wait3A_587 : memref<128xf32, #tpu.memory_space<vmem>>) dst(%dma_wait3A_592 : memref<10112xf32, #tpu.memory_space<vmem_shared>>)
      } else {
      }
      %dma_start3A_431 = arith.constant 7 : i32
      %dma_start3A_432 = arith.constant 0 : i32
      %dma_start3A_433 = tpu.memref_slice %arg9[%dma_start3A_431, %dma_start3A_432] : memref<8x128xf32, #tpu.memory_space<vmem>> -> memref<1x128xf32, #tpu.memory_space<vmem>>
      %dma_start3A_434 = tpu.memref_squeeze %dma_start3A_433 : memref<1x128xf32, #tpu.memory_space<vmem>> -> memref<128xf32, #tpu.memory_space<vmem>>
      %dma_start3A_435 = arith.constant 0 : i32
      %dma_start3A_436 = tpu.memref_slice %arg7[%scan3A_329, %dma_start3A_435] : memref<80x128xi32, #tpu.memory_space<vmem>> -> memref<1x128xi32, #tpu.memory_space<vmem>>
      %dma_start3A_437 = tpu.memref_squeeze %dma_start3A_436 : memref<1x128xi32, #tpu.memory_space<vmem>> -> memref<128xi32, #tpu.memory_space<vmem>>
      %dma_start3A_438 = arith.constant 0 : i32
      %dma_start3A_439 = tpu.memref_slice %arg17[%dma_start3A_438] : memref<10112xf32, #tpu.memory_space<vmem_shared>> -> memref<10112xf32, #tpu.memory_space<vmem_shared>>
      tpu.enqueue_indirect_dma source(%dma_start3A_439 : memref<10112xf32, #tpu.memory_space<vmem_shared>>) target(%dma_start3A_434 : memref<128xf32, #tpu.memory_space<vmem>>) offsets(%dma_start3A_437 : memref<128xi32, #tpu.memory_space<vmem>>) semaphore(%arg42 : memref<!tpu.dma_semaphore, #tpu.memory_space<semaphore_mem>>)
      %dma_wait3A_440 = arith.constant 0 : i32
      %dma_wait3A_441 = arith.constant 0 : i32
      %dma_wait3A_442 = tpu.memref_slice %arg9[%dma_wait3A_440, %dma_wait3A_441] : memref<8x128xf32, #tpu.memory_space<vmem>> -> memref<1x128xf32, #tpu.memory_space<vmem>>
      %dma_wait3A_443 = tpu.memref_squeeze %dma_wait3A_442 : memref<1x128xf32, #tpu.memory_space<vmem>> -> memref<128xf32, #tpu.memory_space<vmem>>
      %dma_wait3A_444 = arith.constant 0 : i32
      %dma_wait3A_445 = tpu.memref_slice %arg7[%scan3A_329, %dma_wait3A_444] : memref<80x128xi32, #tpu.memory_space<vmem>> -> memref<1x128xi32, #tpu.memory_space<vmem>>
      %dma_wait3A_446 = tpu.memref_squeeze %dma_wait3A_445 : memref<1x128xi32, #tpu.memory_space<vmem>> -> memref<128xi32, #tpu.memory_space<vmem>>
      %dma_wait3A_447 = arith.constant 0 : i32
      %dma_wait3A_448 = tpu.memref_slice %arg10[%dma_wait3A_447] : memref<10112xf32, #tpu.memory_space<vmem_shared>> -> memref<10112xf32, #tpu.memory_space<vmem_shared>>
      tpu.wait_indirect_dma semaphore(%arg42 : memref<!tpu.dma_semaphore, #tpu.memory_space<semaphore_mem>>) src(%dma_wait3A_448 : memref<10112xf32, #tpu.memory_space<vmem_shared>>) dst(%dma_wait3A_443 : memref<128xf32, #tpu.memory_space<vmem>>)
      %dma_start3A_449 = arith.constant 0 : i32
      %dma_start3A_450 = arith.constant 0 : i32
      %dma_start3A_451 = tpu.memref_slice %arg9[%dma_start3A_449, %dma_start3A_450] : memref<8x128xf32, #tpu.memory_space<vmem>> -> memref<1x128xf32, #tpu.memory_space<vmem>>
      %dma_start3A_452 = tpu.memref_squeeze %dma_start3A_451 : memref<1x128xf32, #tpu.memory_space<vmem>> -> memref<128xf32, #tpu.memory_space<vmem>>
      %dma_start3A_453 = arith.constant 0 : i32
      %dma_start3A_454 = tpu.memref_slice %arg8[%scan3A_329, %dma_start3A_453] : memref<80x128xi32, #tpu.memory_space<vmem>> -> memref<1x128xi32, #tpu.memory_space<vmem>>
      %dma_start3A_455 = tpu.memref_squeeze %dma_start3A_454 : memref<1x128xi32, #tpu.memory_space<vmem>> -> memref<128xi32, #tpu.memory_space<vmem>>
      %dma_start3A_456 = arith.constant 0 : i32
      %dma_start3A_457 = tpu.memref_slice %arg26[%dma_start3A_456] : memref<10112xf32, #tpu.memory_space<vmem_shared>> -> memref<10112xf32, #tpu.memory_space<vmem_shared>>
      tpu.enqueue_indirect_dma source(%dma_start3A_452 : memref<128xf32, #tpu.memory_space<vmem>>) target(%dma_start3A_457 : memref<10112xf32, #tpu.memory_space<vmem_shared>>) offsets(%dma_start3A_455 : memref<128xi32, #tpu.memory_space<vmem>>) semaphore(%arg43 : memref<!tpu.dma_semaphore, #tpu.memory_space<semaphore_mem>>) {add = true}
      %dma_wait3A_458 = arith.constant 1 : i32
      %dma_wait3A_459 = arith.constant 0 : i32
      %dma_wait3A_460 = tpu.memref_slice %arg9[%dma_wait3A_458, %dma_wait3A_459] : memref<8x128xf32, #tpu.memory_space<vmem>> -> memref<1x128xf32, #tpu.memory_space<vmem>>
      %dma_wait3A_461 = tpu.memref_squeeze %dma_wait3A_460 : memref<1x128xf32, #tpu.memory_space<vmem>> -> memref<128xf32, #tpu.memory_space<vmem>>
      %dma_wait3A_462 = arith.constant 0 : i32
      %dma_wait3A_463 = tpu.memref_slice %arg7[%scan3A_329, %dma_wait3A_462] : memref<80x128xi32, #tpu.memory_space<vmem>> -> memref<1x128xi32, #tpu.memory_space<vmem>>
      %dma_wait3A_464 = tpu.memref_squeeze %dma_wait3A_463 : memref<1x128xi32, #tpu.memory_space<vmem>> -> memref<128xi32, #tpu.memory_space<vmem>>
      %dma_wait3A_465 = arith.constant 0 : i32
      %dma_wait3A_466 = tpu.memref_slice %arg11[%dma_wait3A_465] : memref<10112xf32, #tpu.memory_space<vmem_shared>> -> memref<10112xf32, #tpu.memory_space<vmem_shared>>
      tpu.wait_indirect_dma semaphore(%arg42 : memref<!tpu.dma_semaphore, #tpu.memory_space<semaphore_mem>>) src(%dma_wait3A_466 : memref<10112xf32, #tpu.memory_space<vmem_shared>>) dst(%dma_wait3A_461 : memref<128xf32, #tpu.memory_space<vmem>>)
      %dma_start3A_467 = arith.constant 1 : i32
      %dma_start3A_468 = arith.constant 0 : i32
      %dma_start3A_469 = tpu.memref_slice %arg9[%dma_start3A_467, %dma_start3A_468] : memref<8x128xf32, #tpu.memory_space<vmem>> -> memref<1x128xf32, #tpu.memory_space<vmem>>
      %dma_start3A_470 = tpu.memref_squeeze %dma_start3A_469 : memref<1x128xf32, #tpu.memory_space<vmem>> -> memref<128xf32, #tpu.memory_space<vmem>>
      %dma_start3A_471 = arith.constant 0 : i32
      %dma_start3A_472 = tpu.memref_slice %arg8[%scan3A_329, %dma_start3A_471] : memref<80x128xi32, #tpu.memory_space<vmem>> -> memref<1x128xi32, #tpu.memory_space<vmem>>
      %dma_start3A_473 = tpu.memref_squeeze %dma_start3A_472 : memref<1x128xi32, #tpu.memory_space<vmem>> -> memref<128xi32, #tpu.memory_space<vmem>>
      %dma_start3A_474 = arith.constant 0 : i32
      %dma_start3A_475 = tpu.memref_slice %arg27[%dma_start3A_474] : memref<10112xf32, #tpu.memory_space<vmem_shared>> -> memref<10112xf32, #tpu.memory_space<vmem_shared>>
      tpu.enqueue_indirect_dma source(%dma_start3A_470 : memref<128xf32, #tpu.memory_space<vmem>>) target(%dma_start3A_475 : memref<10112xf32, #tpu.memory_space<vmem_shared>>) offsets(%dma_start3A_473 : memref<128xi32, #tpu.memory_space<vmem>>) semaphore(%arg43 : memref<!tpu.dma_semaphore, #tpu.memory_space<semaphore_mem>>) {add = true}
      %dma_wait3A_476 = arith.constant 2 : i32
      %dma_wait3A_477 = arith.constant 0 : i32
      %dma_wait3A_478 = tpu.memref_slice %arg9[%dma_wait3A_476, %dma_wait3A_477] : memref<8x128xf32, #tpu.memory_space<vmem>> -> memref<1x128xf32, #tpu.memory_space<vmem>>
      %dma_wait3A_479 = tpu.memref_squeeze %dma_wait3A_478 : memref<1x128xf32, #tpu.memory_space<vmem>> -> memref<128xf32, #tpu.memory_space<vmem>>
      %dma_wait3A_480 = arith.constant 0 : i32
      %dma_wait3A_481 = tpu.memref_slice %arg7[%scan3A_329, %dma_wait3A_480] : memref<80x128xi32, #tpu.memory_space<vmem>> -> memref<1x128xi32, #tpu.memory_space<vmem>>
      %dma_wait3A_482 = tpu.memref_squeeze %dma_wait3A_481 : memref<1x128xi32, #tpu.memory_space<vmem>> -> memref<128xi32, #tpu.memory_space<vmem>>
      %dma_wait3A_483 = arith.constant 0 : i32
      %dma_wait3A_484 = tpu.memref_slice %arg12[%dma_wait3A_483] : memref<10112xf32, #tpu.memory_space<vmem_shared>> -> memref<10112xf32, #tpu.memory_space<vmem_shared>>
      tpu.wait_indirect_dma semaphore(%arg42 : memref<!tpu.dma_semaphore, #tpu.memory_space<semaphore_mem>>) src(%dma_wait3A_484 : memref<10112xf32, #tpu.memory_space<vmem_shared>>) dst(%dma_wait3A_479 : memref<128xf32, #tpu.memory_space<vmem>>)
      %dma_start3A_485 = arith.constant 2 : i32
      %dma_start3A_486 = arith.constant 0 : i32
      %dma_start3A_487 = tpu.memref_slice %arg9[%dma_start3A_485, %dma_start3A_486] : memref<8x128xf32, #tpu.memory_space<vmem>> -> memref<1x128xf32, #tpu.memory_space<vmem>>
      %dma_start3A_488 = tpu.memref_squeeze %dma_start3A_487 : memref<1x128xf32, #tpu.memory_space<vmem>> -> memref<128xf32, #tpu.memory_space<vmem>>
      %dma_start3A_489 = arith.constant 0 : i32
      %dma_start3A_490 = tpu.memref_slice %arg8[%scan3A_329, %dma_start3A_489] : memref<80x128xi32, #tpu.memory_space<vmem>> -> memref<1x128xi32, #tpu.memory_space<vmem>>
      %dma_start3A_491 = tpu.memref_squeeze %dma_start3A_490 : memref<1x128xi32, #tpu.memory_space<vmem>> -> memref<128xi32, #tpu.memory_space<vmem>>
      %dma_start3A_492 = arith.constant 0 : i32
      %dma_start3A_493 = tpu.memref_slice %arg28[%dma_start3A_492] : memref<10112xf32, #tpu.memory_space<vmem_shared>> -> memref<10112xf32, #tpu.memory_space<vmem_shared>>
      tpu.enqueue_indirect_dma source(%dma_start3A_488 : memref<128xf32, #tpu.memory_space<vmem>>) target(%dma_start3A_493 : memref<10112xf32, #tpu.memory_space<vmem_shared>>) offsets(%dma_start3A_491 : memref<128xi32, #tpu.memory_space<vmem>>) semaphore(%arg43 : memref<!tpu.dma_semaphore, #tpu.memory_space<semaphore_mem>>) {add = true}
      %dma_wait3A_494 = arith.constant 3 : i32
      %dma_wait3A_495 = arith.constant 0 : i32
      %dma_wait3A_496 = tpu.memref_slice %arg9[%dma_wait3A_494, %dma_wait3A_495] : memref<8x128xf32, #tpu.memory_space<vmem>> -> memref<1x128xf32, #tpu.memory_space<vmem>>
      %dma_wait3A_497 = tpu.memref_squeeze %dma_wait3A_496 : memref<1x128xf32, #tpu.memory_space<vmem>> -> memref<128xf32, #tpu.memory_space<vmem>>
      %dma_wait3A_498 = arith.constant 0 : i32
      %dma_wait3A_499 = tpu.memref_slice %arg7[%scan3A_329, %dma_wait3A_498] : memref<80x128xi32, #tpu.memory_space<vmem>> -> memref<1x128xi32, #tpu.memory_space<vmem>>
      %dma_wait3A_500 = tpu.memref_squeeze %dma_wait3A_499 : memref<1x128xi32, #tpu.memory_space<vmem>> -> memref<128xi32, #tpu.memory_space<vmem>>
      %dma_wait3A_501 = arith.constant 0 : i32
      %dma_wait3A_502 = tpu.memref_slice %arg13[%dma_wait3A_501] : memref<10112xf32, #tpu.memory_space<vmem_shared>> -> memref<10112xf32, #tpu.memory_space<vmem_shared>>
      tpu.wait_indirect_dma semaphore(%arg42 : memref<!tpu.dma_semaphore, #tpu.memory_space<semaphore_mem>>) src(%dma_wait3A_502 : memref<10112xf32, #tpu.memory_space<vmem_shared>>) dst(%dma_wait3A_497 : memref<128xf32, #tpu.memory_space<vmem>>)
      %dma_start3A_503 = arith.constant 3 : i32
      %dma_start3A_504 = arith.constant 0 : i32
      %dma_start3A_505 = tpu.memref_slice %arg9[%dma_start3A_503, %dma_start3A_504] : memref<8x128xf32, #tpu.memory_space<vmem>> -> memref<1x128xf32, #tpu.memory_space<vmem>>
      %dma_start3A_506 = tpu.memref_squeeze %dma_start3A_505 : memref<1x128xf32, #tpu.memory_space<vmem>> -> memref<128xf32, #tpu.memory_space<vmem>>
      %dma_start3A_507 = arith.constant 0 : i32
      %dma_start3A_508 = tpu.memref_slice %arg8[%scan3A_329, %dma_start3A_507] : memref<80x128xi32, #tpu.memory_space<vmem>> -> memref<1x128xi32, #tpu.memory_space<vmem>>
      %dma_start3A_509 = tpu.memref_squeeze %dma_start3A_508 : memref<1x128xi32, #tpu.memory_space<vmem>> -> memref<128xi32, #tpu.memory_space<vmem>>
      %dma_start3A_510 = arith.constant 0 : i32
      %dma_start3A_511 = tpu.memref_slice %arg29[%dma_start3A_510] : memref<10112xf32, #tpu.memory_space<vmem_shared>> -> memref<10112xf32, #tpu.memory_space<vmem_shared>>
      tpu.enqueue_indirect_dma source(%dma_start3A_506 : memref<128xf32, #tpu.memory_space<vmem>>) target(%dma_start3A_511 : memref<10112xf32, #tpu.memory_space<vmem_shared>>) offsets(%dma_start3A_509 : memref<128xi32, #tpu.memory_space<vmem>>) semaphore(%arg43 : memref<!tpu.dma_semaphore, #tpu.memory_space<semaphore_mem>>) {add = true}
      %dma_wait3A_512 = arith.constant 4 : i32
      %dma_wait3A_513 = arith.constant 0 : i32
      %dma_wait3A_514 = tpu.memref_slice %arg9[%dma_wait3A_512, %dma_wait3A_513] : memref<8x128xf32, #tpu.memory_space<vmem>> -> memref<1x128xf32, #tpu.memory_space<vmem>>
      %dma_wait3A_515 = tpu.memref_squeeze %dma_wait3A_514 : memref<1x128xf32, #tpu.memory_space<vmem>> -> memref<128xf32, #tpu.memory_space<vmem>>
      %dma_wait3A_516 = arith.constant 0 : i32
      %dma_wait3A_517 = tpu.memref_slice %arg7[%scan3A_329, %dma_wait3A_516] : memref<80x128xi32, #tpu.memory_space<vmem>> -> memref<1x128xi32, #tpu.memory_space<vmem>>
      %dma_wait3A_518 = tpu.memref_squeeze %dma_wait3A_517 : memref<1x128xi32, #tpu.memory_space<vmem>> -> memref<128xi32, #tpu.memory_space<vmem>>
      %dma_wait3A_519 = arith.constant 0 : i32
      %dma_wait3A_520 = tpu.memref_slice %arg14[%dma_wait3A_519] : memref<10112xf32, #tpu.memory_space<vmem_shared>> -> memref<10112xf32, #tpu.memory_space<vmem_shared>>
      tpu.wait_indirect_dma semaphore(%arg42 : memref<!tpu.dma_semaphore, #tpu.memory_space<semaphore_mem>>) src(%dma_wait3A_520 : memref<10112xf32, #tpu.memory_space<vmem_shared>>) dst(%dma_wait3A_515 : memref<128xf32, #tpu.memory_space<vmem>>)
      %dma_start3A_521 = arith.constant 4 : i32
      %dma_start3A_522 = arith.constant 0 : i32
      %dma_start3A_523 = tpu.memref_slice %arg9[%dma_start3A_521, %dma_start3A_522] : memref<8x128xf32, #tpu.memory_space<vmem>> -> memref<1x128xf32, #tpu.memory_space<vmem>>
      %dma_start3A_524 = tpu.memref_squeeze %dma_start3A_523 : memref<1x128xf32, #tpu.memory_space<vmem>> -> memref<128xf32, #tpu.memory_space<vmem>>
      %dma_start3A_525 = arith.constant 0 : i32
      %dma_start3A_526 = tpu.memref_slice %arg8[%scan3A_329, %dma_start3A_525] : memref<80x128xi32, #tpu.memory_space<vmem>> -> memref<1x128xi32, #tpu.memory_space<vmem>>
      %dma_start3A_527 = tpu.memref_squeeze %dma_start3A_526 : memref<1x128xi32, #tpu.memory_space<vmem>> -> memref<128xi32, #tpu.memory_space<vmem>>
      %dma_start3A_528 = arith.constant 0 : i32
      %dma_start3A_529 = tpu.memref_slice %arg30[%dma_start3A_528] : memref<10112xf32, #tpu.memory_space<vmem_shared>> -> memref<10112xf32, #tpu.memory_space<vmem_shared>>
      tpu.enqueue_indirect_dma source(%dma_start3A_524 : memref<128xf32, #tpu.memory_space<vmem>>) target(%dma_start3A_529 : memref<10112xf32, #tpu.memory_space<vmem_shared>>) offsets(%dma_start3A_527 : memref<128xi32, #tpu.memory_space<vmem>>) semaphore(%arg43 : memref<!tpu.dma_semaphore, #tpu.memory_space<semaphore_mem>>) {add = true}
      %dma_wait3A_530 = arith.constant 5 : i32
      %dma_wait3A_531 = arith.constant 0 : i32
      %dma_wait3A_532 = tpu.memref_slice %arg9[%dma_wait3A_530, %dma_wait3A_531] : memref<8x128xf32, #tpu.memory_space<vmem>> -> memref<1x128xf32, #tpu.memory_space<vmem>>
      %dma_wait3A_533 = tpu.memref_squeeze %dma_wait3A_532 : memref<1x128xf32, #tpu.memory_space<vmem>> -> memref<128xf32, #tpu.memory_space<vmem>>
      %dma_wait3A_534 = arith.constant 0 : i32
      %dma_wait3A_535 = tpu.memref_slice %arg7[%scan3A_329, %dma_wait3A_534] : memref<80x128xi32, #tpu.memory_space<vmem>> -> memref<1x128xi32, #tpu.memory_space<vmem>>
      %dma_wait3A_536 = tpu.memref_squeeze %dma_wait3A_535 : memref<1x128xi32, #tpu.memory_space<vmem>> -> memref<128xi32, #tpu.memory_space<vmem>>
      %dma_wait3A_537 = arith.constant 0 : i32
      %dma_wait3A_538 = tpu.memref_slice %arg15[%dma_wait3A_537] : memref<10112xf32, #tpu.memory_space<vmem_shared>> -> memref<10112xf32, #tpu.memory_space<vmem_shared>>
      tpu.wait_indirect_dma semaphore(%arg42 : memref<!tpu.dma_semaphore, #tpu.memory_space<semaphore_mem>>) src(%dma_wait3A_538 : memref<10112xf32, #tpu.memory_space<vmem_shared>>) dst(%dma_wait3A_533 : memref<128xf32, #tpu.memory_space<vmem>>)
      %dma_start3A_539 = arith.constant 5 : i32
      %dma_start3A_540 = arith.constant 0 : i32
      %dma_start3A_541 = tpu.memref_slice %arg9[%dma_start3A_539, %dma_start3A_540] : memref<8x128xf32, #tpu.memory_space<vmem>> -> memref<1x128xf32, #tpu.memory_space<vmem>>
      %dma_start3A_542 = tpu.memref_squeeze %dma_start3A_541 : memref<1x128xf32, #tpu.memory_space<vmem>> -> memref<128xf32, #tpu.memory_space<vmem>>
      %dma_start3A_543 = arith.constant 0 : i32
      %dma_start3A_544 = tpu.memref_slice %arg8[%scan3A_329, %dma_start3A_543] : memref<80x128xi32, #tpu.memory_space<vmem>> -> memref<1x128xi32, #tpu.memory_space<vmem>>
      %dma_start3A_545 = tpu.memref_squeeze %dma_start3A_544 : memref<1x128xi32, #tpu.memory_space<vmem>> -> memref<128xi32, #tpu.memory_space<vmem>>
      %dma_start3A_546 = arith.constant 0 : i32
      %dma_start3A_547 = tpu.memref_slice %arg31[%dma_start3A_546] : memref<10112xf32, #tpu.memory_space<vmem_shared>> -> memref<10112xf32, #tpu.memory_space<vmem_shared>>
      tpu.enqueue_indirect_dma source(%dma_start3A_542 : memref<128xf32, #tpu.memory_space<vmem>>) target(%dma_start3A_547 : memref<10112xf32, #tpu.memory_space<vmem_shared>>) offsets(%dma_start3A_545 : memref<128xi32, #tpu.memory_space<vmem>>) semaphore(%arg43 : memref<!tpu.dma_semaphore, #tpu.memory_space<semaphore_mem>>) {add = true}
      %dma_wait3A_548 = arith.constant 6 : i32
      %dma_wait3A_549 = arith.constant 0 : i32
      %dma_wait3A_550 = tpu.memref_slice %arg9[%dma_wait3A_548, %dma_wait3A_549] : memref<8x128xf32, #tpu.memory_space<vmem>> -> memref<1x128xf32, #tpu.memory_space<vmem>>
      %dma_wait3A_551 = tpu.memref_squeeze %dma_wait3A_550 : memref<1x128xf32, #tpu.memory_space<vmem>> -> memref<128xf32, #tpu.memory_space<vmem>>
      %dma_wait3A_552 = arith.constant 0 : i32
      %dma_wait3A_553 = tpu.memref_slice %arg7[%scan3A_329, %dma_wait3A_552] : memref<80x128xi32, #tpu.memory_space<vmem>> -> memref<1x128xi32, #tpu.memory_space<vmem>>
      %dma_wait3A_554 = tpu.memref_squeeze %dma_wait3A_553 : memref<1x128xi32, #tpu.memory_space<vmem>> -> memref<128xi32, #tpu.memory_space<vmem>>
      %dma_wait3A_555 = arith.constant 0 : i32
      %dma_wait3A_556 = tpu.memref_slice %arg16[%dma_wait3A_555] : memref<10112xf32, #tpu.memory_space<vmem_shared>> -> memref<10112xf32, #tpu.memory_space<vmem_shared>>
      tpu.wait_indirect_dma semaphore(%arg42 : memref<!tpu.dma_semaphore, #tpu.memory_space<semaphore_mem>>) src(%dma_wait3A_556 : memref<10112xf32, #tpu.memory_space<vmem_shared>>) dst(%dma_wait3A_551 : memref<128xf32, #tpu.memory_space<vmem>>)
      %dma_start3A_557 = arith.constant 6 : i32
      %dma_start3A_558 = arith.constant 0 : i32
      %dma_start3A_559 = tpu.memref_slice %arg9[%dma_start3A_557, %dma_start3A_558] : memref<8x128xf32, #tpu.memory_space<vmem>> -> memref<1x128xf32, #tpu.memory_space<vmem>>
      %dma_start3A_560 = tpu.memref_squeeze %dma_start3A_559 : memref<1x128xf32, #tpu.memory_space<vmem>> -> memref<128xf32, #tpu.memory_space<vmem>>
      %dma_start3A_561 = arith.constant 0 : i32
      %dma_start3A_562 = tpu.memref_slice %arg8[%scan3A_329, %dma_start3A_561] : memref<80x128xi32, #tpu.memory_space<vmem>> -> memref<1x128xi32, #tpu.memory_space<vmem>>
      %dma_start3A_563 = tpu.memref_squeeze %dma_start3A_562 : memref<1x128xi32, #tpu.memory_space<vmem>> -> memref<128xi32, #tpu.memory_space<vmem>>
      %dma_start3A_564 = arith.constant 0 : i32
      %dma_start3A_565 = tpu.memref_slice %arg32[%dma_start3A_564] : memref<10112xf32, #tpu.memory_space<vmem_shared>> -> memref<10112xf32, #tpu.memory_space<vmem_shared>>
      tpu.enqueue_indirect_dma source(%dma_start3A_560 : memref<128xf32, #tpu.memory_space<vmem>>) target(%dma_start3A_565 : memref<10112xf32, #tpu.memory_space<vmem_shared>>) offsets(%dma_start3A_563 : memref<128xi32, #tpu.memory_space<vmem>>) semaphore(%arg43 : memref<!tpu.dma_semaphore, #tpu.memory_space<semaphore_mem>>) {add = true}
      %dma_wait3A_566 = arith.constant 7 : i32
      %dma_wait3A_567 = arith.constant 0 : i32
      %dma_wait3A_568 = tpu.memref_slice %arg9[%dma_wait3A_566, %dma_wait3A_567] : memref<8x128xf32, #tpu.memory_space<vmem>> -> memref<1x128xf32, #tpu.memory_space<vmem>>
      %dma_wait3A_569 = tpu.memref_squeeze %dma_wait3A_568 : memref<1x128xf32, #tpu.memory_space<vmem>> -> memref<128xf32, #tpu.memory_space<vmem>>
      %dma_wait3A_570 = arith.constant 0 : i32
      %dma_wait3A_571 = tpu.memref_slice %arg7[%scan3A_329, %dma_wait3A_570] : memref<80x128xi32, #tpu.memory_space<vmem>> -> memref<1x128xi32, #tpu.memory_space<vmem>>
      %dma_wait3A_572 = tpu.memref_squeeze %dma_wait3A_571 : memref<1x128xi32, #tpu.memory_space<vmem>> -> memref<128xi32, #tpu.memory_space<vmem>>
      %dma_wait3A_573 = arith.constant 0 : i32
      %dma_wait3A_574 = tpu.memref_slice %arg17[%dma_wait3A_573] : memref<10112xf32, #tpu.memory_space<vmem_shared>> -> memref<10112xf32, #tpu.memory_space<vmem_shared>>
      tpu.wait_indirect_dma semaphore(%arg42 : memref<!tpu.dma_semaphore, #tpu.memory_space<semaphore_mem>>) src(%dma_wait3A_574 : memref<10112xf32, #tpu.memory_space<vmem_shared>>) dst(%dma_wait3A_569 : memref<128xf32, #tpu.memory_space<vmem>>)
      %dma_start3A_575 = arith.constant 7 : i32
      %dma_start3A_576 = arith.constant 0 : i32
      %dma_start3A_577 = tpu.memref_slice %arg9[%dma_start3A_575, %dma_start3A_576] : memref<8x128xf32, #tpu.memory_space<vmem>> -> memref<1x128xf32, #tpu.memory_space<vmem>>
      %dma_start3A_578 = tpu.memref_squeeze %dma_start3A_577 : memref<1x128xf32, #tpu.memory_space<vmem>> -> memref<128xf32, #tpu.memory_space<vmem>>
      %dma_start3A_579 = arith.constant 0 : i32
      %dma_start3A_580 = tpu.memref_slice %arg8[%scan3A_329, %dma_start3A_579] : memref<80x128xi32, #tpu.memory_space<vmem>> -> memref<1x128xi32, #tpu.memory_space<vmem>>
      %dma_start3A_581 = tpu.memref_squeeze %dma_start3A_580 : memref<1x128xi32, #tpu.memory_space<vmem>> -> memref<128xi32, #tpu.memory_space<vmem>>
      %dma_start3A_582 = arith.constant 0 : i32
      %dma_start3A_583 = tpu.memref_slice %arg33[%dma_start3A_582] : memref<10112xf32, #tpu.memory_space<vmem_shared>> -> memref<10112xf32, #tpu.memory_space<vmem_shared>>
      tpu.enqueue_indirect_dma source(%dma_start3A_578 : memref<128xf32, #tpu.memory_space<vmem>>) target(%dma_start3A_583 : memref<10112xf32, #tpu.memory_space<vmem_shared>>) offsets(%dma_start3A_581 : memref<128xi32, #tpu.memory_space<vmem>>) semaphore(%arg43 : memref<!tpu.dma_semaphore, #tpu.memory_space<semaphore_mem>>) {add = true}
    }
    %scan3A_82 = arith.constant 80 : i32
    %dma_wait3A = arith.constant 0 : i32
    %dma_wait3A_83 = arith.constant 79 : i32
    %dma_wait3A_84 = arith.constant 0 : i32
    %dma_wait3A_85 = tpu.memref_slice %arg9[%dma_wait3A, %dma_wait3A_84] : memref<8x128xf32, #tpu.memory_space<vmem>> -> memref<1x128xf32, #tpu.memory_space<vmem>>
    %dma_wait3A_86 = tpu.memref_squeeze %dma_wait3A_85 : memref<1x128xf32, #tpu.memory_space<vmem>> -> memref<128xf32, #tpu.memory_space<vmem>>
    %dma_wait3A_87 = arith.constant 0 : i32
    %dma_wait3A_88 = tpu.memref_slice %arg8[%dma_wait3A_83, %dma_wait3A_87] : memref<80x128xi32, #tpu.memory_space<vmem>> -> memref<1x128xi32, #tpu.memory_space<vmem>>
    %dma_wait3A_89 = tpu.memref_squeeze %dma_wait3A_88 : memref<1x128xi32, #tpu.memory_space<vmem>> -> memref<128xi32, #tpu.memory_space<vmem>>
    %dma_wait3A_90 = arith.constant 0 : i32
    %dma_wait3A_91 = tpu.memref_slice %arg26[%dma_wait3A_90] : memref<10112xf32, #tpu.memory_space<vmem_shared>> -> memref<10112xf32, #tpu.memory_space<vmem_shared>>
    tpu.wait_indirect_dma semaphore(%arg43 : memref<!tpu.dma_semaphore, #tpu.memory_space<semaphore_mem>>) src(%dma_wait3A_86 : memref<128xf32, #tpu.memory_space<vmem>>) dst(%dma_wait3A_91 : memref<10112xf32, #tpu.memory_space<vmem_shared>>)
    %dma_wait3A_92 = arith.constant 1 : i32
    %dma_wait3A_93 = arith.constant 79 : i32
    %dma_wait3A_94 = arith.constant 0 : i32
    %dma_wait3A_95 = tpu.memref_slice %arg9[%dma_wait3A_92, %dma_wait3A_94] : memref<8x128xf32, #tpu.memory_space<vmem>> -> memref<1x128xf32, #tpu.memory_space<vmem>>
    %dma_wait3A_96 = tpu.memref_squeeze %dma_wait3A_95 : memref<1x128xf32, #tpu.memory_space<vmem>> -> memref<128xf32, #tpu.memory_space<vmem>>
    %dma_wait3A_97 = arith.constant 0 : i32
    %dma_wait3A_98 = tpu.memref_slice %arg8[%dma_wait3A_93, %dma_wait3A_97] : memref<80x128xi32, #tpu.memory_space<vmem>> -> memref<1x128xi32, #tpu.memory_space<vmem>>
    %dma_wait3A_99 = tpu.memref_squeeze %dma_wait3A_98 : memref<1x128xi32, #tpu.memory_space<vmem>> -> memref<128xi32, #tpu.memory_space<vmem>>
    %dma_wait3A_100 = arith.constant 0 : i32
    %dma_wait3A_101 = tpu.memref_slice %arg27[%dma_wait3A_100] : memref<10112xf32, #tpu.memory_space<vmem_shared>> -> memref<10112xf32, #tpu.memory_space<vmem_shared>>
    tpu.wait_indirect_dma semaphore(%arg43 : memref<!tpu.dma_semaphore, #tpu.memory_space<semaphore_mem>>) src(%dma_wait3A_96 : memref<128xf32, #tpu.memory_space<vmem>>) dst(%dma_wait3A_101 : memref<10112xf32, #tpu.memory_space<vmem_shared>>)
    %dma_wait3A_102 = arith.constant 2 : i32
    %dma_wait3A_103 = arith.constant 79 : i32
    %dma_wait3A_104 = arith.constant 0 : i32
    %dma_wait3A_105 = tpu.memref_slice %arg9[%dma_wait3A_102, %dma_wait3A_104] : memref<8x128xf32, #tpu.memory_space<vmem>> -> memref<1x128xf32, #tpu.memory_space<vmem>>
    %dma_wait3A_106 = tpu.memref_squeeze %dma_wait3A_105 : memref<1x128xf32, #tpu.memory_space<vmem>> -> memref<128xf32, #tpu.memory_space<vmem>>
    %dma_wait3A_107 = arith.constant 0 : i32
    %dma_wait3A_108 = tpu.memref_slice %arg8[%dma_wait3A_103, %dma_wait3A_107] : memref<80x128xi32, #tpu.memory_space<vmem>> -> memref<1x128xi32, #tpu.memory_space<vmem>>
    %dma_wait3A_109 = tpu.memref_squeeze %dma_wait3A_108 : memref<1x128xi32, #tpu.memory_space<vmem>> -> memref<128xi32, #tpu.memory_space<vmem>>
    %dma_wait3A_110 = arith.constant 0 : i32
    %dma_wait3A_111 = tpu.memref_slice %arg28[%dma_wait3A_110] : memref<10112xf32, #tpu.memory_space<vmem_shared>> -> memref<10112xf32, #tpu.memory_space<vmem_shared>>
    tpu.wait_indirect_dma semaphore(%arg43 : memref<!tpu.dma_semaphore, #tpu.memory_space<semaphore_mem>>) src(%dma_wait3A_106 : memref<128xf32, #tpu.memory_space<vmem>>) dst(%dma_wait3A_111 : memref<10112xf32, #tpu.memory_space<vmem_shared>>)
    %dma_wait3A_112 = arith.constant 3 : i32
    %dma_wait3A_113 = arith.constant 79 : i32
    %dma_wait3A_114 = arith.constant 0 : i32
    %dma_wait3A_115 = tpu.memref_slice %arg9[%dma_wait3A_112, %dma_wait3A_114] : memref<8x128xf32, #tpu.memory_space<vmem>> -> memref<1x128xf32, #tpu.memory_space<vmem>>
    %dma_wait3A_116 = tpu.memref_squeeze %dma_wait3A_115 : memref<1x128xf32, #tpu.memory_space<vmem>> -> memref<128xf32, #tpu.memory_space<vmem>>
    %dma_wait3A_117 = arith.constant 0 : i32
    %dma_wait3A_118 = tpu.memref_slice %arg8[%dma_wait3A_113, %dma_wait3A_117] : memref<80x128xi32, #tpu.memory_space<vmem>> -> memref<1x128xi32, #tpu.memory_space<vmem>>
    %dma_wait3A_119 = tpu.memref_squeeze %dma_wait3A_118 : memref<1x128xi32, #tpu.memory_space<vmem>> -> memref<128xi32, #tpu.memory_space<vmem>>
    %dma_wait3A_120 = arith.constant 0 : i32
    %dma_wait3A_121 = tpu.memref_slice %arg29[%dma_wait3A_120] : memref<10112xf32, #tpu.memory_space<vmem_shared>> -> memref<10112xf32, #tpu.memory_space<vmem_shared>>
    tpu.wait_indirect_dma semaphore(%arg43 : memref<!tpu.dma_semaphore, #tpu.memory_space<semaphore_mem>>) src(%dma_wait3A_116 : memref<128xf32, #tpu.memory_space<vmem>>) dst(%dma_wait3A_121 : memref<10112xf32, #tpu.memory_space<vmem_shared>>)
    %dma_wait3A_122 = arith.constant 4 : i32
    %dma_wait3A_123 = arith.constant 79 : i32
    %dma_wait3A_124 = arith.constant 0 : i32
    %dma_wait3A_125 = tpu.memref_slice %arg9[%dma_wait3A_122, %dma_wait3A_124] : memref<8x128xf32, #tpu.memory_space<vmem>> -> memref<1x128xf32, #tpu.memory_space<vmem>>
    %dma_wait3A_126 = tpu.memref_squeeze %dma_wait3A_125 : memref<1x128xf32, #tpu.memory_space<vmem>> -> memref<128xf32, #tpu.memory_space<vmem>>
    %dma_wait3A_127 = arith.constant 0 : i32
    %dma_wait3A_128 = tpu.memref_slice %arg8[%dma_wait3A_123, %dma_wait3A_127] : memref<80x128xi32, #tpu.memory_space<vmem>> -> memref<1x128xi32, #tpu.memory_space<vmem>>
    %dma_wait3A_129 = tpu.memref_squeeze %dma_wait3A_128 : memref<1x128xi32, #tpu.memory_space<vmem>> -> memref<128xi32, #tpu.memory_space<vmem>>
    %dma_wait3A_130 = arith.constant 0 : i32
    %dma_wait3A_131 = tpu.memref_slice %arg30[%dma_wait3A_130] : memref<10112xf32, #tpu.memory_space<vmem_shared>> -> memref<10112xf32, #tpu.memory_space<vmem_shared>>
    tpu.wait_indirect_dma semaphore(%arg43 : memref<!tpu.dma_semaphore, #tpu.memory_space<semaphore_mem>>) src(%dma_wait3A_126 : memref<128xf32, #tpu.memory_space<vmem>>) dst(%dma_wait3A_131 : memref<10112xf32, #tpu.memory_space<vmem_shared>>)
    %dma_wait3A_132 = arith.constant 5 : i32
    %dma_wait3A_133 = arith.constant 79 : i32
    %dma_wait3A_134 = arith.constant 0 : i32
    %dma_wait3A_135 = tpu.memref_slice %arg9[%dma_wait3A_132, %dma_wait3A_134] : memref<8x128xf32, #tpu.memory_space<vmem>> -> memref<1x128xf32, #tpu.memory_space<vmem>>
    %dma_wait3A_136 = tpu.memref_squeeze %dma_wait3A_135 : memref<1x128xf32, #tpu.memory_space<vmem>> -> memref<128xf32, #tpu.memory_space<vmem>>
    %dma_wait3A_137 = arith.constant 0 : i32
    %dma_wait3A_138 = tpu.memref_slice %arg8[%dma_wait3A_133, %dma_wait3A_137] : memref<80x128xi32, #tpu.memory_space<vmem>> -> memref<1x128xi32, #tpu.memory_space<vmem>>
    %dma_wait3A_139 = tpu.memref_squeeze %dma_wait3A_138 : memref<1x128xi32, #tpu.memory_space<vmem>> -> memref<128xi32, #tpu.memory_space<vmem>>
    %dma_wait3A_140 = arith.constant 0 : i32
    %dma_wait3A_141 = tpu.memref_slice %arg31[%dma_wait3A_140] : memref<10112xf32, #tpu.memory_space<vmem_shared>> -> memref<10112xf32, #tpu.memory_space<vmem_shared>>
    tpu.wait_indirect_dma semaphore(%arg43 : memref<!tpu.dma_semaphore, #tpu.memory_space<semaphore_mem>>) src(%dma_wait3A_136 : memref<128xf32, #tpu.memory_space<vmem>>) dst(%dma_wait3A_141 : memref<10112xf32, #tpu.memory_space<vmem_shared>>)
    %dma_wait3A_142 = arith.constant 6 : i32
    %dma_wait3A_143 = arith.constant 79 : i32
    %dma_wait3A_144 = arith.constant 0 : i32
    %dma_wait3A_145 = tpu.memref_slice %arg9[%dma_wait3A_142, %dma_wait3A_144] : memref<8x128xf32, #tpu.memory_space<vmem>> -> memref<1x128xf32, #tpu.memory_space<vmem>>
    %dma_wait3A_146 = tpu.memref_squeeze %dma_wait3A_145 : memref<1x128xf32, #tpu.memory_space<vmem>> -> memref<128xf32, #tpu.memory_space<vmem>>
    %dma_wait3A_147 = arith.constant 0 : i32
    %dma_wait3A_148 = tpu.memref_slice %arg8[%dma_wait3A_143, %dma_wait3A_147] : memref<80x128xi32, #tpu.memory_space<vmem>> -> memref<1x128xi32, #tpu.memory_space<vmem>>
    %dma_wait3A_149 = tpu.memref_squeeze %dma_wait3A_148 : memref<1x128xi32, #tpu.memory_space<vmem>> -> memref<128xi32, #tpu.memory_space<vmem>>
    %dma_wait3A_150 = arith.constant 0 : i32
    %dma_wait3A_151 = tpu.memref_slice %arg32[%dma_wait3A_150] : memref<10112xf32, #tpu.memory_space<vmem_shared>> -> memref<10112xf32, #tpu.memory_space<vmem_shared>>
    tpu.wait_indirect_dma semaphore(%arg43 : memref<!tpu.dma_semaphore, #tpu.memory_space<semaphore_mem>>) src(%dma_wait3A_146 : memref<128xf32, #tpu.memory_space<vmem>>) dst(%dma_wait3A_151 : memref<10112xf32, #tpu.memory_space<vmem_shared>>)
    %dma_wait3A_152 = arith.constant 7 : i32
    %dma_wait3A_153 = arith.constant 79 : i32
    %dma_wait3A_154 = arith.constant 0 : i32
    %dma_wait3A_155 = tpu.memref_slice %arg9[%dma_wait3A_152, %dma_wait3A_154] : memref<8x128xf32, #tpu.memory_space<vmem>> -> memref<1x128xf32, #tpu.memory_space<vmem>>
    %dma_wait3A_156 = tpu.memref_squeeze %dma_wait3A_155 : memref<1x128xf32, #tpu.memory_space<vmem>> -> memref<128xf32, #tpu.memory_space<vmem>>
    %dma_wait3A_157 = arith.constant 0 : i32
    %dma_wait3A_158 = tpu.memref_slice %arg8[%dma_wait3A_153, %dma_wait3A_157] : memref<80x128xi32, #tpu.memory_space<vmem>> -> memref<1x128xi32, #tpu.memory_space<vmem>>
    %dma_wait3A_159 = tpu.memref_squeeze %dma_wait3A_158 : memref<1x128xi32, #tpu.memory_space<vmem>> -> memref<128xi32, #tpu.memory_space<vmem>>
    %dma_wait3A_160 = arith.constant 0 : i32
    %dma_wait3A_161 = tpu.memref_slice %arg33[%dma_wait3A_160] : memref<10112xf32, #tpu.memory_space<vmem_shared>> -> memref<10112xf32, #tpu.memory_space<vmem_shared>>
    tpu.wait_indirect_dma semaphore(%arg43 : memref<!tpu.dma_semaphore, #tpu.memory_space<semaphore_mem>>) src(%dma_wait3A_156 : memref<128xf32, #tpu.memory_space<vmem>>) dst(%dma_wait3A_161 : memref<10112xf32, #tpu.memory_space<vmem_shared>>)
    %scan3A_162 = arith.constant 0 : i32
    %scan3A_163 = arith.constant 0 : i32
    %scan3A_164 = arith.constant 80 : i32
    %scan3A_165 = arith.addi %scan3A_163, %scan3A_164 : i32
    %scan3A_166 = arith.constant 1 : i32
    scf.for %scan3A_329 = %scan3A_163 to %scan3A_165 step %scan3A_166  : i32 {
      %gt3A = arith.constant 0 : i32
      %gt3A_330 = arith.cmpi sgt, %scan3A_329, %gt3A : i32
      %convert_element_type3A_331 = arith.extui %gt3A_330 : i1 to i32
      %cond3A_332 = arith.constant 0 : i32
      %cond3A_333 = arith.cmpi ne, %convert_element_type3A_331, %cond3A_332 : i32
      scf.if %cond3A_333 {
        %dma_wait3A_584 = arith.constant 0 : i32
        %dma_wait3A_585 = arith.constant 0 : i32
        %dma_wait3A_586 = tpu.memref_slice %arg9[%dma_wait3A_584, %dma_wait3A_585] : memref<8x128xf32, #tpu.memory_space<vmem>> -> memref<1x128xf32, #tpu.memory_space<vmem>>
        %dma_wait3A_587 = tpu.memref_squeeze %dma_wait3A_586 : memref<1x128xf32, #tpu.memory_space<vmem>> -> memref<128xf32, #tpu.memory_space<vmem>>
        %dma_wait3A_588 = arith.constant 0 : i32
        %dma_wait3A_589 = tpu.memref_slice %arg8[%scan3A_329, %dma_wait3A_588] : memref<80x128xi32, #tpu.memory_space<vmem>> -> memref<1x128xi32, #tpu.memory_space<vmem>>
        %dma_wait3A_590 = tpu.memref_squeeze %dma_wait3A_589 : memref<1x128xi32, #tpu.memory_space<vmem>> -> memref<128xi32, #tpu.memory_space<vmem>>
        %dma_wait3A_591 = arith.constant 0 : i32
        %dma_wait3A_592 = tpu.memref_slice %arg34[%dma_wait3A_591] : memref<10112xf32, #tpu.memory_space<vmem_shared>> -> memref<10112xf32, #tpu.memory_space<vmem_shared>>
        tpu.wait_indirect_dma semaphore(%arg43 : memref<!tpu.dma_semaphore, #tpu.memory_space<semaphore_mem>>) src(%dma_wait3A_587 : memref<128xf32, #tpu.memory_space<vmem>>) dst(%dma_wait3A_592 : memref<10112xf32, #tpu.memory_space<vmem_shared>>)
      } else {
      }
      %dma_start3A = arith.constant 0 : i32
      %dma_start3A_334 = arith.constant 0 : i32
      %dma_start3A_335 = tpu.memref_slice %arg9[%dma_start3A, %dma_start3A_334] : memref<8x128xf32, #tpu.memory_space<vmem>> -> memref<1x128xf32, #tpu.memory_space<vmem>>
      %dma_start3A_336 = tpu.memref_squeeze %dma_start3A_335 : memref<1x128xf32, #tpu.memory_space<vmem>> -> memref<128xf32, #tpu.memory_space<vmem>>
      %dma_start3A_337 = arith.constant 0 : i32
      %dma_start3A_338 = tpu.memref_slice %arg7[%scan3A_329, %dma_start3A_337] : memref<80x128xi32, #tpu.memory_space<vmem>> -> memref<1x128xi32, #tpu.memory_space<vmem>>
      %dma_start3A_339 = tpu.memref_squeeze %dma_start3A_338 : memref<1x128xi32, #tpu.memory_space<vmem>> -> memref<128xi32, #tpu.memory_space<vmem>>
      %dma_start3A_340 = arith.constant 0 : i32
      %dma_start3A_341 = tpu.memref_slice %arg18[%dma_start3A_340] : memref<10112xf32, #tpu.memory_space<vmem_shared>> -> memref<10112xf32, #tpu.memory_space<vmem_shared>>
      tpu.enqueue_indirect_dma source(%dma_start3A_341 : memref<10112xf32, #tpu.memory_space<vmem_shared>>) target(%dma_start3A_336 : memref<128xf32, #tpu.memory_space<vmem>>) offsets(%dma_start3A_339 : memref<128xi32, #tpu.memory_space<vmem>>) semaphore(%arg42 : memref<!tpu.dma_semaphore, #tpu.memory_space<semaphore_mem>>)
      %gt3A_342 = arith.constant 0 : i32
      %gt3A_343 = arith.cmpi sgt, %scan3A_329, %gt3A_342 : i32
      %convert_element_type3A_344 = arith.extui %gt3A_343 : i1 to i32
      %cond3A_345 = arith.constant 0 : i32
      %cond3A_346 = arith.cmpi ne, %convert_element_type3A_344, %cond3A_345 : i32
      scf.if %cond3A_346 {
        %dma_wait3A_584 = arith.constant 1 : i32
        %dma_wait3A_585 = arith.constant 0 : i32
        %dma_wait3A_586 = tpu.memref_slice %arg9[%dma_wait3A_584, %dma_wait3A_585] : memref<8x128xf32, #tpu.memory_space<vmem>> -> memref<1x128xf32, #tpu.memory_space<vmem>>
        %dma_wait3A_587 = tpu.memref_squeeze %dma_wait3A_586 : memref<1x128xf32, #tpu.memory_space<vmem>> -> memref<128xf32, #tpu.memory_space<vmem>>
        %dma_wait3A_588 = arith.constant 0 : i32
        %dma_wait3A_589 = tpu.memref_slice %arg8[%scan3A_329, %dma_wait3A_588] : memref<80x128xi32, #tpu.memory_space<vmem>> -> memref<1x128xi32, #tpu.memory_space<vmem>>
        %dma_wait3A_590 = tpu.memref_squeeze %dma_wait3A_589 : memref<1x128xi32, #tpu.memory_space<vmem>> -> memref<128xi32, #tpu.memory_space<vmem>>
        %dma_wait3A_591 = arith.constant 0 : i32
        %dma_wait3A_592 = tpu.memref_slice %arg35[%dma_wait3A_591] : memref<10112xf32, #tpu.memory_space<vmem_shared>> -> memref<10112xf32, #tpu.memory_space<vmem_shared>>
        tpu.wait_indirect_dma semaphore(%arg43 : memref<!tpu.dma_semaphore, #tpu.memory_space<semaphore_mem>>) src(%dma_wait3A_587 : memref<128xf32, #tpu.memory_space<vmem>>) dst(%dma_wait3A_592 : memref<10112xf32, #tpu.memory_space<vmem_shared>>)
      } else {
      }
      %dma_start3A_347 = arith.constant 1 : i32
      %dma_start3A_348 = arith.constant 0 : i32
      %dma_start3A_349 = tpu.memref_slice %arg9[%dma_start3A_347, %dma_start3A_348] : memref<8x128xf32, #tpu.memory_space<vmem>> -> memref<1x128xf32, #tpu.memory_space<vmem>>
      %dma_start3A_350 = tpu.memref_squeeze %dma_start3A_349 : memref<1x128xf32, #tpu.memory_space<vmem>> -> memref<128xf32, #tpu.memory_space<vmem>>
      %dma_start3A_351 = arith.constant 0 : i32
      %dma_start3A_352 = tpu.memref_slice %arg7[%scan3A_329, %dma_start3A_351] : memref<80x128xi32, #tpu.memory_space<vmem>> -> memref<1x128xi32, #tpu.memory_space<vmem>>
      %dma_start3A_353 = tpu.memref_squeeze %dma_start3A_352 : memref<1x128xi32, #tpu.memory_space<vmem>> -> memref<128xi32, #tpu.memory_space<vmem>>
      %dma_start3A_354 = arith.constant 0 : i32
      %dma_start3A_355 = tpu.memref_slice %arg19[%dma_start3A_354] : memref<10112xf32, #tpu.memory_space<vmem_shared>> -> memref<10112xf32, #tpu.memory_space<vmem_shared>>
      tpu.enqueue_indirect_dma source(%dma_start3A_355 : memref<10112xf32, #tpu.memory_space<vmem_shared>>) target(%dma_start3A_350 : memref<128xf32, #tpu.memory_space<vmem>>) offsets(%dma_start3A_353 : memref<128xi32, #tpu.memory_space<vmem>>) semaphore(%arg42 : memref<!tpu.dma_semaphore, #tpu.memory_space<semaphore_mem>>)
      %gt3A_356 = arith.constant 0 : i32
      %gt3A_357 = arith.cmpi sgt, %scan3A_329, %gt3A_356 : i32
      %convert_element_type3A_358 = arith.extui %gt3A_357 : i1 to i32
      %cond3A_359 = arith.constant 0 : i32
      %cond3A_360 = arith.cmpi ne, %convert_element_type3A_358, %cond3A_359 : i32
      scf.if %cond3A_360 {
        %dma_wait3A_584 = arith.constant 2 : i32
        %dma_wait3A_585 = arith.constant 0 : i32
        %dma_wait3A_586 = tpu.memref_slice %arg9[%dma_wait3A_584, %dma_wait3A_585] : memref<8x128xf32, #tpu.memory_space<vmem>> -> memref<1x128xf32, #tpu.memory_space<vmem>>
        %dma_wait3A_587 = tpu.memref_squeeze %dma_wait3A_586 : memref<1x128xf32, #tpu.memory_space<vmem>> -> memref<128xf32, #tpu.memory_space<vmem>>
        %dma_wait3A_588 = arith.constant 0 : i32
        %dma_wait3A_589 = tpu.memref_slice %arg8[%scan3A_329, %dma_wait3A_588] : memref<80x128xi32, #tpu.memory_space<vmem>> -> memref<1x128xi32, #tpu.memory_space<vmem>>
        %dma_wait3A_590 = tpu.memref_squeeze %dma_wait3A_589 : memref<1x128xi32, #tpu.memory_space<vmem>> -> memref<128xi32, #tpu.memory_space<vmem>>
        %dma_wait3A_591 = arith.constant 0 : i32
        %dma_wait3A_592 = tpu.memref_slice %arg36[%dma_wait3A_591] : memref<10112xf32, #tpu.memory_space<vmem_shared>> -> memref<10112xf32, #tpu.memory_space<vmem_shared>>
        tpu.wait_indirect_dma semaphore(%arg43 : memref<!tpu.dma_semaphore, #tpu.memory_space<semaphore_mem>>) src(%dma_wait3A_587 : memref<128xf32, #tpu.memory_space<vmem>>) dst(%dma_wait3A_592 : memref<10112xf32, #tpu.memory_space<vmem_shared>>)
      } else {
      }
      %dma_start3A_361 = arith.constant 2 : i32
      %dma_start3A_362 = arith.constant 0 : i32
      %dma_start3A_363 = tpu.memref_slice %arg9[%dma_start3A_361, %dma_start3A_362] : memref<8x128xf32, #tpu.memory_space<vmem>> -> memref<1x128xf32, #tpu.memory_space<vmem>>
      %dma_start3A_364 = tpu.memref_squeeze %dma_start3A_363 : memref<1x128xf32, #tpu.memory_space<vmem>> -> memref<128xf32, #tpu.memory_space<vmem>>
      %dma_start3A_365 = arith.constant 0 : i32
      %dma_start3A_366 = tpu.memref_slice %arg7[%scan3A_329, %dma_start3A_365] : memref<80x128xi32, #tpu.memory_space<vmem>> -> memref<1x128xi32, #tpu.memory_space<vmem>>
      %dma_start3A_367 = tpu.memref_squeeze %dma_start3A_366 : memref<1x128xi32, #tpu.memory_space<vmem>> -> memref<128xi32, #tpu.memory_space<vmem>>
      %dma_start3A_368 = arith.constant 0 : i32
      %dma_start3A_369 = tpu.memref_slice %arg20[%dma_start3A_368] : memref<10112xf32, #tpu.memory_space<vmem_shared>> -> memref<10112xf32, #tpu.memory_space<vmem_shared>>
      tpu.enqueue_indirect_dma source(%dma_start3A_369 : memref<10112xf32, #tpu.memory_space<vmem_shared>>) target(%dma_start3A_364 : memref<128xf32, #tpu.memory_space<vmem>>) offsets(%dma_start3A_367 : memref<128xi32, #tpu.memory_space<vmem>>) semaphore(%arg42 : memref<!tpu.dma_semaphore, #tpu.memory_space<semaphore_mem>>)
      %gt3A_370 = arith.constant 0 : i32
      %gt3A_371 = arith.cmpi sgt, %scan3A_329, %gt3A_370 : i32
      %convert_element_type3A_372 = arith.extui %gt3A_371 : i1 to i32
      %cond3A_373 = arith.constant 0 : i32
      %cond3A_374 = arith.cmpi ne, %convert_element_type3A_372, %cond3A_373 : i32
      scf.if %cond3A_374 {
        %dma_wait3A_584 = arith.constant 3 : i32
        %dma_wait3A_585 = arith.constant 0 : i32
        %dma_wait3A_586 = tpu.memref_slice %arg9[%dma_wait3A_584, %dma_wait3A_585] : memref<8x128xf32, #tpu.memory_space<vmem>> -> memref<1x128xf32, #tpu.memory_space<vmem>>
        %dma_wait3A_587 = tpu.memref_squeeze %dma_wait3A_586 : memref<1x128xf32, #tpu.memory_space<vmem>> -> memref<128xf32, #tpu.memory_space<vmem>>
        %dma_wait3A_588 = arith.constant 0 : i32
        %dma_wait3A_589 = tpu.memref_slice %arg8[%scan3A_329, %dma_wait3A_588] : memref<80x128xi32, #tpu.memory_space<vmem>> -> memref<1x128xi32, #tpu.memory_space<vmem>>
        %dma_wait3A_590 = tpu.memref_squeeze %dma_wait3A_589 : memref<1x128xi32, #tpu.memory_space<vmem>> -> memref<128xi32, #tpu.memory_space<vmem>>
        %dma_wait3A_591 = arith.constant 0 : i32
        %dma_wait3A_592 = tpu.memref_slice %arg37[%dma_wait3A_591] : memref<10112xf32, #tpu.memory_space<vmem_shared>> -> memref<10112xf32, #tpu.memory_space<vmem_shared>>
        tpu.wait_indirect_dma semaphore(%arg43 : memref<!tpu.dma_semaphore, #tpu.memory_space<semaphore_mem>>) src(%dma_wait3A_587 : memref<128xf32, #tpu.memory_space<vmem>>) dst(%dma_wait3A_592 : memref<10112xf32, #tpu.memory_space<vmem_shared>>)
      } else {
      }
      %dma_start3A_375 = arith.constant 3 : i32
      %dma_start3A_376 = arith.constant 0 : i32
      %dma_start3A_377 = tpu.memref_slice %arg9[%dma_start3A_375, %dma_start3A_376] : memref<8x128xf32, #tpu.memory_space<vmem>> -> memref<1x128xf32, #tpu.memory_space<vmem>>
      %dma_start3A_378 = tpu.memref_squeeze %dma_start3A_377 : memref<1x128xf32, #tpu.memory_space<vmem>> -> memref<128xf32, #tpu.memory_space<vmem>>
      %dma_start3A_379 = arith.constant 0 : i32
      %dma_start3A_380 = tpu.memref_slice %arg7[%scan3A_329, %dma_start3A_379] : memref<80x128xi32, #tpu.memory_space<vmem>> -> memref<1x128xi32, #tpu.memory_space<vmem>>
      %dma_start3A_381 = tpu.memref_squeeze %dma_start3A_380 : memref<1x128xi32, #tpu.memory_space<vmem>> -> memref<128xi32, #tpu.memory_space<vmem>>
      %dma_start3A_382 = arith.constant 0 : i32
      %dma_start3A_383 = tpu.memref_slice %arg21[%dma_start3A_382] : memref<10112xf32, #tpu.memory_space<vmem_shared>> -> memref<10112xf32, #tpu.memory_space<vmem_shared>>
      tpu.enqueue_indirect_dma source(%dma_start3A_383 : memref<10112xf32, #tpu.memory_space<vmem_shared>>) target(%dma_start3A_378 : memref<128xf32, #tpu.memory_space<vmem>>) offsets(%dma_start3A_381 : memref<128xi32, #tpu.memory_space<vmem>>) semaphore(%arg42 : memref<!tpu.dma_semaphore, #tpu.memory_space<semaphore_mem>>)
      %gt3A_384 = arith.constant 0 : i32
      %gt3A_385 = arith.cmpi sgt, %scan3A_329, %gt3A_384 : i32
      %convert_element_type3A_386 = arith.extui %gt3A_385 : i1 to i32
      %cond3A_387 = arith.constant 0 : i32
      %cond3A_388 = arith.cmpi ne, %convert_element_type3A_386, %cond3A_387 : i32
      scf.if %cond3A_388 {
        %dma_wait3A_584 = arith.constant 4 : i32
        %dma_wait3A_585 = arith.constant 0 : i32
        %dma_wait3A_586 = tpu.memref_slice %arg9[%dma_wait3A_584, %dma_wait3A_585] : memref<8x128xf32, #tpu.memory_space<vmem>> -> memref<1x128xf32, #tpu.memory_space<vmem>>
        %dma_wait3A_587 = tpu.memref_squeeze %dma_wait3A_586 : memref<1x128xf32, #tpu.memory_space<vmem>> -> memref<128xf32, #tpu.memory_space<vmem>>
        %dma_wait3A_588 = arith.constant 0 : i32
        %dma_wait3A_589 = tpu.memref_slice %arg8[%scan3A_329, %dma_wait3A_588] : memref<80x128xi32, #tpu.memory_space<vmem>> -> memref<1x128xi32, #tpu.memory_space<vmem>>
        %dma_wait3A_590 = tpu.memref_squeeze %dma_wait3A_589 : memref<1x128xi32, #tpu.memory_space<vmem>> -> memref<128xi32, #tpu.memory_space<vmem>>
        %dma_wait3A_591 = arith.constant 0 : i32
        %dma_wait3A_592 = tpu.memref_slice %arg38[%dma_wait3A_591] : memref<10112xf32, #tpu.memory_space<vmem_shared>> -> memref<10112xf32, #tpu.memory_space<vmem_shared>>
        tpu.wait_indirect_dma semaphore(%arg43 : memref<!tpu.dma_semaphore, #tpu.memory_space<semaphore_mem>>) src(%dma_wait3A_587 : memref<128xf32, #tpu.memory_space<vmem>>) dst(%dma_wait3A_592 : memref<10112xf32, #tpu.memory_space<vmem_shared>>)
      } else {
      }
      %dma_start3A_389 = arith.constant 4 : i32
      %dma_start3A_390 = arith.constant 0 : i32
      %dma_start3A_391 = tpu.memref_slice %arg9[%dma_start3A_389, %dma_start3A_390] : memref<8x128xf32, #tpu.memory_space<vmem>> -> memref<1x128xf32, #tpu.memory_space<vmem>>
      %dma_start3A_392 = tpu.memref_squeeze %dma_start3A_391 : memref<1x128xf32, #tpu.memory_space<vmem>> -> memref<128xf32, #tpu.memory_space<vmem>>
      %dma_start3A_393 = arith.constant 0 : i32
      %dma_start3A_394 = tpu.memref_slice %arg7[%scan3A_329, %dma_start3A_393] : memref<80x128xi32, #tpu.memory_space<vmem>> -> memref<1x128xi32, #tpu.memory_space<vmem>>
      %dma_start3A_395 = tpu.memref_squeeze %dma_start3A_394 : memref<1x128xi32, #tpu.memory_space<vmem>> -> memref<128xi32, #tpu.memory_space<vmem>>
      %dma_start3A_396 = arith.constant 0 : i32
      %dma_start3A_397 = tpu.memref_slice %arg22[%dma_start3A_396] : memref<10112xf32, #tpu.memory_space<vmem_shared>> -> memref<10112xf32, #tpu.memory_space<vmem_shared>>
      tpu.enqueue_indirect_dma source(%dma_start3A_397 : memref<10112xf32, #tpu.memory_space<vmem_shared>>) target(%dma_start3A_392 : memref<128xf32, #tpu.memory_space<vmem>>) offsets(%dma_start3A_395 : memref<128xi32, #tpu.memory_space<vmem>>) semaphore(%arg42 : memref<!tpu.dma_semaphore, #tpu.memory_space<semaphore_mem>>)
      %gt3A_398 = arith.constant 0 : i32
      %gt3A_399 = arith.cmpi sgt, %scan3A_329, %gt3A_398 : i32
      %convert_element_type3A_400 = arith.extui %gt3A_399 : i1 to i32
      %cond3A_401 = arith.constant 0 : i32
      %cond3A_402 = arith.cmpi ne, %convert_element_type3A_400, %cond3A_401 : i32
      scf.if %cond3A_402 {
        %dma_wait3A_584 = arith.constant 5 : i32
        %dma_wait3A_585 = arith.constant 0 : i32
        %dma_wait3A_586 = tpu.memref_slice %arg9[%dma_wait3A_584, %dma_wait3A_585] : memref<8x128xf32, #tpu.memory_space<vmem>> -> memref<1x128xf32, #tpu.memory_space<vmem>>
        %dma_wait3A_587 = tpu.memref_squeeze %dma_wait3A_586 : memref<1x128xf32, #tpu.memory_space<vmem>> -> memref<128xf32, #tpu.memory_space<vmem>>
        %dma_wait3A_588 = arith.constant 0 : i32
        %dma_wait3A_589 = tpu.memref_slice %arg8[%scan3A_329, %dma_wait3A_588] : memref<80x128xi32, #tpu.memory_space<vmem>> -> memref<1x128xi32, #tpu.memory_space<vmem>>
        %dma_wait3A_590 = tpu.memref_squeeze %dma_wait3A_589 : memref<1x128xi32, #tpu.memory_space<vmem>> -> memref<128xi32, #tpu.memory_space<vmem>>
        %dma_wait3A_591 = arith.constant 0 : i32
        %dma_wait3A_592 = tpu.memref_slice %arg39[%dma_wait3A_591] : memref<10112xf32, #tpu.memory_space<vmem_shared>> -> memref<10112xf32, #tpu.memory_space<vmem_shared>>
        tpu.wait_indirect_dma semaphore(%arg43 : memref<!tpu.dma_semaphore, #tpu.memory_space<semaphore_mem>>) src(%dma_wait3A_587 : memref<128xf32, #tpu.memory_space<vmem>>) dst(%dma_wait3A_592 : memref<10112xf32, #tpu.memory_space<vmem_shared>>)
      } else {
      }
      %dma_start3A_403 = arith.constant 5 : i32
      %dma_start3A_404 = arith.constant 0 : i32
      %dma_start3A_405 = tpu.memref_slice %arg9[%dma_start3A_403, %dma_start3A_404] : memref<8x128xf32, #tpu.memory_space<vmem>> -> memref<1x128xf32, #tpu.memory_space<vmem>>
      %dma_start3A_406 = tpu.memref_squeeze %dma_start3A_405 : memref<1x128xf32, #tpu.memory_space<vmem>> -> memref<128xf32, #tpu.memory_space<vmem>>
      %dma_start3A_407 = arith.constant 0 : i32
      %dma_start3A_408 = tpu.memref_slice %arg7[%scan3A_329, %dma_start3A_407] : memref<80x128xi32, #tpu.memory_space<vmem>> -> memref<1x128xi32, #tpu.memory_space<vmem>>
      %dma_start3A_409 = tpu.memref_squeeze %dma_start3A_408 : memref<1x128xi32, #tpu.memory_space<vmem>> -> memref<128xi32, #tpu.memory_space<vmem>>
      %dma_start3A_410 = arith.constant 0 : i32
      %dma_start3A_411 = tpu.memref_slice %arg23[%dma_start3A_410] : memref<10112xf32, #tpu.memory_space<vmem_shared>> -> memref<10112xf32, #tpu.memory_space<vmem_shared>>
      tpu.enqueue_indirect_dma source(%dma_start3A_411 : memref<10112xf32, #tpu.memory_space<vmem_shared>>) target(%dma_start3A_406 : memref<128xf32, #tpu.memory_space<vmem>>) offsets(%dma_start3A_409 : memref<128xi32, #tpu.memory_space<vmem>>) semaphore(%arg42 : memref<!tpu.dma_semaphore, #tpu.memory_space<semaphore_mem>>)
      %gt3A_412 = arith.constant 0 : i32
      %gt3A_413 = arith.cmpi sgt, %scan3A_329, %gt3A_412 : i32
      %convert_element_type3A_414 = arith.extui %gt3A_413 : i1 to i32
      %cond3A_415 = arith.constant 0 : i32
      %cond3A_416 = arith.cmpi ne, %convert_element_type3A_414, %cond3A_415 : i32
      scf.if %cond3A_416 {
        %dma_wait3A_584 = arith.constant 6 : i32
        %dma_wait3A_585 = arith.constant 0 : i32
        %dma_wait3A_586 = tpu.memref_slice %arg9[%dma_wait3A_584, %dma_wait3A_585] : memref<8x128xf32, #tpu.memory_space<vmem>> -> memref<1x128xf32, #tpu.memory_space<vmem>>
        %dma_wait3A_587 = tpu.memref_squeeze %dma_wait3A_586 : memref<1x128xf32, #tpu.memory_space<vmem>> -> memref<128xf32, #tpu.memory_space<vmem>>
        %dma_wait3A_588 = arith.constant 0 : i32
        %dma_wait3A_589 = tpu.memref_slice %arg8[%scan3A_329, %dma_wait3A_588] : memref<80x128xi32, #tpu.memory_space<vmem>> -> memref<1x128xi32, #tpu.memory_space<vmem>>
        %dma_wait3A_590 = tpu.memref_squeeze %dma_wait3A_589 : memref<1x128xi32, #tpu.memory_space<vmem>> -> memref<128xi32, #tpu.memory_space<vmem>>
        %dma_wait3A_591 = arith.constant 0 : i32
        %dma_wait3A_592 = tpu.memref_slice %arg40[%dma_wait3A_591] : memref<10112xf32, #tpu.memory_space<vmem_shared>> -> memref<10112xf32, #tpu.memory_space<vmem_shared>>
        tpu.wait_indirect_dma semaphore(%arg43 : memref<!tpu.dma_semaphore, #tpu.memory_space<semaphore_mem>>) src(%dma_wait3A_587 : memref<128xf32, #tpu.memory_space<vmem>>) dst(%dma_wait3A_592 : memref<10112xf32, #tpu.memory_space<vmem_shared>>)
      } else {
      }
      %dma_start3A_417 = arith.constant 6 : i32
      %dma_start3A_418 = arith.constant 0 : i32
      %dma_start3A_419 = tpu.memref_slice %arg9[%dma_start3A_417, %dma_start3A_418] : memref<8x128xf32, #tpu.memory_space<vmem>> -> memref<1x128xf32, #tpu.memory_space<vmem>>
      %dma_start3A_420 = tpu.memref_squeeze %dma_start3A_419 : memref<1x128xf32, #tpu.memory_space<vmem>> -> memref<128xf32, #tpu.memory_space<vmem>>
      %dma_start3A_421 = arith.constant 0 : i32
      %dma_start3A_422 = tpu.memref_slice %arg7[%scan3A_329, %dma_start3A_421] : memref<80x128xi32, #tpu.memory_space<vmem>> -> memref<1x128xi32, #tpu.memory_space<vmem>>
      %dma_start3A_423 = tpu.memref_squeeze %dma_start3A_422 : memref<1x128xi32, #tpu.memory_space<vmem>> -> memref<128xi32, #tpu.memory_space<vmem>>
      %dma_start3A_424 = arith.constant 0 : i32
      %dma_start3A_425 = tpu.memref_slice %arg24[%dma_start3A_424] : memref<10112xf32, #tpu.memory_space<vmem_shared>> -> memref<10112xf32, #tpu.memory_space<vmem_shared>>
      tpu.enqueue_indirect_dma source(%dma_start3A_425 : memref<10112xf32, #tpu.memory_space<vmem_shared>>) target(%dma_start3A_420 : memref<128xf32, #tpu.memory_space<vmem>>) offsets(%dma_start3A_423 : memref<128xi32, #tpu.memory_space<vmem>>) semaphore(%arg42 : memref<!tpu.dma_semaphore, #tpu.memory_space<semaphore_mem>>)
      %gt3A_426 = arith.constant 0 : i32
      %gt3A_427 = arith.cmpi sgt, %scan3A_329, %gt3A_426 : i32
      %convert_element_type3A_428 = arith.extui %gt3A_427 : i1 to i32
      %cond3A_429 = arith.constant 0 : i32
      %cond3A_430 = arith.cmpi ne, %convert_element_type3A_428, %cond3A_429 : i32
      scf.if %cond3A_430 {
        %dma_wait3A_584 = arith.constant 7 : i32
        %dma_wait3A_585 = arith.constant 0 : i32
        %dma_wait3A_586 = tpu.memref_slice %arg9[%dma_wait3A_584, %dma_wait3A_585] : memref<8x128xf32, #tpu.memory_space<vmem>> -> memref<1x128xf32, #tpu.memory_space<vmem>>
        %dma_wait3A_587 = tpu.memref_squeeze %dma_wait3A_586 : memref<1x128xf32, #tpu.memory_space<vmem>> -> memref<128xf32, #tpu.memory_space<vmem>>
        %dma_wait3A_588 = arith.constant 0 : i32
        %dma_wait3A_589 = tpu.memref_slice %arg8[%scan3A_329, %dma_wait3A_588] : memref<80x128xi32, #tpu.memory_space<vmem>> -> memref<1x128xi32, #tpu.memory_space<vmem>>
        %dma_wait3A_590 = tpu.memref_squeeze %dma_wait3A_589 : memref<1x128xi32, #tpu.memory_space<vmem>> -> memref<128xi32, #tpu.memory_space<vmem>>
        %dma_wait3A_591 = arith.constant 0 : i32
        %dma_wait3A_592 = tpu.memref_slice %arg41[%dma_wait3A_591] : memref<10112xf32, #tpu.memory_space<vmem_shared>> -> memref<10112xf32, #tpu.memory_space<vmem_shared>>
        tpu.wait_indirect_dma semaphore(%arg43 : memref<!tpu.dma_semaphore, #tpu.memory_space<semaphore_mem>>) src(%dma_wait3A_587 : memref<128xf32, #tpu.memory_space<vmem>>) dst(%dma_wait3A_592 : memref<10112xf32, #tpu.memory_space<vmem_shared>>)
      } else {
      }
      %dma_start3A_431 = arith.constant 7 : i32
      %dma_start3A_432 = arith.constant 0 : i32
      %dma_start3A_433 = tpu.memref_slice %arg9[%dma_start3A_431, %dma_start3A_432] : memref<8x128xf32, #tpu.memory_space<vmem>> -> memref<1x128xf32, #tpu.memory_space<vmem>>
      %dma_start3A_434 = tpu.memref_squeeze %dma_start3A_433 : memref<1x128xf32, #tpu.memory_space<vmem>> -> memref<128xf32, #tpu.memory_space<vmem>>
      %dma_start3A_435 = arith.constant 0 : i32
      %dma_start3A_436 = tpu.memref_slice %arg7[%scan3A_329, %dma_start3A_435] : memref<80x128xi32, #tpu.memory_space<vmem>> -> memref<1x128xi32, #tpu.memory_space<vmem>>
      %dma_start3A_437 = tpu.memref_squeeze %dma_start3A_436 : memref<1x128xi32, #tpu.memory_space<vmem>> -> memref<128xi32, #tpu.memory_space<vmem>>
      %dma_start3A_438 = arith.constant 0 : i32
      %dma_start3A_439 = tpu.memref_slice %arg25[%dma_start3A_438] : memref<10112xf32, #tpu.memory_space<vmem_shared>> -> memref<10112xf32, #tpu.memory_space<vmem_shared>>
      tpu.enqueue_indirect_dma source(%dma_start3A_439 : memref<10112xf32, #tpu.memory_space<vmem_shared>>) target(%dma_start3A_434 : memref<128xf32, #tpu.memory_space<vmem>>) offsets(%dma_start3A_437 : memref<128xi32, #tpu.memory_space<vmem>>) semaphore(%arg42 : memref<!tpu.dma_semaphore, #tpu.memory_space<semaphore_mem>>)
      %dma_wait3A_440 = arith.constant 0 : i32
      %dma_wait3A_441 = arith.constant 0 : i32
      %dma_wait3A_442 = tpu.memref_slice %arg9[%dma_wait3A_440, %dma_wait3A_441] : memref<8x128xf32, #tpu.memory_space<vmem>> -> memref<1x128xf32, #tpu.memory_space<vmem>>
      %dma_wait3A_443 = tpu.memref_squeeze %dma_wait3A_442 : memref<1x128xf32, #tpu.memory_space<vmem>> -> memref<128xf32, #tpu.memory_space<vmem>>
      %dma_wait3A_444 = arith.constant 0 : i32
      %dma_wait3A_445 = tpu.memref_slice %arg7[%scan3A_329, %dma_wait3A_444] : memref<80x128xi32, #tpu.memory_space<vmem>> -> memref<1x128xi32, #tpu.memory_space<vmem>>
      %dma_wait3A_446 = tpu.memref_squeeze %dma_wait3A_445 : memref<1x128xi32, #tpu.memory_space<vmem>> -> memref<128xi32, #tpu.memory_space<vmem>>
      %dma_wait3A_447 = arith.constant 0 : i32
      %dma_wait3A_448 = tpu.memref_slice %arg18[%dma_wait3A_447] : memref<10112xf32, #tpu.memory_space<vmem_shared>> -> memref<10112xf32, #tpu.memory_space<vmem_shared>>
      tpu.wait_indirect_dma semaphore(%arg42 : memref<!tpu.dma_semaphore, #tpu.memory_space<semaphore_mem>>) src(%dma_wait3A_448 : memref<10112xf32, #tpu.memory_space<vmem_shared>>) dst(%dma_wait3A_443 : memref<128xf32, #tpu.memory_space<vmem>>)
      %dma_start3A_449 = arith.constant 0 : i32
      %dma_start3A_450 = arith.constant 0 : i32
      %dma_start3A_451 = tpu.memref_slice %arg9[%dma_start3A_449, %dma_start3A_450] : memref<8x128xf32, #tpu.memory_space<vmem>> -> memref<1x128xf32, #tpu.memory_space<vmem>>
      %dma_start3A_452 = tpu.memref_squeeze %dma_start3A_451 : memref<1x128xf32, #tpu.memory_space<vmem>> -> memref<128xf32, #tpu.memory_space<vmem>>
      %dma_start3A_453 = arith.constant 0 : i32
      %dma_start3A_454 = tpu.memref_slice %arg8[%scan3A_329, %dma_start3A_453] : memref<80x128xi32, #tpu.memory_space<vmem>> -> memref<1x128xi32, #tpu.memory_space<vmem>>
      %dma_start3A_455 = tpu.memref_squeeze %dma_start3A_454 : memref<1x128xi32, #tpu.memory_space<vmem>> -> memref<128xi32, #tpu.memory_space<vmem>>
      %dma_start3A_456 = arith.constant 0 : i32
      %dma_start3A_457 = tpu.memref_slice %arg34[%dma_start3A_456] : memref<10112xf32, #tpu.memory_space<vmem_shared>> -> memref<10112xf32, #tpu.memory_space<vmem_shared>>
      tpu.enqueue_indirect_dma source(%dma_start3A_452 : memref<128xf32, #tpu.memory_space<vmem>>) target(%dma_start3A_457 : memref<10112xf32, #tpu.memory_space<vmem_shared>>) offsets(%dma_start3A_455 : memref<128xi32, #tpu.memory_space<vmem>>) semaphore(%arg43 : memref<!tpu.dma_semaphore, #tpu.memory_space<semaphore_mem>>) {add = true}
      %dma_wait3A_458 = arith.constant 1 : i32
      %dma_wait3A_459 = arith.constant 0 : i32
      %dma_wait3A_460 = tpu.memref_slice %arg9[%dma_wait3A_458, %dma_wait3A_459] : memref<8x128xf32, #tpu.memory_space<vmem>> -> memref<1x128xf32, #tpu.memory_space<vmem>>
      %dma_wait3A_461 = tpu.memref_squeeze %dma_wait3A_460 : memref<1x128xf32, #tpu.memory_space<vmem>> -> memref<128xf32, #tpu.memory_space<vmem>>
      %dma_wait3A_462 = arith.constant 0 : i32
      %dma_wait3A_463 = tpu.memref_slice %arg7[%scan3A_329, %dma_wait3A_462] : memref<80x128xi32, #tpu.memory_space<vmem>> -> memref<1x128xi32, #tpu.memory_space<vmem>>
      %dma_wait3A_464 = tpu.memref_squeeze %dma_wait3A_463 : memref<1x128xi32, #tpu.memory_space<vmem>> -> memref<128xi32, #tpu.memory_space<vmem>>
      %dma_wait3A_465 = arith.constant 0 : i32
      %dma_wait3A_466 = tpu.memref_slice %arg19[%dma_wait3A_465] : memref<10112xf32, #tpu.memory_space<vmem_shared>> -> memref<10112xf32, #tpu.memory_space<vmem_shared>>
      tpu.wait_indirect_dma semaphore(%arg42 : memref<!tpu.dma_semaphore, #tpu.memory_space<semaphore_mem>>) src(%dma_wait3A_466 : memref<10112xf32, #tpu.memory_space<vmem_shared>>) dst(%dma_wait3A_461 : memref<128xf32, #tpu.memory_space<vmem>>)
      %dma_start3A_467 = arith.constant 1 : i32
      %dma_start3A_468 = arith.constant 0 : i32
      %dma_start3A_469 = tpu.memref_slice %arg9[%dma_start3A_467, %dma_start3A_468] : memref<8x128xf32, #tpu.memory_space<vmem>> -> memref<1x128xf32, #tpu.memory_space<vmem>>
      %dma_start3A_470 = tpu.memref_squeeze %dma_start3A_469 : memref<1x128xf32, #tpu.memory_space<vmem>> -> memref<128xf32, #tpu.memory_space<vmem>>
      %dma_start3A_471 = arith.constant 0 : i32
      %dma_start3A_472 = tpu.memref_slice %arg8[%scan3A_329, %dma_start3A_471] : memref<80x128xi32, #tpu.memory_space<vmem>> -> memref<1x128xi32, #tpu.memory_space<vmem>>
      %dma_start3A_473 = tpu.memref_squeeze %dma_start3A_472 : memref<1x128xi32, #tpu.memory_space<vmem>> -> memref<128xi32, #tpu.memory_space<vmem>>
      %dma_start3A_474 = arith.constant 0 : i32
      %dma_start3A_475 = tpu.memref_slice %arg35[%dma_start3A_474] : memref<10112xf32, #tpu.memory_space<vmem_shared>> -> memref<10112xf32, #tpu.memory_space<vmem_shared>>
      tpu.enqueue_indirect_dma source(%dma_start3A_470 : memref<128xf32, #tpu.memory_space<vmem>>) target(%dma_start3A_475 : memref<10112xf32, #tpu.memory_space<vmem_shared>>) offsets(%dma_start3A_473 : memref<128xi32, #tpu.memory_space<vmem>>) semaphore(%arg43 : memref<!tpu.dma_semaphore, #tpu.memory_space<semaphore_mem>>) {add = true}
      %dma_wait3A_476 = arith.constant 2 : i32
      %dma_wait3A_477 = arith.constant 0 : i32
      %dma_wait3A_478 = tpu.memref_slice %arg9[%dma_wait3A_476, %dma_wait3A_477] : memref<8x128xf32, #tpu.memory_space<vmem>> -> memref<1x128xf32, #tpu.memory_space<vmem>>
      %dma_wait3A_479 = tpu.memref_squeeze %dma_wait3A_478 : memref<1x128xf32, #tpu.memory_space<vmem>> -> memref<128xf32, #tpu.memory_space<vmem>>
      %dma_wait3A_480 = arith.constant 0 : i32
      %dma_wait3A_481 = tpu.memref_slice %arg7[%scan3A_329, %dma_wait3A_480] : memref<80x128xi32, #tpu.memory_space<vmem>> -> memref<1x128xi32, #tpu.memory_space<vmem>>
      %dma_wait3A_482 = tpu.memref_squeeze %dma_wait3A_481 : memref<1x128xi32, #tpu.memory_space<vmem>> -> memref<128xi32, #tpu.memory_space<vmem>>
      %dma_wait3A_483 = arith.constant 0 : i32
      %dma_wait3A_484 = tpu.memref_slice %arg20[%dma_wait3A_483] : memref<10112xf32, #tpu.memory_space<vmem_shared>> -> memref<10112xf32, #tpu.memory_space<vmem_shared>>
      tpu.wait_indirect_dma semaphore(%arg42 : memref<!tpu.dma_semaphore, #tpu.memory_space<semaphore_mem>>) src(%dma_wait3A_484 : memref<10112xf32, #tpu.memory_space<vmem_shared>>) dst(%dma_wait3A_479 : memref<128xf32, #tpu.memory_space<vmem>>)
      %dma_start3A_485 = arith.constant 2 : i32
      %dma_start3A_486 = arith.constant 0 : i32
      %dma_start3A_487 = tpu.memref_slice %arg9[%dma_start3A_485, %dma_start3A_486] : memref<8x128xf32, #tpu.memory_space<vmem>> -> memref<1x128xf32, #tpu.memory_space<vmem>>
      %dma_start3A_488 = tpu.memref_squeeze %dma_start3A_487 : memref<1x128xf32, #tpu.memory_space<vmem>> -> memref<128xf32, #tpu.memory_space<vmem>>
      %dma_start3A_489 = arith.constant 0 : i32
      %dma_start3A_490 = tpu.memref_slice %arg8[%scan3A_329, %dma_start3A_489] : memref<80x128xi32, #tpu.memory_space<vmem>> -> memref<1x128xi32, #tpu.memory_space<vmem>>
      %dma_start3A_491 = tpu.memref_squeeze %dma_start3A_490 : memref<1x128xi32, #tpu.memory_space<vmem>> -> memref<128xi32, #tpu.memory_space<vmem>>
      %dma_start3A_492 = arith.constant 0 : i32
      %dma_start3A_493 = tpu.memref_slice %arg36[%dma_start3A_492] : memref<10112xf32, #tpu.memory_space<vmem_shared>> -> memref<10112xf32, #tpu.memory_space<vmem_shared>>
      tpu.enqueue_indirect_dma source(%dma_start3A_488 : memref<128xf32, #tpu.memory_space<vmem>>) target(%dma_start3A_493 : memref<10112xf32, #tpu.memory_space<vmem_shared>>) offsets(%dma_start3A_491 : memref<128xi32, #tpu.memory_space<vmem>>) semaphore(%arg43 : memref<!tpu.dma_semaphore, #tpu.memory_space<semaphore_mem>>) {add = true}
      %dma_wait3A_494 = arith.constant 3 : i32
      %dma_wait3A_495 = arith.constant 0 : i32
      %dma_wait3A_496 = tpu.memref_slice %arg9[%dma_wait3A_494, %dma_wait3A_495] : memref<8x128xf32, #tpu.memory_space<vmem>> -> memref<1x128xf32, #tpu.memory_space<vmem>>
      %dma_wait3A_497 = tpu.memref_squeeze %dma_wait3A_496 : memref<1x128xf32, #tpu.memory_space<vmem>> -> memref<128xf32, #tpu.memory_space<vmem>>
      %dma_wait3A_498 = arith.constant 0 : i32
      %dma_wait3A_499 = tpu.memref_slice %arg7[%scan3A_329, %dma_wait3A_498] : memref<80x128xi32, #tpu.memory_space<vmem>> -> memref<1x128xi32, #tpu.memory_space<vmem>>
      %dma_wait3A_500 = tpu.memref_squeeze %dma_wait3A_499 : memref<1x128xi32, #tpu.memory_space<vmem>> -> memref<128xi32, #tpu.memory_space<vmem>>
      %dma_wait3A_501 = arith.constant 0 : i32
      %dma_wait3A_502 = tpu.memref_slice %arg21[%dma_wait3A_501] : memref<10112xf32, #tpu.memory_space<vmem_shared>> -> memref<10112xf32, #tpu.memory_space<vmem_shared>>
      tpu.wait_indirect_dma semaphore(%arg42 : memref<!tpu.dma_semaphore, #tpu.memory_space<semaphore_mem>>) src(%dma_wait3A_502 : memref<10112xf32, #tpu.memory_space<vmem_shared>>) dst(%dma_wait3A_497 : memref<128xf32, #tpu.memory_space<vmem>>)
      %dma_start3A_503 = arith.constant 3 : i32
      %dma_start3A_504 = arith.constant 0 : i32
      %dma_start3A_505 = tpu.memref_slice %arg9[%dma_start3A_503, %dma_start3A_504] : memref<8x128xf32, #tpu.memory_space<vmem>> -> memref<1x128xf32, #tpu.memory_space<vmem>>
      %dma_start3A_506 = tpu.memref_squeeze %dma_start3A_505 : memref<1x128xf32, #tpu.memory_space<vmem>> -> memref<128xf32, #tpu.memory_space<vmem>>
      %dma_start3A_507 = arith.constant 0 : i32
      %dma_start3A_508 = tpu.memref_slice %arg8[%scan3A_329, %dma_start3A_507] : memref<80x128xi32, #tpu.memory_space<vmem>> -> memref<1x128xi32, #tpu.memory_space<vmem>>
      %dma_start3A_509 = tpu.memref_squeeze %dma_start3A_508 : memref<1x128xi32, #tpu.memory_space<vmem>> -> memref<128xi32, #tpu.memory_space<vmem>>
      %dma_start3A_510 = arith.constant 0 : i32
      %dma_start3A_511 = tpu.memref_slice %arg37[%dma_start3A_510] : memref<10112xf32, #tpu.memory_space<vmem_shared>> -> memref<10112xf32, #tpu.memory_space<vmem_shared>>
      tpu.enqueue_indirect_dma source(%dma_start3A_506 : memref<128xf32, #tpu.memory_space<vmem>>) target(%dma_start3A_511 : memref<10112xf32, #tpu.memory_space<vmem_shared>>) offsets(%dma_start3A_509 : memref<128xi32, #tpu.memory_space<vmem>>) semaphore(%arg43 : memref<!tpu.dma_semaphore, #tpu.memory_space<semaphore_mem>>) {add = true}
      %dma_wait3A_512 = arith.constant 4 : i32
      %dma_wait3A_513 = arith.constant 0 : i32
      %dma_wait3A_514 = tpu.memref_slice %arg9[%dma_wait3A_512, %dma_wait3A_513] : memref<8x128xf32, #tpu.memory_space<vmem>> -> memref<1x128xf32, #tpu.memory_space<vmem>>
      %dma_wait3A_515 = tpu.memref_squeeze %dma_wait3A_514 : memref<1x128xf32, #tpu.memory_space<vmem>> -> memref<128xf32, #tpu.memory_space<vmem>>
      %dma_wait3A_516 = arith.constant 0 : i32
      %dma_wait3A_517 = tpu.memref_slice %arg7[%scan3A_329, %dma_wait3A_516] : memref<80x128xi32, #tpu.memory_space<vmem>> -> memref<1x128xi32, #tpu.memory_space<vmem>>
      %dma_wait3A_518 = tpu.memref_squeeze %dma_wait3A_517 : memref<1x128xi32, #tpu.memory_space<vmem>> -> memref<128xi32, #tpu.memory_space<vmem>>
      %dma_wait3A_519 = arith.constant 0 : i32
      %dma_wait3A_520 = tpu.memref_slice %arg22[%dma_wait3A_519] : memref<10112xf32, #tpu.memory_space<vmem_shared>> -> memref<10112xf32, #tpu.memory_space<vmem_shared>>
      tpu.wait_indirect_dma semaphore(%arg42 : memref<!tpu.dma_semaphore, #tpu.memory_space<semaphore_mem>>) src(%dma_wait3A_520 : memref<10112xf32, #tpu.memory_space<vmem_shared>>) dst(%dma_wait3A_515 : memref<128xf32, #tpu.memory_space<vmem>>)
      %dma_start3A_521 = arith.constant 4 : i32
      %dma_start3A_522 = arith.constant 0 : i32
      %dma_start3A_523 = tpu.memref_slice %arg9[%dma_start3A_521, %dma_start3A_522] : memref<8x128xf32, #tpu.memory_space<vmem>> -> memref<1x128xf32, #tpu.memory_space<vmem>>
      %dma_start3A_524 = tpu.memref_squeeze %dma_start3A_523 : memref<1x128xf32, #tpu.memory_space<vmem>> -> memref<128xf32, #tpu.memory_space<vmem>>
      %dma_start3A_525 = arith.constant 0 : i32
      %dma_start3A_526 = tpu.memref_slice %arg8[%scan3A_329, %dma_start3A_525] : memref<80x128xi32, #tpu.memory_space<vmem>> -> memref<1x128xi32, #tpu.memory_space<vmem>>
      %dma_start3A_527 = tpu.memref_squeeze %dma_start3A_526 : memref<1x128xi32, #tpu.memory_space<vmem>> -> memref<128xi32, #tpu.memory_space<vmem>>
      %dma_start3A_528 = arith.constant 0 : i32
      %dma_start3A_529 = tpu.memref_slice %arg38[%dma_start3A_528] : memref<10112xf32, #tpu.memory_space<vmem_shared>> -> memref<10112xf32, #tpu.memory_space<vmem_shared>>
      tpu.enqueue_indirect_dma source(%dma_start3A_524 : memref<128xf32, #tpu.memory_space<vmem>>) target(%dma_start3A_529 : memref<10112xf32, #tpu.memory_space<vmem_shared>>) offsets(%dma_start3A_527 : memref<128xi32, #tpu.memory_space<vmem>>) semaphore(%arg43 : memref<!tpu.dma_semaphore, #tpu.memory_space<semaphore_mem>>) {add = true}
      %dma_wait3A_530 = arith.constant 5 : i32
      %dma_wait3A_531 = arith.constant 0 : i32
      %dma_wait3A_532 = tpu.memref_slice %arg9[%dma_wait3A_530, %dma_wait3A_531] : memref<8x128xf32, #tpu.memory_space<vmem>> -> memref<1x128xf32, #tpu.memory_space<vmem>>
      %dma_wait3A_533 = tpu.memref_squeeze %dma_wait3A_532 : memref<1x128xf32, #tpu.memory_space<vmem>> -> memref<128xf32, #tpu.memory_space<vmem>>
      %dma_wait3A_534 = arith.constant 0 : i32
      %dma_wait3A_535 = tpu.memref_slice %arg7[%scan3A_329, %dma_wait3A_534] : memref<80x128xi32, #tpu.memory_space<vmem>> -> memref<1x128xi32, #tpu.memory_space<vmem>>
      %dma_wait3A_536 = tpu.memref_squeeze %dma_wait3A_535 : memref<1x128xi32, #tpu.memory_space<vmem>> -> memref<128xi32, #tpu.memory_space<vmem>>
      %dma_wait3A_537 = arith.constant 0 : i32
      %dma_wait3A_538 = tpu.memref_slice %arg23[%dma_wait3A_537] : memref<10112xf32, #tpu.memory_space<vmem_shared>> -> memref<10112xf32, #tpu.memory_space<vmem_shared>>
      tpu.wait_indirect_dma semaphore(%arg42 : memref<!tpu.dma_semaphore, #tpu.memory_space<semaphore_mem>>) src(%dma_wait3A_538 : memref<10112xf32, #tpu.memory_space<vmem_shared>>) dst(%dma_wait3A_533 : memref<128xf32, #tpu.memory_space<vmem>>)
      %dma_start3A_539 = arith.constant 5 : i32
      %dma_start3A_540 = arith.constant 0 : i32
      %dma_start3A_541 = tpu.memref_slice %arg9[%dma_start3A_539, %dma_start3A_540] : memref<8x128xf32, #tpu.memory_space<vmem>> -> memref<1x128xf32, #tpu.memory_space<vmem>>
      %dma_start3A_542 = tpu.memref_squeeze %dma_start3A_541 : memref<1x128xf32, #tpu.memory_space<vmem>> -> memref<128xf32, #tpu.memory_space<vmem>>
      %dma_start3A_543 = arith.constant 0 : i32
      %dma_start3A_544 = tpu.memref_slice %arg8[%scan3A_329, %dma_start3A_543] : memref<80x128xi32, #tpu.memory_space<vmem>> -> memref<1x128xi32, #tpu.memory_space<vmem>>
      %dma_start3A_545 = tpu.memref_squeeze %dma_start3A_544 : memref<1x128xi32, #tpu.memory_space<vmem>> -> memref<128xi32, #tpu.memory_space<vmem>>
      %dma_start3A_546 = arith.constant 0 : i32
      %dma_start3A_547 = tpu.memref_slice %arg39[%dma_start3A_546] : memref<10112xf32, #tpu.memory_space<vmem_shared>> -> memref<10112xf32, #tpu.memory_space<vmem_shared>>
      tpu.enqueue_indirect_dma source(%dma_start3A_542 : memref<128xf32, #tpu.memory_space<vmem>>) target(%dma_start3A_547 : memref<10112xf32, #tpu.memory_space<vmem_shared>>) offsets(%dma_start3A_545 : memref<128xi32, #tpu.memory_space<vmem>>) semaphore(%arg43 : memref<!tpu.dma_semaphore, #tpu.memory_space<semaphore_mem>>) {add = true}
      %dma_wait3A_548 = arith.constant 6 : i32
      %dma_wait3A_549 = arith.constant 0 : i32
      %dma_wait3A_550 = tpu.memref_slice %arg9[%dma_wait3A_548, %dma_wait3A_549] : memref<8x128xf32, #tpu.memory_space<vmem>> -> memref<1x128xf32, #tpu.memory_space<vmem>>
      %dma_wait3A_551 = tpu.memref_squeeze %dma_wait3A_550 : memref<1x128xf32, #tpu.memory_space<vmem>> -> memref<128xf32, #tpu.memory_space<vmem>>
      %dma_wait3A_552 = arith.constant 0 : i32
      %dma_wait3A_553 = tpu.memref_slice %arg7[%scan3A_329, %dma_wait3A_552] : memref<80x128xi32, #tpu.memory_space<vmem>> -> memref<1x128xi32, #tpu.memory_space<vmem>>
      %dma_wait3A_554 = tpu.memref_squeeze %dma_wait3A_553 : memref<1x128xi32, #tpu.memory_space<vmem>> -> memref<128xi32, #tpu.memory_space<vmem>>
      %dma_wait3A_555 = arith.constant 0 : i32
      %dma_wait3A_556 = tpu.memref_slice %arg24[%dma_wait3A_555] : memref<10112xf32, #tpu.memory_space<vmem_shared>> -> memref<10112xf32, #tpu.memory_space<vmem_shared>>
      tpu.wait_indirect_dma semaphore(%arg42 : memref<!tpu.dma_semaphore, #tpu.memory_space<semaphore_mem>>) src(%dma_wait3A_556 : memref<10112xf32, #tpu.memory_space<vmem_shared>>) dst(%dma_wait3A_551 : memref<128xf32, #tpu.memory_space<vmem>>)
      %dma_start3A_557 = arith.constant 6 : i32
      %dma_start3A_558 = arith.constant 0 : i32
      %dma_start3A_559 = tpu.memref_slice %arg9[%dma_start3A_557, %dma_start3A_558] : memref<8x128xf32, #tpu.memory_space<vmem>> -> memref<1x128xf32, #tpu.memory_space<vmem>>
      %dma_start3A_560 = tpu.memref_squeeze %dma_start3A_559 : memref<1x128xf32, #tpu.memory_space<vmem>> -> memref<128xf32, #tpu.memory_space<vmem>>
      %dma_start3A_561 = arith.constant 0 : i32
      %dma_start3A_562 = tpu.memref_slice %arg8[%scan3A_329, %dma_start3A_561] : memref<80x128xi32, #tpu.memory_space<vmem>> -> memref<1x128xi32, #tpu.memory_space<vmem>>
      %dma_start3A_563 = tpu.memref_squeeze %dma_start3A_562 : memref<1x128xi32, #tpu.memory_space<vmem>> -> memref<128xi32, #tpu.memory_space<vmem>>
      %dma_start3A_564 = arith.constant 0 : i32
      %dma_start3A_565 = tpu.memref_slice %arg40[%dma_start3A_564] : memref<10112xf32, #tpu.memory_space<vmem_shared>> -> memref<10112xf32, #tpu.memory_space<vmem_shared>>
      tpu.enqueue_indirect_dma source(%dma_start3A_560 : memref<128xf32, #tpu.memory_space<vmem>>) target(%dma_start3A_565 : memref<10112xf32, #tpu.memory_space<vmem_shared>>) offsets(%dma_start3A_563 : memref<128xi32, #tpu.memory_space<vmem>>) semaphore(%arg43 : memref<!tpu.dma_semaphore, #tpu.memory_space<semaphore_mem>>) {add = true}
      %dma_wait3A_566 = arith.constant 7 : i32
      %dma_wait3A_567 = arith.constant 0 : i32
      %dma_wait3A_568 = tpu.memref_slice %arg9[%dma_wait3A_566, %dma_wait3A_567] : memref<8x128xf32, #tpu.memory_space<vmem>> -> memref<1x128xf32, #tpu.memory_space<vmem>>
      %dma_wait3A_569 = tpu.memref_squeeze %dma_wait3A_568 : memref<1x128xf32, #tpu.memory_space<vmem>> -> memref<128xf32, #tpu.memory_space<vmem>>
      %dma_wait3A_570 = arith.constant 0 : i32
      %dma_wait3A_571 = tpu.memref_slice %arg7[%scan3A_329, %dma_wait3A_570] : memref<80x128xi32, #tpu.memory_space<vmem>> -> memref<1x128xi32, #tpu.memory_space<vmem>>
      %dma_wait3A_572 = tpu.memref_squeeze %dma_wait3A_571 : memref<1x128xi32, #tpu.memory_space<vmem>> -> memref<128xi32, #tpu.memory_space<vmem>>
      %dma_wait3A_573 = arith.constant 0 : i32
      %dma_wait3A_574 = tpu.memref_slice %arg25[%dma_wait3A_573] : memref<10112xf32, #tpu.memory_space<vmem_shared>> -> memref<10112xf32, #tpu.memory_space<vmem_shared>>
      tpu.wait_indirect_dma semaphore(%arg42 : memref<!tpu.dma_semaphore, #tpu.memory_space<semaphore_mem>>) src(%dma_wait3A_574 : memref<10112xf32, #tpu.memory_space<vmem_shared>>) dst(%dma_wait3A_569 : memref<128xf32, #tpu.memory_space<vmem>>)
      %dma_start3A_575 = arith.constant 7 : i32
      %dma_start3A_576 = arith.constant 0 : i32
      %dma_start3A_577 = tpu.memref_slice %arg9[%dma_start3A_575, %dma_start3A_576] : memref<8x128xf32, #tpu.memory_space<vmem>> -> memref<1x128xf32, #tpu.memory_space<vmem>>
      %dma_start3A_578 = tpu.memref_squeeze %dma_start3A_577 : memref<1x128xf32, #tpu.memory_space<vmem>> -> memref<128xf32, #tpu.memory_space<vmem>>
      %dma_start3A_579 = arith.constant 0 : i32
      %dma_start3A_580 = tpu.memref_slice %arg8[%scan3A_329, %dma_start3A_579] : memref<80x128xi32, #tpu.memory_space<vmem>> -> memref<1x128xi32, #tpu.memory_space<vmem>>
      %dma_start3A_581 = tpu.memref_squeeze %dma_start3A_580 : memref<1x128xi32, #tpu.memory_space<vmem>> -> memref<128xi32, #tpu.memory_space<vmem>>
      %dma_start3A_582 = arith.constant 0 : i32
      %dma_start3A_583 = tpu.memref_slice %arg41[%dma_start3A_582] : memref<10112xf32, #tpu.memory_space<vmem_shared>> -> memref<10112xf32, #tpu.memory_space<vmem_shared>>
      tpu.enqueue_indirect_dma source(%dma_start3A_578 : memref<128xf32, #tpu.memory_space<vmem>>) target(%dma_start3A_583 : memref<10112xf32, #tpu.memory_space<vmem_shared>>) offsets(%dma_start3A_581 : memref<128xi32, #tpu.memory_space<vmem>>) semaphore(%arg43 : memref<!tpu.dma_semaphore, #tpu.memory_space<semaphore_mem>>) {add = true}
    }
    %scan3A_167 = arith.constant 80 : i32
    %dma_wait3A_168 = arith.constant 0 : i32
    %dma_wait3A_169 = arith.constant 79 : i32
    %dma_wait3A_170 = arith.constant 0 : i32
    %dma_wait3A_171 = tpu.memref_slice %arg9[%dma_wait3A_168, %dma_wait3A_170] : memref<8x128xf32, #tpu.memory_space<vmem>> -> memref<1x128xf32, #tpu.memory_space<vmem>>
    %dma_wait3A_172 = tpu.memref_squeeze %dma_wait3A_171 : memref<1x128xf32, #tpu.memory_space<vmem>> -> memref<128xf32, #tpu.memory_space<vmem>>
    %dma_wait3A_173 = arith.constant 0 : i32
    %dma_wait3A_174 = tpu.memref_slice %arg8[%dma_wait3A_169, %dma_wait3A_173] : memref<80x128xi32, #tpu.memory_space<vmem>> -> memref<1x128xi32, #tpu.memory_space<vmem>>
    %dma_wait3A_175 = tpu.memref_squeeze %dma_wait3A_174 : memref<1x128xi32, #tpu.memory_space<vmem>> -> memref<128xi32, #tpu.memory_space<vmem>>
    %dma_wait3A_176 = arith.constant 0 : i32
    %dma_wait3A_177 = tpu.memref_slice %arg34[%dma_wait3A_176] : memref<10112xf32, #tpu.memory_space<vmem_shared>> -> memref<10112xf32, #tpu.memory_space<vmem_shared>>
    tpu.wait_indirect_dma semaphore(%arg43 : memref<!tpu.dma_semaphore, #tpu.memory_space<semaphore_mem>>) src(%dma_wait3A_172 : memref<128xf32, #tpu.memory_space<vmem>>) dst(%dma_wait3A_177 : memref<10112xf32, #tpu.memory_space<vmem_shared>>)
    %dma_wait3A_178 = arith.constant 1 : i32
    %dma_wait3A_179 = arith.constant 79 : i32
    %dma_wait3A_180 = arith.constant 0 : i32
    %dma_wait3A_181 = tpu.memref_slice %arg9[%dma_wait3A_178, %dma_wait3A_180] : memref<8x128xf32, #tpu.memory_space<vmem>> -> memref<1x128xf32, #tpu.memory_space<vmem>>
    %dma_wait3A_182 = tpu.memref_squeeze %dma_wait3A_181 : memref<1x128xf32, #tpu.memory_space<vmem>> -> memref<128xf32, #tpu.memory_space<vmem>>
    %dma_wait3A_183 = arith.constant 0 : i32
    %dma_wait3A_184 = tpu.memref_slice %arg8[%dma_wait3A_179, %dma_wait3A_183] : memref<80x128xi32, #tpu.memory_space<vmem>> -> memref<1x128xi32, #tpu.memory_space<vmem>>
    %dma_wait3A_185 = tpu.memref_squeeze %dma_wait3A_184 : memref<1x128xi32, #tpu.memory_space<vmem>> -> memref<128xi32, #tpu.memory_space<vmem>>
    %dma_wait3A_186 = arith.constant 0 : i32
    %dma_wait3A_187 = tpu.memref_slice %arg35[%dma_wait3A_186] : memref<10112xf32, #tpu.memory_space<vmem_shared>> -> memref<10112xf32, #tpu.memory_space<vmem_shared>>
    tpu.wait_indirect_dma semaphore(%arg43 : memref<!tpu.dma_semaphore, #tpu.memory_space<semaphore_mem>>) src(%dma_wait3A_182 : memref<128xf32, #tpu.memory_space<vmem>>) dst(%dma_wait3A_187 : memref<10112xf32, #tpu.memory_space<vmem_shared>>)
    %dma_wait3A_188 = arith.constant 2 : i32
    %dma_wait3A_189 = arith.constant 79 : i32
    %dma_wait3A_190 = arith.constant 0 : i32
    %dma_wait3A_191 = tpu.memref_slice %arg9[%dma_wait3A_188, %dma_wait3A_190] : memref<8x128xf32, #tpu.memory_space<vmem>> -> memref<1x128xf32, #tpu.memory_space<vmem>>
    %dma_wait3A_192 = tpu.memref_squeeze %dma_wait3A_191 : memref<1x128xf32, #tpu.memory_space<vmem>> -> memref<128xf32, #tpu.memory_space<vmem>>
    %dma_wait3A_193 = arith.constant 0 : i32
    %dma_wait3A_194 = tpu.memref_slice %arg8[%dma_wait3A_189, %dma_wait3A_193] : memref<80x128xi32, #tpu.memory_space<vmem>> -> memref<1x128xi32, #tpu.memory_space<vmem>>
    %dma_wait3A_195 = tpu.memref_squeeze %dma_wait3A_194 : memref<1x128xi32, #tpu.memory_space<vmem>> -> memref<128xi32, #tpu.memory_space<vmem>>
    %dma_wait3A_196 = arith.constant 0 : i32
    %dma_wait3A_197 = tpu.memref_slice %arg36[%dma_wait3A_196] : memref<10112xf32, #tpu.memory_space<vmem_shared>> -> memref<10112xf32, #tpu.memory_space<vmem_shared>>
    tpu.wait_indirect_dma semaphore(%arg43 : memref<!tpu.dma_semaphore, #tpu.memory_space<semaphore_mem>>) src(%dma_wait3A_192 : memref<128xf32, #tpu.memory_space<vmem>>) dst(%dma_wait3A_197 : memref<10112xf32, #tpu.memory_space<vmem_shared>>)
    %dma_wait3A_198 = arith.constant 3 : i32
    %dma_wait3A_199 = arith.constant 79 : i32
    %dma_wait3A_200 = arith.constant 0 : i32
    %dma_wait3A_201 = tpu.memref_slice %arg9[%dma_wait3A_198, %dma_wait3A_200] : memref<8x128xf32, #tpu.memory_space<vmem>> -> memref<1x128xf32, #tpu.memory_space<vmem>>
    %dma_wait3A_202 = tpu.memref_squeeze %dma_wait3A_201 : memref<1x128xf32, #tpu.memory_space<vmem>> -> memref<128xf32, #tpu.memory_space<vmem>>
    %dma_wait3A_203 = arith.constant 0 : i32
    %dma_wait3A_204 = tpu.memref_slice %arg8[%dma_wait3A_199, %dma_wait3A_203] : memref<80x128xi32, #tpu.memory_space<vmem>> -> memref<1x128xi32, #tpu.memory_space<vmem>>
    %dma_wait3A_205 = tpu.memref_squeeze %dma_wait3A_204 : memref<1x128xi32, #tpu.memory_space<vmem>> -> memref<128xi32, #tpu.memory_space<vmem>>
    %dma_wait3A_206 = arith.constant 0 : i32
    %dma_wait3A_207 = tpu.memref_slice %arg37[%dma_wait3A_206] : memref<10112xf32, #tpu.memory_space<vmem_shared>> -> memref<10112xf32, #tpu.memory_space<vmem_shared>>
    tpu.wait_indirect_dma semaphore(%arg43 : memref<!tpu.dma_semaphore, #tpu.memory_space<semaphore_mem>>) src(%dma_wait3A_202 : memref<128xf32, #tpu.memory_space<vmem>>) dst(%dma_wait3A_207 : memref<10112xf32, #tpu.memory_space<vmem_shared>>)
    %dma_wait3A_208 = arith.constant 4 : i32
    %dma_wait3A_209 = arith.constant 79 : i32
    %dma_wait3A_210 = arith.constant 0 : i32
    %dma_wait3A_211 = tpu.memref_slice %arg9[%dma_wait3A_208, %dma_wait3A_210] : memref<8x128xf32, #tpu.memory_space<vmem>> -> memref<1x128xf32, #tpu.memory_space<vmem>>
    %dma_wait3A_212 = tpu.memref_squeeze %dma_wait3A_211 : memref<1x128xf32, #tpu.memory_space<vmem>> -> memref<128xf32, #tpu.memory_space<vmem>>
    %dma_wait3A_213 = arith.constant 0 : i32
    %dma_wait3A_214 = tpu.memref_slice %arg8[%dma_wait3A_209, %dma_wait3A_213] : memref<80x128xi32, #tpu.memory_space<vmem>> -> memref<1x128xi32, #tpu.memory_space<vmem>>
    %dma_wait3A_215 = tpu.memref_squeeze %dma_wait3A_214 : memref<1x128xi32, #tpu.memory_space<vmem>> -> memref<128xi32, #tpu.memory_space<vmem>>
    %dma_wait3A_216 = arith.constant 0 : i32
    %dma_wait3A_217 = tpu.memref_slice %arg38[%dma_wait3A_216] : memref<10112xf32, #tpu.memory_space<vmem_shared>> -> memref<10112xf32, #tpu.memory_space<vmem_shared>>
    tpu.wait_indirect_dma semaphore(%arg43 : memref<!tpu.dma_semaphore, #tpu.memory_space<semaphore_mem>>) src(%dma_wait3A_212 : memref<128xf32, #tpu.memory_space<vmem>>) dst(%dma_wait3A_217 : memref<10112xf32, #tpu.memory_space<vmem_shared>>)
    %dma_wait3A_218 = arith.constant 5 : i32
    %dma_wait3A_219 = arith.constant 79 : i32
    %dma_wait3A_220 = arith.constant 0 : i32
    %dma_wait3A_221 = tpu.memref_slice %arg9[%dma_wait3A_218, %dma_wait3A_220] : memref<8x128xf32, #tpu.memory_space<vmem>> -> memref<1x128xf32, #tpu.memory_space<vmem>>
    %dma_wait3A_222 = tpu.memref_squeeze %dma_wait3A_221 : memref<1x128xf32, #tpu.memory_space<vmem>> -> memref<128xf32, #tpu.memory_space<vmem>>
    %dma_wait3A_223 = arith.constant 0 : i32
    %dma_wait3A_224 = tpu.memref_slice %arg8[%dma_wait3A_219, %dma_wait3A_223] : memref<80x128xi32, #tpu.memory_space<vmem>> -> memref<1x128xi32, #tpu.memory_space<vmem>>
    %dma_wait3A_225 = tpu.memref_squeeze %dma_wait3A_224 : memref<1x128xi32, #tpu.memory_space<vmem>> -> memref<128xi32, #tpu.memory_space<vmem>>
    %dma_wait3A_226 = arith.constant 0 : i32
    %dma_wait3A_227 = tpu.memref_slice %arg39[%dma_wait3A_226] : memref<10112xf32, #tpu.memory_space<vmem_shared>> -> memref<10112xf32, #tpu.memory_space<vmem_shared>>
    tpu.wait_indirect_dma semaphore(%arg43 : memref<!tpu.dma_semaphore, #tpu.memory_space<semaphore_mem>>) src(%dma_wait3A_222 : memref<128xf32, #tpu.memory_space<vmem>>) dst(%dma_wait3A_227 : memref<10112xf32, #tpu.memory_space<vmem_shared>>)
    %dma_wait3A_228 = arith.constant 6 : i32
    %dma_wait3A_229 = arith.constant 79 : i32
    %dma_wait3A_230 = arith.constant 0 : i32
    %dma_wait3A_231 = tpu.memref_slice %arg9[%dma_wait3A_228, %dma_wait3A_230] : memref<8x128xf32, #tpu.memory_space<vmem>> -> memref<1x128xf32, #tpu.memory_space<vmem>>
    %dma_wait3A_232 = tpu.memref_squeeze %dma_wait3A_231 : memref<1x128xf32, #tpu.memory_space<vmem>> -> memref<128xf32, #tpu.memory_space<vmem>>
    %dma_wait3A_233 = arith.constant 0 : i32
    %dma_wait3A_234 = tpu.memref_slice %arg8[%dma_wait3A_229, %dma_wait3A_233] : memref<80x128xi32, #tpu.memory_space<vmem>> -> memref<1x128xi32, #tpu.memory_space<vmem>>
    %dma_wait3A_235 = tpu.memref_squeeze %dma_wait3A_234 : memref<1x128xi32, #tpu.memory_space<vmem>> -> memref<128xi32, #tpu.memory_space<vmem>>
    %dma_wait3A_236 = arith.constant 0 : i32
    %dma_wait3A_237 = tpu.memref_slice %arg40[%dma_wait3A_236] : memref<10112xf32, #tpu.memory_space<vmem_shared>> -> memref<10112xf32, #tpu.memory_space<vmem_shared>>
    tpu.wait_indirect_dma semaphore(%arg43 : memref<!tpu.dma_semaphore, #tpu.memory_space<semaphore_mem>>) src(%dma_wait3A_232 : memref<128xf32, #tpu.memory_space<vmem>>) dst(%dma_wait3A_237 : memref<10112xf32, #tpu.memory_space<vmem_shared>>)
    %dma_wait3A_238 = arith.constant 7 : i32
    %dma_wait3A_239 = arith.constant 79 : i32
    %dma_wait3A_240 = arith.constant 0 : i32
    %dma_wait3A_241 = tpu.memref_slice %arg9[%dma_wait3A_238, %dma_wait3A_240] : memref<8x128xf32, #tpu.memory_space<vmem>> -> memref<1x128xf32, #tpu.memory_space<vmem>>
    %dma_wait3A_242 = tpu.memref_squeeze %dma_wait3A_241 : memref<1x128xf32, #tpu.memory_space<vmem>> -> memref<128xf32, #tpu.memory_space<vmem>>
    %dma_wait3A_243 = arith.constant 0 : i32
    %dma_wait3A_244 = tpu.memref_slice %arg8[%dma_wait3A_239, %dma_wait3A_243] : memref<80x128xi32, #tpu.memory_space<vmem>> -> memref<1x128xi32, #tpu.memory_space<vmem>>
    %dma_wait3A_245 = tpu.memref_squeeze %dma_wait3A_244 : memref<1x128xi32, #tpu.memory_space<vmem>> -> memref<128xi32, #tpu.memory_space<vmem>>
    %dma_wait3A_246 = arith.constant 0 : i32
    %dma_wait3A_247 = tpu.memref_slice %arg41[%dma_wait3A_246] : memref<10112xf32, #tpu.memory_space<vmem_shared>> -> memref<10112xf32, #tpu.memory_space<vmem_shared>>
    tpu.wait_indirect_dma semaphore(%arg43 : memref<!tpu.dma_semaphore, #tpu.memory_space<semaphore_mem>>) src(%dma_wait3A_242 : memref<128xf32, #tpu.memory_space<vmem>>) dst(%dma_wait3A_247 : memref<10112xf32, #tpu.memory_space<vmem_shared>>)
    %barrier3A_248 = arith.constant 0 : index
    tpu.barrier barrier_id(%barrier3A_248)
    %eq3A_249 = arith.constant 0 : i32
    %eq3A_250 = arith.cmpi eq, %arg1, %eq3A_249 : i32
    %convert_element_type3A_251 = arith.extui %eq3A_250 : i1 to i32
    %cond3A_252 = arith.constant 0 : i32
    %cond3A_253 = arith.cmpi ne, %convert_element_type3A_251, %cond3A_252 : i32
    scf.if %cond3A_253 {
      %mul3A_329 = arith.constant 161792 : i32
      %mul3A_330 = arith.muli %arg0, %mul3A_329 : i32
      %add3A_331 = arith.constant 0 : i32
      %add3A_332 = arith.addi %mul3A_330, %add3A_331 : i32
      "tpu.region"() ({
        %run_scoped3A = tpu.sem_alloc : memref<!tpu.dma_semaphore, #tpu.memory_space<semaphore_mem>>
        %dma_start3A = tpu.memref_slice %arg6[%add3A_332] : memref<323584xf32, #tpu.memory_space<hbm>> -> memref<10112xf32, #tpu.memory_space<hbm>>
        tpu.enqueue_dma source(%arg26 : memref<10112xf32, #tpu.memory_space<vmem_shared>>) target(%dma_start3A : memref<10112xf32, #tpu.memory_space<hbm>>) target_semaphore(%run_scoped3A : memref<!tpu.dma_semaphore, #tpu.memory_space<semaphore_mem>>)
        %dma_wait3A_333 = tpu.memref_slice %arg6[%add3A_332] : memref<323584xf32, #tpu.memory_space<hbm>> -> memref<10112xf32, #tpu.memory_space<hbm>>
        tpu.wait_dma2 semaphore(%run_scoped3A : memref<!tpu.dma_semaphore, #tpu.memory_space<semaphore_mem>>) src(%arg26 : memref<10112xf32, #tpu.memory_space<vmem_shared>>) dst(%dma_wait3A_333 : memref<10112xf32, #tpu.memory_space<hbm>>)
        tpu.yield
      }) : () -> ()
    } else {
    }
    %eq3A_254 = arith.constant 1 : i32
    %eq3A_255 = arith.cmpi eq, %arg1, %eq3A_254 : i32
    %convert_element_type3A_256 = arith.extui %eq3A_255 : i1 to i32
    %cond3A_257 = arith.constant 0 : i32
    %cond3A_258 = arith.cmpi ne, %convert_element_type3A_256, %cond3A_257 : i32
    scf.if %cond3A_258 {
      %mul3A_329 = arith.constant 161792 : i32
      %mul3A_330 = arith.muli %arg0, %mul3A_329 : i32
      %add3A_331 = arith.constant 10112 : i32
      %add3A_332 = arith.addi %mul3A_330, %add3A_331 : i32
      "tpu.region"() ({
        %run_scoped3A = tpu.sem_alloc : memref<!tpu.dma_semaphore, #tpu.memory_space<semaphore_mem>>
        %dma_start3A = tpu.memref_slice %arg6[%add3A_332] : memref<323584xf32, #tpu.memory_space<hbm>> -> memref<10112xf32, #tpu.memory_space<hbm>>
        tpu.enqueue_dma source(%arg27 : memref<10112xf32, #tpu.memory_space<vmem_shared>>) target(%dma_start3A : memref<10112xf32, #tpu.memory_space<hbm>>) target_semaphore(%run_scoped3A : memref<!tpu.dma_semaphore, #tpu.memory_space<semaphore_mem>>)
        %dma_wait3A_333 = tpu.memref_slice %arg6[%add3A_332] : memref<323584xf32, #tpu.memory_space<hbm>> -> memref<10112xf32, #tpu.memory_space<hbm>>
        tpu.wait_dma2 semaphore(%run_scoped3A : memref<!tpu.dma_semaphore, #tpu.memory_space<semaphore_mem>>) src(%arg27 : memref<10112xf32, #tpu.memory_space<vmem_shared>>) dst(%dma_wait3A_333 : memref<10112xf32, #tpu.memory_space<hbm>>)
        tpu.yield
      }) : () -> ()
    } else {
    }
    %eq3A_259 = arith.constant 2 : i32
    %eq3A_260 = arith.cmpi eq, %arg1, %eq3A_259 : i32
    %convert_element_type3A_261 = arith.extui %eq3A_260 : i1 to i32
    %cond3A_262 = arith.constant 0 : i32
    %cond3A_263 = arith.cmpi ne, %convert_element_type3A_261, %cond3A_262 : i32
    scf.if %cond3A_263 {
      %mul3A_329 = arith.constant 161792 : i32
      %mul3A_330 = arith.muli %arg0, %mul3A_329 : i32
      %add3A_331 = arith.constant 20224 : i32
      %add3A_332 = arith.addi %mul3A_330, %add3A_331 : i32
      "tpu.region"() ({
        %run_scoped3A = tpu.sem_alloc : memref<!tpu.dma_semaphore, #tpu.memory_space<semaphore_mem>>
        %dma_start3A = tpu.memref_slice %arg6[%add3A_332] : memref<323584xf32, #tpu.memory_space<hbm>> -> memref<10112xf32, #tpu.memory_space<hbm>>
        tpu.enqueue_dma source(%arg28 : memref<10112xf32, #tpu.memory_space<vmem_shared>>) target(%dma_start3A : memref<10112xf32, #tpu.memory_space<hbm>>) target_semaphore(%run_scoped3A : memref<!tpu.dma_semaphore, #tpu.memory_space<semaphore_mem>>)
        %dma_wait3A_333 = tpu.memref_slice %arg6[%add3A_332] : memref<323584xf32, #tpu.memory_space<hbm>> -> memref<10112xf32, #tpu.memory_space<hbm>>
        tpu.wait_dma2 semaphore(%run_scoped3A : memref<!tpu.dma_semaphore, #tpu.memory_space<semaphore_mem>>) src(%arg28 : memref<10112xf32, #tpu.memory_space<vmem_shared>>) dst(%dma_wait3A_333 : memref<10112xf32, #tpu.memory_space<hbm>>)
        tpu.yield
      }) : () -> ()
    } else {
    }
    %eq3A_264 = arith.constant 3 : i32
    %eq3A_265 = arith.cmpi eq, %arg1, %eq3A_264 : i32
    %convert_element_type3A_266 = arith.extui %eq3A_265 : i1 to i32
    %cond3A_267 = arith.constant 0 : i32
    %cond3A_268 = arith.cmpi ne, %convert_element_type3A_266, %cond3A_267 : i32
    scf.if %cond3A_268 {
      %mul3A_329 = arith.constant 161792 : i32
      %mul3A_330 = arith.muli %arg0, %mul3A_329 : i32
      %add3A_331 = arith.constant 30336 : i32
      %add3A_332 = arith.addi %mul3A_330, %add3A_331 : i32
      "tpu.region"() ({
        %run_scoped3A = tpu.sem_alloc : memref<!tpu.dma_semaphore, #tpu.memory_space<semaphore_mem>>
        %dma_start3A = tpu.memref_slice %arg6[%add3A_332] : memref<323584xf32, #tpu.memory_space<hbm>> -> memref<10112xf32, #tpu.memory_space<hbm>>
        tpu.enqueue_dma source(%arg29 : memref<10112xf32, #tpu.memory_space<vmem_shared>>) target(%dma_start3A : memref<10112xf32, #tpu.memory_space<hbm>>) target_semaphore(%run_scoped3A : memref<!tpu.dma_semaphore, #tpu.memory_space<semaphore_mem>>)
        %dma_wait3A_333 = tpu.memref_slice %arg6[%add3A_332] : memref<323584xf32, #tpu.memory_space<hbm>> -> memref<10112xf32, #tpu.memory_space<hbm>>
        tpu.wait_dma2 semaphore(%run_scoped3A : memref<!tpu.dma_semaphore, #tpu.memory_space<semaphore_mem>>) src(%arg29 : memref<10112xf32, #tpu.memory_space<vmem_shared>>) dst(%dma_wait3A_333 : memref<10112xf32, #tpu.memory_space<hbm>>)
        tpu.yield
      }) : () -> ()
    } else {
    }
    %eq3A_269 = arith.constant 4 : i32
    %eq3A_270 = arith.cmpi eq, %arg1, %eq3A_269 : i32
    %convert_element_type3A_271 = arith.extui %eq3A_270 : i1 to i32
    %cond3A_272 = arith.constant 0 : i32
    %cond3A_273 = arith.cmpi ne, %convert_element_type3A_271, %cond3A_272 : i32
    scf.if %cond3A_273 {
      %mul3A_329 = arith.constant 161792 : i32
      %mul3A_330 = arith.muli %arg0, %mul3A_329 : i32
      %add3A_331 = arith.constant 40448 : i32
      %add3A_332 = arith.addi %mul3A_330, %add3A_331 : i32
      "tpu.region"() ({
        %run_scoped3A = tpu.sem_alloc : memref<!tpu.dma_semaphore, #tpu.memory_space<semaphore_mem>>
        %dma_start3A = tpu.memref_slice %arg6[%add3A_332] : memref<323584xf32, #tpu.memory_space<hbm>> -> memref<10112xf32, #tpu.memory_space<hbm>>
        tpu.enqueue_dma source(%arg30 : memref<10112xf32, #tpu.memory_space<vmem_shared>>) target(%dma_start3A : memref<10112xf32, #tpu.memory_space<hbm>>) target_semaphore(%run_scoped3A : memref<!tpu.dma_semaphore, #tpu.memory_space<semaphore_mem>>)
        %dma_wait3A_333 = tpu.memref_slice %arg6[%add3A_332] : memref<323584xf32, #tpu.memory_space<hbm>> -> memref<10112xf32, #tpu.memory_space<hbm>>
        tpu.wait_dma2 semaphore(%run_scoped3A : memref<!tpu.dma_semaphore, #tpu.memory_space<semaphore_mem>>) src(%arg30 : memref<10112xf32, #tpu.memory_space<vmem_shared>>) dst(%dma_wait3A_333 : memref<10112xf32, #tpu.memory_space<hbm>>)
        tpu.yield
      }) : () -> ()
    } else {
    }
    %eq3A_274 = arith.constant 5 : i32
    %eq3A_275 = arith.cmpi eq, %arg1, %eq3A_274 : i32
    %convert_element_type3A_276 = arith.extui %eq3A_275 : i1 to i32
    %cond3A_277 = arith.constant 0 : i32
    %cond3A_278 = arith.cmpi ne, %convert_element_type3A_276, %cond3A_277 : i32
    scf.if %cond3A_278 {
      %mul3A_329 = arith.constant 161792 : i32
      %mul3A_330 = arith.muli %arg0, %mul3A_329 : i32
      %add3A_331 = arith.constant 50560 : i32
      %add3A_332 = arith.addi %mul3A_330, %add3A_331 : i32
      "tpu.region"() ({
        %run_scoped3A = tpu.sem_alloc : memref<!tpu.dma_semaphore, #tpu.memory_space<semaphore_mem>>
        %dma_start3A = tpu.memref_slice %arg6[%add3A_332] : memref<323584xf32, #tpu.memory_space<hbm>> -> memref<10112xf32, #tpu.memory_space<hbm>>
        tpu.enqueue_dma source(%arg31 : memref<10112xf32, #tpu.memory_space<vmem_shared>>) target(%dma_start3A : memref<10112xf32, #tpu.memory_space<hbm>>) target_semaphore(%run_scoped3A : memref<!tpu.dma_semaphore, #tpu.memory_space<semaphore_mem>>)
        %dma_wait3A_333 = tpu.memref_slice %arg6[%add3A_332] : memref<323584xf32, #tpu.memory_space<hbm>> -> memref<10112xf32, #tpu.memory_space<hbm>>
        tpu.wait_dma2 semaphore(%run_scoped3A : memref<!tpu.dma_semaphore, #tpu.memory_space<semaphore_mem>>) src(%arg31 : memref<10112xf32, #tpu.memory_space<vmem_shared>>) dst(%dma_wait3A_333 : memref<10112xf32, #tpu.memory_space<hbm>>)
        tpu.yield
      }) : () -> ()
    } else {
    }
    %eq3A_279 = arith.constant 6 : i32
    %eq3A_280 = arith.cmpi eq, %arg1, %eq3A_279 : i32
    %convert_element_type3A_281 = arith.extui %eq3A_280 : i1 to i32
    %cond3A_282 = arith.constant 0 : i32
    %cond3A_283 = arith.cmpi ne, %convert_element_type3A_281, %cond3A_282 : i32
    scf.if %cond3A_283 {
      %mul3A_329 = arith.constant 161792 : i32
      %mul3A_330 = arith.muli %arg0, %mul3A_329 : i32
      %add3A_331 = arith.constant 60672 : i32
      %add3A_332 = arith.addi %mul3A_330, %add3A_331 : i32
      "tpu.region"() ({
        %run_scoped3A = tpu.sem_alloc : memref<!tpu.dma_semaphore, #tpu.memory_space<semaphore_mem>>
        %dma_start3A = tpu.memref_slice %arg6[%add3A_332] : memref<323584xf32, #tpu.memory_space<hbm>> -> memref<10112xf32, #tpu.memory_space<hbm>>
        tpu.enqueue_dma source(%arg32 : memref<10112xf32, #tpu.memory_space<vmem_shared>>) target(%dma_start3A : memref<10112xf32, #tpu.memory_space<hbm>>) target_semaphore(%run_scoped3A : memref<!tpu.dma_semaphore, #tpu.memory_space<semaphore_mem>>)
        %dma_wait3A_333 = tpu.memref_slice %arg6[%add3A_332] : memref<323584xf32, #tpu.memory_space<hbm>> -> memref<10112xf32, #tpu.memory_space<hbm>>
        tpu.wait_dma2 semaphore(%run_scoped3A : memref<!tpu.dma_semaphore, #tpu.memory_space<semaphore_mem>>) src(%arg32 : memref<10112xf32, #tpu.memory_space<vmem_shared>>) dst(%dma_wait3A_333 : memref<10112xf32, #tpu.memory_space<hbm>>)
        tpu.yield
      }) : () -> ()
    } else {
    }
    %eq3A_284 = arith.constant 7 : i32
    %eq3A_285 = arith.cmpi eq, %arg1, %eq3A_284 : i32
    %convert_element_type3A_286 = arith.extui %eq3A_285 : i1 to i32
    %cond3A_287 = arith.constant 0 : i32
    %cond3A_288 = arith.cmpi ne, %convert_element_type3A_286, %cond3A_287 : i32
    scf.if %cond3A_288 {
      %mul3A_329 = arith.constant 161792 : i32
      %mul3A_330 = arith.muli %arg0, %mul3A_329 : i32
      %add3A_331 = arith.constant 70784 : i32
      %add3A_332 = arith.addi %mul3A_330, %add3A_331 : i32
      "tpu.region"() ({
        %run_scoped3A = tpu.sem_alloc : memref<!tpu.dma_semaphore, #tpu.memory_space<semaphore_mem>>
        %dma_start3A = tpu.memref_slice %arg6[%add3A_332] : memref<323584xf32, #tpu.memory_space<hbm>> -> memref<10112xf32, #tpu.memory_space<hbm>>
        tpu.enqueue_dma source(%arg33 : memref<10112xf32, #tpu.memory_space<vmem_shared>>) target(%dma_start3A : memref<10112xf32, #tpu.memory_space<hbm>>) target_semaphore(%run_scoped3A : memref<!tpu.dma_semaphore, #tpu.memory_space<semaphore_mem>>)
        %dma_wait3A_333 = tpu.memref_slice %arg6[%add3A_332] : memref<323584xf32, #tpu.memory_space<hbm>> -> memref<10112xf32, #tpu.memory_space<hbm>>
        tpu.wait_dma2 semaphore(%run_scoped3A : memref<!tpu.dma_semaphore, #tpu.memory_space<semaphore_mem>>) src(%arg33 : memref<10112xf32, #tpu.memory_space<vmem_shared>>) dst(%dma_wait3A_333 : memref<10112xf32, #tpu.memory_space<hbm>>)
        tpu.yield
      }) : () -> ()
    } else {
    }
    %eq3A_289 = arith.constant 8 : i32
    %eq3A_290 = arith.cmpi eq, %arg1, %eq3A_289 : i32
    %convert_element_type3A_291 = arith.extui %eq3A_290 : i1 to i32
    %cond3A_292 = arith.constant 0 : i32
    %cond3A_293 = arith.cmpi ne, %convert_element_type3A_291, %cond3A_292 : i32
    scf.if %cond3A_293 {
      %mul3A_329 = arith.constant 161792 : i32
      %mul3A_330 = arith.muli %arg0, %mul3A_329 : i32
      %add3A_331 = arith.constant 80896 : i32
      %add3A_332 = arith.addi %mul3A_330, %add3A_331 : i32
      "tpu.region"() ({
        %run_scoped3A = tpu.sem_alloc : memref<!tpu.dma_semaphore, #tpu.memory_space<semaphore_mem>>
        %dma_start3A = tpu.memref_slice %arg6[%add3A_332] : memref<323584xf32, #tpu.memory_space<hbm>> -> memref<10112xf32, #tpu.memory_space<hbm>>
        tpu.enqueue_dma source(%arg34 : memref<10112xf32, #tpu.memory_space<vmem_shared>>) target(%dma_start3A : memref<10112xf32, #tpu.memory_space<hbm>>) target_semaphore(%run_scoped3A : memref<!tpu.dma_semaphore, #tpu.memory_space<semaphore_mem>>)
        %dma_wait3A_333 = tpu.memref_slice %arg6[%add3A_332] : memref<323584xf32, #tpu.memory_space<hbm>> -> memref<10112xf32, #tpu.memory_space<hbm>>
        tpu.wait_dma2 semaphore(%run_scoped3A : memref<!tpu.dma_semaphore, #tpu.memory_space<semaphore_mem>>) src(%arg34 : memref<10112xf32, #tpu.memory_space<vmem_shared>>) dst(%dma_wait3A_333 : memref<10112xf32, #tpu.memory_space<hbm>>)
        tpu.yield
      }) : () -> ()
    } else {
    }
    %eq3A_294 = arith.constant 9 : i32
    %eq3A_295 = arith.cmpi eq, %arg1, %eq3A_294 : i32
    %convert_element_type3A_296 = arith.extui %eq3A_295 : i1 to i32
    %cond3A_297 = arith.constant 0 : i32
    %cond3A_298 = arith.cmpi ne, %convert_element_type3A_296, %cond3A_297 : i32
    scf.if %cond3A_298 {
      %mul3A_329 = arith.constant 161792 : i32
      %mul3A_330 = arith.muli %arg0, %mul3A_329 : i32
      %add3A_331 = arith.constant 91008 : i32
      %add3A_332 = arith.addi %mul3A_330, %add3A_331 : i32
      "tpu.region"() ({
        %run_scoped3A = tpu.sem_alloc : memref<!tpu.dma_semaphore, #tpu.memory_space<semaphore_mem>>
        %dma_start3A = tpu.memref_slice %arg6[%add3A_332] : memref<323584xf32, #tpu.memory_space<hbm>> -> memref<10112xf32, #tpu.memory_space<hbm>>
        tpu.enqueue_dma source(%arg35 : memref<10112xf32, #tpu.memory_space<vmem_shared>>) target(%dma_start3A : memref<10112xf32, #tpu.memory_space<hbm>>) target_semaphore(%run_scoped3A : memref<!tpu.dma_semaphore, #tpu.memory_space<semaphore_mem>>)
        %dma_wait3A_333 = tpu.memref_slice %arg6[%add3A_332] : memref<323584xf32, #tpu.memory_space<hbm>> -> memref<10112xf32, #tpu.memory_space<hbm>>
        tpu.wait_dma2 semaphore(%run_scoped3A : memref<!tpu.dma_semaphore, #tpu.memory_space<semaphore_mem>>) src(%arg35 : memref<10112xf32, #tpu.memory_space<vmem_shared>>) dst(%dma_wait3A_333 : memref<10112xf32, #tpu.memory_space<hbm>>)
        tpu.yield
      }) : () -> ()
    } else {
    }
    %eq3A_299 = arith.constant 10 : i32
    %eq3A_300 = arith.cmpi eq, %arg1, %eq3A_299 : i32
    %convert_element_type3A_301 = arith.extui %eq3A_300 : i1 to i32
    %cond3A_302 = arith.constant 0 : i32
    %cond3A_303 = arith.cmpi ne, %convert_element_type3A_301, %cond3A_302 : i32
    scf.if %cond3A_303 {
      %mul3A_329 = arith.constant 161792 : i32
      %mul3A_330 = arith.muli %arg0, %mul3A_329 : i32
      %add3A_331 = arith.constant 101120 : i32
      %add3A_332 = arith.addi %mul3A_330, %add3A_331 : i32
      "tpu.region"() ({
        %run_scoped3A = tpu.sem_alloc : memref<!tpu.dma_semaphore, #tpu.memory_space<semaphore_mem>>
        %dma_start3A = tpu.memref_slice %arg6[%add3A_332] : memref<323584xf32, #tpu.memory_space<hbm>> -> memref<10112xf32, #tpu.memory_space<hbm>>
        tpu.enqueue_dma source(%arg36 : memref<10112xf32, #tpu.memory_space<vmem_shared>>) target(%dma_start3A : memref<10112xf32, #tpu.memory_space<hbm>>) target_semaphore(%run_scoped3A : memref<!tpu.dma_semaphore, #tpu.memory_space<semaphore_mem>>)
        %dma_wait3A_333 = tpu.memref_slice %arg6[%add3A_332] : memref<323584xf32, #tpu.memory_space<hbm>> -> memref<10112xf32, #tpu.memory_space<hbm>>
        tpu.wait_dma2 semaphore(%run_scoped3A : memref<!tpu.dma_semaphore, #tpu.memory_space<semaphore_mem>>) src(%arg36 : memref<10112xf32, #tpu.memory_space<vmem_shared>>) dst(%dma_wait3A_333 : memref<10112xf32, #tpu.memory_space<hbm>>)
        tpu.yield
      }) : () -> ()
    } else {
    }
    %eq3A_304 = arith.constant 11 : i32
    %eq3A_305 = arith.cmpi eq, %arg1, %eq3A_304 : i32
    %convert_element_type3A_306 = arith.extui %eq3A_305 : i1 to i32
    %cond3A_307 = arith.constant 0 : i32
    %cond3A_308 = arith.cmpi ne, %convert_element_type3A_306, %cond3A_307 : i32
    scf.if %cond3A_308 {
      %mul3A_329 = arith.constant 161792 : i32
      %mul3A_330 = arith.muli %arg0, %mul3A_329 : i32
      %add3A_331 = arith.constant 111232 : i32
      %add3A_332 = arith.addi %mul3A_330, %add3A_331 : i32
      "tpu.region"() ({
        %run_scoped3A = tpu.sem_alloc : memref<!tpu.dma_semaphore, #tpu.memory_space<semaphore_mem>>
        %dma_start3A = tpu.memref_slice %arg6[%add3A_332] : memref<323584xf32, #tpu.memory_space<hbm>> -> memref<10112xf32, #tpu.memory_space<hbm>>
        tpu.enqueue_dma source(%arg37 : memref<10112xf32, #tpu.memory_space<vmem_shared>>) target(%dma_start3A : memref<10112xf32, #tpu.memory_space<hbm>>) target_semaphore(%run_scoped3A : memref<!tpu.dma_semaphore, #tpu.memory_space<semaphore_mem>>)
        %dma_wait3A_333 = tpu.memref_slice %arg6[%add3A_332] : memref<323584xf32, #tpu.memory_space<hbm>> -> memref<10112xf32, #tpu.memory_space<hbm>>
        tpu.wait_dma2 semaphore(%run_scoped3A : memref<!tpu.dma_semaphore, #tpu.memory_space<semaphore_mem>>) src(%arg37 : memref<10112xf32, #tpu.memory_space<vmem_shared>>) dst(%dma_wait3A_333 : memref<10112xf32, #tpu.memory_space<hbm>>)
        tpu.yield
      }) : () -> ()
    } else {
    }
    %eq3A_309 = arith.constant 12 : i32
    %eq3A_310 = arith.cmpi eq, %arg1, %eq3A_309 : i32
    %convert_element_type3A_311 = arith.extui %eq3A_310 : i1 to i32
    %cond3A_312 = arith.constant 0 : i32
    %cond3A_313 = arith.cmpi ne, %convert_element_type3A_311, %cond3A_312 : i32
    scf.if %cond3A_313 {
      %mul3A_329 = arith.constant 161792 : i32
      %mul3A_330 = arith.muli %arg0, %mul3A_329 : i32
      %add3A_331 = arith.constant 121344 : i32
      %add3A_332 = arith.addi %mul3A_330, %add3A_331 : i32
      "tpu.region"() ({
        %run_scoped3A = tpu.sem_alloc : memref<!tpu.dma_semaphore, #tpu.memory_space<semaphore_mem>>
        %dma_start3A = tpu.memref_slice %arg6[%add3A_332] : memref<323584xf32, #tpu.memory_space<hbm>> -> memref<10112xf32, #tpu.memory_space<hbm>>
        tpu.enqueue_dma source(%arg38 : memref<10112xf32, #tpu.memory_space<vmem_shared>>) target(%dma_start3A : memref<10112xf32, #tpu.memory_space<hbm>>) target_semaphore(%run_scoped3A : memref<!tpu.dma_semaphore, #tpu.memory_space<semaphore_mem>>)
        %dma_wait3A_333 = tpu.memref_slice %arg6[%add3A_332] : memref<323584xf32, #tpu.memory_space<hbm>> -> memref<10112xf32, #tpu.memory_space<hbm>>
        tpu.wait_dma2 semaphore(%run_scoped3A : memref<!tpu.dma_semaphore, #tpu.memory_space<semaphore_mem>>) src(%arg38 : memref<10112xf32, #tpu.memory_space<vmem_shared>>) dst(%dma_wait3A_333 : memref<10112xf32, #tpu.memory_space<hbm>>)
        tpu.yield
      }) : () -> ()
    } else {
    }
    %eq3A_314 = arith.constant 13 : i32
    %eq3A_315 = arith.cmpi eq, %arg1, %eq3A_314 : i32
    %convert_element_type3A_316 = arith.extui %eq3A_315 : i1 to i32
    %cond3A_317 = arith.constant 0 : i32
    %cond3A_318 = arith.cmpi ne, %convert_element_type3A_316, %cond3A_317 : i32
    scf.if %cond3A_318 {
      %mul3A_329 = arith.constant 161792 : i32
      %mul3A_330 = arith.muli %arg0, %mul3A_329 : i32
      %add3A_331 = arith.constant 131456 : i32
      %add3A_332 = arith.addi %mul3A_330, %add3A_331 : i32
      "tpu.region"() ({
        %run_scoped3A = tpu.sem_alloc : memref<!tpu.dma_semaphore, #tpu.memory_space<semaphore_mem>>
        %dma_start3A = tpu.memref_slice %arg6[%add3A_332] : memref<323584xf32, #tpu.memory_space<hbm>> -> memref<10112xf32, #tpu.memory_space<hbm>>
        tpu.enqueue_dma source(%arg39 : memref<10112xf32, #tpu.memory_space<vmem_shared>>) target(%dma_start3A : memref<10112xf32, #tpu.memory_space<hbm>>) target_semaphore(%run_scoped3A : memref<!tpu.dma_semaphore, #tpu.memory_space<semaphore_mem>>)
        %dma_wait3A_333 = tpu.memref_slice %arg6[%add3A_332] : memref<323584xf32, #tpu.memory_space<hbm>> -> memref<10112xf32, #tpu.memory_space<hbm>>
        tpu.wait_dma2 semaphore(%run_scoped3A : memref<!tpu.dma_semaphore, #tpu.memory_space<semaphore_mem>>) src(%arg39 : memref<10112xf32, #tpu.memory_space<vmem_shared>>) dst(%dma_wait3A_333 : memref<10112xf32, #tpu.memory_space<hbm>>)
        tpu.yield
      }) : () -> ()
    } else {
    }
    %eq3A_319 = arith.constant 14 : i32
    %eq3A_320 = arith.cmpi eq, %arg1, %eq3A_319 : i32
    %convert_element_type3A_321 = arith.extui %eq3A_320 : i1 to i32
    %cond3A_322 = arith.constant 0 : i32
    %cond3A_323 = arith.cmpi ne, %convert_element_type3A_321, %cond3A_322 : i32
    scf.if %cond3A_323 {
      %mul3A_329 = arith.constant 161792 : i32
      %mul3A_330 = arith.muli %arg0, %mul3A_329 : i32
      %add3A_331 = arith.constant 141568 : i32
      %add3A_332 = arith.addi %mul3A_330, %add3A_331 : i32
      "tpu.region"() ({
        %run_scoped3A = tpu.sem_alloc : memref<!tpu.dma_semaphore, #tpu.memory_space<semaphore_mem>>
        %dma_start3A = tpu.memref_slice %arg6[%add3A_332] : memref<323584xf32, #tpu.memory_space<hbm>> -> memref<10112xf32, #tpu.memory_space<hbm>>
        tpu.enqueue_dma source(%arg40 : memref<10112xf32, #tpu.memory_space<vmem_shared>>) target(%dma_start3A : memref<10112xf32, #tpu.memory_space<hbm>>) target_semaphore(%run_scoped3A : memref<!tpu.dma_semaphore, #tpu.memory_space<semaphore_mem>>)
        %dma_wait3A_333 = tpu.memref_slice %arg6[%add3A_332] : memref<323584xf32, #tpu.memory_space<hbm>> -> memref<10112xf32, #tpu.memory_space<hbm>>
        tpu.wait_dma2 semaphore(%run_scoped3A : memref<!tpu.dma_semaphore, #tpu.memory_space<semaphore_mem>>) src(%arg40 : memref<10112xf32, #tpu.memory_space<vmem_shared>>) dst(%dma_wait3A_333 : memref<10112xf32, #tpu.memory_space<hbm>>)
        tpu.yield
      }) : () -> ()
    } else {
    }
    %eq3A_324 = arith.constant 15 : i32
    %eq3A_325 = arith.cmpi eq, %arg1, %eq3A_324 : i32
    %convert_element_type3A_326 = arith.extui %eq3A_325 : i1 to i32
    %cond3A_327 = arith.constant 0 : i32
    %cond3A_328 = arith.cmpi ne, %convert_element_type3A_326, %cond3A_327 : i32
    scf.if %cond3A_328 {
      %mul3A_329 = arith.constant 161792 : i32
      %mul3A_330 = arith.muli %arg0, %mul3A_329 : i32
      %add3A_331 = arith.constant 151680 : i32
      %add3A_332 = arith.addi %mul3A_330, %add3A_331 : i32
      "tpu.region"() ({
        %run_scoped3A = tpu.sem_alloc : memref<!tpu.dma_semaphore, #tpu.memory_space<semaphore_mem>>
        %dma_start3A = tpu.memref_slice %arg6[%add3A_332] : memref<323584xf32, #tpu.memory_space<hbm>> -> memref<10112xf32, #tpu.memory_space<hbm>>
        tpu.enqueue_dma source(%arg41 : memref<10112xf32, #tpu.memory_space<vmem_shared>>) target(%dma_start3A : memref<10112xf32, #tpu.memory_space<hbm>>) target_semaphore(%run_scoped3A : memref<!tpu.dma_semaphore, #tpu.memory_space<semaphore_mem>>)
        %dma_wait3A_333 = tpu.memref_slice %arg6[%add3A_332] : memref<323584xf32, #tpu.memory_space<hbm>> -> memref<10112xf32, #tpu.memory_space<hbm>>
        tpu.wait_dma2 semaphore(%run_scoped3A : memref<!tpu.dma_semaphore, #tpu.memory_space<semaphore_mem>>) src(%arg41 : memref<10112xf32, #tpu.memory_space<vmem_shared>>) dst(%dma_wait3A_333 : memref<10112xf32, #tpu.memory_space<hbm>>)
        tpu.yield
      }) : () -> ()
    } else {
    }
    return
  }
}

#map = affine_map<(d0, d1) -> (0, 0, 0)>
#map1 = affine_map<(d0, d1) -> (0)>
module attributes {stable_mosaic.version = 14 : i64} {
  func.func @_sc_degrees(%arg0: i32, %arg1: i32, %arg2: memref<32x80x128xi32, #tpu.memory_space<hbm>>, %arg3: memref<32x80x128xi32, #tpu.memory_space<hbm>>, %arg4: memref<10112xf32, #tpu.memory_space<hbm>>, %arg5: memref<128xf32, #tpu.memory_space<hbm>>, %arg6: memref<20224xf32, #tpu.memory_space<hbm>>, %arg7: memref<20224xf32, #tpu.memory_space<hbm>>, %arg8: memref<80x128xi32, #tpu.memory_space<vmem>>, %arg9: memref<80x128xi32, #tpu.memory_space<vmem>>, %arg10: memref<128xf32, #tpu.memory_space<vmem>>, %arg11: memref<10112xf32, #tpu.memory_space<vmem_shared>>, %arg12: memref<10112xf32, #tpu.memory_space<vmem_shared>>, %arg13: memref<!tpu.dma_semaphore, #tpu.memory_space<semaphore_mem>>) attributes {dimension_semantics = [#tpu.dimension_semantics<core_parallel>, #tpu.dimension_semantics<subcore_parallel>], iteration_bounds = array<i64: 2, 16>, scalar_prefetch = 0 : i64, scratch_operands = 6 : i64, tpu.core_type = #tpu.core_type<sc_vector_subcore>, window_params = [{transform_indices = #map}, {transform_indices = #map}, {transform_indices = #map1}, {transform_indices = #map1}, {transform_indices = #map1}, {transform_indices = #map1}]} {
    %mul3A = arith.constant 2 : i32
    %mul3A_0 = arith.muli %arg1, %mul3A : i32
    %add3A = arith.addi %mul3A_0, %arg0 : i32
    "tpu.region"() ({
      %run_scoped3A = tpu.sem_alloc : memref<!tpu.dma_semaphore, #tpu.memory_space<semaphore_mem>>
      %dma_start3A = arith.constant 0 : i32
      %dma_start3A_35 = arith.constant 0 : i32
      %dma_start3A_36 = tpu.memref_slice %arg2[%add3A, %dma_start3A, %dma_start3A_35] : memref<32x80x128xi32, #tpu.memory_space<hbm>> -> memref<1x80x128xi32, #tpu.memory_space<hbm>>
      %dma_start3A_37 = tpu.memref_squeeze %dma_start3A_36 : memref<1x80x128xi32, #tpu.memory_space<hbm>> -> memref<80x128xi32, #tpu.memory_space<hbm>>
      %dma_start3A_38 = arith.constant 0 : i32
      %dma_start3A_39 = arith.constant 0 : i32
      %dma_start3A_40 = tpu.memref_slice %arg2[%add3A, %dma_start3A_38, %dma_start3A_39] : memref<32x80x128xi32, #tpu.memory_space<hbm>> -> memref<1x80x128xi32, #tpu.memory_space<hbm>>
      %dma_start3A_41 = tpu.memref_squeeze %dma_start3A_40 : memref<1x80x128xi32, #tpu.memory_space<hbm>> -> memref<80x128xi32, #tpu.memory_space<hbm>>
      tpu.enqueue_dma source(%dma_start3A_41 : memref<80x128xi32, #tpu.memory_space<hbm>>) target(%arg8 : memref<80x128xi32, #tpu.memory_space<vmem>>) target_semaphore(%run_scoped3A : memref<!tpu.dma_semaphore, #tpu.memory_space<semaphore_mem>>)
      %dma_wait3A_42 = arith.constant 0 : i32
      %dma_wait3A_43 = arith.constant 0 : i32
      %dma_wait3A_44 = tpu.memref_slice %arg2[%add3A, %dma_wait3A_42, %dma_wait3A_43] : memref<32x80x128xi32, #tpu.memory_space<hbm>> -> memref<1x80x128xi32, #tpu.memory_space<hbm>>
      %dma_wait3A_45 = tpu.memref_squeeze %dma_wait3A_44 : memref<1x80x128xi32, #tpu.memory_space<hbm>> -> memref<80x128xi32, #tpu.memory_space<hbm>>
      %dma_wait3A_46 = arith.constant 0 : i32
      %dma_wait3A_47 = arith.constant 0 : i32
      %dma_wait3A_48 = tpu.memref_slice %arg2[%add3A, %dma_wait3A_46, %dma_wait3A_47] : memref<32x80x128xi32, #tpu.memory_space<hbm>> -> memref<1x80x128xi32, #tpu.memory_space<hbm>>
      %dma_wait3A_49 = tpu.memref_squeeze %dma_wait3A_48 : memref<1x80x128xi32, #tpu.memory_space<hbm>> -> memref<80x128xi32, #tpu.memory_space<hbm>>
      tpu.wait_dma2 semaphore(%run_scoped3A : memref<!tpu.dma_semaphore, #tpu.memory_space<semaphore_mem>>) src(%dma_wait3A_49 : memref<80x128xi32, #tpu.memory_space<hbm>>) dst(%arg8 : memref<80x128xi32, #tpu.memory_space<vmem>>)
      tpu.yield
    }) : () -> ()
    "tpu.region"() ({
      %run_scoped3A = tpu.sem_alloc : memref<!tpu.dma_semaphore, #tpu.memory_space<semaphore_mem>>
      %dma_start3A = arith.constant 0 : i32
      %dma_start3A_35 = arith.constant 0 : i32
      %dma_start3A_36 = tpu.memref_slice %arg3[%add3A, %dma_start3A, %dma_start3A_35] : memref<32x80x128xi32, #tpu.memory_space<hbm>> -> memref<1x80x128xi32, #tpu.memory_space<hbm>>
      %dma_start3A_37 = tpu.memref_squeeze %dma_start3A_36 : memref<1x80x128xi32, #tpu.memory_space<hbm>> -> memref<80x128xi32, #tpu.memory_space<hbm>>
      %dma_start3A_38 = arith.constant 0 : i32
      %dma_start3A_39 = arith.constant 0 : i32
      %dma_start3A_40 = tpu.memref_slice %arg3[%add3A, %dma_start3A_38, %dma_start3A_39] : memref<32x80x128xi32, #tpu.memory_space<hbm>> -> memref<1x80x128xi32, #tpu.memory_space<hbm>>
      %dma_start3A_41 = tpu.memref_squeeze %dma_start3A_40 : memref<1x80x128xi32, #tpu.memory_space<hbm>> -> memref<80x128xi32, #tpu.memory_space<hbm>>
      tpu.enqueue_dma source(%dma_start3A_41 : memref<80x128xi32, #tpu.memory_space<hbm>>) target(%arg9 : memref<80x128xi32, #tpu.memory_space<vmem>>) target_semaphore(%run_scoped3A : memref<!tpu.dma_semaphore, #tpu.memory_space<semaphore_mem>>)
      %dma_wait3A_42 = arith.constant 0 : i32
      %dma_wait3A_43 = arith.constant 0 : i32
      %dma_wait3A_44 = tpu.memref_slice %arg3[%add3A, %dma_wait3A_42, %dma_wait3A_43] : memref<32x80x128xi32, #tpu.memory_space<hbm>> -> memref<1x80x128xi32, #tpu.memory_space<hbm>>
      %dma_wait3A_45 = tpu.memref_squeeze %dma_wait3A_44 : memref<1x80x128xi32, #tpu.memory_space<hbm>> -> memref<80x128xi32, #tpu.memory_space<hbm>>
      %dma_wait3A_46 = arith.constant 0 : i32
      %dma_wait3A_47 = arith.constant 0 : i32
      %dma_wait3A_48 = tpu.memref_slice %arg3[%add3A, %dma_wait3A_46, %dma_wait3A_47] : memref<32x80x128xi32, #tpu.memory_space<hbm>> -> memref<1x80x128xi32, #tpu.memory_space<hbm>>
      %dma_wait3A_49 = tpu.memref_squeeze %dma_wait3A_48 : memref<1x80x128xi32, #tpu.memory_space<hbm>> -> memref<80x128xi32, #tpu.memory_space<hbm>>
      tpu.wait_dma2 semaphore(%run_scoped3A : memref<!tpu.dma_semaphore, #tpu.memory_space<semaphore_mem>>) src(%dma_wait3A_49 : memref<80x128xi32, #tpu.memory_space<hbm>>) dst(%arg9 : memref<80x128xi32, #tpu.memory_space<vmem>>)
      tpu.yield
    }) : () -> ()
    "tpu.region"() ({
      %run_scoped3A = tpu.sem_alloc : memref<!tpu.dma_semaphore, #tpu.memory_space<semaphore_mem>>
      tpu.enqueue_dma source(%arg5 : memref<128xf32, #tpu.memory_space<hbm>>) target(%arg10 : memref<128xf32, #tpu.memory_space<vmem>>) target_semaphore(%run_scoped3A : memref<!tpu.dma_semaphore, #tpu.memory_space<semaphore_mem>>)
      tpu.wait_dma2 semaphore(%run_scoped3A : memref<!tpu.dma_semaphore, #tpu.memory_space<semaphore_mem>>) src(%arg5 : memref<128xf32, #tpu.memory_space<hbm>>) dst(%arg10 : memref<128xf32, #tpu.memory_space<vmem>>)
      tpu.yield
    }) : () -> ()
    %eq3A = arith.constant 0 : i32
    %eq3A_1 = arith.cmpi eq, %arg1, %eq3A : i32
    %convert_element_type3A = arith.extui %eq3A_1 : i1 to i32
    %cond3A = arith.constant 0 : i32
    %cond3A_2 = arith.cmpi ne, %convert_element_type3A, %cond3A : i32
    scf.if %cond3A_2 {
      "tpu.region"() ({
        %run_scoped3A = tpu.sem_alloc : memref<!tpu.dma_semaphore, #tpu.memory_space<semaphore_mem>>
        tpu.enqueue_dma source(%arg4 : memref<10112xf32, #tpu.memory_space<hbm>>) target(%arg11 : memref<10112xf32, #tpu.memory_space<vmem_shared>>) target_semaphore(%run_scoped3A : memref<!tpu.dma_semaphore, #tpu.memory_space<semaphore_mem>>)
        tpu.wait_dma2 semaphore(%run_scoped3A : memref<!tpu.dma_semaphore, #tpu.memory_space<semaphore_mem>>) src(%arg4 : memref<10112xf32, #tpu.memory_space<hbm>>) dst(%arg11 : memref<10112xf32, #tpu.memory_space<vmem_shared>>)
        tpu.yield
      }) : () -> ()
    } else {
    }
    %eq3A_3 = arith.constant 1 : i32
    %eq3A_4 = arith.cmpi eq, %arg1, %eq3A_3 : i32
    %convert_element_type3A_5 = arith.extui %eq3A_4 : i1 to i32
    %cond3A_6 = arith.constant 0 : i32
    %cond3A_7 = arith.cmpi ne, %convert_element_type3A_5, %cond3A_6 : i32
    scf.if %cond3A_7 {
      "tpu.region"() ({
        %run_scoped3A = tpu.sem_alloc : memref<!tpu.dma_semaphore, #tpu.memory_space<semaphore_mem>>
        tpu.enqueue_dma source(%arg4 : memref<10112xf32, #tpu.memory_space<hbm>>) target(%arg12 : memref<10112xf32, #tpu.memory_space<vmem_shared>>) target_semaphore(%run_scoped3A : memref<!tpu.dma_semaphore, #tpu.memory_space<semaphore_mem>>)
        tpu.wait_dma2 semaphore(%run_scoped3A : memref<!tpu.dma_semaphore, #tpu.memory_space<semaphore_mem>>) src(%arg4 : memref<10112xf32, #tpu.memory_space<hbm>>) dst(%arg12 : memref<10112xf32, #tpu.memory_space<vmem_shared>>)
        tpu.yield
      }) : () -> ()
    } else {
    }
    %barrier3A = arith.constant 0 : index
    tpu.barrier barrier_id(%barrier3A)
    %scan3A = arith.constant 0 : i32
    %scan3A_8 = arith.constant 0 : i32
    %scan3A_9 = arith.constant 80 : i32
    %scan3A_10 = arith.addi %scan3A_8, %scan3A_9 : i32
    %scan3A_11 = arith.constant 1 : i32
    scf.for %scan3A_35 = %scan3A_8 to %scan3A_10 step %scan3A_11  : i32 {
      %gt3A = arith.constant 0 : i32
      %gt3A_36 = arith.cmpi sgt, %scan3A_35, %gt3A : i32
      %convert_element_type3A_37 = arith.extui %gt3A_36 : i1 to i32
      %cond3A_38 = arith.constant 0 : i32
      %cond3A_39 = arith.cmpi ne, %convert_element_type3A_37, %cond3A_38 : i32
      scf.if %cond3A_39 {
        %dma_wait3A_49 = arith.constant 0 : i32
        %dma_wait3A_50 = tpu.memref_slice %arg8[%scan3A_35, %dma_wait3A_49] : memref<80x128xi32, #tpu.memory_space<vmem>> -> memref<1x128xi32, #tpu.memory_space<vmem>>
        %dma_wait3A_51 = tpu.memref_squeeze %dma_wait3A_50 : memref<1x128xi32, #tpu.memory_space<vmem>> -> memref<128xi32, #tpu.memory_space<vmem>>
        %dma_wait3A_52 = arith.constant 0 : i32
        %dma_wait3A_53 = tpu.memref_slice %arg11[%dma_wait3A_52] : memref<10112xf32, #tpu.memory_space<vmem_shared>> -> memref<10112xf32, #tpu.memory_space<vmem_shared>>
        tpu.wait_indirect_dma semaphore(%arg13 : memref<!tpu.dma_semaphore, #tpu.memory_space<semaphore_mem>>) src(%arg10 : memref<128xf32, #tpu.memory_space<vmem>>) dst(%dma_wait3A_53 : memref<10112xf32, #tpu.memory_space<vmem_shared>>)
        %dma_wait3A_54 = arith.constant 0 : i32
        %dma_wait3A_55 = tpu.memref_slice %arg9[%scan3A_35, %dma_wait3A_54] : memref<80x128xi32, #tpu.memory_space<vmem>> -> memref<1x128xi32, #tpu.memory_space<vmem>>
        %dma_wait3A_56 = tpu.memref_squeeze %dma_wait3A_55 : memref<1x128xi32, #tpu.memory_space<vmem>> -> memref<128xi32, #tpu.memory_space<vmem>>
        %dma_wait3A_57 = arith.constant 0 : i32
        %dma_wait3A_58 = tpu.memref_slice %arg12[%dma_wait3A_57] : memref<10112xf32, #tpu.memory_space<vmem_shared>> -> memref<10112xf32, #tpu.memory_space<vmem_shared>>
        tpu.wait_indirect_dma semaphore(%arg13 : memref<!tpu.dma_semaphore, #tpu.memory_space<semaphore_mem>>) src(%arg10 : memref<128xf32, #tpu.memory_space<vmem>>) dst(%dma_wait3A_58 : memref<10112xf32, #tpu.memory_space<vmem_shared>>)
      } else {
      }
      %dma_start3A = arith.constant 0 : i32
      %dma_start3A_40 = tpu.memref_slice %arg8[%scan3A_35, %dma_start3A] : memref<80x128xi32, #tpu.memory_space<vmem>> -> memref<1x128xi32, #tpu.memory_space<vmem>>
      %dma_start3A_41 = tpu.memref_squeeze %dma_start3A_40 : memref<1x128xi32, #tpu.memory_space<vmem>> -> memref<128xi32, #tpu.memory_space<vmem>>
      %dma_start3A_42 = arith.constant 0 : i32
      %dma_start3A_43 = tpu.memref_slice %arg11[%dma_start3A_42] : memref<10112xf32, #tpu.memory_space<vmem_shared>> -> memref<10112xf32, #tpu.memory_space<vmem_shared>>
      tpu.enqueue_indirect_dma source(%arg10 : memref<128xf32, #tpu.memory_space<vmem>>) target(%dma_start3A_43 : memref<10112xf32, #tpu.memory_space<vmem_shared>>) offsets(%dma_start3A_41 : memref<128xi32, #tpu.memory_space<vmem>>) semaphore(%arg13 : memref<!tpu.dma_semaphore, #tpu.memory_space<semaphore_mem>>) {add = true}
      %dma_start3A_44 = arith.constant 0 : i32
      %dma_start3A_45 = tpu.memref_slice %arg9[%scan3A_35, %dma_start3A_44] : memref<80x128xi32, #tpu.memory_space<vmem>> -> memref<1x128xi32, #tpu.memory_space<vmem>>
      %dma_start3A_46 = tpu.memref_squeeze %dma_start3A_45 : memref<1x128xi32, #tpu.memory_space<vmem>> -> memref<128xi32, #tpu.memory_space<vmem>>
      %dma_start3A_47 = arith.constant 0 : i32
      %dma_start3A_48 = tpu.memref_slice %arg12[%dma_start3A_47] : memref<10112xf32, #tpu.memory_space<vmem_shared>> -> memref<10112xf32, #tpu.memory_space<vmem_shared>>
      tpu.enqueue_indirect_dma source(%arg10 : memref<128xf32, #tpu.memory_space<vmem>>) target(%dma_start3A_48 : memref<10112xf32, #tpu.memory_space<vmem_shared>>) offsets(%dma_start3A_46 : memref<128xi32, #tpu.memory_space<vmem>>) semaphore(%arg13 : memref<!tpu.dma_semaphore, #tpu.memory_space<semaphore_mem>>) {add = true}
    }
    %scan3A_12 = arith.constant 80 : i32
    %dma_wait3A = arith.constant 79 : i32
    %dma_wait3A_13 = arith.constant 0 : i32
    %dma_wait3A_14 = tpu.memref_slice %arg8[%dma_wait3A, %dma_wait3A_13] : memref<80x128xi32, #tpu.memory_space<vmem>> -> memref<1x128xi32, #tpu.memory_space<vmem>>
    %dma_wait3A_15 = tpu.memref_squeeze %dma_wait3A_14 : memref<1x128xi32, #tpu.memory_space<vmem>> -> memref<128xi32, #tpu.memory_space<vmem>>
    %dma_wait3A_16 = arith.constant 0 : i32
    %dma_wait3A_17 = tpu.memref_slice %arg11[%dma_wait3A_16] : memref<10112xf32, #tpu.memory_space<vmem_shared>> -> memref<10112xf32, #tpu.memory_space<vmem_shared>>
    tpu.wait_indirect_dma semaphore(%arg13 : memref<!tpu.dma_semaphore, #tpu.memory_space<semaphore_mem>>) src(%arg10 : memref<128xf32, #tpu.memory_space<vmem>>) dst(%dma_wait3A_17 : memref<10112xf32, #tpu.memory_space<vmem_shared>>)
    %dma_wait3A_18 = arith.constant 79 : i32
    %dma_wait3A_19 = arith.constant 0 : i32
    %dma_wait3A_20 = tpu.memref_slice %arg9[%dma_wait3A_18, %dma_wait3A_19] : memref<80x128xi32, #tpu.memory_space<vmem>> -> memref<1x128xi32, #tpu.memory_space<vmem>>
    %dma_wait3A_21 = tpu.memref_squeeze %dma_wait3A_20 : memref<1x128xi32, #tpu.memory_space<vmem>> -> memref<128xi32, #tpu.memory_space<vmem>>
    %dma_wait3A_22 = arith.constant 0 : i32
    %dma_wait3A_23 = tpu.memref_slice %arg12[%dma_wait3A_22] : memref<10112xf32, #tpu.memory_space<vmem_shared>> -> memref<10112xf32, #tpu.memory_space<vmem_shared>>
    tpu.wait_indirect_dma semaphore(%arg13 : memref<!tpu.dma_semaphore, #tpu.memory_space<semaphore_mem>>) src(%arg10 : memref<128xf32, #tpu.memory_space<vmem>>) dst(%dma_wait3A_23 : memref<10112xf32, #tpu.memory_space<vmem_shared>>)
    %barrier3A_24 = arith.constant 0 : index
    tpu.barrier barrier_id(%barrier3A_24)
    %eq3A_25 = arith.constant 0 : i32
    %eq3A_26 = arith.cmpi eq, %arg1, %eq3A_25 : i32
    %convert_element_type3A_27 = arith.extui %eq3A_26 : i1 to i32
    %cond3A_28 = arith.constant 0 : i32
    %cond3A_29 = arith.cmpi ne, %convert_element_type3A_27, %cond3A_28 : i32
    scf.if %cond3A_29 {
      %mul3A_35 = arith.constant 10112 : i32
      %mul3A_36 = arith.muli %arg0, %mul3A_35 : i32
      "tpu.region"() ({
        %run_scoped3A = tpu.sem_alloc : memref<!tpu.dma_semaphore, #tpu.memory_space<semaphore_mem>>
        %dma_start3A = tpu.memref_slice %arg6[%mul3A_36] : memref<20224xf32, #tpu.memory_space<hbm>> -> memref<10112xf32, #tpu.memory_space<hbm>>
        tpu.enqueue_dma source(%arg11 : memref<10112xf32, #tpu.memory_space<vmem_shared>>) target(%dma_start3A : memref<10112xf32, #tpu.memory_space<hbm>>) target_semaphore(%run_scoped3A : memref<!tpu.dma_semaphore, #tpu.memory_space<semaphore_mem>>)
        %dma_wait3A_37 = tpu.memref_slice %arg6[%mul3A_36] : memref<20224xf32, #tpu.memory_space<hbm>> -> memref<10112xf32, #tpu.memory_space<hbm>>
        tpu.wait_dma2 semaphore(%run_scoped3A : memref<!tpu.dma_semaphore, #tpu.memory_space<semaphore_mem>>) src(%arg11 : memref<10112xf32, #tpu.memory_space<vmem_shared>>) dst(%dma_wait3A_37 : memref<10112xf32, #tpu.memory_space<hbm>>)
        tpu.yield
      }) : () -> ()
    } else {
    }
    %eq3A_30 = arith.constant 1 : i32
    %eq3A_31 = arith.cmpi eq, %arg1, %eq3A_30 : i32
    %convert_element_type3A_32 = arith.extui %eq3A_31 : i1 to i32
    %cond3A_33 = arith.constant 0 : i32
    %cond3A_34 = arith.cmpi ne, %convert_element_type3A_32, %cond3A_33 : i32
    scf.if %cond3A_34 {
      %mul3A_35 = arith.constant 10112 : i32
      %mul3A_36 = arith.muli %arg0, %mul3A_35 : i32
      "tpu.region"() ({
        %run_scoped3A = tpu.sem_alloc : memref<!tpu.dma_semaphore, #tpu.memory_space<semaphore_mem>>
        %dma_start3A = tpu.memref_slice %arg7[%mul3A_36] : memref<20224xf32, #tpu.memory_space<hbm>> -> memref<10112xf32, #tpu.memory_space<hbm>>
        tpu.enqueue_dma source(%arg12 : memref<10112xf32, #tpu.memory_space<vmem_shared>>) target(%dma_start3A : memref<10112xf32, #tpu.memory_space<hbm>>) target_semaphore(%run_scoped3A : memref<!tpu.dma_semaphore, #tpu.memory_space<semaphore_mem>>)
        %dma_wait3A_37 = tpu.memref_slice %arg7[%mul3A_36] : memref<20224xf32, #tpu.memory_space<hbm>> -> memref<10112xf32, #tpu.memory_space<hbm>>
        tpu.wait_dma2 semaphore(%run_scoped3A : memref<!tpu.dma_semaphore, #tpu.memory_space<semaphore_mem>>) src(%arg12 : memref<10112xf32, #tpu.memory_space<vmem_shared>>) dst(%dma_wait3A_37 : memref<10112xf32, #tpu.memory_space<hbm>>)
        tpu.yield
      }) : () -> ()
    } else {
    }
    return
  }
}

#map = affine_map<(d0, d1) -> (0, 0, 0)>
#map1 = affine_map<(d0, d1) -> (0)>
module attributes {stable_mosaic.version = 14 : i64} {
  func.func @_sc_layer2(%arg0: i32, %arg1: i32, %arg2: memref<32x80x128xi32, #tpu.memory_space<hbm>>, %arg3: memref<32x80x128xi32, #tpu.memory_space<hbm>>, %arg4: memref<10112xf32, #tpu.memory_space<hbm>>, %arg5: memref<10112xf32, #tpu.memory_space<hbm>>, %arg6: memref<20224xf32, #tpu.memory_space<hbm>>, %arg7: memref<80x128xi32, #tpu.memory_space<vmem>>, %arg8: memref<80x128xi32, #tpu.memory_space<vmem>>, %arg9: memref<128xf32, #tpu.memory_space<vmem>>, %arg10: memref<10112xf32, #tpu.memory_space<vmem_shared>>, %arg11: memref<10112xf32, #tpu.memory_space<vmem_shared>>, %arg12: memref<!tpu.dma_semaphore, #tpu.memory_space<semaphore_mem>>, %arg13: memref<!tpu.dma_semaphore, #tpu.memory_space<semaphore_mem>>) attributes {dimension_semantics = [#tpu.dimension_semantics<core_parallel>, #tpu.dimension_semantics<subcore_parallel>], iteration_bounds = array<i64: 2, 16>, scalar_prefetch = 0 : i64, scratch_operands = 7 : i64, tpu.core_type = #tpu.core_type<sc_vector_subcore>, window_params = [{transform_indices = #map}, {transform_indices = #map}, {transform_indices = #map1}, {transform_indices = #map1}, {transform_indices = #map1}]} {
    %mul3A = arith.constant 2 : i32
    %mul3A_0 = arith.muli %arg1, %mul3A : i32
    %add3A = arith.addi %mul3A_0, %arg0 : i32
    "tpu.region"() ({
      %run_scoped3A = tpu.sem_alloc : memref<!tpu.dma_semaphore, #tpu.memory_space<semaphore_mem>>
      %dma_start3A = arith.constant 0 : i32
      %dma_start3A_24 = arith.constant 0 : i32
      %dma_start3A_25 = tpu.memref_slice %arg2[%add3A, %dma_start3A, %dma_start3A_24] : memref<32x80x128xi32, #tpu.memory_space<hbm>> -> memref<1x80x128xi32, #tpu.memory_space<hbm>>
      %dma_start3A_26 = tpu.memref_squeeze %dma_start3A_25 : memref<1x80x128xi32, #tpu.memory_space<hbm>> -> memref<80x128xi32, #tpu.memory_space<hbm>>
      %dma_start3A_27 = arith.constant 0 : i32
      %dma_start3A_28 = arith.constant 0 : i32
      %dma_start3A_29 = tpu.memref_slice %arg2[%add3A, %dma_start3A_27, %dma_start3A_28] : memref<32x80x128xi32, #tpu.memory_space<hbm>> -> memref<1x80x128xi32, #tpu.memory_space<hbm>>
      %dma_start3A_30 = tpu.memref_squeeze %dma_start3A_29 : memref<1x80x128xi32, #tpu.memory_space<hbm>> -> memref<80x128xi32, #tpu.memory_space<hbm>>
      tpu.enqueue_dma source(%dma_start3A_30 : memref<80x128xi32, #tpu.memory_space<hbm>>) target(%arg7 : memref<80x128xi32, #tpu.memory_space<vmem>>) target_semaphore(%run_scoped3A : memref<!tpu.dma_semaphore, #tpu.memory_space<semaphore_mem>>)
      %dma_wait3A_31 = arith.constant 0 : i32
      %dma_wait3A_32 = arith.constant 0 : i32
      %dma_wait3A_33 = tpu.memref_slice %arg2[%add3A, %dma_wait3A_31, %dma_wait3A_32] : memref<32x80x128xi32, #tpu.memory_space<hbm>> -> memref<1x80x128xi32, #tpu.memory_space<hbm>>
      %dma_wait3A_34 = tpu.memref_squeeze %dma_wait3A_33 : memref<1x80x128xi32, #tpu.memory_space<hbm>> -> memref<80x128xi32, #tpu.memory_space<hbm>>
      %dma_wait3A_35 = arith.constant 0 : i32
      %dma_wait3A_36 = arith.constant 0 : i32
      %dma_wait3A_37 = tpu.memref_slice %arg2[%add3A, %dma_wait3A_35, %dma_wait3A_36] : memref<32x80x128xi32, #tpu.memory_space<hbm>> -> memref<1x80x128xi32, #tpu.memory_space<hbm>>
      %dma_wait3A_38 = tpu.memref_squeeze %dma_wait3A_37 : memref<1x80x128xi32, #tpu.memory_space<hbm>> -> memref<80x128xi32, #tpu.memory_space<hbm>>
      tpu.wait_dma2 semaphore(%run_scoped3A : memref<!tpu.dma_semaphore, #tpu.memory_space<semaphore_mem>>) src(%dma_wait3A_38 : memref<80x128xi32, #tpu.memory_space<hbm>>) dst(%arg7 : memref<80x128xi32, #tpu.memory_space<vmem>>)
      tpu.yield
    }) : () -> ()
    "tpu.region"() ({
      %run_scoped3A = tpu.sem_alloc : memref<!tpu.dma_semaphore, #tpu.memory_space<semaphore_mem>>
      %dma_start3A = arith.constant 0 : i32
      %dma_start3A_24 = arith.constant 0 : i32
      %dma_start3A_25 = tpu.memref_slice %arg3[%add3A, %dma_start3A, %dma_start3A_24] : memref<32x80x128xi32, #tpu.memory_space<hbm>> -> memref<1x80x128xi32, #tpu.memory_space<hbm>>
      %dma_start3A_26 = tpu.memref_squeeze %dma_start3A_25 : memref<1x80x128xi32, #tpu.memory_space<hbm>> -> memref<80x128xi32, #tpu.memory_space<hbm>>
      %dma_start3A_27 = arith.constant 0 : i32
      %dma_start3A_28 = arith.constant 0 : i32
      %dma_start3A_29 = tpu.memref_slice %arg3[%add3A, %dma_start3A_27, %dma_start3A_28] : memref<32x80x128xi32, #tpu.memory_space<hbm>> -> memref<1x80x128xi32, #tpu.memory_space<hbm>>
      %dma_start3A_30 = tpu.memref_squeeze %dma_start3A_29 : memref<1x80x128xi32, #tpu.memory_space<hbm>> -> memref<80x128xi32, #tpu.memory_space<hbm>>
      tpu.enqueue_dma source(%dma_start3A_30 : memref<80x128xi32, #tpu.memory_space<hbm>>) target(%arg8 : memref<80x128xi32, #tpu.memory_space<vmem>>) target_semaphore(%run_scoped3A : memref<!tpu.dma_semaphore, #tpu.memory_space<semaphore_mem>>)
      %dma_wait3A_31 = arith.constant 0 : i32
      %dma_wait3A_32 = arith.constant 0 : i32
      %dma_wait3A_33 = tpu.memref_slice %arg3[%add3A, %dma_wait3A_31, %dma_wait3A_32] : memref<32x80x128xi32, #tpu.memory_space<hbm>> -> memref<1x80x128xi32, #tpu.memory_space<hbm>>
      %dma_wait3A_34 = tpu.memref_squeeze %dma_wait3A_33 : memref<1x80x128xi32, #tpu.memory_space<hbm>> -> memref<80x128xi32, #tpu.memory_space<hbm>>
      %dma_wait3A_35 = arith.constant 0 : i32
      %dma_wait3A_36 = arith.constant 0 : i32
      %dma_wait3A_37 = tpu.memref_slice %arg3[%add3A, %dma_wait3A_35, %dma_wait3A_36] : memref<32x80x128xi32, #tpu.memory_space<hbm>> -> memref<1x80x128xi32, #tpu.memory_space<hbm>>
      %dma_wait3A_38 = tpu.memref_squeeze %dma_wait3A_37 : memref<1x80x128xi32, #tpu.memory_space<hbm>> -> memref<80x128xi32, #tpu.memory_space<hbm>>
      tpu.wait_dma2 semaphore(%run_scoped3A : memref<!tpu.dma_semaphore, #tpu.memory_space<semaphore_mem>>) src(%dma_wait3A_38 : memref<80x128xi32, #tpu.memory_space<hbm>>) dst(%arg8 : memref<80x128xi32, #tpu.memory_space<vmem>>)
      tpu.yield
    }) : () -> ()
    %eq3A = arith.constant 0 : i32
    %eq3A_1 = arith.cmpi eq, %arg1, %eq3A : i32
    %convert_element_type3A = arith.extui %eq3A_1 : i1 to i32
    %cond3A = arith.constant 0 : i32
    %cond3A_2 = arith.cmpi ne, %convert_element_type3A, %cond3A : i32
    scf.if %cond3A_2 {
      "tpu.region"() ({
        %run_scoped3A = tpu.sem_alloc : memref<!tpu.dma_semaphore, #tpu.memory_space<semaphore_mem>>
        tpu.enqueue_dma source(%arg4 : memref<10112xf32, #tpu.memory_space<hbm>>) target(%arg10 : memref<10112xf32, #tpu.memory_space<vmem_shared>>) target_semaphore(%run_scoped3A : memref<!tpu.dma_semaphore, #tpu.memory_space<semaphore_mem>>)
        tpu.wait_dma2 semaphore(%run_scoped3A : memref<!tpu.dma_semaphore, #tpu.memory_space<semaphore_mem>>) src(%arg4 : memref<10112xf32, #tpu.memory_space<hbm>>) dst(%arg10 : memref<10112xf32, #tpu.memory_space<vmem_shared>>)
        tpu.yield
      }) : () -> ()
    } else {
    }
    %eq3A_3 = arith.constant 1 : i32
    %eq3A_4 = arith.cmpi eq, %arg1, %eq3A_3 : i32
    %convert_element_type3A_5 = arith.extui %eq3A_4 : i1 to i32
    %cond3A_6 = arith.constant 0 : i32
    %cond3A_7 = arith.cmpi ne, %convert_element_type3A_5, %cond3A_6 : i32
    scf.if %cond3A_7 {
      "tpu.region"() ({
        %run_scoped3A = tpu.sem_alloc : memref<!tpu.dma_semaphore, #tpu.memory_space<semaphore_mem>>
        tpu.enqueue_dma source(%arg5 : memref<10112xf32, #tpu.memory_space<hbm>>) target(%arg11 : memref<10112xf32, #tpu.memory_space<vmem_shared>>) target_semaphore(%run_scoped3A : memref<!tpu.dma_semaphore, #tpu.memory_space<semaphore_mem>>)
        tpu.wait_dma2 semaphore(%run_scoped3A : memref<!tpu.dma_semaphore, #tpu.memory_space<semaphore_mem>>) src(%arg5 : memref<10112xf32, #tpu.memory_space<hbm>>) dst(%arg11 : memref<10112xf32, #tpu.memory_space<vmem_shared>>)
        tpu.yield
      }) : () -> ()
    } else {
    }
    %barrier3A = arith.constant 0 : index
    tpu.barrier barrier_id(%barrier3A)
    %scan3A = arith.constant 0 : i32
    %scan3A_8 = arith.constant 0 : i32
    %scan3A_9 = arith.constant 80 : i32
    %scan3A_10 = arith.addi %scan3A_8, %scan3A_9 : i32
    %scan3A_11 = arith.constant 1 : i32
    scf.for %scan3A_24 = %scan3A_8 to %scan3A_10 step %scan3A_11  : i32 {
      %gt3A = arith.constant 0 : i32
      %gt3A_25 = arith.cmpi sgt, %scan3A_24, %gt3A : i32
      %convert_element_type3A_26 = arith.extui %gt3A_25 : i1 to i32
      %cond3A_27 = arith.constant 0 : i32
      %cond3A_28 = arith.cmpi ne, %convert_element_type3A_26, %cond3A_27 : i32
      scf.if %cond3A_28 {
        %dma_wait3A_43 = arith.constant 0 : i32
        %dma_wait3A_44 = tpu.memref_slice %arg8[%scan3A_24, %dma_wait3A_43] : memref<80x128xi32, #tpu.memory_space<vmem>> -> memref<1x128xi32, #tpu.memory_space<vmem>>
        %dma_wait3A_45 = tpu.memref_squeeze %dma_wait3A_44 : memref<1x128xi32, #tpu.memory_space<vmem>> -> memref<128xi32, #tpu.memory_space<vmem>>
        %dma_wait3A_46 = arith.constant 0 : i32
        %dma_wait3A_47 = tpu.memref_slice %arg11[%dma_wait3A_46] : memref<10112xf32, #tpu.memory_space<vmem_shared>> -> memref<10112xf32, #tpu.memory_space<vmem_shared>>
        tpu.wait_indirect_dma semaphore(%arg13 : memref<!tpu.dma_semaphore, #tpu.memory_space<semaphore_mem>>) src(%arg9 : memref<128xf32, #tpu.memory_space<vmem>>) dst(%dma_wait3A_47 : memref<10112xf32, #tpu.memory_space<vmem_shared>>)
      } else {
      }
      %dma_start3A = arith.constant 0 : i32
      %dma_start3A_29 = tpu.memref_slice %arg7[%scan3A_24, %dma_start3A] : memref<80x128xi32, #tpu.memory_space<vmem>> -> memref<1x128xi32, #tpu.memory_space<vmem>>
      %dma_start3A_30 = tpu.memref_squeeze %dma_start3A_29 : memref<1x128xi32, #tpu.memory_space<vmem>> -> memref<128xi32, #tpu.memory_space<vmem>>
      %dma_start3A_31 = arith.constant 0 : i32
      %dma_start3A_32 = tpu.memref_slice %arg10[%dma_start3A_31] : memref<10112xf32, #tpu.memory_space<vmem_shared>> -> memref<10112xf32, #tpu.memory_space<vmem_shared>>
      tpu.enqueue_indirect_dma source(%dma_start3A_32 : memref<10112xf32, #tpu.memory_space<vmem_shared>>) target(%arg9 : memref<128xf32, #tpu.memory_space<vmem>>) offsets(%dma_start3A_30 : memref<128xi32, #tpu.memory_space<vmem>>) semaphore(%arg12 : memref<!tpu.dma_semaphore, #tpu.memory_space<semaphore_mem>>)
      %dma_wait3A_33 = arith.constant 0 : i32
      %dma_wait3A_34 = tpu.memref_slice %arg7[%scan3A_24, %dma_wait3A_33] : memref<80x128xi32, #tpu.memory_space<vmem>> -> memref<1x128xi32, #tpu.memory_space<vmem>>
      %dma_wait3A_35 = tpu.memref_squeeze %dma_wait3A_34 : memref<1x128xi32, #tpu.memory_space<vmem>> -> memref<128xi32, #tpu.memory_space<vmem>>
      %dma_wait3A_36 = arith.constant 0 : i32
      %dma_wait3A_37 = tpu.memref_slice %arg10[%dma_wait3A_36] : memref<10112xf32, #tpu.memory_space<vmem_shared>> -> memref<10112xf32, #tpu.memory_space<vmem_shared>>
      tpu.wait_indirect_dma semaphore(%arg12 : memref<!tpu.dma_semaphore, #tpu.memory_space<semaphore_mem>>) src(%dma_wait3A_37 : memref<10112xf32, #tpu.memory_space<vmem_shared>>) dst(%arg9 : memref<128xf32, #tpu.memory_space<vmem>>)
      %dma_start3A_38 = arith.constant 0 : i32
      %dma_start3A_39 = tpu.memref_slice %arg8[%scan3A_24, %dma_start3A_38] : memref<80x128xi32, #tpu.memory_space<vmem>> -> memref<1x128xi32, #tpu.memory_space<vmem>>
      %dma_start3A_40 = tpu.memref_squeeze %dma_start3A_39 : memref<1x128xi32, #tpu.memory_space<vmem>> -> memref<128xi32, #tpu.memory_space<vmem>>
      %dma_start3A_41 = arith.constant 0 : i32
      %dma_start3A_42 = tpu.memref_slice %arg11[%dma_start3A_41] : memref<10112xf32, #tpu.memory_space<vmem_shared>> -> memref<10112xf32, #tpu.memory_space<vmem_shared>>
      tpu.enqueue_indirect_dma source(%arg9 : memref<128xf32, #tpu.memory_space<vmem>>) target(%dma_start3A_42 : memref<10112xf32, #tpu.memory_space<vmem_shared>>) offsets(%dma_start3A_40 : memref<128xi32, #tpu.memory_space<vmem>>) semaphore(%arg13 : memref<!tpu.dma_semaphore, #tpu.memory_space<semaphore_mem>>) {add = true}
    }
    %scan3A_12 = arith.constant 80 : i32
    %dma_wait3A = arith.constant 79 : i32
    %dma_wait3A_13 = arith.constant 0 : i32
    %dma_wait3A_14 = tpu.memref_slice %arg8[%dma_wait3A, %dma_wait3A_13] : memref<80x128xi32, #tpu.memory_space<vmem>> -> memref<1x128xi32, #tpu.memory_space<vmem>>
    %dma_wait3A_15 = tpu.memref_squeeze %dma_wait3A_14 : memref<1x128xi32, #tpu.memory_space<vmem>> -> memref<128xi32, #tpu.memory_space<vmem>>
    %dma_wait3A_16 = arith.constant 0 : i32
    %dma_wait3A_17 = tpu.memref_slice %arg11[%dma_wait3A_16] : memref<10112xf32, #tpu.memory_space<vmem_shared>> -> memref<10112xf32, #tpu.memory_space<vmem_shared>>
    tpu.wait_indirect_dma semaphore(%arg13 : memref<!tpu.dma_semaphore, #tpu.memory_space<semaphore_mem>>) src(%arg9 : memref<128xf32, #tpu.memory_space<vmem>>) dst(%dma_wait3A_17 : memref<10112xf32, #tpu.memory_space<vmem_shared>>)
    %barrier3A_18 = arith.constant 0 : index
    tpu.barrier barrier_id(%barrier3A_18)
    %eq3A_19 = arith.constant 0 : i32
    %eq3A_20 = arith.cmpi eq, %arg1, %eq3A_19 : i32
    %convert_element_type3A_21 = arith.extui %eq3A_20 : i1 to i32
    %cond3A_22 = arith.constant 0 : i32
    %cond3A_23 = arith.cmpi ne, %convert_element_type3A_21, %cond3A_22 : i32
    scf.if %cond3A_23 {
      %mul3A_24 = arith.constant 10112 : i32
      %mul3A_25 = arith.muli %arg0, %mul3A_24 : i32
      "tpu.region"() ({
        %run_scoped3A = tpu.sem_alloc : memref<!tpu.dma_semaphore, #tpu.memory_space<semaphore_mem>>
        %dma_start3A = tpu.memref_slice %arg6[%mul3A_25] : memref<20224xf32, #tpu.memory_space<hbm>> -> memref<10112xf32, #tpu.memory_space<hbm>>
        tpu.enqueue_dma source(%arg11 : memref<10112xf32, #tpu.memory_space<vmem_shared>>) target(%dma_start3A : memref<10112xf32, #tpu.memory_space<hbm>>) target_semaphore(%run_scoped3A : memref<!tpu.dma_semaphore, #tpu.memory_space<semaphore_mem>>)
        %dma_wait3A_26 = tpu.memref_slice %arg6[%mul3A_25] : memref<20224xf32, #tpu.memory_space<hbm>> -> memref<10112xf32, #tpu.memory_space<hbm>>
        tpu.wait_dma2 semaphore(%run_scoped3A : memref<!tpu.dma_semaphore, #tpu.memory_space<semaphore_mem>>) src(%arg11 : memref<10112xf32, #tpu.memory_space<vmem_shared>>) dst(%dma_wait3A_26 : memref<10112xf32, #tpu.memory_space<hbm>>)
        tpu.yield
      }) : () -> ()
    } else {
    }
    return
  }
}

module attributes {stable_mosaic.version = 14 : i64} {
  func.func @_tc_matmul_body(%arg0: memref<10112x128xf32, #tpu.memory_space<vmem>>, %arg1: memref<128x16xf32, #tpu.memory_space<vmem>>, %arg2: memref<10112x16xf32, #tpu.memory_space<vmem>>) attributes {dimension_semantics = [], scalar_prefetch = 0 : i64, scratch_operands = 0 : i64, tpu.core_type = #tpu.core_type<tc>} {
    %get3A = arith.constant 0 : index
    %get3A_0 = arith.constant 0 : index
    %get3A_1 = vector.load %arg0[%get3A, %get3A_0] : memref<10112x128xf32, #tpu.memory_space<vmem>>, vector<10112x128xf32>
    %get3A_2 = arith.constant 0 : index
    %get3A_3 = arith.constant 0 : index
    %get3A_4 = vector.load %arg1[%get3A_2, %get3A_3] : memref<128x16xf32, #tpu.memory_space<vmem>>, vector<128x16xf32>
    %dot_general3A = arith.constant dense<0.000000e+00> : vector<10112x16xf32>
    %dot_general3A_5 = tpu.matmul %get3A_1, %get3A_4, %dot_general3A {dimension_numbers = #tpu.dot_dimension_numbers<[1], [0], [0], [1], [0, 0, 1, 1], [], []>, transpose_lhs_hint = false} : vector<10112x128xf32>, vector<128x16xf32>, vector<10112x16xf32> -> vector<10112x16xf32>
    %swap3A = arith.constant 0 : index
    %swap3A_6 = arith.constant 0 : index
    %swap3A_7 = vector.load %arg2[%swap3A, %swap3A_6] : memref<10112x16xf32, #tpu.memory_space<vmem>>, vector<10112x16xf32>
    tpu.vector_store %arg2[%swap3A, %swap3A_6], %dot_general3A_5 {strides = array<i32>} : memref<10112x16xf32, #tpu.memory_space<vmem>>, vector<10112x16xf32>,
    return
  }
}

module attributes {stable_mosaic.version = 14 : i64} {
  func.func @_tc_norms_body(%arg0: memref<10112x16xf32, #tpu.memory_space<vmem>>, %arg1: memref<2x10112xf32, #tpu.memory_space<vmem>>, %arg2: memref<2x10112xf32, #tpu.memory_space<vmem>>, %arg3: memref<10112x16xf32, #tpu.memory_space<vmem>>, %arg4: memref<10112xf32, #tpu.memory_space<vmem>>, %arg5: memref<10112xf32, #tpu.memory_space<vmem>>) attributes {dimension_semantics = [], scalar_prefetch = 0 : i64, scratch_operands = 0 : i64, tpu.core_type = #tpu.core_type<tc>} {
    %get3A = arith.constant 0 : index
    %get3A_0 = arith.constant 0 : index
    %get3A_1 = vector.load %arg1[%get3A, %get3A_0] : memref<2x10112xf32, #tpu.memory_space<vmem>>, vector<1x10112xf32>
    %get3A_2 = vector.shape_cast %get3A_1 : vector<1x10112xf32> to vector<10112xf32>
    %get3A_3 = arith.constant 1 : index
    %get3A_4 = arith.constant 0 : index
    %get3A_5 = vector.load %arg1[%get3A_3, %get3A_4] : memref<2x10112xf32, #tpu.memory_space<vmem>>, vector<1x10112xf32>
    %get3A_6 = vector.shape_cast %get3A_5 : vector<1x10112xf32> to vector<10112xf32>
    %add3A = arith.addf %get3A_2, %get3A_6 : vector<10112xf32>
    %get3A_7 = arith.constant 0 : index
    %get3A_8 = arith.constant 0 : index
    %get3A_9 = vector.load %arg2[%get3A_7, %get3A_8] : memref<2x10112xf32, #tpu.memory_space<vmem>>, vector<1x10112xf32>
    %get3A_10 = vector.shape_cast %get3A_9 : vector<1x10112xf32> to vector<10112xf32>
    %get3A_11 = arith.constant 1 : index
    %get3A_12 = arith.constant 0 : index
    %get3A_13 = vector.load %arg2[%get3A_11, %get3A_12] : memref<2x10112xf32, #tpu.memory_space<vmem>>, vector<1x10112xf32>
    %get3A_14 = vector.shape_cast %get3A_13 : vector<1x10112xf32> to vector<10112xf32>
    %add3A_15 = arith.addf %get3A_10, %get3A_14 : vector<10112xf32>
    %gt3A = arith.constant 0.000000e+00 : f32
    %gt3A_16 = vector.broadcast %gt3A : f32 to vector<10112xf32>
    %gt3A_17 = arith.cmpf ogt, %add3A, %gt3A_16 : vector<10112xf32>
    %rsqrt3A = math.rsqrt %add3A : vector<10112xf32>
    %jit3A = arith.constant 0.000000e+00 : f32
    %broadcast_in_dim3A = vector.broadcast %jit3A : f32 to vector<10112xf32>
    %select_n3A = arith.select %gt3A_17, %rsqrt3A, %broadcast_in_dim3A : vector<10112xi1>, vector<10112xf32>
    %gt3A_18 = arith.constant 0.000000e+00 : f32
    %gt3A_19 = vector.broadcast %gt3A_18 : f32 to vector<10112xf32>
    %gt3A_20 = arith.cmpf ogt, %add3A_15, %gt3A_19 : vector<10112xf32>
    %rsqrt3A_21 = math.rsqrt %add3A_15 : vector<10112xf32>
    %jit3A_22 = arith.constant 0.000000e+00 : f32
    %broadcast_in_dim3A_23 = vector.broadcast %jit3A_22 : f32 to vector<10112xf32>
    %select_n3A_24 = arith.select %gt3A_20, %rsqrt3A_21, %broadcast_in_dim3A_23 : vector<10112xi1>, vector<10112xf32>
    %get3A_25 = arith.constant 0 : index
    %get3A_26 = arith.constant 0 : index
    %get3A_27 = vector.load %arg0[%get3A_25, %get3A_26] : memref<10112x16xf32, #tpu.memory_space<vmem>>, vector<10112x16xf32>
    %broadcast_in_dim3A_28 = vector.shape_cast %select_n3A : vector<10112xf32> to vector<10112x1xf32>
    %mul3A = vector.broadcast %broadcast_in_dim3A_28 : vector<10112x1xf32> to vector<10112x16xf32>
    %mul3A_29 = arith.mulf %get3A_27, %mul3A : vector<10112x16xf32>
    %swap3A = arith.constant 0 : index
    %swap3A_30 = arith.constant 0 : index
    %swap3A_31 = vector.load %arg3[%swap3A, %swap3A_30] : memref<10112x16xf32, #tpu.memory_space<vmem>>, vector<10112x16xf32>
    tpu.vector_store %arg3[%swap3A, %swap3A_30], %mul3A_29 {strides = array<i32>} : memref<10112x16xf32, #tpu.memory_space<vmem>>, vector<10112x16xf32>,
    %swap3A_32 = arith.constant 0 : index
    %swap3A_33 = vector.load %arg4[%swap3A_32] : memref<10112xf32, #tpu.memory_space<vmem>>, vector<10112xf32>
    tpu.vector_store %arg4[%swap3A_32], %select_n3A_24 {strides = array<i32>} : memref<10112xf32, #tpu.memory_space<vmem>>, vector<10112xf32>,
    %swap3A_34 = arith.constant 0 : index
    %swap3A_35 = vector.load %arg5[%swap3A_34] : memref<10112xf32, #tpu.memory_space<vmem>>, vector<10112xf32>
    tpu.vector_store %arg5[%swap3A_34], %select_n3A {strides = array<i32>} : memref<10112xf32, #tpu.memory_space<vmem>>, vector<10112xf32>,
    return
  }
}

module attributes {stable_mosaic.version = 14 : i64} {
  func.func @_tc_c_body(%arg0: memref<2x16x10112xf32, #tpu.memory_space<vmem>>, %arg1: memref<10112xf32, #tpu.memory_space<vmem>>, %arg2: memref<10112xf32, #tpu.memory_space<vmem>>, %arg3: memref<16x1xf32, #tpu.memory_space<vmem>>, %arg4: memref<16x1xf32, #tpu.memory_space<vmem>>, %arg5: memref<10112xf32, #tpu.memory_space<vmem>>) attributes {dimension_semantics = [], scalar_prefetch = 0 : i64, scratch_operands = 0 : i64, tpu.core_type = #tpu.core_type<tc>} {
    %get3A = arith.constant 0 : index
    %get3A_0 = arith.constant 0 : index
    %get3A_1 = arith.constant 0 : index
    %get3A_2 = vector.load %arg0[%get3A, %get3A_0, %get3A_1] : memref<2x16x10112xf32, #tpu.memory_space<vmem>>, vector<1x16x10112xf32>
    %get3A_3 = vector.shape_cast %get3A_2 : vector<1x16x10112xf32> to vector<16x10112xf32>
    %get3A_4 = arith.constant 1 : index
    %get3A_5 = arith.constant 0 : index
    %get3A_6 = arith.constant 0 : index
    %get3A_7 = vector.load %arg0[%get3A_4, %get3A_5, %get3A_6] : memref<2x16x10112xf32, #tpu.memory_space<vmem>>, vector<1x16x10112xf32>
    %get3A_8 = vector.shape_cast %get3A_7 : vector<1x16x10112xf32> to vector<16x10112xf32>
    %add3A = arith.addf %get3A_3, %get3A_8 : vector<16x10112xf32>
    %get3A_9 = arith.constant 0 : index
    %get3A_10 = vector.load %arg1[%get3A_9] : memref<10112xf32, #tpu.memory_space<vmem>>, vector<10112xf32>
    %broadcast_in_dim3A = vector.shape_cast %get3A_10 : vector<10112xf32> to vector<1x10112xf32>
    %mul3A = vector.broadcast %broadcast_in_dim3A : vector<1x10112xf32> to vector<16x10112xf32>
    %mul3A_11 = arith.mulf %add3A, %mul3A : vector<16x10112xf32>
    %get3A_12 = arith.constant 0 : index
    %get3A_13 = arith.constant 0 : index
    %get3A_14 = vector.load %arg3[%get3A_12, %get3A_13] : memref<16x1xf32, #tpu.memory_space<vmem>>, vector<16x1xf32>
    %add3A_15 = vector.broadcast %get3A_14 : vector<16x1xf32> to vector<16x10112xf32>
    %add3A_16 = arith.addf %mul3A_11, %add3A_15 : vector<16x10112xf32>
    %max3A = arith.constant 0.000000e+00 : f32
    %max3A_17 = vector.broadcast %max3A : f32 to vector<16x10112xf32>
    %max3A_18 = arith.maximumf %add3A_16, %max3A_17 : vector<16x10112xf32>
    %get3A_19 = arith.constant 0 : index
    %get3A_20 = arith.constant 0 : index
    %get3A_21 = vector.load %arg4[%get3A_19, %get3A_20] : memref<16x1xf32, #tpu.memory_space<vmem>>, vector<16x1xf32>
    %mul3A_22 = vector.broadcast %get3A_21 : vector<16x1xf32> to vector<16x10112xf32>
    %mul3A_23 = arith.mulf %max3A_18, %mul3A_22 : vector<16x10112xf32>
    %reduce_sum3A = arith.constant dense<0.000000e+00> : vector<10112xf32>
    %reduce_sum3A_24 = vector.multi_reduction <add>, %mul3A_23, %reduce_sum3A [0] : vector<16x10112xf32> to vector<10112xf32>
    %get3A_25 = arith.constant 0 : index
    %get3A_26 = vector.load %arg2[%get3A_25] : memref<10112xf32, #tpu.memory_space<vmem>>, vector<10112xf32>
    %mul3A_27 = arith.mulf %reduce_sum3A_24, %get3A_26 : vector<10112xf32>
    %iota3A = tpu.iota {dimensions = array<i32: 1>} : vector<1x10112xi32>
    %iota3A_28 = vector.shape_cast %iota3A : vector<1x10112xi32> to vector<10112xi32>
    %lt3A = arith.constant 10000 : i32
    %lt3A_29 = vector.broadcast %lt3A : i32 to vector<10112xi32>
    %lt3A_30 = arith.cmpi slt, %iota3A_28, %lt3A_29 : vector<10112xi32>
    %jit3A = arith.constant 0.000000e+00 : f32
    %broadcast_in_dim3A_31 = vector.broadcast %jit3A : f32 to vector<10112xf32>
    %select_n3A = arith.select %lt3A_30, %mul3A_27, %broadcast_in_dim3A_31 : vector<10112xi1>, vector<10112xf32>
    %swap3A = arith.constant 0 : index
    %swap3A_32 = vector.load %arg5[%swap3A] : memref<10112xf32, #tpu.memory_space<vmem>>, vector<10112xf32>
    tpu.vector_store %arg5[%swap3A], %select_n3A {strides = array<i32>} : memref<10112xf32, #tpu.memory_space<vmem>>, vector<10112xf32>,
    return
  }
}

module attributes {stable_mosaic.version = 14 : i64} {
  func.func @_tc_out_body(%arg0: memref<2x10112xf32, #tpu.memory_space<vmem>>, %arg1: memref<10112xf32, #tpu.memory_space<vmem>>, %arg2: memref<1x1xf32, #tpu.memory_space<vmem>>, %arg3: memref<1x1xf32, #tpu.memory_space<vmem>>) attributes {dimension_semantics = [], scalar_prefetch = 0 : i64, scratch_operands = 0 : i64, tpu.core_type = #tpu.core_type<tc>} {
    %get3A = arith.constant 0 : index
    %get3A_0 = arith.constant 0 : index
    %get3A_1 = vector.load %arg0[%get3A, %get3A_0] : memref<2x10112xf32, #tpu.memory_space<vmem>>, vector<1x10112xf32>
    %get3A_2 = vector.shape_cast %get3A_1 : vector<1x10112xf32> to vector<10112xf32>
    %get3A_3 = arith.constant 1 : index
    %get3A_4 = arith.constant 0 : index
    %get3A_5 = vector.load %arg0[%get3A_3, %get3A_4] : memref<2x10112xf32, #tpu.memory_space<vmem>>, vector<1x10112xf32>
    %get3A_6 = vector.shape_cast %get3A_5 : vector<1x10112xf32> to vector<10112xf32>
    %add3A = arith.addf %get3A_2, %get3A_6 : vector<10112xf32>
    %iota3A = tpu.iota {dimensions = array<i32: 1>} : vector<1x10112xi32>
    %iota3A_7 = vector.shape_cast %iota3A : vector<1x10112xi32> to vector<10112xi32>
    %lt3A = arith.constant 10000 : i32
    %lt3A_8 = vector.broadcast %lt3A : i32 to vector<10112xi32>
    %lt3A_9 = arith.cmpi slt, %iota3A_7, %lt3A_8 : vector<10112xi32>
    %get3A_10 = arith.constant 0 : index
    %get3A_11 = vector.load %arg1[%get3A_10] : memref<10112xf32, #tpu.memory_space<vmem>>, vector<10112xf32>
    %mul3A = arith.mulf %add3A, %get3A_11 : vector<10112xf32>
    %jit3A = arith.constant 0.000000e+00 : f32
    %broadcast_in_dim3A = vector.broadcast %jit3A : f32 to vector<10112xf32>
    %select_n3A = arith.select %lt3A_9, %mul3A, %broadcast_in_dim3A : vector<10112xi1>, vector<10112xf32>
    %reduce_sum3A = vector.shape_cast %select_n3A : vector<10112xf32> to vector<1x10112xf32>
    %reduce_sum3A_12 = arith.constant dense<0.000000e+00> : vector<1xf32>
    %reduce_sum3A_13 = vector.multi_reduction <add>, %reduce_sum3A, %reduce_sum3A_12 [1] : vector<1x10112xf32> to vector<1xf32>
    %reduce_sum3A_14 = vector.shape_cast %reduce_sum3A_13 : vector<1xf32> to vector<1x1xf32>
    %reduce_sum3A_15 = vector.extract %reduce_sum3A_14[0, 0] : f32 from vector<1x1xf32>
    %reshape3A = vector.broadcast %reduce_sum3A_15 : f32 to vector<1x1xf32>
    %div3A = arith.constant 1.000000e+04 : f32
    %div3A_16 = vector.broadcast %div3A : f32 to vector<1x1xf32>
    %div3A_17 = arith.divf %reshape3A, %div3A_16 : vector<1x1xf32>
    %get3A_18 = arith.constant 0 : index
    %get3A_19 = arith.constant 0 : index
    %get3A_20 = vector.load %arg2[%get3A_18, %get3A_19] : memref<1x1xf32, #tpu.memory_space<vmem>>, vector<1x1xf32>
    %add3A_21 = arith.addf %div3A_17, %get3A_20 : vector<1x1xf32>
    %swap3A = arith.constant 0 : index
    %swap3A_22 = arith.constant 0 : index
    %swap3A_23 = vector.load %arg3[%swap3A, %swap3A_22] : memref<1x1xf32, #tpu.memory_space<vmem>>, vector<1x1xf32>
    tpu.vector_store %arg3[%swap3A, %swap3A_22], %add3A_21 {strides = array<i32>} : memref<1x1xf32, #tpu.memory_space<vmem>>, vector<1x1xf32>,
    return
  }
}

</mosaic_0001>

<sc_bundles>
// kernel: kernel.12.cloned.1.call-start
scs
__scs_entry_jumppad:
0x0: {  	(pc) =	sbr.rel $0x88, $3  }
0x1: {  	(tag) =	ssettag $0x0;
	lr =	simm.s32 $0x1  }
0x2: {  	[smem:$0x3F9B] =	sst lr;
	_ =	strace $0xD0000000  }
0x3: {  	_ = 	snop  }
0x4: {  	_ = 	snop  }
0x5: {  	_ = 	snop  }
0x6: {  	_ = 	snop  }
0x7: {  	_ = 	snop  }
__scs_overlays_trampoline_lowered:
0x8: {  	[smem:$0x3FAA] =	sst s0  }
0x9: {  	[smem:$0x3FAB] =	sst s1  }
0xa: {  	[smem:$0x3FAC] =	sst s2  }
0xb: {  	[smem:$0x3FAD] =	sst s3  }
0xc: {  	[smem:$0x3FAE] =	sst s4  }
0xd: {  	[smem:$0x3FAF] =	sst s5  }
0xe: {  	[smem:$0x3FB0] =	sst s6  }
0xf: {  	[smem:$0x3FB1] =	sst s7  }
0x10: {  	[smem:$0x3FB2] =	sst s8  }
0x11: {  	[smem:$0x3FB3] =	sst s9;
	s0 =	simm.s32 @!p0 $0x0  }
0x12: {  	s1 =	sld [smem:$0x3F99];
	s0 =	simm.s32 @p0 $0x1  }
0x13: {  	[smem:$0x3FB4] =	sst s0;
	s0 =	simm.s32 @!p1 $0x0  }
0x14: {  	s2 =	sld [smem:$0x3F98];
	s0 =	simm.s32 @p1 $0x1  }
0x15: {  	[smem:$0x3FB5] =	sst s0;
	s0 =	simm.s32 @!p2 $0x0  }
0x16: {  	s3 =	sld [smem:$0x3FDB];
	s0 =	simm.s32 @p2 $0x1  }
0x17: {  	s4 =	simm.s32 $0x1BF5;
	[smem:$0x3FB7] =	sst s0  }
0x18: {  	s0 =	sld [smem:$0x3F9A];
	_ =	swait.ge [sflag:s4], $0x0  }
0x19: {  	s7 =	sld [smem:$0x3F9B]  }
0x1a: {  	s8 =	sadd.s32 $0xFFFFE003, lr  }
0x1b: {  	s9 =	sadd.s32 $0xFFFFFEF7, lr;
	s5 =	simm.s32 $0xFFFFFFFF;
	p2 =	slt.u32 s8, $0xFFFFF086  }
0x1c: {  	p1 =	slt.u32 s9, $0xF7A;
	s5 =	simm.s32 @!p2 $0x0  }
0x1d: {  	s5 =	simm.s32 @p1 $0x1;
	p0 =	seq.s32 s7, s2  }
0x1e: {  	s7 =	smul.u32 @!p0 $0xF7A, s2;
	p2 =	seq.s32 @!p0 s5, $0x0  }
0x1f: {  	s9 =	smul.u32 $0xF7A, s1;
	s8 =	simm.s32 @!p0 $0x1BF5;
	p2 =	por !p2, p0  }
0x20: {  	[sflag:s8] =	ssyncset.s32 @!p0 $0xFFFFF086;
	s6 =	sadd.s32 @!p0 s3, s7;
	s7 =	simm.s32 @!p0 $0x108  }
0x21: {  	s3 =	sadd.s32 s3, s9;
	s6 =	sadd.s32 @!p0 $0x88, s6;
	s7 =	simm.s32 @p2 $0x1082  }
0x22: {  	[simem:s7], [sflag:s8] =	dma.local @!p0 [hbm:s6], $0xF7A  }
0x23: {  	s9 =	sor.u32 $0xD0000000, s2;
	s6 =	simm.s32 $0x108;
	_ =	swait.ge @!p0 [sflag:s8], $0x0  }
0x24: {  	s3 =	sadd.s32 $0x88, s3;
	s6 =	simm.s32 @!p1 $0x1082;
	[sflag:s4] =	ssyncset.s32 $0xFFFFF086  }
0x25: {  	[simem:s6], [sflag:s4] =	dma.local [hbm:s3], $0xF7A  }
0x26: {  	[smem:$0x3F9B] =	sst s1;
	(tag) =	ssettag s2;
	_ =	strace s9  }
0x27: {  	s1 =	sld [smem:$0x3FAB]  }
0x28: {  	s2 =	sld [smem:$0x3FAC]  }
0x29: {  	s4 =	sld [smem:$0x3FAE]  }
0x2a: {  	p0 =	seq.s32 s5, $0x0;
	s5 =	sld [smem:$0x3FAF]  }
0x2b: {  	s6 =	sld [smem:$0x3FB0]  }
0x2c: {  	s7 =	sld [smem:$0x3FB1]  }
0x2d: {  	s3 =	simm.s32 $0x108;
	s8 =	sld [smem:$0x3FB2]  }
0x2e: {  	s3 =	simm.s32 @!p0 $0x1082;
	s9 =	sld [smem:$0x3FB3]  }
0x2f: {  	lr =	sadd.s32 s0, s3;
	s0 =	sld [smem:$0x3FAA]  }
0x30: {  	s3 =	sld [smem:$0x3FAD]  }
0x31: {  	[smem:$0x3FB6] =	sst s10  }
0x32: {  	s10 =	sld [smem:$0x3FB4];
	_ =	sdelay $0x3  }
0x33: {  	p0 =	seq.s32 s10, $0x1;
	s10 =	sld [smem:$0x3FB6];
	_ =	sdelay $0x3  }
0x34: {  	[smem:$0x3FB6] =	sst s10  }
0x35: {  	s10 =	sld [smem:$0x3FB5];
	_ =	sdelay $0x3  }
0x36: {  	p1 =	seq.s32 s10, $0x1;
	s10 =	sld [smem:$0x3FB6];
	_ =	sdelay $0x3  }
0x37: {  	[smem:$0x3FB6] =	sst s10  }
0x38: {  	s10 =	sld [smem:$0x3FB7]  }
0x39: {  	_ = 	snop;
	(pc) =	sbr.ind lr, $3  }
0x3a: {  	_ = 	snop  }
0x3b: {  	_ = 	snop  }
0x3c: {  	p2 =	seq.s32 s10, $0x1;
	s10 =	sld [smem:$0x3FB6]  }
0x3d: {  	_ =	shalt  }
0x3e: {  	_ =	shalt  }
0x3f: {  	_ =	shalt  }
0x40: {  	_ =	shalt  }
0x41: {  	_ =	shalt  }
0x42: {  	_ =	shalt  }
0x43: {  	_ =	shalt  }
0x44: {  	_ =	shalt  }
0x45: {  	_ =	shalt  }
0x46: {  	_ =	shalt  }
0x47: {  	_ =	shalt  }
0x48: {  	_ =	shalt  }
0x49: {  	_ =	shalt  }
0x4a: {  	_ =	shalt  }
0x4b: {  	_ =	shalt  }
0x4c: {  	_ =	shalt  }
0x4d: {  	_ =	shalt  }
0x4e: {  	_ =	shalt  }
0x4f: {  	_ =	shalt  }
0x50: {  	_ =	shalt  }
0x51: {  	_ =	shalt  }
0x52: {  	_ =	shalt  }
0x53: {  	_ =	shalt  }
0x54: {  	_ =	shalt  }
0x55: {  	_ =	shalt  }
0x56: {  	_ =	shalt  }
0x57: {  	_ =	shalt  }
0x58: {  	_ =	shalt  }
0x59: {  	_ =	shalt  }
0x5a: {  	_ =	shalt  }
0x5b: {  	_ =	shalt  }
0x5c: {  	_ =	shalt  }
0x5d: {  	_ =	shalt  }
0x5e: {  	_ =	shalt  }
0x5f: {  	_ =	shalt  }
0x60: {  	_ =	shalt  }
0x61: {  	_ =	shalt  }
0x62: {  	_ =	shalt  }
0x63: {  	_ =	shalt  }
0x64: {  	_ =	shalt  }
0x65: {  	_ =	shalt  }
0x66: {  	_ =	shalt  }
0x67: {  	_ =	shalt  }
0x68: {  	_ =	shalt  }
0x69: {  	_ =	shalt  }
0x6a: {  	_ =	shalt  }
0x6b: {  	_ =	shalt  }
0x6c: {  	_ =	shalt  }
0x6d: {  	_ =	shalt  }
0x6e: {  	_ =	shalt  }
0x6f: {  	_ =	shalt  }
0x70: {  	_ =	shalt  }
0x71: {  	_ =	shalt  }
0x72: {  	_ =	shalt  }
0x73: {  	_ =	shalt  }
0x74: {  	_ =	shalt  }
0x75: {  	_ =	shalt  }
0x76: {  	_ =	shalt  }
0x77: {  	_ =	shalt  }
0x78: {  	_ =	shalt  }
0x79: {  	_ =	shalt  }
0x7a: {  	_ =	shalt  }
0x7b: {  	_ =	shalt  }
0x7c: {  	_ =	shalt  }
0x7d: {  	_ =	shalt  }
0x7e: {  	_ =	shalt  }
0x7f: {  	_ =	shalt  }
0x80: {  	_ =	shalt  }
0x81: {  	_ =	shalt  }
0x82: {  	_ =	shalt  }
0x83: {  	_ =	shalt  }
0x84: {  	_ =	shalt  }
0x85: {  	_ =	shalt  }
0x86: {  	_ =	shalt  }
0x87: {  	_ =	shalt  }
.Lfunc_end0:
.L_simem_size_0:
called_computation.1_lowered:
.L_overlay_start_0:
0x88: {  	s2 =	sld [smem:$0x3FD9]  }
0x89: {  	s3 =	sld [smem:$0x3FFE];
	_ =	sdelay $0x1  }
0x8a: {  	s1 =	srdreg.scid  }
0x8b: {  	s0 =	sand.u32 $0x1, s1  }
0x8c: {  	s11 =	sshll.u32 s0, $0xA;
	s2 =	sadd.s32 s3, s2  }
0x8d: {  	s2 =	sadd.s32 s2, s11  }
0x8e: {  	[smem:$0x3FC2] =	sst s2  }
0x8f: {  	_ = 	snop  }
0x90: {  	(tm) =	ssettm $0x1  }
0x91: {  	s12 =	sld [smem:$0x3FFB];
	_ =	sdelay $0x3  }
0x92: {  	_ =	strace s12  }
0x93: {  	s2 =	sld [smem:$0x3FFC];
	_ =	sdelay $0x3  }
0x94: {  	_ =	strace s2  }
0x95: {  	s2 =	sld [smem:$0x3FFD];
	_ =	sdelay $0x3  }
0x96: {  	_ =	strace s2  }
0x97: {  	_ =	strace $0x8FFFFFFF  }
0x98: {  	s13 =	sld [smem:$0x3FDB];
	_ =	sdelay $0x1  }
0x99: {  	s14 =	simm.s32 $_scs_section_size  }
0x9a: {  	s4 =	simm.s32 $_size__tile_task_arg_handler_lowered;
	s5 =	simm.s32 $_tile_task_arg_handler_lowered  }
0x9b: {  	s17 =	simm.s32 $0x1BFF;
	s16 =	sshll.u32 s5, $0x1;
	s3 =	sadd.s32 s14, s13  }
0x9c: {  	s6 =	simm.s32 $0x60;
	s15 =	sshll.u32 s4, $0x1;
	s4 =	sadd.s32 s16, s3  }
0x9d: {  	[timem:s6], [sflag:s17] =	dma.local [hbm:s4], s15  }
0x9e: {  	_ =	swait.ge [sflag:s17], s15  }
0x9f: {  	s18 =	simm.s32 $_tile_overlayer_lowered;
	s2 =	ssub.s32 $0x0, s15;
	[sflag:s17] =	ssyncset.done $0x0  }
0xa0: {  	s19 =	simm.s32 $_size__tile_overlayer_lowered;
	s4 =	sshll.u32 s18, $0x1;
	[sflag:s17] =	ssyncadd.s32 s2  }
0xa1: {  	s21 =	simm.s32 $0x0;
	s20 =	sshll.u32 s19, $0x1;
	s4 =	sadd.s32 s4, s3  }
0xa2: {  	[timem:s21], [sflag:s17] =	dma.local [hbm:s4], s20  }
0xa3: {  	_ =	swait.ge [sflag:s17], s20  }
0xa4: {  	s22 =	ssub.s32 $0x0, s20;
	[sflag:s17] =	ssyncset.done $0x0  }
0xa5: {  	[sflag:s17] =	ssyncadd.s32 s22;
	_ =	sdelay $0x1  }
0xa6: {  	s23 =	simm.s32 $0x1B8B  }
0xa7: {  	_ =	swait.ge [sflag:s23], $0x1  }
0xa8: {  	[sflag:s23] =	ssyncset.done $0x0  }
0xa9: {  	s25 =	simm.s32 $0x1B8E;
	s24 =	sld [smem:$0x3FFE];
	[sflag:s23] =	ssyncadd.s32 $0xFFFFFFFF  }
0xaa: {  	s26 =	simm.s32 $execute0_lowered;
	[smem:$0x3FD2] =	sst s25  }
0xab: {  	s5 =	sshll.u32 s26, $0x1;
	_ =	strace $0x80000049;
	[dreg:$0x1] =	wrdreg $0xFFFFFFFF  }
0xac: {  	s28 =	simm.s32 $_size_execute0_lowered;
	s3 =	sadd.s32 s3, s5;
	[dreg:$0x0] =	wrdreg $0x0  }
0xad: {  	s5 =	sshll.u32 s28, $0x1;
	[dreg:$0x2] =	wrdreg s3  }
0xae: {  	[dreg:$0x3] =	wrdreg s5  }
0xaf: {  	[dreg:$0x4] =	wrdreg $0xC0  }
0xb0: {  	_ =	task [dreg:s21], $0x5FFFF  }
0xb1: {  	[dreg:$0x1] =	wrdreg $0xFFFFFFFF  }
0xb2: {  	[dreg:$0x0] =	wrdreg $0x30  }
0xb3: {  	[dreg:$0x2] =	wrdreg $0x0  }
0xb4: {  	[dreg:$0x3] =	wrdreg $0x8A500  }
0xb5: {  	[dreg:$0x4] =	wrdreg $0x65480  }
0xb6: {  	[dreg:$0x5] =	wrdreg $0x8CC80  }
0xb7: {  	[dreg:$0x6] =	wrdreg $0x67C00  }
0xb8: {  	[dreg:$0x7] =	wrdreg $0x8F400  }
0xb9: {  	[dreg:$0x8] =	wrdreg $0x6A380  }
0xba: {  	[dreg:$0x9] =	wrdreg $0x91B80  }
0xbb: {  	[dreg:$0xa] =	wrdreg $0x6CB00  }
0xbc: {  	[dreg:$0xb] =	wrdreg $0x94300  }
0xbd: {  	[dreg:$0xc] =	wrdreg $0x6F280  }
0xbe: {  	[dreg:$0xd] =	wrdreg $0x96A80  }
0xbf: {  	[dreg:$0xe] =	wrdreg $0x71A00  }
0xc0: {  	[dreg:$0xf] =	wrdreg $0x99200  }
0xc1: {  	_ =	task [dreg:s21], $0x10FFFF  }
0xc2: {  	[dreg:$0x1] =	wrdreg $0xFFFFFFFF  }
0xc3: {  	[dreg:$0x0] =	wrdreg $0x30  }
0xc4: {  	[dreg:$0x2] =	wrdreg $0xD  }
0xc5: {  	[dreg:$0x3] =	wrdreg $0x74180  }
0xc6: {  	[dreg:$0x4] =	wrdreg $0x9B980  }
0xc7: {  	[dreg:$0x5] =	wrdreg $0x76900  }
0xc8: {  	[dreg:$0x6] =	wrdreg $0x9E100  }
0xc9: {  	[dreg:$0x7] =	wrdreg $0x79080  }
0xca: {  	[dreg:$0x8] =	wrdreg $0xA0880  }
0xcb: {  	[dreg:$0x9] =	wrdreg $0x9  }
0xcc: {  	_ =	task [dreg:s21], $0xAFFFF  }
0xcd: {  	[dreg:$0x1] =	wrdreg $0xFFFFFFFF  }
0xce: {  	[dreg:$0x0] =	wrdreg $0x60  }
0xcf: {  	[dreg:$0x2] =	wrdreg s24  }
0xd0: {  	[dreg:$0x3] =	wrdreg $0x54000  }
0xd1: {  	[dreg:$0x4] =	wrdreg $0x7B800  }
0xd2: {  	[dreg:$0x5] =	wrdreg $0x56780  }
0xd3: {  	[dreg:$0x6] =	wrdreg $0x7DF80  }
0xd4: {  	[dreg:$0x7] =	wrdreg $0x58F00  }
0xd5: {  	[dreg:$0x8] =	wrdreg $0x80700  }
0xd6: {  	[dreg:$0x9] =	wrdreg $0x5B680  }
0xd7: {  	[dreg:$0xa] =	wrdreg $0x82E80  }
0xd8: {  	[dreg:$0xb] =	wrdreg $0x5DE00  }
0xd9: {  	[dreg:$0xc] =	wrdreg $0x85600  }
0xda: {  	[dreg:$0xd] =	wrdreg $0x60580  }
0xdb: {  	[dreg:$0xe] =	wrdreg $0x87D80  }
0xdc: {  	[dreg:$0xf] =	wrdreg $0x62D00  }
0xdd: {  	_ =	task.clear_ibuf [dreg:s21], $0x10FFFF;
	_ =	strace $0x90000049  }
0xde: {  	s29 =	simm.s32 $0x9;
	_ =	strace $0x8000004B  }
0xdf: {  	_ =	swait.ge [sflag:s29], $0x1  }
0xe0: {  	[sflag:s29] =	ssyncadd.s32 $0xFFFFFFFF  }
0xe1: {  	_ =	strace $0x9000004B  }
0xe2: {  	_ =	sfence  }
0xe3: {  	s30 =	sld [smem:$0x0];
	_ =	sdelay $0x2  }
0xe4: {  	s31 =	sshll.u32 s1, $0xD;
	s1 =	sshrl.u32 s1, $0x2  }
0xe5: {  	s4 =	sand.u32 $0x4000, s31;
	s1 =	sadd.s32 s1, s30  }
0xe6: {  	s0 =	sor.u32 s4, s0;
	s1 =	sshll.u32 s1, $0x11  }
0xe7: {  	s0 =	sor.u32 s1, s0  }
0xe8: {  	s0 =	sadd.s32 $0x8F2B, s0  }
0xe9: {  	[sflag:s0] =	ssyncadd.remote.s32 $0x1  }
0xea: {  	_ =	sfence.sel $0xFFFF  }
0xeb: {  	[dreg:$0x0] =	wrdreg $0xFFFFFFFF;
	(pc) =	sbr.abs _section_cstart, $3  }
0xec: {  	[dreg:$0x1] =	wrdreg $0xFFFFFFFF  }
0xed: {  	_ =	task.clear_ibuf [dreg:s21], $0x2FFFF;
	_ =	strace $0x9FFFFFFF  }
0xee: {  	(tm) =	ssettm $0x7FFFFFFF  }
0xef: {  	_ =	shalt  }
tec
_tile_task_arg_handler_lowered:
.L_overlay_start_1:
0x0: {  	(tag) =	ssettag $0x1  }
0x1: {  	s0 =	rddreg [dreg:$0x0]  }
0x2: {  	s1 =	rddreg [dreg:$0x1]  }
0x3: {  	s2 =	rddreg [dreg:$0x2]  }
0x4: {  	s3 =	rddreg [dreg:$0x3]  }
0x5: {  	s4 =	rddreg [dreg:$0x4]  }
0x6: {  	s5 =	rddreg [dreg:$0x5]  }
0x7: {  	s6 =	rddreg [dreg:$0x6]  }
0x8: {  	s7 =	rddreg [dreg:$0x7]  }
0x9: {  	s8 =	rddreg [dreg:$0x8]  }
0xa: {  	s9 =	rddreg [dreg:$0x9]  }
0xb: {  	s10 =	rddreg [dreg:$0xa]  }
0xc: {  	s11 =	rddreg [dreg:$0xb]  }
0xd: {  	s12 =	rddreg [dreg:$0xc]  }
0xe: {  	s13 =	rddreg [dreg:$0xd]  }
0xf: {  	[smem:s0] =	sst s1  }
0x10: {  	[smem:s0+$0x1] =	sst s2  }
0x11: {  	[smem:s0+$0x2] =	sst s3  }
0x12: {  	[smem:s0+$0x3] =	sst s4  }
0x13: {  	[smem:s0+$0x4] =	sst s5  }
0x14: {  	[smem:s0+$0x5] =	sst s6  }
0x15: {  	[smem:s0+$0x6] =	sst s7  }
0x16: {  	[smem:s0+$0x7] =	sst s8  }
0x17: {  	[smem:s0+$0x8] =	sst s9  }
0x18: {  	[smem:s0+$0x9] =	sst s10  }
0x19: {  	[smem:s0+$0xA] =	sst s11  }
0x1a: {  	[smem:s0+$0xB] =	sst s12  }
0x1b: {  	[smem:s0+$0xC] =	sst s13;
	_ =	shalt  }
.Lfunc_end2:
execute0_lowered:
.L_overlay_start_2:
0x1c: {  	(tag) =	ssettag $0x2  }
0x1d: {  	s0 =	rddreg [dreg:$0x0]  }
0x1e: {  	s16 =	rddreg [dreg:$0x1]  }
0x1f: {  	s18 =	rddreg [dreg:$0x2]  }
0x20: {  	s20 =	rddreg [dreg:$0x4]  }
0x21: {  	s24 =	rddreg [dreg:$0x5]  }
0x22: {  	s13 =	rddreg [dreg:$0x6]  }
0x23: {  	s26 =	rddreg [dreg:$0x7]  }
0x24: {  	s9 =	rddreg [dreg:$0x9]  }
0x25: {  	s11 =	rddreg [dreg:$0xa]  }
0x26: {  	s29 =	rddreg [dreg:$0xb]  }
0x27: {  	s6 =	rddreg [dreg:$0xc];
	s1 =	simm.s32 $0x0  }
0x28: {  	[smem:$0x7FF] =	sst s1  }
0x29: {  	s7 =	sld [smem:$0x0]  }
0x2a: {  	s8 =	sld [smem:$0x1]  }
0x2b: {  	s1 =	sld [smem:$0x2]  }
0x2c: {  	s17 =	sld [smem:$0x3]  }
0x2d: {  	s3 =	sld [smem:$0x4]  }
0x2e: {  	s4 =	sld [smem:$0x5]  }
0x2f: {  	s5 =	sld [smem:$0x6]  }
0x30: {  	s10 =	sld [smem:$0x7]  }
0x31: {  	s12 =	sld [smem:$0x8]  }
0x32: {  	s14 =	sld [smem:$0x9]  }
0x33: {  	s22 =	sld [smem:$0xB]  }
0x34: {  	s31 =	sld [smem:$0xD]  }
0x35: {  	s19 =	sld [smem:$0xE]  }
0x36: {  	s28 =	sld [smem:$0xF]  }
0x37: {  	[dreg:$0x11] =	wrdreg s1  }
0x38: {  	[dreg:$0x13] =	wrdreg s3  }
0x39: {  	[dreg:$0x12] =	wrdreg s4  }
0x3a: {  	[dreg:$0x14] =	wrdreg s5  }
0x3b: {  	[smem:$0x7CC] =	sst s10  }
0x3c: {  	[dreg:$0x15] =	wrdreg s12  }
0x3d: {  	[smem:$0x7CD] =	sst s14  }
0x3e: {  	s10 =	sld [smem:$0xA]  }
0x3f: {  	s12 =	sld [smem:$0xC]  }
0x40: {  	[dreg:$0xe] =	wrdreg s19  }
0x41: {  	s14 =	sld [smem:$0x10]  }
0x42: {  	s15 =	srdreg.scid;
	s23 =	sadd.s32 $0x1B200, s0;
	s5 =	sld [smem:$0x11]  }
0x43: {  	s1 =	sand.u32 $0x1, s15;
	s15 =	stileid.u32;
	s19 =	sld [smem:$0x12]  }
0x44: {  	s2 =	ssub.s32 $0x2, s1;
	s21 =	sshll.u32 s15, $0x1;
	s4 =	smul.u32 $0x4F00, s1  }
0x45: {  	p1 =	sgt.s32 s15, $0x1;
	s3 =	sshrl.u32 s2, $0x1;
	[dreg:$0x1a] =	wrdreg s5  }
0x46: {  	s2 =	ssub.s32 s2, s3;
	s3 =	sor.u32 s1, s21;
	s21 =	sld [smem:$0x13]  }
0x47: {  	p0 =	seq.s32 @p1 s15, $0x2;
	s4 =	sadd.s32 s23, s4;
	[dreg:$0x1d] =	wrdreg s19  }
0x48: {  	s1 =	smul.u32 $0x27800, s1;
	s5 =	sadd.s32 $0x15C00, s0;
	[dreg:$0x1c] =	wrdreg s4  }
0x49: {  	s19 =	sadd.s32 $0x1AC10, s0;
	p2 =	por !p0, !p1;
	[dreg:$0x1b] =	wrdreg s21  }
0x4a: {  	s25 =	sshrl.u32 s1, $0x3;
	_ =	strace $0x8000004A;
	[smem:$0x7CF] =	sst s5  }
0x4b: {  	s1 =	simm.s32 @!p2 $0x0;
	s21 =	sadd.s32 $0x1A720, s0;
	[smem:$0x7D0] =	sst s19  }
0x4c: {  	s1 =	simm.s32 @p2 $0x1;
	[smem:$0x7D1] =	sst s21  }
0x4d: {  	[smem:$0x7EF] =	sst s1  }
0x4e: {  	[dreg:$0x10] =	wrdreg s17  }
0x4f: {  	[dreg:$0x18] =	wrdreg s14  }
0x50: {  	s3 =	smul.u32 $0x500, s3;
	[smem:$0x7FB] =	sst s22  }
0x51: {  	[smem:$0x7FC] =	sst s31  }
0x52: {  	s3 =	sadd.s32 s3, s0;
	[smem:$0x7FD] =	sst s28  }
0x53: {  	s4 =	sadd.s32 s23, s25;
	s23 =	sadd.s32 $0xBC00, s3;
	[dreg:$0xf] =	wrdreg s8  }
0x54: {  	s25 =	sadd.s32 $0x1C00, s3;
	[dreg:$0x1e] =	wrdreg s23  }
0x55: {  	s3 =	sadd.s32 $0x16200, s0;
	[dreg:$0x1f] =	wrdreg s25  }
0x56: {  	s5 =	sadd.s32 $0x19360, s0;
	[smem:$0x7CE] =	sst s3  }
0x57: {  	s19 =	sadd.s32 $0x18E70, s0;
	[smem:$0x7D5] =	sst s5  }
0x58: {  	s21 =	sadd.s32 $0x18980, s0;
	[smem:$0x7D6] =	sst s19  }
0x59: {  	s23 =	sadd.s32 $0x1A230, s0;
	[smem:$0x7D7] =	sst s21  }
0x5a: {  	s25 =	sadd.s32 $0x19D40, s0;
	[smem:$0x7D2] =	sst s23  }
0x5b: {  	s3 =	sadd.s32 $0x19850, s0;
	[smem:$0x7D3] =	sst s25  }
0x5c: {  	s5 =	sadd.s32 $0x175C0, s0;
	[smem:$0x7D4] =	sst s3  }
0x5d: {  	p0 =	por p0, !p1;
	s19 =	sadd.s32 $0x170D0, s0;
	[smem:$0x7DB] =	sst s5  }
0x5e: {  	s1 =	simm.s32 @!p0 $0x0;
	s21 =	sadd.s32 $0x16BE0, s0;
	[smem:$0x7DC] =	sst s19  }
0x5f: {  	s1 =	simm.s32 @p0 $0x1;
	[smem:$0x7DD] =	sst s21  }
0x60: {  	s23 =	sadd.s32 $0x18490, s0;
	[smem:$0x7F0] =	sst s1  }
0x61: {  	s25 =	sadd.s32 $0x17FA0, s0;
	[smem:$0x7D8] =	sst s23  }
0x62: {  	s3 =	sadd.s32 $0x17AB0, s0;
	[smem:$0x7D9] =	sst s25  }
0x63: {  	s0 =	sadd.s32 $0x166F0, s0;
	[smem:$0x7DA] =	sst s3  }
0x64: {  	s5 =	sadd.s32 $0x13C0, s4;
	[smem:$0x7DE] =	sst s0  }
0x65: {  	s19 =	sadd.s32 $0x1DA0, s4;
	[smem:$0x7E2] =	sst s5  }
0x66: {  	s21 =	sadd.s32 $0x2290, s4;
	[smem:$0x7E4] =	sst s19  }
0x67: {  	s30 =	simm.s32 $0x5180;
	s23 =	sadd.s32 $0x4F0, s4;
	[smem:$0x7E5] =	sst s21  }
0x68: {  	p0 =	seq.s32 @!p1 s15, $0x0;
	s25 =	sadd.s32 $0x9E0, s4;
	[smem:$0x7DF] =	sst s23  }
0x69: {  	s0 =	smov.u32 s6;
	s3 =	sadd.s32 $0xED0, s4;
	[smem:$0x7E0] =	sst s25  }
0x6a: {  	s6 =	smov.u32 s10;
	s10 =	sadd.s32 $0x18B0, s4;
	[smem:$0x7E1] =	sst s3  }
0x6b: {  	p3 =	por !p0, p1;
	s5 =	sadd.s32 $0x3650, s4;
	[smem:$0x7E3] =	sst s10  }
0x6c: {  	s19 =	sadd.s32 $0x4030, s4;
	s1 =	simm.s32 @!p3 $0x0;
	[smem:$0x7E9] =	sst s5  }
0x6d: {  	p2 =	sgt.s32 s15, $0x5;
	[smem:$0x7EB] =	sst s19;
	s1 =	simm.s32 @p3 $0x1  }
0x6e: {  	s21 =	sadd.s32 $0x4520, s4;
	[smem:$0x7F1] =	sst s1;
	s1 =	simm.s32 @!p1 $0x0  }
0x6f: {  	p0 =	por p0, p1;
	[smem:$0x7EC] =	sst s21;
	s1 =	simm.s32 @p1 $0x1  }
0x70: {  	s23 =	sadd.s32 $0x2780, s4;
	[smem:$0x7F2] =	sst s1;
	s1 =	simm.s32 @!p0 $0x0  }
0x71: {  	[dreg:$0x16] =	wrdreg s6;
	s1 =	simm.s32 @p0 $0x1;
	p0 =	seq.s32 @p2 s15, $0x6  }
0x72: {  	s25 =	sadd.s32 $0x2C70, s4;
	[smem:$0x7E6] =	sst s23;
	p1 =	por !p0, !p2  }
0x73: {  	s3 =	sadd.s32 $0x3160, s4;
	[smem:$0x7F3] =	sst s1;
	s1 =	simm.s32 @!p1 $0x0  }
0x74: {  	[smem:$0x7E7] =	sst s25;
	p0 =	por p0, !p2;
	s1 =	simm.s32 @p1 $0x1  }
0x75: {  	s10 =	sadd.s32 $0x3B40, s4;
	[smem:$0x7F4] =	sst s1;
	s1 =	simm.s32 @!p0 $0x0  }
0x76: {  	[smem:$0x7E8] =	sst s3;
	s1 =	simm.s32 @p0 $0x1;
	p0 =	seq.s32 @!p2 s15, $0x4  }
0x77: {  	s5 =	simm.s32 $0x5380;
	[smem:$0x7EA] =	sst s10;
	p1 =	por !p0, p2  }
0x78: {  	s21 =	simm.s32 $0x5080;
	[smem:$0x7F5] =	sst s1;
	s1 =	simm.s32 @!p1 $0x0  }
0x79: {  	s23 =	sadd.s32 $0x4A10, s4;
	s4 =	smov.u32 s12;
	s1 =	simm.s32 @p1 $0x1  }
0x7a: {  	s25 =	smax.u32 s2, $0x1;
	[smem:$0x7F6] =	sst s1;
	s1 =	simm.s32 @!p2 $0x0  }
0x7b: {  	[smem:$0x7ED] =	sst s23;
	p0 =	por p0, p2;
	s1 =	simm.s32 @p2 $0x1  }
0x7c: {  	s2 =	smov.u32 s7;
	[smem:$0x7F7] =	sst s1;
	s1 =	simm.s32 @!p0 $0x0  }
0x7d: {  	[smem:$0x7EE] =	sst s25;
	s1 =	simm.s32 @p0 $0x1;
	p0 =	sgt.s32 s15, $0x7  }
0x7e: {  	s3 =	simm.s32 $0x80;
	[smem:$0x7F8] =	sst s1;
	s1 =	simm.s32 @!p0 $0x0  }
0x7f: {  	[dreg:$0x17] =	wrdreg s4;
	s1 =	simm.s32 @p0 $0x1;
	p0 =	sgt.s32 s15, $0x3  }
0x80: {  	s7 =	simm.s32 $0x1;
	[smem:$0x7F9] =	sst s1;
	s1 =	simm.s32 @!p0 $0x0  }
0x81: {  	s12 =	simm.s32 $0x0;
	[dreg:$0x19] =	wrdreg s2;
	s1 =	simm.s32 @p0 $0x1  }
0x82: {  	s25 =	simm.s32 $0x5100;
	s23 =	simm.s32 $0x5300;
	[smem:$0x7FA] =	sst s1  }
.LBB3_1:
0x83: {  	[smem:$0x7CB] =	sst s12  }
0x84: {  	s1 =	simm.s32 $0x0;
	s10 =	rddreg [dreg:$0x1e];
	s12 =	simm.s32 $0x3  }
0x85: {  	[tilespmem:s1], [sflag:$0x3] =	stream.linear.gather [hbm4b:s10+s1], $0x2800, $0x38;
	[tilespmem:$0xA300] =	vst v63  }
0x86: {  	_ =	swait.ge [sflag:s12], $0x2800  }
0x87: {  	[sflag:s12] =	ssyncset.done $0x0  }
0x88: {  	s19 =	simm.s32 $0x2800;
	s10 =	rddreg [dreg:$0x1f];
	[sflag:s12] =	ssyncadd.s32 $0xFFFFD800  }
0x89: {  	[tilespmem:s19], [sflag:$0x3] =	stream.linear.gather [hbm4b:s10+s1], $0x2800, $0x38;
	[tilespmem:$0xA300] =	vst v63  }
0x8a: {  	_ =	swait.ge [sflag:s12], $0x2800  }
0x8b: {  	s19 =	sld [smem:$0x7F9];
	_ =	sdelay $0x2  }
0x8c: {  	p0 =	seq.s32 s19, $0x1  }
.Ltmp0:
0x8d: {  	_ = 	snop;
	(pc) =	sbr.rel @p0 .LBB3_5-.Ltmp0, $3  }
0x8e: {  	_ =	sdelay $0x1  }
0x8f: {  	[sflag:s12] =	ssyncset.done $0x0  }
0x90: {  	[sflag:s12] =	ssyncadd.s32 $0xFFFFD800  }
0x91: {  	s4 =	sld [smem:$0x7FA];
	_ =	sdelay $0x2  }
0x92: {  	p0 =	seq.s32 s4, $0x1  }
.Ltmp1:
0x93: {  	_ = 	snop;
	(pc) =	sbr.rel @p0 .LBB3_4-.Ltmp1, $2  }
0x94: {  	_ =	sdelay $0x2  }
0x95: {  	s1 =	rddreg [dreg:$0xd]  }
0x96: {  	s4 =	sld [smem:$0x7EF];
	_ =	sdelay $0x2  }
0x97: {  	p3 =	seq.s32 s4, $0x1;
	s4 =	sld [smem:$0x7DD];
	_ =	sdelay $0x1  }
0x98: {  	s10 =	sshrl.u32 @!p3 s24, $0x3;
	s12 =	simm.s32 @!p3 $0x1C83  }
0x99: {  	[spmem:s10], [sflag:s12] =	dma.local @!p3 [hbm:s4], $0x4F0  }
0x9a: {  	s10 =	simm.s32 @!p3 $0x3  }
0x9b: {  	_ =	swait.ge @!p3 [sflag:s10], $0x4F0  }
0x9c: {  	s6 =	sld [smem:$0x7CF]  }
0x9d: {  	[sflag:s10] =	ssyncset.done @!p3 $0x0  }
0x9e: {  	[sflag:s10] =	ssyncadd.s32 @!p3 $0xFFFFFB10;
	s10 =	sshrl.u32 @!p3 s13, $0x3  }
0x9f: {  	[spmem:s10], [sflag:s12] =	dma.local @!p3 [hbm:s6], $0x4F0  }
0xa0: {  	s12 =	sld [smem:$0x7F0];
	_ =	sdelay $0x1  }
0xa1: {  	s4 =	sld [smem:$0x7DC]  }
0xa2: {  	p5 =	seq.s32 s12, $0x1  }
0xa3: {  	s10 =	sshrl.u32 @!p5 s26, $0x3;
	s12 =	simm.s32 @!p5 $0x1CC3  }
0xa4: {  	[spmem:s10], [sflag:s12] =	dma.local @!p5 [hbm:s4], $0x4F0  }
0xa5: {  	s10 =	simm.s32 @!p5 $0x3  }
0xa6: {  	_ =	swait.ge @!p5 [sflag:s10], $0x4F0  }
0xa7: {  	[sflag:s10] =	ssyncset.done @!p5 $0x0  }
0xa8: {  	[sflag:s10] =	ssyncadd.s32 @!p5 $0xFFFFFB10  }
0xa9: {  	s4 =	rddreg [dreg:$0x8]  }
0xaa: {  	s10 =	sshrl.u32 @!p5 s4, $0x3  }
0xab: {  	[spmem:s10], [sflag:s12] =	dma.local @!p5 [hbm:s6], $0x4F0  }
0xac: {  	s14 =	sld [smem:$0x7F1];
	_ =	sdelay $0x1  }
0xad: {  	s4 =	sld [smem:$0x7CE]  }
0xae: {  	p0 =	seq.s32 s14, $0x1  }
0xaf: {  	s10 =	sshrl.u32 @!p0 s16, $0x3;
	s12 =	simm.s32 @!p0 $0x1C03  }
0xb0: {  	[spmem:s10], [sflag:s12] =	dma.local @!p0 [hbm:s4], $0x4F0  }
0xb1: {  	s10 =	simm.s32 @!p0 $0x3  }
0xb2: {  	_ =	swait.ge @!p0 [sflag:s10], $0x4F0  }
0xb3: {  	[sflag:s10] =	ssyncset.done @!p0 $0x0  }
0xb4: {  	[sflag:s10] =	ssyncadd.s32 @!p0 $0xFFFFFB10;
	s10 =	sshrl.u32 @!p0 s18, $0x3  }
0xb5: {  	[spmem:s10], [sflag:s12] =	dma.local @!p0 [hbm:s6], $0x4F0  }
0xb6: {  	s15 =	sld [smem:$0x7F3];
	_ =	sdelay $0x1  }
0xb7: {  	s4 =	sld [smem:$0x7DE]  }
0xb8: {  	s19 =	rddreg [dreg:$0x3];
	p1 =	seq.s32 s15, $0x1  }
0xb9: {  	p6 =	por @!p3 $0x0, $0x0;
	s10 =	sshrl.u32 @!p1 s19, $0x3;
	s12 =	simm.s32 @!p1 $0x1C43  }
0xba: {  	[spmem:s10], [sflag:s12] =	dma.local @!p1 [hbm:s4], $0x4F0  }
0xbb: {  	p2 =	por @!p5 $0x1, $0x1;
	p4 =	por @!p5 $0x0, $0x0;
	s10 =	simm.s32 @!p1 $0x3  }
0xbc: {  	p2 =	por @!p3 p6, p6;
	p5 =	por @!p5 $0x0, $0x0;
	_ =	swait.ge @!p1 [sflag:s10], $0x4F0  }
0xbd: {  	p5 =	por @!p3 p6, p6;
	p6 =	por @!p1 $0x1, $0x1;
	[sflag:s10] =	ssyncset.done @!p1 $0x0  }
0xbe: {  	s4 =	simm.s32 @!p2 $0x0;
	[sflag:s10] =	ssyncadd.s32 @!p1 $0xFFFFFB10;
	s10 =	sshrl.u32 @!p1 s20, $0x3  }
0xbf: {  	[spmem:s10], [sflag:s12] =	dma.local @!p1 [hbm:s6], $0x4F0  }
0xc0: {  	s4 =	simm.s32 @p2 $0x1;
	p2 =	por @!p3 $0x1, $0x1;
	s17 =	sld [smem:$0x7F2]  }
0xc1: {  	p4 =	por @!p3 p2, p2;
	p3 =	por @!p1 $0x0, $0x0;
	p2 =	por @!p0 $0x0, $0x0  }
0xc2: {  	p6 =	por @!p0 p2, p2;
	p3 =	por @!p0 p2, p2  }
0xc3: {  	p0 =	por p5, p5;
	p1 =	por p5, p5;
	p2 =	seq.s32 s17, $0x1  }
0xc4: {  	[smem:$0x7C4] =	sst s4;
	p1 =	por @!p2 p6, p6;
	p0 =	por @!p2 p3, p3  }
0xc5: {  	p6 =	por p1, p1;
	p1 =	por p5, p5;
	s4 =	simm.s32 @!p0 $0x0  }
0xc6: {  	s4 =	simm.s32 @p0 $0x1;
	p1 =	por @!p2 p3, p3  }
0xc7: {  	p0 =	por p5, p5;
	[smem:$0x7BF] =	sst s4;
	s4 =	simm.s32 @!p1 $0x0  }
0xc8: {  	p0 =	por @!p2 p3, p3;
	s4 =	simm.s32 @p1 $0x1  }
0xc9: {  	p1 =	por p5, p5;
	[smem:$0x7C0] =	sst s4;
	s4 =	simm.s32 @!p0 $0x0  }
0xca: {  	s22 =	sld [smem:$0x7C4];
	p1 =	por @!p2 p3, p3;
	s4 =	simm.s32 @p0 $0x1  }
0xcb: {  	p0 =	por p5, p5;
	[smem:$0x7C1] =	sst s4;
	s4 =	simm.s32 @!p1 $0x0  }
0xcc: {  	p0 =	por @!p2 p3, p3;
	s4 =	simm.s32 @p1 $0x1  }
0xcd: {  	[smem:$0x7C2] =	sst s4;
	s4 =	simm.s32 @!p0 $0x0  }
0xce: {  	s4 =	simm.s32 @p0 $0x1;
	p0 =	seq.s32 s22, $0x1  }
0xcf: {  	p0 =	por @!p2 p3, p3  }
0xd0: {  	[smem:$0x7C3] =	sst s4;
	s4 =	simm.s32 @!p0 $0x0  }
0xd1: {  	p4 =	por @!p2 p3, p3;
	s4 =	simm.s32 @p0 $0x1  }
0xd2: {  	[smem:$0x7C4] =	sst s4;
	s4 =	simm.s32 @!p4 $0x0  }
0xd3: {  	s4 =	simm.s32 @p4 $0x1;
	p4 =	por p5, p5  }
0xd4: {  	p4 =	por @!p2 p3, p3  }
0xd5: {  	p0 =	por p5, p5;
	[smem:$0x7C5] =	sst s4;
	s4 =	simm.s32 @!p4 $0x0  }
0xd6: {  	p0 =	por @!p2 p3, p3;
	s4 =	simm.s32 @p4 $0x1  }
0xd7: {  	p4 =	por p5, p5;
	[smem:$0x7C6] =	sst s4;
	s4 =	simm.s32 @!p0 $0x0  }
0xd8: {  	p4 =	por @!p2 p3, p3;
	s4 =	simm.s32 @p0 $0x1  }
0xd9: {  	p0 =	por p5, p5;
	[smem:$0x7C7] =	sst s4;
	s4 =	simm.s32 @!p4 $0x0  }
0xda: {  	p0 =	por @!p2 p3, p3;
	s4 =	simm.s32 @p4 $0x1  }
0xdb: {  	[smem:$0x7C8] =	sst s4;
	s4 =	simm.s32 @!p0 $0x0  }
.Ltmp2:
0xdc: {  	s4 =	simm.s32 @p0 $0x1;
	p0 =	por p5, p5;
	(pc) =	sbr.rel .LBB3_8-.Ltmp2, $4  }
0xdd: {  	s28 =	simm.s32 $0x5200;
	p0 =	por @!p2 p3, p3  }
0xde: {  	s31 =	simm.s32 $0x5280;
	[smem:$0x7C9] =	sst s4;
	s4 =	simm.s32 @!p0 $0x0  }
0xdf: {  	s17 =	simm.s32 $0x5000;
	p1 =	por p5, p5;
	s4 =	simm.s32 @p0 $0x1  }
0xe0: {  	p1 =	por @!p2 p3, p3;
	p5 =	por @!p2 p3, p3;
	[smem:$0x7CA] =	sst s4  }
.LBB3_5:
0xe1: {  	p0 =	sgt.s32 s15, $0xB  }
.Ltmp3:
0xe2: {  	_ = 	snop;
	(pc) =	sbr.rel @p0 .LBB3_7-.Ltmp3, $4  }
0xe3: {  	s1 =	rddreg [dreg:$0xd]  }
0xe4: {  	s19 =	rddreg [dreg:$0x1a]  }
0xe5: {  	s10 =	sld [smem:$0x7CC]  }
0xe6: {  	s23 =	sld [smem:$0x7CD]  }
0xe7: {  	p3 =	sgt.s32 s15, $0x9  }
0xe8: {  	s4 =	sld [smem:$0x7D5];
	p1 =	seq.s32 @p3 s15, $0xA  }
0xe9: {  	p0 =	por !p1, !p3  }
0xea: {  	s10 =	sshrl.u32 @!p0 s10, $0x3;
	s12 =	simm.s32 @!p0 $0x1E83  }
0xeb: {  	[spmem:s10], [sflag:s12] =	dma.local @!p0 [hbm:s4], $0x4F0  }
0xec: {  	s10 =	simm.s32 @!p0 $0x3  }
0xed: {  	_ =	swait.ge @!p0 [sflag:s10], $0x4F0  }
0xee: {  	s14 =	sld [smem:$0x7CF]  }
0xef: {  	[sflag:s10] =	ssyncset.done @!p0 $0x0;
	s4 =	rddreg [dreg:$0x15]  }
0xf0: {  	[sflag:s10] =	ssyncadd.s32 @!p0 $0xFFFFFB10;
	s10 =	sshrl.u32 @!p0 s4, $0x3  }
0xf1: {  	[spmem:s10], [sflag:s12] =	dma.local @!p0 [hbm:s14], $0x4F0  }
0xf2: {  	s4 =	sld [smem:$0x7D4]  }
0xf3: {  	p2 =	por p1, !p3  }
0xf4: {  	s10 =	sshrl.u32 @!p2 s23, $0x3;
	s12 =	simm.s32 @!p2 $0x1EC3  }
0xf5: {  	[spmem:s10], [sflag:s12] =	dma.local @!p2 [hbm:s4], $0x4F0  }
0xf6: {  	s10 =	simm.s32 @!p2 $0x3  }
0xf7: {  	_ =	swait.ge @!p2 [sflag:s10], $0x4F0  }
0xf8: {  	[sflag:s10] =	ssyncset.done @!p2 $0x0  }
0xf9: {  	[sflag:s10] =	ssyncadd.s32 @!p2 $0xFFFFFB10;
	s10 =	sshrl.u32 @!p2 s6, $0x3  }
0xfa: {  	[spmem:s10], [sflag:s12] =	dma.local @!p2 [hbm:s14], $0x4F0  }
0xfb: {  	p4 =	seq.s32 @!p3 s15, $0x8;
	s4 =	sld [smem:$0x7D7]  }
0xfc: {  	p1 =	por !p4, p3  }
0xfd: {  	s10 =	sshrl.u32 @!p1 s17, $0x3;
	s12 =	simm.s32 @!p1 $0x1E03  }
0xfe: {  	[spmem:s10], [sflag:s12] =	dma.local @!p1 [hbm:s4], $0x4F0  }
0xff: {  	s10 =	simm.s32 @!p1 $0x3  }
0x100: {  	_ =	swait.ge @!p1 [sflag:s10], $0x4F0  }
0x101: {  	[sflag:s10] =	ssyncset.done @!p1 $0x0;
	s4 =	rddreg [dreg:$0x13]  }
0x102: {  	[sflag:s10] =	ssyncadd.s32 @!p1 $0xFFFFFB10;
	s10 =	sshrl.u32 @!p1 s4, $0x3  }
0x103: {  	[spmem:s10], [sflag:s12] =	dma.local @!p1 [hbm:s14], $0x4F0  }
0x104: {  	p4 =	por p4, p3;
	s4 =	rddreg [dreg:$0x12]  }
0x105: {  	s10 =	sshrl.u32 @!p4 s4, $0x3;
	s4 =	sld [smem:$0x7D6];
	_ =	sdelay $0x1  }
0x106: {  	p5 =	por @!p2 $0x0, $0x0;
	s12 =	simm.s32 @!p4 $0x1E43  }
0x107: {  	[spmem:s10], [sflag:s12] =	dma.local @!p4 [hbm:s4], $0x4F0  }
0x108: {  	p6 =	por @!p0 $0x0, $0x0;
	s4 =	simm.s32 @!p5 $0x0  }
0x109: {  	s4 =	simm.s32 @p5 $0x1;
	p5 =	por @!p0 p6, p6  }
0x10a: {  	s10 =	simm.s32 @!p4 $0x3;
	[smem:$0x7C9] =	sst s4;
	s4 =	simm.s32 @!p5 $0x0  }
0x10b: {  	_ =	swait.ge @!p4 [sflag:s10], $0x4F0;
	s4 =	simm.s32 @p5 $0x1  }
0x10c: {  	[smem:$0x7BD] =	sst s4  }
0x10d: {  	p2 =	por @!p2 $0x1, $0x1;
	[sflag:s10] =	ssyncset.done @!p4 $0x0;
	s4 =	rddreg [dreg:$0x14]  }
0x10e: {  	p2 =	por @!p0 p6, p6;
	[sflag:s10] =	ssyncadd.s32 @!p4 $0xFFFFFB10;
	s10 =	sshrl.u32 @!p4 s4, $0x3  }
0x10f: {  	[spmem:s10], [sflag:s12] =	dma.local @!p4 [hbm:s14], $0x4F0  }
0x110: {  	s4 =	simm.s32 @!p2 $0x0;
	s15 =	sld [smem:$0x7C9]  }
0x111: {  	s4 =	simm.s32 @p2 $0x1  }
0x112: {  	[smem:$0x7C1] =	sst s4  }
0x113: {  	p5 =	por @!p0 $0x1, $0x1;
	s17 =	sld [smem:$0x7BD];
	p2 =	seq.s32 s15, $0x1  }
0x114: {  	p6 =	por @!p4 $0x0, $0x0;
	s22 =	sld [smem:$0x7BD];
	p2 =	por @!p0 p5, p5  }
0x115: {  	p0 =	por @!p4 $0x1, $0x1;
	p4 =	por p6, p6;
	s4 =	simm.s32 @!p2 $0x0  }
0x116: {  	p5 =	seq.s32 s17, $0x1;
	s4 =	simm.s32 @p2 $0x1;
	p2 =	por @!p1 $0x0, $0x0  }
0x117: {  	p4 =	por @!p1 p2, p2;
	p0 =	por @!p1 p2, p2;
	p2 =	por @!p1 $0x1, $0x1  }
0x118: {  	p6 =	por @!p1 p2, p2;
	p5 =	por @!p3 p0, p0;
	p2 =	seq.s32 s22, $0x1  }
0x119: {  	[smem:$0x7C9] =	sst s4;
	s4 =	simm.s32 @!p5 $0x0;
	p1 =	por p2, p2  }
0x11a: {  	s4 =	simm.s32 @p5 $0x1;
	p1 =	por @!p3 p6, p6  }
0x11b: {  	p0 =	por p2, p2;
	[smem:$0x7C2] =	sst s4;
	s4 =	simm.s32 @!p1 $0x0  }
0x11c: {  	s19 =	sld [smem:$0x7C1];
	p0 =	por @!p3 p4, p4;
	s4 =	simm.s32 @p1 $0x1  }
0x11d: {  	p1 =	por p2, p2;
	[smem:$0x7C8] =	sst s4;
	s4 =	simm.s32 @!p0 $0x0  }
0x11e: {  	p1 =	por @!p3 p4, p4;
	s4 =	simm.s32 @p0 $0x1  }
0x11f: {  	p5 =	seq.s32 s19, $0x1;
	[smem:$0x7BF] =	sst s4;
	s4 =	simm.s32 @!p1 $0x0  }
0x120: {  	p5 =	por @!p3 p4, p4;
	s4 =	simm.s32 @p1 $0x1  }
0x121: {  	p0 =	por p2, p2;
	[smem:$0x7C0] =	sst s4;
	s4 =	simm.s32 @!p5 $0x0  }
0x122: {  	p0 =	por @!p3 p4, p4;
	s4 =	simm.s32 @p5 $0x1  }
0x123: {  	[smem:$0x7C1] =	sst s4;
	s4 =	simm.s32 @!p0 $0x0  }
0x124: {  	s4 =	simm.s32 @p0 $0x1;
	p0 =	por p2, p2  }
0x125: {  	p0 =	por @!p3 p4, p4  }
0x126: {  	[smem:$0x7C3] =	sst s4;
	s4 =	simm.s32 @!p0 $0x0  }
0x127: {  	s4 =	simm.s32 @p0 $0x1;
	p0 =	por p2, p2  }
0x128: {  	p0 =	por @!p3 p4, p4  }
0x129: {  	p5 =	por p2, p2;
	[smem:$0x7C4] =	sst s4;
	s4 =	simm.s32 @!p0 $0x0  }
0x12a: {  	s23 =	sld [smem:$0x7C9];
	p5 =	por @!p3 p4, p4;
	s4 =	simm.s32 @p0 $0x1  }
0x12b: {  	p0 =	por p2, p2;
	[smem:$0x7C5] =	sst s4;
	s4 =	simm.s32 @!p5 $0x0  }
0x12c: {  	p0 =	por @!p3 p4, p4;
	s4 =	simm.s32 @p5 $0x1  }
0x12d: {  	[smem:$0x7C6] =	sst s4;
	s4 =	simm.s32 @!p0 $0x0  }
0x12e: {  	s28 =	simm.s32 $0x5200;
	s4 =	simm.s32 @p0 $0x1;
	p0 =	seq.s32 s23, $0x1  }
0x12f: {  	s31 =	simm.s32 $0x5280;
	s17 =	simm.s32 $0x5000;
	p0 =	por @!p3 p4, p4  }
0x130: {  	p6 =	por p2, p2;
	[smem:$0x7C7] =	sst s4;
	s4 =	simm.s32 @!p0 $0x0  }
.Ltmp4:
0x131: {  	s4 =	simm.s32 @p0 $0x1;
	p0 =	por p2, p2;
	(pc) =	sbr.rel .LBB3_8-.Ltmp4, $4  }
0x132: {  	s19 =	rddreg [dreg:$0x3];
	p6 =	por @!p3 p4, p4;
	p0 =	por @!p3 p4, p4  }
0x133: {  	p1 =	por p2, p2;
	[smem:$0x7C9] =	sst s4;
	s4 =	simm.s32 @!p0 $0x0  }
0x134: {  	p1 =	por @!p3 p4, p4;
	p2 =	por @!p3 p4, p4;
	s4 =	simm.s32 @p0 $0x1  }
0x135: {  	s23 =	simm.s32 $0x5300;
	p5 =	por p2, p2;
	[smem:$0x7CA] =	sst s4  }
.LBB3_4:
0x136: {  	s4 =	sld [smem:$0x7F4];
	_ =	sdelay $0x2  }
0x137: {  	p2 =	seq.s32 s4, $0x1;
	s4 =	sld [smem:$0x7D9];
	_ =	sdelay $0x1  }
0x138: {  	s10 =	sshrl.u32 @!p2 s1, $0x3;
	s12 =	simm.s32 @!p2 $0x1D83  }
0x139: {  	[spmem:s10], [sflag:s12] =	dma.local @!p2 [hbm:s4], $0x4F0  }
0x13a: {  	s10 =	simm.s32 @!p2 $0x3  }
0x13b: {  	_ =	swait.ge @!p2 [sflag:s10], $0x4F0  }
0x13c: {  	s6 =	sld [smem:$0x7CF]  }
0x13d: {  	[sflag:s10] =	ssyncset.done @!p2 $0x0  }
0x13e: {  	[sflag:s10] =	ssyncadd.s32 @!p2 $0xFFFFFB10;
	s10 =	sshrl.u32 @!p2 s2, $0x3  }
0x13f: {  	[spmem:s10], [sflag:s12] =	dma.local @!p2 [hbm:s6], $0x4F0  }
0x140: {  	s12 =	sld [smem:$0x7F5];
	_ =	sdelay $0x1  }
0x141: {  	s4 =	sld [smem:$0x7D8]  }
0x142: {  	p3 =	seq.s32 s12, $0x1  }
0x143: {  	s10 =	sshrl.u32 @!p3 s8, $0x3;
	s12 =	simm.s32 @!p3 $0x1DC3  }
0x144: {  	[spmem:s10], [sflag:s12] =	dma.local @!p3 [hbm:s4], $0x4F0  }
0x145: {  	s10 =	simm.s32 @!p3 $0x3  }
0x146: {  	_ =	swait.ge @!p3 [sflag:s10], $0x4F0  }
0x147: {  	[sflag:s10] =	ssyncset.done @!p3 $0x0;
	s4 =	rddreg [dreg:$0x11]  }
0x148: {  	[sflag:s10] =	ssyncadd.s32 @!p3 $0xFFFFFB10;
	s10 =	sshrl.u32 @!p3 s4, $0x3  }
0x149: {  	[spmem:s10], [sflag:s12] =	dma.local @!p3 [hbm:s6], $0x4F0  }
0x14a: {  	s14 =	sld [smem:$0x7F6];
	_ =	sdelay $0x1  }
0x14b: {  	s4 =	sld [smem:$0x7DB]  }
0x14c: {  	p4 =	seq.s32 s14, $0x1  }
0x14d: {  	s10 =	sshrl.u32 @!p4 s9, $0x3;
	s12 =	simm.s32 @!p4 $0x1D03  }
0x14e: {  	[spmem:s10], [sflag:s12] =	dma.local @!p4 [hbm:s4], $0x4F0  }
0x14f: {  	s10 =	simm.s32 @!p4 $0x3  }
0x150: {  	_ =	swait.ge @!p4 [sflag:s10], $0x4F0  }
0x151: {  	[sflag:s10] =	ssyncset.done @!p4 $0x0  }
0x152: {  	[sflag:s10] =	ssyncadd.s32 @!p4 $0xFFFFFB10;
	s10 =	sshrl.u32 @!p4 s11, $0x3  }
0x153: {  	[spmem:s10], [sflag:s12] =	dma.local @!p4 [hbm:s6], $0x4F0  }
0x154: {  	s15 =	sld [smem:$0x7F8];
	_ =	sdelay $0x1  }
0x155: {  	s4 =	sld [smem:$0x7DA]  }
0x156: {  	p1 =	por @!p2 $0x0, $0x0;
	p0 =	por @!p3 $0x1, $0x1;
	p6 =	seq.s32 s15, $0x1  }
0x157: {  	p0 =	por @!p2 p1, p1;
	s10 =	sshrl.u32 @!p6 s29, $0x3;
	s12 =	simm.s32 @!p6 $0x1D43  }
0x158: {  	[spmem:s10], [sflag:s12] =	dma.local @!p6 [hbm:s4], $0x4F0  }
0x159: {  	p5 =	por @!p3 $0x0, $0x0;
	p3 =	por @!p3 $0x0, $0x0;
	s4 =	simm.s32 @!p0 $0x0  }
0x15a: {  	s10 =	simm.s32 @!p6 $0x3;
	s4 =	simm.s32 @p0 $0x1;
	p0 =	por @!p2 $0x1, $0x1  }
0x15b: {  	_ =	swait.ge @!p6 [sflag:s10], $0x4F0;
	p3 =	por @!p2 p0, p0  }
0x15c: {  	[smem:$0x7BE] =	sst s4;
	s4 =	simm.s32 @!p3 $0x0  }
0x15d: {  	[sflag:s10] =	ssyncset.done @!p6 $0x0;
	s4 =	simm.s32 @p3 $0x1  }
0x15e: {  	[sflag:s10] =	ssyncadd.s32 @!p6 $0xFFFFFB10;
	s10 =	sshrl.u32 @!p6 s0, $0x3;
	[smem:$0x7C7] =	sst s4  }
0x15f: {  	[spmem:s10], [sflag:s12] =	dma.local @!p6 [hbm:s6], $0x4F0  }
0x160: {  	p5 =	por @!p2 p1, p1;
	p1 =	por @!p4 $0x0, $0x0;
	s17 =	sld [smem:$0x7F7]  }
0x161: {  	p0 =	por @!p4 $0x1, $0x1;
	p2 =	por @!p6 $0x1, $0x1;
	p3 =	por @!p6 $0x0, $0x0  }
0x162: {  	p2 =	por @!p4 p1, p1;
	p3 =	por @!p4 p1, p1;
	p1 =	por @!p6 $0x0, $0x0  }
0x163: {  	p6 =	por p5, p5;
	p1 =	por @!p4 p0, p0;
	p4 =	seq.s32 s17, $0x1  }
0x164: {  	p6 =	por @!p4 p2, p2  }
0x165: {  	p2 =	por p5, p5;
	s4 =	simm.s32 @!p6 $0x0  }
0x166: {  	p2 =	por @!p4 p1, p1;
	s4 =	simm.s32 @p6 $0x1  }
0x167: {  	p0 =	por p5, p5;
	[smem:$0x7C3] =	sst s4;
	s4 =	simm.s32 @!p2 $0x0  }
0x168: {  	p0 =	por @!p4 p3, p3;
	s4 =	simm.s32 @p2 $0x1  }
0x169: {  	p1 =	por p5, p5;
	[smem:$0x7C6] =	sst s4;
	s4 =	simm.s32 @!p0 $0x0  }
0x16a: {  	p1 =	por @!p4 p3, p3;
	s4 =	simm.s32 @p0 $0x1  }
0x16b: {  	p0 =	por p5, p5;
	[smem:$0x7BF] =	sst s4;
	s4 =	simm.s32 @!p1 $0x0  }
0x16c: {  	p0 =	por @!p4 p3, p3;
	s4 =	simm.s32 @p1 $0x1  }
0x16d: {  	p2 =	por p5, p5;
	[smem:$0x7C0] =	sst s4;
	s4 =	simm.s32 @!p0 $0x0  }
0x16e: {  	p2 =	por @!p4 p3, p3;
	s4 =	simm.s32 @p0 $0x1  }
0x16f: {  	p0 =	por p5, p5;
	[smem:$0x7C1] =	sst s4;
	s4 =	simm.s32 @!p2 $0x0  }
0x170: {  	p0 =	por @!p4 p3, p3;
	s4 =	simm.s32 @p2 $0x1  }
0x171: {  	[smem:$0x7C2] =	sst s4;
	s4 =	simm.s32 @!p0 $0x0  }
0x172: {  	s22 =	sld [smem:$0x7C7];
	s4 =	simm.s32 @p0 $0x1;
	p0 =	por p5, p5  }
0x173: {  	p0 =	por @!p4 p3, p3  }
0x174: {  	[smem:$0x7C4] =	sst s4;
	s4 =	simm.s32 @!p0 $0x0  }
0x175: {  	s4 =	simm.s32 @p0 $0x1;
	p0 =	seq.s32 s22, $0x1  }
0x176: {  	p0 =	por @!p4 p3, p3  }
0x177: {  	p2 =	por p5, p5;
	[smem:$0x7C5] =	sst s4;
	s4 =	simm.s32 @!p0 $0x0  }
0x178: {  	s28 =	simm.s32 $0x5200;
	p2 =	por @!p4 p3, p3;
	s4 =	simm.s32 @p0 $0x1  }
0x179: {  	p0 =	por p5, p5;
	[smem:$0x7C7] =	sst s4;
	s4 =	simm.s32 @!p2 $0x0  }
0x17a: {  	s19 =	sld [smem:$0x7BE];
	p0 =	por @!p4 p3, p3;
	s4 =	simm.s32 @p2 $0x1  }
0x17b: {  	s31 =	simm.s32 $0x5280;
	[smem:$0x7C8] =	sst s4;
	s4 =	simm.s32 @!p0 $0x0  }
.Ltmp5:
0x17c: {  	s4 =	simm.s32 @p0 $0x1;
	p0 =	por p5, p5;
	(pc) =	sbr.rel .LBB3_8-.Ltmp5, $4  }
0x17d: {  	s17 =	simm.s32 $0x5000;
	p6 =	por p5, p5;
	p0 =	por @!p4 p3, p3  }
0x17e: {  	p6 =	por @!p4 p3, p3;
	[smem:$0x7C9] =	sst s4;
	s4 =	simm.s32 @!p0 $0x0  }
0x17f: {  	p1 =	seq.s32 s19, $0x1;
	s19 =	rddreg [dreg:$0x3];
	s4 =	simm.s32 @p0 $0x1  }
0x180: {  	p1 =	por @!p4 p3, p3;
	p5 =	por @!p4 p3, p3;
	[smem:$0x7CA] =	sst s4  }
.LBB3_7:
0x181: {  	p3 =	sgt.s32 s15, $0xD  }
0x182: {  	s6 =	sld [smem:$0x7D1];
	p1 =	seq.s32 @p3 s15, $0xE  }
0x183: {  	p0 =	por !p1, !p3  }
0x184: {  	s10 =	sshrl.u32 @!p0 s28, $0x3;
	s12 =	simm.s32 @!p0 $0x1F83  }
0x185: {  	[spmem:s10], [sflag:s12] =	dma.local @!p0 [hbm:s6], $0x4F0  }
0x186: {  	s10 =	simm.s32 @!p0 $0x3  }
0x187: {  	_ =	swait.ge @!p0 [sflag:s10], $0x4F0  }
0x188: {  	[sflag:s10] =	ssyncset.done @!p0 $0x0  }
0x189: {  	[sflag:s10] =	ssyncadd.s32 @!p0 $0xFFFFFB10;
	s10 =	sshrl.u32 @!p0 s14, $0x3;
	s14 =	sld [smem:$0x7CF]  }
0x18a: {  	_ =	sdelay $0x1  }
0x18b: {  	[spmem:s10], [sflag:s12] =	dma.local @!p0 [hbm:s14], $0x4F0  }
0x18c: {  	s6 =	sld [smem:$0x7D0]  }
0x18d: {  	p2 =	por p1, !p3  }
0x18e: {  	s10 =	sshrl.u32 @!p2 s19, $0x3;
	s12 =	simm.s32 @!p2 $0x1FC3  }
0x18f: {  	[spmem:s10], [sflag:s12] =	dma.local @!p2 [hbm:s6], $0x4F0  }
0x190: {  	s10 =	simm.s32 @!p2 $0x3  }
0x191: {  	_ =	swait.ge @!p2 [sflag:s10], $0x4F0  }
0x192: {  	[sflag:s10] =	ssyncset.done @!p2 $0x0;
	s6 =	rddreg [dreg:$0x1d]  }
0x193: {  	[sflag:s10] =	ssyncadd.s32 @!p2 $0xFFFFFB10;
	s10 =	sshrl.u32 @!p2 s6, $0x3  }
0x194: {  	[spmem:s10], [sflag:s12] =	dma.local @!p2 [hbm:s14], $0x4F0  }
0x195: {  	p4 =	seq.s32 @!p3 s15, $0xC;
	s6 =	sld [smem:$0x7D3]  }
0x196: {  	p1 =	por !p4, p3  }
0x197: {  	s10 =	sshrl.u32 @!p1 s22, $0x3;
	s12 =	simm.s32 @!p1 $0x1F03  }
0x198: {  	[spmem:s10], [sflag:s12] =	dma.local @!p1 [hbm:s6], $0x4F0  }
0x199: {  	s10 =	simm.s32 @!p1 $0x3  }
0x19a: {  	_ =	swait.ge @!p1 [sflag:s10], $0x4F0  }
0x19b: {  	[sflag:s10] =	ssyncset.done @!p1 $0x0  }
0x19c: {  	[sflag:s10] =	ssyncadd.s32 @!p1 $0xFFFFFB10;
	s10 =	sshrl.u32 @!p1 s4, $0x3  }
0x19d: {  	[spmem:s10], [sflag:s12] =	dma.local @!p1 [hbm:s14], $0x4F0  }
0x19e: {  	p4 =	por p4, p3;
	s4 =	sld [smem:$0x7D2]  }
0x19f: {  	p6 =	por @!p0 $0x0, $0x0;
	p5 =	por @!p2 $0x0, $0x0;
	p2 =	por @!p2 $0x1, $0x1  }
0x1a0: {  	p2 =	por @!p0 p6, p6;
	s10 =	sshrl.u32 @!p4 s31, $0x3;
	s12 =	simm.s32 @!p4 $0x1F43  }
0x1a1: {  	[spmem:s10], [sflag:s12] =	dma.local @!p4 [hbm:s4], $0x4F0  }
0x1a2: {  	s10 =	simm.s32 @!p4 $0x3;
	s4 =	simm.s32 @!p2 $0x0  }
0x1a3: {  	_ =	swait.ge @!p4 [sflag:s10], $0x4F0;
	s4 =	simm.s32 @p2 $0x1  }
0x1a4: {  	p2 =	por p5, p5;
	p5 =	por @!p0 p6, p6;
	[smem:$0x7BF] =	sst s4  }
0x1a5: {  	p6 =	por @!p4 $0x0, $0x0;
	[sflag:s10] =	ssyncset.done @!p4 $0x0;
	s4 =	rddreg [dreg:$0xe]  }
0x1a6: {  	[sflag:s10] =	ssyncadd.s32 @!p4 $0xFFFFFB10;
	s10 =	sshrl.u32 @!p4 s4, $0x3;
	s4 =	simm.s32 @!p6 $0x0  }
0x1a7: {  	[spmem:s10], [sflag:s12] =	dma.local @!p4 [hbm:s14], $0x4F0  }
0x1a8: {  	s4 =	simm.s32 @p6 $0x1;
	p6 =	por @!p0 $0x1, $0x1  }
0x1a9: {  	p2 =	por @!p0 p6, p6  }
0x1aa: {  	[smem:$0x7BB] =	sst s4;
	s4 =	simm.s32 @!p2 $0x0  }
0x1ab: {  	s22 =	sld [smem:$0x7BB];
	s4 =	simm.s32 @p2 $0x1  }
0x1ac: {  	[smem:$0x7BD] =	sst s4;
	s4 =	simm.s32 @!p5 $0x0  }
0x1ad: {  	s4 =	simm.s32 @p5 $0x1  }
0x1ae: {  	[smem:$0x7C0] =	sst s4  }
0x1af: {  	p6 =	seq.s32 s22, $0x1;
	s4 =	sld [smem:$0x7C0]  }
0x1b0: {  	p0 =	por @!p4 $0x1, $0x1;
	p2 =	por @!p1 $0x0, $0x0;
	p4 =	por p6, p6  }
0x1b1: {  	p0 =	por @!p1 p2, p2;
	p4 =	por @!p1 p2, p2;
	p2 =	por @!p1 $0x1, $0x1  }
0x1b2: {  	p6 =	por @!p1 p2, p2;
	p1 =	seq.s32 s4, $0x1  }
0x1b3: {  	p1 =	por @!p3 p0, p0  }
0x1b4: {  	s4 =	simm.s32 @!p1 $0x0  }
0x1b5: {  	s4 =	simm.s32 @p1 $0x1  }
0x1b6: {  	[smem:$0x7C0] =	sst s4;
	s4 =	simm.s32 @!p5 $0x0  }
0x1b7: {  	s4 =	simm.s32 @p5 $0x1  }
0x1b8: {  	[smem:$0x7BE] =	sst s4;
	s4 =	simm.s32 @!p5 $0x0  }
0x1b9: {  	s4 =	simm.s32 @p5 $0x1  }
0x1ba: {  	[smem:$0x7C3] =	sst s4;
	s4 =	simm.s32 @!p5 $0x0  }
0x1bb: {  	s4 =	simm.s32 @p5 $0x1  }
0x1bc: {  	[smem:$0x7C4] =	sst s4;
	s4 =	simm.s32 @!p5 $0x0  }
0x1bd: {  	s4 =	simm.s32 @p5 $0x1  }
0x1be: {  	[smem:$0x7BC] =	sst s4;
	s4 =	simm.s32 @!p5 $0x0  }
0x1bf: {  	s4 =	simm.s32 @p5 $0x1  }
0x1c0: {  	[smem:$0x7C5] =	sst s4;
	s4 =	simm.s32 @!p5 $0x0  }
0x1c1: {  	s4 =	simm.s32 @p5 $0x1  }
0x1c2: {  	[smem:$0x7C6] =	sst s4;
	s4 =	simm.s32 @!p5 $0x0  }
0x1c3: {  	s6 =	sld [smem:$0x7BF];
	p2 =	por p5, p5;
	s4 =	simm.s32 @p5 $0x1  }
0x1c4: {  	p0 =	por p5, p5;
	[smem:$0x7C7] =	sst s4;
	s4 =	simm.s32 @!p5 $0x0  }
0x1c5: {  	p1 =	por p5, p5;
	s4 =	simm.s32 @p5 $0x1;
	p5 =	por @!p3 p6, p6  }
0x1c6: {  	p6 =	seq.s32 s6, $0x1;
	[smem:$0x7C8] =	sst s4;
	s4 =	simm.s32 @!p5 $0x0  }
0x1c7: {  	p6 =	por @!p3 p4, p4;
	s4 =	simm.s32 @p5 $0x1  }
0x1c8: {  	[smem:$0x7CA] =	sst s4;
	s4 =	simm.s32 @!p6 $0x0  }
0x1c9: {  	p2 =	por @!p3 p4, p4;
	s14 =	sld [smem:$0x7C3];
	s4 =	simm.s32 @p6 $0x1  }
0x1ca: {  	[smem:$0x7BF] =	sst s4;
	s4 =	simm.s32 @!p2 $0x0  }
0x1cb: {  	p1 =	por @!p3 p4, p4;
	s15 =	sld [smem:$0x7C4];
	s4 =	simm.s32 @p2 $0x1  }
0x1cc: {  	p2 =	seq.s32 s14, $0x1;
	[smem:$0x7C1] =	sst s4;
	s4 =	simm.s32 @!p1 $0x0  }
0x1cd: {  	p2 =	por @!p3 p4, p4;
	s4 =	simm.s32 @p1 $0x1  }
0x1ce: {  	[smem:$0x7C2] =	sst s4;
	s4 =	simm.s32 @!p2 $0x0  }
0x1cf: {  	s17 =	sld [smem:$0x7C5];
	s4 =	simm.s32 @p2 $0x1;
	p2 =	seq.s32 s15, $0x1  }
0x1d0: {  	p2 =	por @!p3 p4, p4  }
0x1d1: {  	[smem:$0x7C3] =	sst s4;
	s4 =	simm.s32 @!p2 $0x0  }
0x1d2: {  	s19 =	sld [smem:$0x7C6];
	s4 =	simm.s32 @p2 $0x1;
	p2 =	seq.s32 s17, $0x1  }
0x1d3: {  	s23 =	sld [smem:$0x7BD];
	p2 =	por @!p3 p4, p4  }
0x1d4: {  	[smem:$0x7C4] =	sst s4;
	s4 =	simm.s32 @!p2 $0x0  }
0x1d5: {  	s22 =	sld [smem:$0x7C7];
	s4 =	simm.s32 @p2 $0x1;
	p2 =	seq.s32 s19, $0x1  }
0x1d6: {  	p2 =	por @!p3 p4, p4  }
0x1d7: {  	p5 =	seq.s32 s23, $0x1;
	[smem:$0x7C5] =	sst s4;
	s4 =	simm.s32 @!p2 $0x0  }
0x1d8: {  	s23 =	sld [smem:$0x7C8];
	s4 =	simm.s32 @p2 $0x1;
	p2 =	seq.s32 s22, $0x1  }
0x1d9: {  	s10 =	sld [smem:$0x7BC];
	p2 =	por @!p3 p4, p4  }
0x1da: {  	s28 =	simm.s32 $0x5200;
	[smem:$0x7C6] =	sst s4;
	s4 =	simm.s32 @!p2 $0x0  }
0x1db: {  	s31 =	simm.s32 $0x5280;
	s4 =	simm.s32 @p2 $0x1;
	p2 =	seq.s32 s23, $0x1  }
0x1dc: {  	p0 =	por @!p3 p4, p4;
	s12 =	sld [smem:$0x7BE];
	p2 =	por @!p3 p4, p4  }
0x1dd: {  	p6 =	seq.s32 s10, $0x1;
	[smem:$0x7C7] =	sst s4;
	s4 =	simm.s32 @!p2 $0x0  }
0x1de: {  	p5 =	por @!p3 p4, p4;
	p6 =	por @!p3 p4, p4;
	s4 =	simm.s32 @p2 $0x1  }
0x1df: {  	p1 =	seq.s32 s12, $0x1;
	[smem:$0x7C8] =	sst s4;
	s4 =	simm.s32 @!p0 $0x0  }
0x1e0: {  	p1 =	por @!p3 p4, p4;
	s19 =	rddreg [dreg:$0x3];
	s4 =	simm.s32 @p0 $0x1  }
0x1e1: {  	s17 =	simm.s32 $0x5000;
	s23 =	simm.s32 $0x5300;
	[smem:$0x7C9] =	sst s4  }
.LBB3_8:
0x1e2: {  	s4 =	simm.s32 $0x3  }
0x1e3: {  	_ =	swait.ge [sflag:s4], $0x4F0  }
0x1e4: {  	[sflag:s4] =	ssyncset.done $0x0  }
0x1e5: {  	p3 =	por $0x0, $0x0;
	[sflag:s4] =	ssyncadd.s32 $0xFFFFFB10  }
0x1e6: {  	s10 =	simm.s32 @p3 $0x2;
	[bflag:$0x0] =	sbarrier.arrive $0xFFFF  }
0x1e7: {  	_ =	swait.ge @p3 [sflag:s10], $0x80  }
0x1e8: {  	s12 =	simm.s32 $0x0;
	[sflag:s10] =	ssyncset.done @p3 $0x0  }
0x1e9: {  	s14 =	simm.s32 @p3 $0x80;
	s15 =	simm.s32 @p3 $0x5000;
	[sflag:s10] =	ssyncadd.s32 @p3 $0xFFFFFF80  }
0x1ea: {  	[tilespmem:s15], [sflag:$0x1] =	stream.indirect.gather @p3 [spmem:s16], $0x1, s12, s14, $0xb8;
	[tilespmem:$0xA300] =	vst v63  }
0x1eb: {  	_ =	swait.ge @p3 [sflag:s10], $0x80  }
0x1ec: {  	[sflag:s10] =	ssyncset.done @p3 $0x0  }
0x1ed: {  	s15 =	simm.s32 @p3 $0x5080;
	[sflag:s10] =	ssyncadd.s32 @p3 $0xFFFFFF80  }
0x1ee: {  	[tilespmem:s15], [sflag:$0x1] =	stream.indirect.gather @p3 [spmem:s19], $0x1, s12, s14, $0xb8;
	[tilespmem:$0xA300] =	vst v63  }
0x1ef: {  	_ =	swait.ge @p3 [sflag:s10], $0x80  }
0x1f0: {  	[sflag:s10] =	ssyncset.done @p3 $0x0  }
0x1f1: {  	s15 =	simm.s32 @p3 $0x5100;
	[sflag:s10] =	ssyncadd.s32 @p3 $0xFFFFFF80  }
0x1f2: {  	[tilespmem:s15], [sflag:$0x1] =	stream.indirect.gather @p3 [spmem:s24], $0x1, s12, s14, $0xb8;
	[tilespmem:$0xA300] =	vst v63  }
0x1f3: {  	_ =	swait.ge @p3 [sflag:s10], $0x80  }
0x1f4: {  	[sflag:s10] =	ssyncset.done @p3 $0x0  }
0x1f5: {  	s15 =	simm.s32 @p3 $0x5180;
	[sflag:s10] =	ssyncadd.s32 @p3 $0xFFFFFF80  }
0x1f6: {  	[tilespmem:s15], [sflag:$0x1] =	stream.indirect.gather @p3 [spmem:s26], $0x1, s12, s14, $0xb8;
	[tilespmem:$0xA300] =	vst v63  }
0x1f7: {  	_ =	swait.ge @p3 [sflag:s10], $0x80  }
0x1f8: {  	[sflag:s10] =	ssyncset.done @p3 $0x0  }
0x1f9: {  	s15 =	simm.s32 @p3 $0x5200;
	[sflag:s10] =	ssyncadd.s32 @p3 $0xFFFFFF80  }
0x1fa: {  	[tilespmem:s15], [sflag:$0x1] =	stream.indirect.gather @p3 [spmem:s9], $0x1, s12, s14, $0xb8;
	[tilespmem:$0xA300] =	vst v63  }
0x1fb: {  	_ =	swait.ge @p3 [sflag:s10], $0x80  }
0x1fc: {  	[sflag:s10] =	ssyncset.done @p3 $0x0  }
0x1fd: {  	s15 =	simm.s32 @p3 $0x5280;
	[sflag:s10] =	ssyncadd.s32 @p3 $0xFFFFFF80  }
0x1fe: {  	[tilespmem:s15], [sflag:$0x1] =	stream.indirect.gather @p3 [spmem:s29], $0x1, s12, s14, $0xb8;
	[tilespmem:$0xA300] =	vst v63  }
0x1ff: {  	_ =	swait.ge @p3 [sflag:s10], $0x80  }
0x200: {  	[sflag:s10] =	ssyncset.done @p3 $0x0  }
0x201: {  	s15 =	simm.s32 @p3 $0x5300;
	[sflag:s10] =	ssyncadd.s32 @p3 $0xFFFFFF80  }
0x202: {  	[tilespmem:s15], [sflag:$0x1] =	stream.indirect.gather @p3 [spmem:s1], $0x1, s12, s14, $0xb8;
	[tilespmem:$0xA300] =	vst v63  }
0x203: {  	_ =	swait.ge @p3 [sflag:s10], $0x80  }
0x204: {  	s14 =	simm.s32 @!p3 $0x5000;
	[sflag:s10] =	ssyncset.done @p3 $0x0  }
0x205: {  	s15 =	simm.s32 @!p3 $0x0;
	[sflag:s10] =	ssyncadd.s32 @p3 $0xFFFFFF80;
	s10 =	simm.s32 @!p3 $0x80  }
0x206: {  	[tilespmem:s14], [sflag:$0x1] =	stream.indirect.gather @!p3 [spmem:s16], $0x1, s15, s10, $0xb8;
	[tilespmem:$0xA300] =	vst v63  }
0x207: {  	s14 =	simm.s32 @!p3 $0x5080  }
0x208: {  	[tilespmem:s14], [sflag:$0x1] =	stream.indirect.gather @!p3 [spmem:s19], $0x1, s15, s10, $0xb8;
	[tilespmem:$0xA300] =	vst v63  }
0x209: {  	s14 =	simm.s32 @!p3 $0x5100  }
0x20a: {  	[tilespmem:s14], [sflag:$0x1] =	stream.indirect.gather @!p3 [spmem:s24], $0x1, s15, s10, $0xb8;
	[tilespmem:$0xA300] =	vst v63  }
0x20b: {  	s14 =	simm.s32 @!p3 $0x5180  }
0x20c: {  	[tilespmem:s14], [sflag:$0x1] =	stream.indirect.gather @!p3 [spmem:s26], $0x1, s15, s10, $0xb8;
	[tilespmem:$0xA300] =	vst v63  }
0x20d: {  	s14 =	simm.s32 @!p3 $0x5200  }
0x20e: {  	[tilespmem:s14], [sflag:$0x1] =	stream.indirect.gather @!p3 [spmem:s9], $0x1, s15, s10, $0xb8;
	[tilespmem:$0xA300] =	vst v63  }
0x20f: {  	s14 =	simm.s32 @!p3 $0x5280  }
0x210: {  	[tilespmem:s14], [sflag:$0x1] =	stream.indirect.gather @!p3 [spmem:s29], $0x1, s15, s10, $0xb8;
	[tilespmem:$0xA300] =	vst v63  }
0x211: {  	s14 =	simm.s32 @!p3 $0x5300  }
0x212: {  	[tilespmem:s14], [sflag:$0x1] =	stream.indirect.gather @!p3 [spmem:s1], $0x1, s15, s10, $0xb8;
	[tilespmem:$0xA300] =	vst v63  }
0x213: {  	s10 =	simm.s32 $0x0  }
0x214: {  	s10 =	simm.s32 @!p3 $0x0  }
0x215: {  	[tilespmem:s5], [sflag:$0x1] =	stream.indirect.gather [spmem:s8], $0x1, s10, s3, $0xb8;
	[tilespmem:$0xA300] =	vst v63  }
0x216: {  	_ =	swait.ge [sflag:s7], $0x80  }
0x217: {  	s12 =	simm.s32 @!p3 $0x0;
	[sflag:s7] =	ssyncset.done $0x0  }
0x218: {  	s22 =	smov.u32 s16;
	s16 =	sadd.s32 $0x2800, s12;
	[sflag:s7] =	ssyncadd.s32 $0xFFFFFF80  }
0x219: {  	[spmem:s18] =	stream.indirect.scatter.add.f32 [tilespmem:s17], [sflag:$0x2], $0x1, s16, s3, $0xb8;
	[tilespmem:$0xA300] =	vst v63  }
0x21a: {  	_ =	swait.ge [sflag:s7], $0x80  }
0x21b: {  	[sflag:s7] =	ssyncset.done $0x0  }
0x21c: {  	[sflag:s7] =	ssyncadd.s32 $0xFFFFFF80  }
0x21d: {  	[spmem:s20] =	stream.indirect.scatter.add.f32 [tilespmem:s21], [sflag:$0x2], $0x1, s16, s3, $0xb8;
	[tilespmem:$0xA300] =	vst v63  }
0x21e: {  	_ =	swait.ge [sflag:s7], $0x80  }
0x21f: {  	[sflag:s7] =	ssyncset.done $0x0  }
0x220: {  	[sflag:s7] =	ssyncadd.s32 $0xFFFFFF80  }
0x221: {  	[spmem:s13] =	stream.indirect.scatter.add.f32 [tilespmem:s25], [sflag:$0x2], $0x1, s16, s3, $0xb8;
	[tilespmem:$0xA300] =	vst v63  }
0x222: {  	_ =	swait.ge [sflag:s7], $0x80  }
0x223: {  	[sflag:s7] =	ssyncset.done $0x0  }
0x224: {  	[sflag:s7] =	ssyncadd.s32 $0xFFFFFF80  }
0x225: {  	s25 =	rddreg [dreg:$0x8]  }
0x226: {  	[spmem:s25] =	stream.indirect.scatter.add.f32 [tilespmem:s30], [sflag:$0x2], $0x1, s16, s3, $0xb8;
	[tilespmem:$0xA300] =	vst v63  }
0x227: {  	_ =	swait.ge [sflag:s7], $0x80  }
0x228: {  	[sflag:s7] =	ssyncset.done $0x0  }
0x229: {  	[sflag:s7] =	ssyncadd.s32 $0xFFFFFF80  }
0x22a: {  	[spmem:s11] =	stream.indirect.scatter.add.f32 [tilespmem:s28], [sflag:$0x2], $0x1, s16, s3, $0xb8;
	[tilespmem:$0xA300] =	vst v63  }
0x22b: {  	_ =	swait.ge [sflag:s7], $0x80  }
0x22c: {  	s6 =	smov.u32 s19;
	[sflag:s7] =	ssyncset.done $0x0  }
0x22d: {  	s4 =	simm.s32 $0x5000;
	s12 =	simm.s32 $0x80;
	[sflag:s7] =	ssyncadd.s32 $0xFFFFFF80  }
0x22e: {  	[spmem:s0] =	stream.indirect.scatter.add.f32 [tilespmem:s31], [sflag:$0x2], $0x1, s16, s3, $0xb8;
	[tilespmem:$0xA300] =	vst v63  }
0x22f: {  	s15 =	simm.s32 $0x100;
	p3 =	por $0x1, $0x1;
	_ =	swait.ge [sflag:s7], $0x80  }
0x230: {  	s10 =	simm.s32 $0x80;
	s5 =	simm.s32 $0x5080;
	[sflag:s7] =	ssyncset.done $0x0  }
0x231: {  	s17 =	smov.u32 s2;
	s21 =	simm.s32 $0x5380;
	[sflag:s7] =	ssyncadd.s32 $0xFFFFFF80  }
0x232: {  	[spmem:s2] =	stream.indirect.scatter.add.f32 [tilespmem:s23], [sflag:$0x2], $0x1, s16, s3, $0xb8;
	[tilespmem:$0xA300] =	vst v63  }
0x233: {  	s30 =	smov.u32 s13;
	s25 =	simm.s32 $0x5300;
	_ =	swait.ge [sflag:s7], $0x80  }
0x234: {  	s23 =	simm.s32 $0x5180;
	[sflag:s7] =	ssyncset.done $0x0;
	s19 =	rddreg [dreg:$0x11]  }
.LBB3_9:
0x235: {  	s13 =	smov.u32 s18;
	s18 =	simm.s32 @p3 $0x2;
	[sflag:s7] =	ssyncadd.s32 $0xFFFFFF80  }
0x236: {  	[spmem:s19] =	stream.indirect.scatter.add.f32 [tilespmem:s21], [sflag:$0x2], $0x1, s16, s3, $0xb8;
	[tilespmem:$0xA300] =	vst v63  }
0x237: {  	_ =	swait.ge @p3 [sflag:s18], $0x80  }
0x238: {  	s2 =	smov.u32 s20;
	[sflag:s18] =	ssyncset.done @p3 $0x0  }
0x239: {  	s20 =	simm.s32 @p3 $0x5000;
	s16 =	simm.s32 @p3 $0x80;
	[sflag:s18] =	ssyncadd.s32 @p3 $0xFFFFFF80  }
0x23a: {  	[tilespmem:s20], [sflag:$0x1] =	stream.indirect.gather @p3 [spmem:s22], $0x1, s10, s16, $0xb8;
	[tilespmem:$0xA300] =	vst v63  }
0x23b: {  	_ =	swait.ge @p3 [sflag:s18], $0x80  }
0x23c: {  	[sflag:s18] =	ssyncset.done @p3 $0x0  }
0x23d: {  	s20 =	simm.s32 @p3 $0x5080;
	[sflag:s18] =	ssyncadd.s32 @p3 $0xFFFFFF80  }
0x23e: {  	[tilespmem:s20], [sflag:$0x1] =	stream.indirect.gather @p3 [spmem:s6], $0x1, s10, s16, $0xb8;
	[tilespmem:$0xA300] =	vst v63  }
0x23f: {  	_ =	swait.ge @p3 [sflag:s18], $0x80  }
0x240: {  	[sflag:s18] =	ssyncset.done @p3 $0x0  }
0x241: {  	s20 =	simm.s32 @p3 $0x5100;
	[sflag:s18] =	ssyncadd.s32 @p3 $0xFFFFFF80  }
0x242: {  	[tilespmem:s20], [sflag:$0x1] =	stream.indirect.gather @p3 [spmem:s24], $0x1, s10, s16, $0xb8;
	[tilespmem:$0xA300] =	vst v63  }
0x243: {  	_ =	swait.ge @p3 [sflag:s18], $0x80  }
0x244: {  	[sflag:s18] =	ssyncset.done @p3 $0x0  }
0x245: {  	s20 =	simm.s32 @p3 $0x5180;
	[sflag:s18] =	ssyncadd.s32 @p3 $0xFFFFFF80  }
0x246: {  	[tilespmem:s20], [sflag:$0x1] =	stream.indirect.gather @p3 [spmem:s26], $0x1, s10, s16, $0xb8;
	[tilespmem:$0xA300] =	vst v63  }
0x247: {  	_ =	swait.ge @p3 [sflag:s18], $0x80  }
0x248: {  	[sflag:s18] =	ssyncset.done @p3 $0x0  }
0x249: {  	s20 =	simm.s32 @p3 $0x5200;
	[sflag:s18] =	ssyncadd.s32 @p3 $0xFFFFFF80  }
0x24a: {  	[tilespmem:s20], [sflag:$0x1] =	stream.indirect.gather @p3 [spmem:s9], $0x1, s10, s16, $0xb8;
	[tilespmem:$0xA300] =	vst v63  }
0x24b: {  	_ =	swait.ge @p3 [sflag:s18], $0x80  }
0x24c: {  	[sflag:s18] =	ssyncset.done @p3 $0x0  }
0x24d: {  	s20 =	simm.s32 @p3 $0x5280;
	[sflag:s18] =	ssyncadd.s32 @p3 $0xFFFFFF80  }
0x24e: {  	[tilespmem:s20], [sflag:$0x1] =	stream.indirect.gather @p3 [spmem:s29], $0x1, s10, s16, $0xb8;
	[tilespmem:$0xA300] =	vst v63  }
0x24f: {  	_ =	swait.ge @p3 [sflag:s18], $0x80  }
0x250: {  	[sflag:s18] =	ssyncset.done @p3 $0x0  }
0x251: {  	s20 =	simm.s32 @p3 $0x5300;
	[sflag:s18] =	ssyncadd.s32 @p3 $0xFFFFFF80  }
0x252: {  	[tilespmem:s20], [sflag:$0x1] =	stream.indirect.gather @p3 [spmem:s1], $0x1, s10, s16, $0xb8;
	[tilespmem:$0xA300] =	vst v63  }
0x253: {  	_ =	swait.ge @p3 [sflag:s18], $0x80  }
0x254: {  	s16 =	simm.s32 @!p3 $0x5000;
	[sflag:s18] =	ssyncset.done @p3 $0x0  }
0x255: {  	s20 =	simm.s32 @!p3 $0x0;
	[sflag:s18] =	ssyncadd.s32 @p3 $0xFFFFFF80;
	s18 =	simm.s32 @!p3 $0x80  }
0x256: {  	[tilespmem:s16], [sflag:$0x1] =	stream.indirect.gather @!p3 [spmem:s22], $0x1, s20, s18, $0xb8;
	[tilespmem:$0xA300] =	vst v63  }
0x257: {  	s16 =	simm.s32 @!p3 $0x5080  }
0x258: {  	[tilespmem:s16], [sflag:$0x1] =	stream.indirect.gather @!p3 [spmem:s6], $0x1, s20, s18, $0xb8;
	[tilespmem:$0xA300] =	vst v63  }
0x259: {  	s16 =	simm.s32 @!p3 $0x5100  }
0x25a: {  	[tilespmem:s16], [sflag:$0x1] =	stream.indirect.gather @!p3 [spmem:s24], $0x1, s20, s18, $0xb8;
	[tilespmem:$0xA300] =	vst v63  }
0x25b: {  	s16 =	simm.s32 @!p3 $0x5180  }
0x25c: {  	[tilespmem:s16], [sflag:$0x1] =	stream.indirect.gather @!p3 [spmem:s26], $0x1, s20, s18, $0xb8;
	[tilespmem:$0xA300] =	vst v63  }
0x25d: {  	s16 =	simm.s32 @!p3 $0x5200  }
0x25e: {  	[tilespmem:s16], [sflag:$0x1] =	stream.indirect.gather @!p3 [spmem:s9], $0x1, s20, s18, $0xb8;
	[tilespmem:$0xA300] =	vst v63  }
0x25f: {  	s16 =	simm.s32 @!p3 $0x5280  }
0x260: {  	[tilespmem:s16], [sflag:$0x1] =	stream.indirect.gather @!p3 [spmem:s29], $0x1, s20, s18, $0xb8;
	[tilespmem:$0xA300] =	vst v63  }
0x261: {  	s16 =	simm.s32 @!p3 $0x5300  }
0x262: {  	[tilespmem:s16], [sflag:$0x1] =	stream.indirect.gather @!p3 [spmem:s1], $0x1, s20, s18, $0xb8;
	[tilespmem:$0xA300] =	vst v63  }
0x263: {  	s16 =	smov.u32 s10  }
0x264: {  	s16 =	simm.s32 @!p3 $0x0  }
0x265: {  	[tilespmem:s21], [sflag:$0x1] =	stream.indirect.gather [spmem:s8], $0x1, s16, s3, $0xb8;
	[tilespmem:$0xA300] =	vst v63  }
0x266: {  	s16 =	smov.u32 s12;
	_ =	swait.ge [sflag:s7], $0x80  }
0x267: {  	s16 =	simm.s32 @!p3 $0x0;
	[sflag:s7] =	ssyncset.done $0x0  }
0x268: {  	s16 =	sadd.s32 $0x2800, s16;
	[sflag:s7] =	ssyncadd.s32 $0xFFFFFF80  }
0x269: {  	[spmem:s13] =	stream.indirect.scatter.add.f32 [tilespmem:s4], [sflag:$0x2], $0x1, s16, s3, $0xb8;
	[tilespmem:$0xA300] =	vst v63  }
0x26a: {  	_ =	swait.ge [sflag:s7], $0x80  }
0x26b: {  	[sflag:s7] =	ssyncset.done $0x0  }
0x26c: {  	[sflag:s7] =	ssyncadd.s32 $0xFFFFFF80  }
0x26d: {  	[spmem:s2] =	stream.indirect.scatter.add.f32 [tilespmem:s5], [sflag:$0x2], $0x1, s16, s3, $0xb8;
	[tilespmem:$0xA300] =	vst v63  }
0x26e: {  	_ =	swait.ge [sflag:s7], $0x80  }
0x26f: {  	s14 =	smov.u32 s15;
	[sflag:s7] =	ssyncset.done $0x0  }
0x270: {  	s12 =	smov.u32 s14;
	s14 =	simm.s32 $0x5100;
	[sflag:s7] =	ssyncadd.s32 $0xFFFFFF80  }
0x271: {  	[spmem:s30] =	stream.indirect.scatter.add.f32 [tilespmem:s14], [sflag:$0x2], $0x1, s16, s3, $0xb8;
	[tilespmem:$0xA300] =	vst v63  }
0x272: {  	_ =	swait.ge [sflag:s7], $0x80  }
0x273: {  	[sflag:s7] =	ssyncset.done $0x0  }
0x274: {  	[sflag:s7] =	ssyncadd.s32 $0xFFFFFF80  }
0x275: {  	s14 =	rddreg [dreg:$0x8]  }
0x276: {  	[spmem:s14] =	stream.indirect.scatter.add.f32 [tilespmem:s23], [sflag:$0x2], $0x1, s16, s3, $0xb8;
	[tilespmem:$0xA300] =	vst v63  }
0x277: {  	_ =	swait.ge [sflag:s7], $0x80  }
0x278: {  	[sflag:s7] =	ssyncset.done $0x0  }
0x279: {  	[sflag:s7] =	ssyncadd.s32 $0xFFFFFF80  }
0x27a: {  	[spmem:s11] =	stream.indirect.scatter.add.f32 [tilespmem:s28], [sflag:$0x2], $0x1, s16, s3, $0xb8;
	[tilespmem:$0xA300] =	vst v63  }
0x27b: {  	_ =	swait.ge [sflag:s7], $0x80  }
0x27c: {  	[sflag:s7] =	ssyncset.done $0x0  }
0x27d: {  	s15 =	sadd.s32 $0x80, s15;
	[sflag:s7] =	ssyncadd.s32 $0xFFFFFF80  }
0x27e: {  	[spmem:s0] =	stream.indirect.scatter.add.f32 [tilespmem:s31], [sflag:$0x2], $0x1, s16, s3, $0xb8;
	[tilespmem:$0xA300] =	vst v63  }
0x27f: {  	p4 =	sne.s32 s15, $0x2800;
	_ =	swait.ge [sflag:s7], $0x80  }
.Ltmp6:
0x280: {  	[sflag:s7] =	ssyncset.done $0x0;
	(pc) =	sbr.rel @p4 .LBB3_9-.Ltmp6, $4  }
0x281: {  	[sflag:s7] =	ssyncadd.s32 $0xFFFFFF80  }
0x282: {  	[spmem:s17] =	stream.indirect.scatter.add.f32 [tilespmem:s25], [sflag:$0x2], $0x1, s16, s3, $0xb8;
	[tilespmem:$0xA300] =	vst v63  }
0x283: {  	s20 =	smov.u32 s2;
	s18 =	smov.u32 s13;
	_ =	swait.ge [sflag:s7], $0x80  }
0x284: {  	s10 =	sadd.s32 $0x80, s10;
	p3 =	sne.s32 s12, $0x0;
	[sflag:s7] =	ssyncset.done $0x0  }
0x285: {  	s14 =	simm.s32 @p3 $0x2;
	[sflag:s7] =	ssyncadd.s32 $0xFFFFFF80  }
0x286: {  	[spmem:s19] =	stream.indirect.scatter.add.f32 [tilespmem:s21], [sflag:$0x2], $0x1, s16, s3, $0xb8;
	[tilespmem:$0xA300] =	vst v63  }
0x287: {  	_ =	swait.ge @p3 [sflag:s14], $0x80  }
0x288: {  	[sflag:s14] =	ssyncset.done @p3 $0x0  }
0x289: {  	s15 =	simm.s32 @p3 $0x80;
	s16 =	simm.s32 @p3 $0x5000;
	[sflag:s14] =	ssyncadd.s32 @p3 $0xFFFFFF80  }
0x28a: {  	[tilespmem:s16], [sflag:$0x1] =	stream.indirect.gather @p3 [spmem:s22], $0x1, s10, s15, $0xb8;
	[tilespmem:$0xA300] =	vst v63  }
0x28b: {  	_ =	swait.ge @p3 [sflag:s14], $0x80  }
0x28c: {  	[sflag:s14] =	ssyncset.done @p3 $0x0  }
0x28d: {  	s16 =	simm.s32 @p3 $0x5080;
	[sflag:s14] =	ssyncadd.s32 @p3 $0xFFFFFF80  }
0x28e: {  	[tilespmem:s16], [sflag:$0x1] =	stream.indirect.gather @p3 [spmem:s6], $0x1, s10, s15, $0xb8;
	[tilespmem:$0xA300] =	vst v63  }
0x28f: {  	_ =	swait.ge @p3 [sflag:s14], $0x80  }
0x290: {  	[sflag:s14] =	ssyncset.done @p3 $0x0  }
0x291: {  	s16 =	simm.s32 @p3 $0x5100;
	[sflag:s14] =	ssyncadd.s32 @p3 $0xFFFFFF80  }
0x292: {  	[tilespmem:s16], [sflag:$0x1] =	stream.indirect.gather @p3 [spmem:s24], $0x1, s10, s15, $0xb8;
	[tilespmem:$0xA300] =	vst v63  }
0x293: {  	_ =	swait.ge @p3 [sflag:s14], $0x80  }
0x294: {  	[sflag:s14] =	ssyncset.done @p3 $0x0  }
0x295: {  	s16 =	simm.s32 @p3 $0x5180;
	[sflag:s14] =	ssyncadd.s32 @p3 $0xFFFFFF80  }
0x296: {  	[tilespmem:s16], [sflag:$0x1] =	stream.indirect.gather @p3 [spmem:s26], $0x1, s10, s15, $0xb8;
	[tilespmem:$0xA300] =	vst v63  }
0x297: {  	_ =	swait.ge @p3 [sflag:s14], $0x80  }
0x298: {  	[sflag:s14] =	ssyncset.done @p3 $0x0  }
0x299: {  	s16 =	simm.s32 @p3 $0x5200;
	[sflag:s14] =	ssyncadd.s32 @p3 $0xFFFFFF80  }
0x29a: {  	[tilespmem:s16], [sflag:$0x1] =	stream.indirect.gather @p3 [spmem:s9], $0x1, s10, s15, $0xb8;
	[tilespmem:$0xA300] =	vst v63  }
0x29b: {  	_ =	swait.ge @p3 [sflag:s14], $0x80  }
0x29c: {  	[sflag:s14] =	ssyncset.done @p3 $0x0  }
0x29d: {  	s16 =	simm.s32 @p3 $0x5280;
	[sflag:s14] =	ssyncadd.s32 @p3 $0xFFFFFF80  }
0x29e: {  	[tilespmem:s16], [sflag:$0x1] =	stream.indirect.gather @p3 [spmem:s29], $0x1, s10, s15, $0xb8;
	[tilespmem:$0xA300] =	vst v63  }
0x29f: {  	_ =	swait.ge @p3 [sflag:s14], $0x80  }
0x2a0: {  	[sflag:s14] =	ssyncset.done @p3 $0x0  }
0x2a1: {  	s16 =	simm.s32 @p3 $0x5300;
	[sflag:s14] =	ssyncadd.s32 @p3 $0xFFFFFF80  }
0x2a2: {  	[tilespmem:s16], [sflag:$0x1] =	stream.indirect.gather @p3 [spmem:s1], $0x1, s10, s15, $0xb8;
	[tilespmem:$0xA300] =	vst v63  }
0x2a3: {  	_ =	swait.ge @p3 [sflag:s14], $0x80  }
0x2a4: {  	s15 =	simm.s32 @!p3 $0x5000;
	[sflag:s14] =	ssyncset.done @p3 $0x0  }
0x2a5: {  	s16 =	simm.s32 @!p3 $0x0;
	[sflag:s14] =	ssyncadd.s32 @p3 $0xFFFFFF80;
	s14 =	simm.s32 @!p3 $0x80  }
0x2a6: {  	[tilespmem:s15], [sflag:$0x1] =	stream.indirect.gather @!p3 [spmem:s22], $0x1, s16, s14, $0xb8;
	[tilespmem:$0xA300] =	vst v63  }
0x2a7: {  	s15 =	simm.s32 @!p3 $0x5080  }
0x2a8: {  	[tilespmem:s15], [sflag:$0x1] =	stream.indirect.gather @!p3 [spmem:s6], $0x1, s16, s14, $0xb8;
	[tilespmem:$0xA300] =	vst v63  }
0x2a9: {  	s15 =	simm.s32 @!p3 $0x5100  }
0x2aa: {  	[tilespmem:s15], [sflag:$0x1] =	stream.indirect.gather @!p3 [spmem:s24], $0x1, s16, s14, $0xb8;
	[tilespmem:$0xA300] =	vst v63  }
0x2ab: {  	s15 =	simm.s32 @!p3 $0x5180  }
0x2ac: {  	[tilespmem:s15], [sflag:$0x1] =	stream.indirect.gather @!p3 [spmem:s26], $0x1, s16, s14, $0xb8;
	[tilespmem:$0xA300] =	vst v63  }
0x2ad: {  	s15 =	simm.s32 @!p3 $0x5200  }
0x2ae: {  	[tilespmem:s15], [sflag:$0x1] =	stream.indirect.gather @!p3 [spmem:s9], $0x1, s16, s14, $0xb8;
	[tilespmem:$0xA300] =	vst v63  }
0x2af: {  	s15 =	simm.s32 @!p3 $0x5280  }
0x2b0: {  	[tilespmem:s15], [sflag:$0x1] =	stream.indirect.gather @!p3 [spmem:s29], $0x1, s16, s14, $0xb8;
	[tilespmem:$0xA300] =	vst v63  }
0x2b1: {  	s15 =	simm.s32 @!p3 $0x5300  }
0x2b2: {  	[tilespmem:s15], [sflag:$0x1] =	stream.indirect.gather @!p3 [spmem:s1], $0x1, s16, s14, $0xb8;
	[tilespmem:$0xA300] =	vst v63  }
0x2b3: {  	s10 =	simm.s32 @!p3 $0x0  }
0x2b4: {  	[tilespmem:s21], [sflag:$0x1] =	stream.indirect.gather [spmem:s8], $0x1, s10, s3, $0xb8;
	[tilespmem:$0xA300] =	vst v63  }
0x2b5: {  	_ =	swait.ge [sflag:s7], $0x80  }
0x2b6: {  	s12 =	simm.s32 @!p3 $0x0;
	[sflag:s7] =	ssyncset.done $0x0  }
0x2b7: {  	s5 =	simm.s32 $0x5000;
	s22 =	sadd.s32 $0x2800, s12;
	[sflag:s7] =	ssyncadd.s32 $0xFFFFFF80  }
0x2b8: {  	[spmem:s18] =	stream.indirect.scatter.add.f32 [tilespmem:s5], [sflag:$0x2], $0x1, s22, s3, $0xb8;
	[tilespmem:$0xA300] =	vst v63  }
0x2b9: {  	_ =	swait.ge [sflag:s7], $0x80  }
0x2ba: {  	[sflag:s7] =	ssyncset.done $0x0  }
0x2bb: {  	s23 =	simm.s32 $0x5080;
	[sflag:s7] =	ssyncadd.s32 $0xFFFFFF80  }
0x2bc: {  	[spmem:s20] =	stream.indirect.scatter.add.f32 [tilespmem:s23], [sflag:$0x2], $0x1, s22, s3, $0xb8;
	[tilespmem:$0xA300] =	vst v63  }
0x2bd: {  	_ =	swait.ge [sflag:s7], $0x80  }
0x2be: {  	[sflag:s7] =	ssyncset.done $0x0  }
0x2bf: {  	s1 =	simm.s32 $0x5100;
	[sflag:s7] =	ssyncadd.s32 $0xFFFFFF80  }
0x2c0: {  	[spmem:s30] =	stream.indirect.scatter.add.f32 [tilespmem:s1], [sflag:$0x2], $0x1, s22, s3, $0xb8;
	[tilespmem:$0xA300] =	vst v63  }
0x2c1: {  	_ =	swait.ge [sflag:s7], $0x80  }
0x2c2: {  	[sflag:s7] =	ssyncset.done $0x0  }
0x2c3: {  	[sflag:s7] =	ssyncadd.s32 $0xFFFFFF80  }
0x2c4: {  	s20 =	simm.s32 $0x5180;
	s4 =	rddreg [dreg:$0x8]  }
0x2c5: {  	[spmem:s4] =	stream.indirect.scatter.add.f32 [tilespmem:s20], [sflag:$0x2], $0x1, s22, s3, $0xb8;
	[tilespmem:$0xA300] =	vst v63  }
0x2c6: {  	_ =	swait.ge [sflag:s7], $0x80  }
0x2c7: {  	[sflag:s7] =	ssyncset.done $0x0  }
0x2c8: {  	[sflag:s7] =	ssyncadd.s32 $0xFFFFFF80  }
0x2c9: {  	[spmem:s11] =	stream.indirect.scatter.add.f32 [tilespmem:s28], [sflag:$0x2], $0x1, s22, s3, $0xb8;
	[tilespmem:$0xA300] =	vst v63  }
0x2ca: {  	_ =	swait.ge [sflag:s7], $0x80  }
0x2cb: {  	[sflag:s7] =	ssyncset.done $0x0  }
0x2cc: {  	[sflag:s7] =	ssyncadd.s32 $0xFFFFFF80  }
0x2cd: {  	[spmem:s0] =	stream.indirect.scatter.add.f32 [tilespmem:s31], [sflag:$0x2], $0x1, s22, s3, $0xb8;
	[tilespmem:$0xA300] =	vst v63  }
0x2ce: {  	_ =	swait.ge [sflag:s7], $0x80  }
0x2cf: {  	[sflag:s7] =	ssyncset.done $0x0  }
0x2d0: {  	s4 =	simm.s32 $0x5300;
	[sflag:s7] =	ssyncadd.s32 $0xFFFFFF80  }
0x2d1: {  	[spmem:s17] =	stream.indirect.scatter.add.f32 [tilespmem:s4], [sflag:$0x2], $0x1, s22, s3, $0xb8;
	[tilespmem:$0xA300] =	vst v63  }
0x2d2: {  	_ =	swait.ge [sflag:s7], $0x80  }
0x2d3: {  	[sflag:s7] =	ssyncset.done $0x0  }
0x2d4: {  	s17 =	simm.s32 $0x2;
	[sflag:s7] =	ssyncadd.s32 $0xFFFFFF80  }
0x2d5: {  	[spmem:s19] =	stream.indirect.scatter.add.f32 [tilespmem:s21], [sflag:$0x2], $0x1, s22, s3, $0xb8;
	[tilespmem:$0xA300] =	vst v63  }
0x2d6: {  	_ =	swait.ge [sflag:s17], $0x80  }
0x2d7: {  	[sflag:s17] =	ssyncset.done $0x0  }
0x2d8: {  	[sflag:s17] =	ssyncadd.s32 $0xFFFFFF80  }
0x2d9: {  	_ =	swait.ge [sflag:s17], $0x80  }
0x2da: {  	[sflag:s17] =	ssyncset.done $0x0  }
0x2db: {  	[sflag:s17] =	ssyncadd.s32 $0xFFFFFF80  }
0x2dc: {  	_ =	swait.ge [sflag:s17], $0x80  }
0x2dd: {  	[sflag:s17] =	ssyncset.done $0x0  }
0x2de: {  	[sflag:s17] =	ssyncadd.s32 $0xFFFFFF80  }
0x2df: {  	_ =	swait.ge [sflag:s17], $0x80  }
0x2e0: {  	[sflag:s17] =	ssyncset.done $0x0  }
0x2e1: {  	[sflag:s17] =	ssyncadd.s32 $0xFFFFFF80  }
0x2e2: {  	_ =	swait.ge [sflag:s17], $0x80  }
0x2e3: {  	[sflag:s17] =	ssyncset.done $0x0  }
0x2e4: {  	[sflag:s17] =	ssyncadd.s32 $0xFFFFFF80  }
0x2e5: {  	_ =	swait.ge [sflag:s17], $0x80  }
0x2e6: {  	[sflag:s17] =	ssyncset.done $0x0  }
0x2e7: {  	[sflag:s17] =	ssyncadd.s32 $0xFFFFFF80  }
0x2e8: {  	_ =	swait.ge [sflag:s17], $0x80  }
0x2e9: {  	[sflag:s17] =	ssyncset.done $0x0  }
0x2ea: {  	[sflag:s17] =	ssyncadd.s32 $0xFFFFFF80  }
0x2eb: {  	_ =	swait.ge [sflag:s17], $0x80  }
0x2ec: {  	p3 =	por $0x0, $0x0;
	[sflag:s17] =	ssyncset.done $0x0  }
0x2ed: {  	s10 =	simm.s32 @p3 $0x2;
	[sflag:s17] =	ssyncadd.s32 $0xFFFFFF80  }
0x2ee: {  	_ =	swait.ge @p3 [sflag:s10], $0x80  }
0x2ef: {  	s12 =	simm.s32 $0x0;
	s14 =	simm.s32 @p3 $0x80;
	[sflag:s10] =	ssyncset.done @p3 $0x0  }
0x2f0: {  	s15 =	simm.s32 @p3 $0x5000;
	s17 =	rddreg [dreg:$0x10];
	[sflag:s10] =	ssyncadd.s32 @p3 $0xFFFFFF80  }
0x2f1: {  	[tilespmem:s15], [sflag:$0x1] =	stream.indirect.gather @p3 [spmem:s17], $0x1, s12, s14, $0xb8;
	[tilespmem:$0xA300] =	vst v63  }
0x2f2: {  	_ =	swait.ge @p3 [sflag:s10], $0x80  }
0x2f3: {  	[sflag:s10] =	ssyncset.done @p3 $0x0  }
0x2f4: {  	s15 =	simm.s32 @p3 $0x5080;
	s0 =	rddreg [dreg:$0x12];
	[sflag:s10] =	ssyncadd.s32 @p3 $0xFFFFFF80  }
0x2f5: {  	[tilespmem:s15], [sflag:$0x1] =	stream.indirect.gather @p3 [spmem:s0], $0x1, s12, s14, $0xb8;
	[tilespmem:$0xA300] =	vst v63  }
0x2f6: {  	_ =	swait.ge @p3 [sflag:s10], $0x80  }
0x2f7: {  	s24 =	sld [smem:$0x7CC]  }
0x2f8: {  	[sflag:s10] =	ssyncset.done @p3 $0x0  }
0x2f9: {  	s15 =	simm.s32 @p3 $0x5100;
	[sflag:s10] =	ssyncadd.s32 @p3 $0xFFFFFF80  }
0x2fa: {  	[tilespmem:s15], [sflag:$0x1] =	stream.indirect.gather @p3 [spmem:s24], $0x1, s12, s14, $0xb8;
	[tilespmem:$0xA300] =	vst v63  }
0x2fb: {  	_ =	swait.ge @p3 [sflag:s10], $0x80  }
0x2fc: {  	s30 =	sld [smem:$0x7CD]  }
0x2fd: {  	[sflag:s10] =	ssyncset.done @p3 $0x0  }
0x2fe: {  	s15 =	simm.s32 @p3 $0x5180;
	[sflag:s10] =	ssyncadd.s32 @p3 $0xFFFFFF80  }
0x2ff: {  	[tilespmem:s15], [sflag:$0x1] =	stream.indirect.gather @p3 [spmem:s30], $0x1, s12, s14, $0xb8;
	[tilespmem:$0xA300] =	vst v63  }
0x300: {  	_ =	swait.ge @p3 [sflag:s10], $0x80  }
0x301: {  	s22 =	sld [smem:$0x7FB]  }
0x302: {  	[sflag:s10] =	ssyncset.done @p3 $0x0  }
0x303: {  	s15 =	simm.s32 @p3 $0x5200;
	[sflag:s10] =	ssyncadd.s32 @p3 $0xFFFFFF80  }
0x304: {  	[tilespmem:s15], [sflag:$0x1] =	stream.indirect.gather @p3 [spmem:s22], $0x1, s12, s14, $0xb8;
	[tilespmem:$0xA300] =	vst v63  }
0x305: {  	_ =	swait.ge @p3 [sflag:s10], $0x80  }
0x306: {  	s31 =	sld [smem:$0x7FC]  }
0x307: {  	[sflag:s10] =	ssyncset.done @p3 $0x0  }
0x308: {  	s15 =	simm.s32 @p3 $0x5280;
	[sflag:s10] =	ssyncadd.s32 @p3 $0xFFFFFF80  }
0x309: {  	[tilespmem:s15], [sflag:$0x1] =	stream.indirect.gather @p3 [spmem:s31], $0x1, s12, s14, $0xb8;
	[tilespmem:$0xA300] =	vst v63  }
0x30a: {  	_ =	swait.ge @p3 [sflag:s10], $0x80  }
0x30b: {  	s28 =	sld [smem:$0x7FD]  }
0x30c: {  	[sflag:s10] =	ssyncset.done @p3 $0x0  }
0x30d: {  	s15 =	simm.s32 @p3 $0x5300;
	[sflag:s10] =	ssyncadd.s32 @p3 $0xFFFFFF80  }
0x30e: {  	[tilespmem:s15], [sflag:$0x1] =	stream.indirect.gather @p3 [spmem:s28], $0x1, s12, s14, $0xb8;
	[tilespmem:$0xA300] =	vst v63  }
0x30f: {  	_ =	swait.ge @p3 [sflag:s10], $0x80  }
0x310: {  	s14 =	simm.s32 @!p3 $0x5000;
	[sflag:s10] =	ssyncset.done @p3 $0x0  }
0x311: {  	s15 =	simm.s32 @!p3 $0x0;
	[sflag:s10] =	ssyncadd.s32 @p3 $0xFFFFFF80;
	s10 =	simm.s32 @!p3 $0x80  }
0x312: {  	[tilespmem:s14], [sflag:$0x1] =	stream.indirect.gather @!p3 [spmem:s17], $0x1, s15, s10, $0xb8;
	[tilespmem:$0xA300] =	vst v63  }
0x313: {  	s14 =	simm.s32 @!p3 $0x5080  }
0x314: {  	[tilespmem:s14], [sflag:$0x1] =	stream.indirect.gather @!p3 [spmem:s0], $0x1, s15, s10, $0xb8;
	[tilespmem:$0xA300] =	vst v63  }
0x315: {  	s14 =	simm.s32 @!p3 $0x5100  }
0x316: {  	[tilespmem:s14], [sflag:$0x1] =	stream.indirect.gather @!p3 [spmem:s24], $0x1, s15, s10, $0xb8;
	[tilespmem:$0xA300] =	vst v63  }
0x317: {  	s14 =	simm.s32 @!p3 $0x5180  }
0x318: {  	[tilespmem:s14], [sflag:$0x1] =	stream.indirect.gather @!p3 [spmem:s30], $0x1, s15, s10, $0xb8;
	[tilespmem:$0xA300] =	vst v63  }
0x319: {  	s14 =	simm.s32 @!p3 $0x5200  }
0x31a: {  	[tilespmem:s14], [sflag:$0x1] =	stream.indirect.gather @!p3 [spmem:s22], $0x1, s15, s10, $0xb8;
	[tilespmem:$0xA300] =	vst v63  }
0x31b: {  	s14 =	simm.s32 @!p3 $0x5280  }
0x31c: {  	[tilespmem:s14], [sflag:$0x1] =	stream.indirect.gather @!p3 [spmem:s31], $0x1, s15, s10, $0xb8;
	[tilespmem:$0xA300] =	vst v63  }
0x31d: {  	s14 =	simm.s32 @!p3 $0x5300  }
0x31e: {  	[tilespmem:s14], [sflag:$0x1] =	stream.indirect.gather @!p3 [spmem:s28], $0x1, s15, s10, $0xb8;
	[tilespmem:$0xA300] =	vst v63  }
0x31f: {  	s10 =	simm.s32 $0x0  }
0x320: {  	s26 =	rddreg [dreg:$0x1a];
	s10 =	simm.s32 @!p3 $0x0  }
0x321: {  	[tilespmem:s21], [sflag:$0x1] =	stream.indirect.gather [spmem:s26], $0x1, s10, s3, $0xb8;
	[tilespmem:$0xA300] =	vst v63  }
0x322: {  	_ =	swait.ge [sflag:s7], $0x80  }
0x323: {  	s12 =	simm.s32 @!p3 $0x0;
	[sflag:s7] =	ssyncset.done $0x0  }
0x324: {  	s16 =	sadd.s32 $0x2800, s12;
	s8 =	rddreg [dreg:$0x13];
	[sflag:s7] =	ssyncadd.s32 $0xFFFFFF80  }
0x325: {  	[spmem:s8] =	stream.indirect.scatter.add.f32 [tilespmem:s5], [sflag:$0x2], $0x1, s16, s3, $0xb8;
	[tilespmem:$0xA300] =	vst v63  }
0x326: {  	_ =	swait.ge [sflag:s7], $0x80  }
0x327: {  	[sflag:s7] =	ssyncset.done $0x0  }
0x328: {  	s29 =	rddreg [dreg:$0x14];
	[sflag:s7] =	ssyncadd.s32 $0xFFFFFF80  }
0x329: {  	[spmem:s29] =	stream.indirect.scatter.add.f32 [tilespmem:s23], [sflag:$0x2], $0x1, s16, s3, $0xb8;
	[tilespmem:$0xA300] =	vst v63  }
0x32a: {  	_ =	swait.ge [sflag:s7], $0x80  }
0x32b: {  	[sflag:s7] =	ssyncset.done $0x0  }
0x32c: {  	s11 =	rddreg [dreg:$0x15];
	[sflag:s7] =	ssyncadd.s32 $0xFFFFFF80  }
0x32d: {  	[spmem:s11] =	stream.indirect.scatter.add.f32 [tilespmem:s1], [sflag:$0x2], $0x1, s16, s3, $0xb8;
	[tilespmem:$0xA300] =	vst v63  }
0x32e: {  	_ =	swait.ge [sflag:s7], $0x80  }
0x32f: {  	[sflag:s7] =	ssyncset.done $0x0  }
0x330: {  	s6 =	rddreg [dreg:$0x16];
	[sflag:s7] =	ssyncadd.s32 $0xFFFFFF80  }
0x331: {  	[spmem:s6] =	stream.indirect.scatter.add.f32 [tilespmem:s20], [sflag:$0x2], $0x1, s16, s3, $0xb8;
	[tilespmem:$0xA300] =	vst v63  }
0x332: {  	_ =	swait.ge [sflag:s7], $0x80  }
0x333: {  	[sflag:s7] =	ssyncset.done $0x0  }
0x334: {  	s25 =	simm.s32 $0x5200;
	s9 =	rddreg [dreg:$0x17];
	[sflag:s7] =	ssyncadd.s32 $0xFFFFFF80  }
0x335: {  	[spmem:s9] =	stream.indirect.scatter.add.f32 [tilespmem:s25], [sflag:$0x2], $0x1, s16, s3, $0xb8;
	[tilespmem:$0xA300] =	vst v63  }
0x336: {  	_ =	swait.ge [sflag:s7], $0x80  }
0x337: {  	s18 =	simm.s32 $0x5280;
	s19 =	simm.s32 $0x5080;
	[sflag:s7] =	ssyncset.done $0x0  }
0x338: {  	s12 =	simm.s32 $0x80;
	s25 =	rddreg [dreg:$0xe];
	[sflag:s7] =	ssyncadd.s32 $0xFFFFFF80  }
0x339: {  	[spmem:s25] =	stream.indirect.scatter.add.f32 [tilespmem:s18], [sflag:$0x2], $0x1, s16, s3, $0xb8;
	[tilespmem:$0xA300] =	vst v63  }
0x33a: {  	s15 =	simm.s32 $0x100;
	p3 =	por $0x1, $0x1;
	_ =	swait.ge [sflag:s7], $0x80  }
0x33b: {  	s10 =	simm.s32 $0x80;
	s5 =	simm.s32 $0x5280;
	[sflag:s7] =	ssyncset.done $0x0  }
0x33c: {  	s23 =	simm.s32 $0x5180;
	s1 =	rddreg [dreg:$0x18];
	[sflag:s7] =	ssyncadd.s32 $0xFFFFFF80  }
0x33d: {  	[spmem:s1] =	stream.indirect.scatter.add.f32 [tilespmem:s4], [sflag:$0x2], $0x1, s16, s3, $0xb8;
	[tilespmem:$0xA300] =	vst v63  }
0x33e: {  	s6 =	smov.u32 s6;
	s25 =	simm.s32 $0x5300;
	_ =	swait.ge [sflag:s7], $0x80  }
0x33f: {  	s4 =	smov.u32 s9;
	[sflag:s7] =	ssyncset.done $0x0;
	s9 =	rddreg [dreg:$0x1d]  }
.LBB3_11:
0x340: {  	s18 =	simm.s32 @p3 $0x2;
	[sflag:s7] =	ssyncadd.s32 $0xFFFFFF80  }
0x341: {  	[spmem:s9] =	stream.indirect.scatter.add.f32 [tilespmem:s21], [sflag:$0x2], $0x1, s16, s3, $0xb8;
	[tilespmem:$0xA300] =	vst v63  }
0x342: {  	_ =	swait.ge @p3 [sflag:s18], $0x80  }
0x343: {  	[sflag:s18] =	ssyncset.done @p3 $0x0  }
0x344: {  	s20 =	simm.s32 @p3 $0x5000;
	s16 =	simm.s32 @p3 $0x80;
	[sflag:s18] =	ssyncadd.s32 @p3 $0xFFFFFF80  }
0x345: {  	[tilespmem:s20], [sflag:$0x1] =	stream.indirect.gather @p3 [spmem:s17], $0x1, s10, s16, $0xb8;
	[tilespmem:$0xA300] =	vst v63  }
0x346: {  	_ =	swait.ge @p3 [sflag:s18], $0x80  }
0x347: {  	[sflag:s18] =	ssyncset.done @p3 $0x0  }
0x348: {  	s20 =	simm.s32 @p3 $0x5080;
	[sflag:s18] =	ssyncadd.s32 @p3 $0xFFFFFF80  }
0x349: {  	[tilespmem:s20], [sflag:$0x1] =	stream.indirect.gather @p3 [spmem:s0], $0x1, s10, s16, $0xb8;
	[tilespmem:$0xA300] =	vst v63  }
0x34a: {  	_ =	swait.ge @p3 [sflag:s18], $0x80  }
0x34b: {  	[sflag:s18] =	ssyncset.done @p3 $0x0  }
0x34c: {  	s20 =	simm.s32 @p3 $0x5100;
	[sflag:s18] =	ssyncadd.s32 @p3 $0xFFFFFF80  }
0x34d: {  	[tilespmem:s20], [sflag:$0x1] =	stream.indirect.gather @p3 [spmem:s24], $0x1, s10, s16, $0xb8;
	[tilespmem:$0xA300] =	vst v63  }
0x34e: {  	_ =	swait.ge @p3 [sflag:s18], $0x80  }
0x34f: {  	[sflag:s18] =	ssyncset.done @p3 $0x0  }
0x350: {  	s20 =	simm.s32 @p3 $0x5180;
	[sflag:s18] =	ssyncadd.s32 @p3 $0xFFFFFF80  }
0x351: {  	[tilespmem:s20], [sflag:$0x1] =	stream.indirect.gather @p3 [spmem:s30], $0x1, s10, s16, $0xb8;
	[tilespmem:$0xA300] =	vst v63  }
0x352: {  	_ =	swait.ge @p3 [sflag:s18], $0x80  }
0x353: {  	[sflag:s18] =	ssyncset.done @p3 $0x0  }
0x354: {  	s20 =	simm.s32 @p3 $0x5200;
	[sflag:s18] =	ssyncadd.s32 @p3 $0xFFFFFF80  }
0x355: {  	[tilespmem:s20], [sflag:$0x1] =	stream.indirect.gather @p3 [spmem:s22], $0x1, s10, s16, $0xb8;
	[tilespmem:$0xA300] =	vst v63  }
0x356: {  	_ =	swait.ge @p3 [sflag:s18], $0x80  }
0x357: {  	[sflag:s18] =	ssyncset.done @p3 $0x0  }
0x358: {  	s20 =	simm.s32 @p3 $0x5280;
	[sflag:s18] =	ssyncadd.s32 @p3 $0xFFFFFF80  }
0x359: {  	[tilespmem:s20], [sflag:$0x1] =	stream.indirect.gather @p3 [spmem:s31], $0x1, s10, s16, $0xb8;
	[tilespmem:$0xA300] =	vst v63  }
0x35a: {  	_ =	swait.ge @p3 [sflag:s18], $0x80  }
0x35b: {  	[sflag:s18] =	ssyncset.done @p3 $0x0  }
0x35c: {  	s20 =	simm.s32 @p3 $0x5300;
	[sflag:s18] =	ssyncadd.s32 @p3 $0xFFFFFF80  }
0x35d: {  	[tilespmem:s20], [sflag:$0x1] =	stream.indirect.gather @p3 [spmem:s28], $0x1, s10, s16, $0xb8;
	[tilespmem:$0xA300] =	vst v63  }
0x35e: {  	_ =	swait.ge @p3 [sflag:s18], $0x80  }
0x35f: {  	s16 =	simm.s32 @!p3 $0x5000;
	[sflag:s18] =	ssyncset.done @p3 $0x0  }
0x360: {  	s20 =	simm.s32 @!p3 $0x0;
	[sflag:s18] =	ssyncadd.s32 @p3 $0xFFFFFF80;
	s18 =	simm.s32 @!p3 $0x80  }
0x361: {  	[tilespmem:s16], [sflag:$0x1] =	stream.indirect.gather @!p3 [spmem:s17], $0x1, s20, s18, $0xb8;
	[tilespmem:$0xA300] =	vst v63  }
0x362: {  	s16 =	simm.s32 @!p3 $0x5080  }
0x363: {  	[tilespmem:s16], [sflag:$0x1] =	stream.indirect.gather @!p3 [spmem:s0], $0x1, s20, s18, $0xb8;
	[tilespmem:$0xA300] =	vst v63  }
0x364: {  	s16 =	simm.s32 @!p3 $0x5100  }
0x365: {  	[tilespmem:s16], [sflag:$0x1] =	stream.indirect.gather @!p3 [spmem:s24], $0x1, s20, s18, $0xb8;
	[tilespmem:$0xA300] =	vst v63  }
0x366: {  	s16 =	simm.s32 @!p3 $0x5180  }
0x367: {  	[tilespmem:s16], [sflag:$0x1] =	stream.indirect.gather @!p3 [spmem:s30], $0x1, s20, s18, $0xb8;
	[tilespmem:$0xA300] =	vst v63  }
0x368: {  	s16 =	simm.s32 @!p3 $0x5200  }
0x369: {  	[tilespmem:s16], [sflag:$0x1] =	stream.indirect.gather @!p3 [spmem:s22], $0x1, s20, s18, $0xb8;
	[tilespmem:$0xA300] =	vst v63  }
0x36a: {  	s16 =	simm.s32 @!p3 $0x5280  }
0x36b: {  	[tilespmem:s16], [sflag:$0x1] =	stream.indirect.gather @!p3 [spmem:s31], $0x1, s20, s18, $0xb8;
	[tilespmem:$0xA300] =	vst v63  }
0x36c: {  	s16 =	simm.s32 @!p3 $0x5300  }
0x36d: {  	[tilespmem:s16], [sflag:$0x1] =	stream.indirect.gather @!p3 [spmem:s28], $0x1, s20, s18, $0xb8;
	[tilespmem:$0xA300] =	vst v63  }
0x36e: {  	s16 =	smov.u32 s10  }
0x36f: {  	s16 =	simm.s32 @!p3 $0x0  }
0x370: {  	[tilespmem:s21], [sflag:$0x1] =	stream.indirect.gather [spmem:s26], $0x1, s16, s3, $0xb8;
	[tilespmem:$0xA300] =	vst v63  }
0x371: {  	s20 =	rddreg [dreg:$0xe];
	s16 =	smov.u32 s12;
	_ =	swait.ge [sflag:s7], $0x80  }
0x372: {  	s16 =	simm.s32 @!p3 $0x0;
	[sflag:s7] =	ssyncset.done $0x0  }
0x373: {  	s18 =	simm.s32 $0x5000;
	s16 =	sadd.s32 $0x2800, s16;
	[sflag:s7] =	ssyncadd.s32 $0xFFFFFF80  }
0x374: {  	[spmem:s8] =	stream.indirect.scatter.add.f32 [tilespmem:s18], [sflag:$0x2], $0x1, s16, s3, $0xb8;
	[tilespmem:$0xA300] =	vst v63  }
0x375: {  	_ =	swait.ge [sflag:s7], $0x80  }
0x376: {  	[sflag:s7] =	ssyncset.done $0x0  }
0x377: {  	[sflag:s7] =	ssyncadd.s32 $0xFFFFFF80  }
0x378: {  	[spmem:s29] =	stream.indirect.scatter.add.f32 [tilespmem:s19], [sflag:$0x2], $0x1, s16, s3, $0xb8;
	[tilespmem:$0xA300] =	vst v63  }
0x379: {  	_ =	swait.ge [sflag:s7], $0x80  }
0x37a: {  	[sflag:s7] =	ssyncset.done $0x0  }
0x37b: {  	s18 =	simm.s32 $0x5100;
	[sflag:s7] =	ssyncadd.s32 $0xFFFFFF80  }
0x37c: {  	[spmem:s11] =	stream.indirect.scatter.add.f32 [tilespmem:s18], [sflag:$0x2], $0x1, s16, s3, $0xb8;
	[tilespmem:$0xA300] =	vst v63  }
0x37d: {  	_ =	swait.ge [sflag:s7], $0x80  }
0x37e: {  	[sflag:s7] =	ssyncset.done $0x0  }
0x37f: {  	[sflag:s7] =	ssyncadd.s32 $0xFFFFFF80  }
0x380: {  	[spmem:s6] =	stream.indirect.scatter.add.f32 [tilespmem:s23], [sflag:$0x2], $0x1, s16, s3, $0xb8;
	[tilespmem:$0xA300] =	vst v63  }
0x381: {  	_ =	swait.ge [sflag:s7], $0x80  }
0x382: {  	[sflag:s7] =	ssyncset.done $0x0  }
0x383: {  	s18 =	simm.s32 $0x5200;
	[sflag:s7] =	ssyncadd.s32 $0xFFFFFF80  }
0x384: {  	[spmem:s4] =	stream.indirect.scatter.add.f32 [tilespmem:s18], [sflag:$0x2], $0x1, s16, s3, $0xb8;
	[tilespmem:$0xA300] =	vst v63  }
0x385: {  	_ =	swait.ge [sflag:s7], $0x80  }
0x386: {  	[sflag:s7] =	ssyncset.done $0x0  }
0x387: {  	s14 =	smov.u32 s15;
	s15 =	sadd.s32 $0x80, s15;
	[sflag:s7] =	ssyncadd.s32 $0xFFFFFF80  }
0x388: {  	[spmem:s20] =	stream.indirect.scatter.add.f32 [tilespmem:s5], [sflag:$0x2], $0x1, s16, s3, $0xb8;
	[tilespmem:$0xA300] =	vst v63  }
0x389: {  	p4 =	sne.s32 s15, $0x2800;
	_ =	swait.ge [sflag:s7], $0x80  }
.Ltmp7:
0x38a: {  	[sflag:s7] =	ssyncset.done $0x0;
	(pc) =	sbr.rel @p4 .LBB3_11-.Ltmp7, $4  }
0x38b: {  	[sflag:s7] =	ssyncadd.s32 $0xFFFFFF80  }
0x38c: {  	[spmem:s1] =	stream.indirect.scatter.add.f32 [tilespmem:s25], [sflag:$0x2], $0x1, s16, s3, $0xb8;
	[tilespmem:$0xA300] =	vst v63  }
0x38d: {  	s12 =	smov.u32 s14;
	_ =	swait.ge [sflag:s7], $0x80  }
0x38e: {  	s10 =	sadd.s32 $0x80, s10;
	p3 =	sne.s32 s12, $0x0;
	[sflag:s7] =	ssyncset.done $0x0  }
0x38f: {  	s14 =	simm.s32 @p3 $0x2;
	[sflag:s7] =	ssyncadd.s32 $0xFFFFFF80  }
0x390: {  	[spmem:s9] =	stream.indirect.scatter.add.f32 [tilespmem:s21], [sflag:$0x2], $0x1, s16, s3, $0xb8;
	[tilespmem:$0xA300] =	vst v63  }
0x391: {  	_ =	swait.ge @p3 [sflag:s14], $0x80  }
0x392: {  	[sflag:s14] =	ssyncset.done @p3 $0x0  }
0x393: {  	s15 =	simm.s32 @p3 $0x80;
	s16 =	simm.s32 @p3 $0x5000;
	[sflag:s14] =	ssyncadd.s32 @p3 $0xFFFFFF80  }
0x394: {  	[tilespmem:s16], [sflag:$0x1] =	stream.indirect.gather @p3 [spmem:s17], $0x1, s10, s15, $0xb8;
	[tilespmem:$0xA300] =	vst v63  }
0x395: {  	_ =	swait.ge @p3 [sflag:s14], $0x80  }
0x396: {  	[sflag:s14] =	ssyncset.done @p3 $0x0  }
0x397: {  	s16 =	simm.s32 @p3 $0x5080;
	[sflag:s14] =	ssyncadd.s32 @p3 $0xFFFFFF80  }
0x398: {  	[tilespmem:s16], [sflag:$0x1] =	stream.indirect.gather @p3 [spmem:s0], $0x1, s10, s15, $0xb8;
	[tilespmem:$0xA300] =	vst v63  }
0x399: {  	_ =	swait.ge @p3 [sflag:s14], $0x80  }
0x39a: {  	[sflag:s14] =	ssyncset.done @p3 $0x0  }
0x39b: {  	s16 =	simm.s32 @p3 $0x5100;
	[sflag:s14] =	ssyncadd.s32 @p3 $0xFFFFFF80  }
0x39c: {  	[tilespmem:s16], [sflag:$0x1] =	stream.indirect.gather @p3 [spmem:s24], $0x1, s10, s15, $0xb8;
	[tilespmem:$0xA300] =	vst v63  }
0x39d: {  	_ =	swait.ge @p3 [sflag:s14], $0x80  }
0x39e: {  	[sflag:s14] =	ssyncset.done @p3 $0x0  }
0x39f: {  	s16 =	simm.s32 @p3 $0x5180;
	[sflag:s14] =	ssyncadd.s32 @p3 $0xFFFFFF80  }
0x3a0: {  	[tilespmem:s16], [sflag:$0x1] =	stream.indirect.gather @p3 [spmem:s30], $0x1, s10, s15, $0xb8;
	[tilespmem:$0xA300] =	vst v63  }
0x3a1: {  	_ =	swait.ge @p3 [sflag:s14], $0x80  }
0x3a2: {  	[sflag:s14] =	ssyncset.done @p3 $0x0  }
0x3a3: {  	s16 =	simm.s32 @p3 $0x5200;
	[sflag:s14] =	ssyncadd.s32 @p3 $0xFFFFFF80  }
0x3a4: {  	[tilespmem:s16], [sflag:$0x1] =	stream.indirect.gather @p3 [spmem:s22], $0x1, s10, s15, $0xb8;
	[tilespmem:$0xA300] =	vst v63  }
0x3a5: {  	_ =	swait.ge @p3 [sflag:s14], $0x80  }
0x3a6: {  	[sflag:s14] =	ssyncset.done @p3 $0x0  }
0x3a7: {  	s16 =	simm.s32 @p3 $0x5280;
	[sflag:s14] =	ssyncadd.s32 @p3 $0xFFFFFF80  }
0x3a8: {  	[tilespmem:s16], [sflag:$0x1] =	stream.indirect.gather @p3 [spmem:s31], $0x1, s10, s15, $0xb8;
	[tilespmem:$0xA300] =	vst v63  }
0x3a9: {  	_ =	swait.ge @p3 [sflag:s14], $0x80  }
0x3aa: {  	[sflag:s14] =	ssyncset.done @p3 $0x0  }
0x3ab: {  	s16 =	simm.s32 @p3 $0x5300;
	[sflag:s14] =	ssyncadd.s32 @p3 $0xFFFFFF80  }
0x3ac: {  	[tilespmem:s16], [sflag:$0x1] =	stream.indirect.gather @p3 [spmem:s28], $0x1, s10, s15, $0xb8;
	[tilespmem:$0xA300] =	vst v63  }
0x3ad: {  	_ =	swait.ge @p3 [sflag:s14], $0x80  }
0x3ae: {  	s15 =	simm.s32 @!p3 $0x5000;
	[sflag:s14] =	ssyncset.done @p3 $0x0  }
0x3af: {  	s16 =	simm.s32 @!p3 $0x0;
	[sflag:s14] =	ssyncadd.s32 @p3 $0xFFFFFF80;
	s14 =	simm.s32 @!p3 $0x80  }
0x3b0: {  	[tilespmem:s15], [sflag:$0x1] =	stream.indirect.gather @!p3 [spmem:s17], $0x1, s16, s14, $0xb8;
	[tilespmem:$0xA300] =	vst v63  }
0x3b1: {  	s15 =	simm.s32 @!p3 $0x5080  }
0x3b2: {  	[tilespmem:s15], [sflag:$0x1] =	stream.indirect.gather @!p3 [spmem:s0], $0x1, s16, s14, $0xb8;
	[tilespmem:$0xA300] =	vst v63  }
0x3b3: {  	s15 =	simm.s32 @!p3 $0x5100  }
0x3b4: {  	[tilespmem:s15], [sflag:$0x1] =	stream.indirect.gather @!p3 [spmem:s24], $0x1, s16, s14, $0xb8;
	[tilespmem:$0xA300] =	vst v63  }
0x3b5: {  	s15 =	simm.s32 @!p3 $0x5180  }
0x3b6: {  	[tilespmem:s15], [sflag:$0x1] =	stream.indirect.gather @!p3 [spmem:s30], $0x1, s16, s14, $0xb8;
	[tilespmem:$0xA300] =	vst v63  }
0x3b7: {  	s15 =	simm.s32 @!p3 $0x5200  }
0x3b8: {  	[tilespmem:s15], [sflag:$0x1] =	stream.indirect.gather @!p3 [spmem:s22], $0x1, s16, s14, $0xb8;
	[tilespmem:$0xA300] =	vst v63  }
0x3b9: {  	s15 =	simm.s32 @!p3 $0x5280  }
0x3ba: {  	[tilespmem:s15], [sflag:$0x1] =	stream.indirect.gather @!p3 [spmem:s31], $0x1, s16, s14, $0xb8;
	[tilespmem:$0xA300] =	vst v63  }
0x3bb: {  	s15 =	simm.s32 @!p3 $0x5300  }
0x3bc: {  	[tilespmem:s15], [sflag:$0x1] =	stream.indirect.gather @!p3 [spmem:s28], $0x1, s16, s14, $0xb8;
	[tilespmem:$0xA300] =	vst v63  }
0x3bd: {  	s10 =	simm.s32 @!p3 $0x0  }
0x3be: {  	[tilespmem:s21], [sflag:$0x1] =	stream.indirect.gather [spmem:s26], $0x1, s10, s3, $0xb8;
	[tilespmem:$0xA300] =	vst v63  }
0x3bf: {  	_ =	swait.ge [sflag:s7], $0x80  }
0x3c0: {  	s12 =	simm.s32 @!p3 $0x0;
	[sflag:s7] =	ssyncset.done $0x0  }
0x3c1: {  	s12 =	sadd.s32 $0x2800, s12;
	s14 =	simm.s32 $0x5000;
	[sflag:s7] =	ssyncadd.s32 $0xFFFFFF80  }
0x3c2: {  	[spmem:s8] =	stream.indirect.scatter.add.f32 [tilespmem:s14], [sflag:$0x2], $0x1, s12, s3, $0xb8;
	[tilespmem:$0xA300] =	vst v63  }
0x3c3: {  	_ =	swait.ge [sflag:s7], $0x80  }
0x3c4: {  	[sflag:s7] =	ssyncset.done $0x0  }
0x3c5: {  	[sflag:s7] =	ssyncadd.s32 $0xFFFFFF80  }
0x3c6: {  	[spmem:s29] =	stream.indirect.scatter.add.f32 [tilespmem:s19], [sflag:$0x2], $0x1, s12, s3, $0xb8;
	[tilespmem:$0xA300] =	vst v63  }
0x3c7: {  	_ =	swait.ge [sflag:s7], $0x80  }
0x3c8: {  	[sflag:s7] =	ssyncset.done $0x0  }
0x3c9: {  	s15 =	simm.s32 $0x5100;
	[sflag:s7] =	ssyncadd.s32 $0xFFFFFF80  }
0x3ca: {  	[spmem:s11] =	stream.indirect.scatter.add.f32 [tilespmem:s15], [sflag:$0x2], $0x1, s12, s3, $0xb8;
	[tilespmem:$0xA300] =	vst v63  }
0x3cb: {  	_ =	swait.ge [sflag:s7], $0x80  }
0x3cc: {  	[sflag:s7] =	ssyncset.done $0x0  }
0x3cd: {  	[sflag:s7] =	ssyncadd.s32 $0xFFFFFF80  }
0x3ce: {  	[spmem:s6] =	stream.indirect.scatter.add.f32 [tilespmem:s23], [sflag:$0x2], $0x1, s12, s3, $0xb8;
	[tilespmem:$0xA300] =	vst v63  }
0x3cf: {  	_ =	swait.ge [sflag:s7], $0x80  }
0x3d0: {  	[sflag:s7] =	ssyncset.done $0x0  }
0x3d1: {  	s16 =	simm.s32 $0x5200;
	[sflag:s7] =	ssyncadd.s32 $0xFFFFFF80  }
0x3d2: {  	[spmem:s4] =	stream.indirect.scatter.add.f32 [tilespmem:s16], [sflag:$0x2], $0x1, s12, s3, $0xb8;
	[tilespmem:$0xA300] =	vst v63  }
0x3d3: {  	_ =	swait.ge [sflag:s7], $0x80  }
0x3d4: {  	[sflag:s7] =	ssyncset.done $0x0  }
0x3d5: {  	[sflag:s7] =	ssyncadd.s32 $0xFFFFFF80  }
0x3d6: {  	[spmem:s20] =	stream.indirect.scatter.add.f32 [tilespmem:s5], [sflag:$0x2], $0x1, s12, s3, $0xb8;
	[tilespmem:$0xA300] =	vst v63  }
0x3d7: {  	_ =	swait.ge [sflag:s7], $0x80  }
0x3d8: {  	[sflag:s7] =	ssyncset.done $0x0  }
0x3d9: {  	[sflag:s7] =	ssyncadd.s32 $0xFFFFFF80  }
0x3da: {  	[spmem:s1] =	stream.indirect.scatter.add.f32 [tilespmem:s25], [sflag:$0x2], $0x1, s12, s3, $0xb8;
	[tilespmem:$0xA300] =	vst v63  }
0x3db: {  	_ =	swait.ge [sflag:s7], $0x80  }
0x3dc: {  	[sflag:s7] =	ssyncset.done $0x0  }
0x3dd: {  	s18 =	simm.s32 $0x2;
	[sflag:s7] =	ssyncadd.s32 $0xFFFFFF80  }
0x3de: {  	[spmem:s9] =	stream.indirect.scatter.add.f32 [tilespmem:s21], [sflag:$0x2], $0x1, s12, s3, $0xb8;
	[tilespmem:$0xA300] =	vst v63  }
0x3df: {  	_ =	swait.ge [sflag:s18], $0x80  }
0x3e0: {  	[sflag:s18] =	ssyncset.done $0x0  }
0x3e1: {  	[sflag:s18] =	ssyncadd.s32 $0xFFFFFF80  }
0x3e2: {  	_ =	swait.ge [sflag:s18], $0x80  }
0x3e3: {  	[sflag:s18] =	ssyncset.done $0x0  }
0x3e4: {  	[sflag:s18] =	ssyncadd.s32 $0xFFFFFF80  }
0x3e5: {  	_ =	swait.ge [sflag:s18], $0x80  }
0x3e6: {  	[sflag:s18] =	ssyncset.done $0x0  }
0x3e7: {  	[sflag:s18] =	ssyncadd.s32 $0xFFFFFF80  }
0x3e8: {  	_ =	swait.ge [sflag:s18], $0x80  }
0x3e9: {  	[sflag:s18] =	ssyncset.done $0x0  }
0x3ea: {  	[sflag:s18] =	ssyncadd.s32 $0xFFFFFF80  }
0x3eb: {  	_ =	swait.ge [sflag:s18], $0x80  }
0x3ec: {  	[sflag:s18] =	ssyncset.done $0x0  }
0x3ed: {  	[sflag:s18] =	ssyncadd.s32 $0xFFFFFF80  }
0x3ee: {  	_ =	swait.ge [sflag:s18], $0x80  }
0x3ef: {  	[sflag:s18] =	ssyncset.done $0x0  }
0x3f0: {  	[sflag:s18] =	ssyncadd.s32 $0xFFFFFF80  }
0x3f1: {  	_ =	swait.ge [sflag:s18], $0x80  }
0x3f2: {  	[sflag:s18] =	ssyncset.done $0x0  }
0x3f3: {  	[sflag:s18] =	ssyncadd.s32 $0xFFFFFF80  }
0x3f4: {  	_ =	swait.ge [sflag:s18], $0x80  }
0x3f5: {  	[sflag:s18] =	ssyncset.done $0x0  }
0x3f6: {  	s15 =	stileid.u32;
	[sflag:s18] =	ssyncadd.s32 $0xFFFFFF80  }
0x3f7: {  	p3 =	sne.s32 s15, $0x0;
	[bflag:$0x0] =	sbarrier.arrive $0xFFFF  }
0x3f8: {  	s10 =	sshrl.u32 @!p3 s13, $0x3;
	s12 =	simm.s32 @!p3 $0x1C03;
	s0 =	rddreg [dreg:$0x1c]  }
0x3f9: {  	[hbm:s0], [sflag:s12] =	dma.local @!p3 [spmem:s10], $0x4F0  }
0x3fa: {  	s10 =	simm.s32 @!p3 $0x3  }
0x3fb: {  	_ =	swait.ge @!p3 [sflag:s10], $0x4F0  }
0x3fc: {  	s0 =	sld [smem:$0x7DF]  }
0x3fd: {  	s12 =	sshll.u32 @p6 s15, $0x6;
	[sflag:s10] =	ssyncset.done @!p3 $0x0  }
0x3fe: {  	[sflag:s10] =	ssyncadd.s32 @!p3 $0xFFFFFB10;
	s10 =	sor.u32 @p6 $0x1C03, s12;
	s12 =	sshrl.u32 @p6 s2, $0x3  }
0x3ff: {  	[hbm:s0], [sflag:s10] =	dma.local @p6 [spmem:s12], $0x4F0  }
0x400: {  	s10 =	simm.s32 @p6 $0x3  }
0x401: {  	_ =	swait.ge @p6 [sflag:s10], $0x4F0  }
0x402: {  	s19 =	sld [smem:$0x7C5];
	_ =	sdelay $0x1  }
0x403: {  	[sflag:s10] =	ssyncset.done @p6 $0x0  }
0x404: {  	s0 =	sld [smem:$0x7E0];
	[sflag:s10] =	ssyncadd.s32 @p6 $0xFFFFFB10;
	p4 =	seq.s32 s19, $0x1  }
0x405: {  	s18 =	smov.u32 s13;
	s13 =	rddreg [dreg:$0x6];
	s12 =	sshll.u32 @p4 s15, $0x6  }
0x406: {  	s10 =	sor.u32 @p4 $0x1C03, s12;
	s12 =	sshrl.u32 @p4 s13, $0x3  }
0x407: {  	[hbm:s0], [sflag:s10] =	dma.local @p4 [spmem:s12], $0x4F0  }
0x408: {  	s10 =	simm.s32 @p4 $0x3  }
0x409: {  	_ =	swait.ge @p4 [sflag:s10], $0x4F0  }
0x40a: {  	s21 =	sld [smem:$0x7C4];
	_ =	sdelay $0x1  }
0x40b: {  	[sflag:s10] =	ssyncset.done @p4 $0x0  }
0x40c: {  	[sflag:s10] =	ssyncadd.s32 @p4 $0xFFFFFB10;
	p0 =	seq.s32 s21, $0x1  }
0x40d: {  	s0 =	rddreg [dreg:$0x8];
	s12 =	sshll.u32 @p0 s15, $0x6  }
0x40e: {  	s10 =	sor.u32 @p0 $0x1C03, s12;
	s12 =	sshrl.u32 @p0 s0, $0x3;
	s0 =	sld [smem:$0x7E1]  }
0x40f: {  	_ =	sdelay $0x1  }
0x410: {  	[hbm:s0], [sflag:s10] =	dma.local @p0 [spmem:s12], $0x4F0  }
0x411: {  	s10 =	simm.s32 @p0 $0x3  }
0x412: {  	_ =	swait.ge @p0 [sflag:s10], $0x4F0  }
0x413: {  	s23 =	sld [smem:$0x7C6];
	_ =	sdelay $0x1  }
0x414: {  	[sflag:s10] =	ssyncset.done @p0 $0x0  }
0x415: {  	s0 =	sld [smem:$0x7E2];
	[sflag:s10] =	ssyncadd.s32 @p0 $0xFFFFFB10;
	p6 =	seq.s32 s23, $0x1  }
0x416: {  	s4 =	smov.u32 s11;
	s11 =	rddreg [dreg:$0xa];
	s12 =	sshll.u32 @p6 s15, $0x6  }
0x417: {  	s10 =	sor.u32 @p6 $0x1C03, s12;
	s12 =	sshrl.u32 @p6 s11, $0x3  }
0x418: {  	[hbm:s0], [sflag:s10] =	dma.local @p6 [spmem:s12], $0x4F0  }
0x419: {  	s10 =	simm.s32 @p6 $0x3  }
0x41a: {  	_ =	swait.ge @p6 [sflag:s10], $0x4F0  }
0x41b: {  	s24 =	sld [smem:$0x7C3];
	_ =	sdelay $0x1  }
0x41c: {  	s14 =	smov.u32 s20;
	s20 =	smov.u32 s2;
	[sflag:s10] =	ssyncset.done @p6 $0x0  }
0x41d: {  	s2 =	sld [smem:$0x7E3];
	[sflag:s10] =	ssyncadd.s32 @p6 $0xFFFFFB10;
	p4 =	seq.s32 s24, $0x1  }
0x41e: {  	s0 =	rddreg [dreg:$0xc];
	s12 =	sshll.u32 @p4 s15, $0x6  }
0x41f: {  	s10 =	sor.u32 @p4 $0x1C03, s12;
	s12 =	sshrl.u32 @p4 s0, $0x3  }
0x420: {  	[hbm:s2], [sflag:s10] =	dma.local @p4 [spmem:s12], $0x4F0  }
0x421: {  	s10 =	simm.s32 @p4 $0x3  }
0x422: {  	_ =	swait.ge @p4 [sflag:s10], $0x4F0  }
0x423: {  	s25 =	sld [smem:$0x7C7];
	_ =	sdelay $0x2  }
0x424: {  	s16 =	sld [smem:$0x7E4];
	p0 =	seq.s32 s25, $0x1  }
0x425: {  	[sflag:s10] =	ssyncset.done @p4 $0x0;
	s2 =	rddreg [dreg:$0x19];
	s12 =	sshll.u32 @p0 s15, $0x6  }
0x426: {  	[sflag:s10] =	ssyncadd.s32 @p4 $0xFFFFFB10;
	s10 =	sor.u32 @p0 $0x1C03, s12;
	s12 =	sshrl.u32 @p0 s2, $0x3  }
0x427: {  	[hbm:s16], [sflag:s10] =	dma.local @p0 [spmem:s12], $0x4F0  }
0x428: {  	s10 =	simm.s32 @p0 $0x3  }
0x429: {  	_ =	swait.ge @p0 [sflag:s10], $0x4F0  }
0x42a: {  	s16 =	sld [smem:$0x7E5]  }
0x42b: {  	s12 =	sshll.u32 @p1 s15, $0x6;
	[sflag:s10] =	ssyncset.done @p0 $0x0;
	s5 =	rddreg [dreg:$0x11]  }
0x42c: {  	[sflag:s10] =	ssyncadd.s32 @p0 $0xFFFFFB10;
	s10 =	sor.u32 @p1 $0x1C03, s12;
	s12 =	sshrl.u32 @p1 s5, $0x3  }
0x42d: {  	[hbm:s16], [sflag:s10] =	dma.local @p1 [spmem:s12], $0x4F0  }
0x42e: {  	s10 =	simm.s32 @p1 $0x3  }
0x42f: {  	_ =	swait.ge @p1 [sflag:s10], $0x4F0  }
0x430: {  	s26 =	sld [smem:$0x7C8];
	_ =	sdelay $0x2  }
0x431: {  	[sflag:s10] =	ssyncset.done @p1 $0x0;
	p0 =	seq.s32 s26, $0x1  }
0x432: {  	[sflag:s10] =	ssyncadd.s32 @p1 $0xFFFFFB10;
	s12 =	sshll.u32 @p0 s15, $0x6  }
0x433: {  	s10 =	sor.u32 @p0 $0x1C03, s12;
	s12 =	sshrl.u32 @p0 s8, $0x3;
	s8 =	sld [smem:$0x7E6]  }
0x434: {  	_ =	sdelay $0x1  }
0x435: {  	[hbm:s8], [sflag:s10] =	dma.local @p0 [spmem:s12], $0x4F0  }
0x436: {  	s10 =	simm.s32 @p0 $0x3  }
0x437: {  	_ =	swait.ge @p0 [sflag:s10], $0x4F0  }
0x438: {  	s12 =	sld [smem:$0x7C2];
	_ =	sdelay $0x2  }
0x439: {  	s8 =	sld [smem:$0x7E7];
	p1 =	seq.s32 s12, $0x1  }
0x43a: {  	[sflag:s10] =	ssyncset.done @p0 $0x0;
	s12 =	sshll.u32 @p1 s15, $0x6  }
0x43b: {  	[sflag:s10] =	ssyncadd.s32 @p0 $0xFFFFFB10;
	s10 =	sor.u32 @p1 $0x1C03, s12;
	s12 =	sshrl.u32 @p1 s29, $0x3  }
0x43c: {  	[hbm:s8], [sflag:s10] =	dma.local @p1 [spmem:s12], $0x4F0  }
0x43d: {  	s10 =	simm.s32 @p1 $0x3  }
0x43e: {  	_ =	swait.ge @p1 [sflag:s10], $0x4F0  }
0x43f: {  	s16 =	sld [smem:$0x7C9];
	_ =	sdelay $0x2  }
0x440: {  	[sflag:s10] =	ssyncset.done @p1 $0x0;
	s8 =	sld [smem:$0x7E8];
	p0 =	seq.s32 s16, $0x1  }
0x441: {  	[sflag:s10] =	ssyncadd.s32 @p1 $0xFFFFFB10;
	s12 =	sshll.u32 @p0 s15, $0x6  }
0x442: {  	s10 =	sor.u32 @p0 $0x1C03, s12;
	s12 =	sshrl.u32 @p0 s4, $0x3;
	s4 =	rddreg [dreg:$0x17]  }
0x443: {  	[hbm:s8], [sflag:s10] =	dma.local @p0 [spmem:s12], $0x4F0  }
0x444: {  	s10 =	simm.s32 @p0 $0x3  }
0x445: {  	_ =	swait.ge @p0 [sflag:s10], $0x4F0  }
0x446: {  	s19 =	sld [smem:$0x7C1];
	_ =	sdelay $0x2  }
0x447: {  	s8 =	sld [smem:$0x7E9];
	p6 =	seq.s32 s19, $0x1  }
0x448: {  	[sflag:s10] =	ssyncset.done @p0 $0x0;
	s12 =	sshll.u32 @p6 s15, $0x6  }
0x449: {  	[sflag:s10] =	ssyncadd.s32 @p0 $0xFFFFFB10;
	s10 =	sor.u32 @p6 $0x1C03, s12;
	s12 =	sshrl.u32 @p6 s6, $0x3  }
0x44a: {  	[hbm:s8], [sflag:s10] =	dma.local @p6 [spmem:s12], $0x4F0  }
0x44b: {  	s10 =	simm.s32 @p6 $0x3  }
0x44c: {  	_ =	swait.ge @p6 [sflag:s10], $0x4F0  }
0x44d: {  	s21 =	sld [smem:$0x7CA];
	_ =	sdelay $0x2  }
0x44e: {  	s8 =	sld [smem:$0x7EA];
	p1 =	seq.s32 s21, $0x1  }
0x44f: {  	[sflag:s10] =	ssyncset.done @p6 $0x0;
	s12 =	sshll.u32 @p1 s15, $0x6  }
0x450: {  	[sflag:s10] =	ssyncadd.s32 @p6 $0xFFFFFB10;
	s10 =	sor.u32 @p1 $0x1C03, s12;
	s12 =	sshrl.u32 @p1 s4, $0x3  }
0x451: {  	[hbm:s8], [sflag:s10] =	dma.local @p1 [spmem:s12], $0x4F0  }
0x452: {  	s10 =	simm.s32 @p1 $0x3  }
0x453: {  	_ =	swait.ge @p1 [sflag:s10], $0x4F0  }
0x454: {  	s23 =	sld [smem:$0x7C0];
	_ =	sdelay $0x2  }
0x455: {  	s8 =	sld [smem:$0x7EB];
	p0 =	seq.s32 s23, $0x1  }
0x456: {  	[sflag:s10] =	ssyncset.done @p1 $0x0;
	s12 =	sshll.u32 @p0 s15, $0x6  }
0x457: {  	[sflag:s10] =	ssyncadd.s32 @p1 $0xFFFFFB10;
	s10 =	sor.u32 @p0 $0x1C03, s12;
	s12 =	sshrl.u32 @p0 s14, $0x3  }
0x458: {  	[hbm:s8], [sflag:s10] =	dma.local @p0 [spmem:s12], $0x4F0  }
0x459: {  	s10 =	simm.s32 @p0 $0x3  }
0x45a: {  	_ =	swait.ge @p0 [sflag:s10], $0x4F0  }
0x45b: {  	s8 =	sld [smem:$0x7EC]  }
0x45c: {  	s12 =	sshll.u32 @p5 s15, $0x6;
	[sflag:s10] =	ssyncset.done @p0 $0x0  }
0x45d: {  	[sflag:s10] =	ssyncadd.s32 @p0 $0xFFFFFB10;
	s10 =	sor.u32 @p5 $0x1C03, s12;
	s12 =	sshrl.u32 @p5 s1, $0x3  }
0x45e: {  	[hbm:s8], [sflag:s10] =	dma.local @p5 [spmem:s12], $0x4F0  }
0x45f: {  	s10 =	simm.s32 @p5 $0x3  }
0x460: {  	_ =	swait.ge @p5 [sflag:s10], $0x4F0  }
0x461: {  	s24 =	sld [smem:$0x7BF];
	_ =	sdelay $0x2  }
0x462: {  	s8 =	sld [smem:$0x7ED];
	p6 =	seq.s32 s24, $0x1  }
0x463: {  	[sflag:s10] =	ssyncset.done @p5 $0x0;
	s12 =	sshll.u32 @p6 s15, $0x6  }
0x464: {  	[sflag:s10] =	ssyncadd.s32 @p5 $0xFFFFFB10;
	s10 =	sor.u32 @p6 $0x1C03, s12;
	s12 =	sshrl.u32 @p6 s9, $0x3  }
0x465: {  	[hbm:s8], [sflag:s10] =	dma.local @p6 [spmem:s12], $0x4F0  }
0x466: {  	s10 =	simm.s32 @p6 $0x3  }
0x467: {  	_ =	swait.ge @p6 [sflag:s10], $0x4F0  }
0x468: {  	s25 =	sld [smem:$0x7CB]  }
0x469: {  	s26 =	sld [smem:$0x7EE];
	_ =	sdelay $0x1  }
0x46a: {  	[sflag:s10] =	ssyncset.done @p6 $0x0;
	s12 =	sadd.s32 $0x1, s25  }
0x46b: {  	s8 =	rddreg [dreg:$0xf];
	[sflag:s10] =	ssyncadd.s32 @p6 $0xFFFFFB10;
	p0 =	sne.s32 s12, s26  }
.Ltmp8:
0x46c: {  	s16 =	rddreg [dreg:$0x1];
	(pc) =	sbr.rel @p0 .LBB3_1-.Ltmp8, $4  }
0x46d: {  	s24 =	rddreg [dreg:$0x5]  }
0x46e: {  	s30 =	simm.s32 $0x5180;
	s5 =	simm.s32 $0x5380;
	s9 =	rddreg [dreg:$0x9]  }
0x46f: {  	s21 =	simm.s32 $0x5080;
	s23 =	simm.s32 $0x5300;
	s29 =	rddreg [dreg:$0xb]  }
0x470: {  	s14 =	smov.u32 s1;
	s25 =	simm.s32 $0x5100;
	s26 =	rddreg [dreg:$0x7]  }
0x471: {  	_ =	sfence.sel $0x180000  }
0x472: {  	[bflag:$0x0] =	sbarrier.arrive $0xFFFF  }
0x473: {  	_ =	strace $0x9000004A  }
0x474: {  	[bflag:$0x2] =	sbarrier.arrive $0xFFFF  }
0x475: {  	s0 =	rddreg [dreg:$0x1b]  }
0x476: {  	s0 =	sadd.s32 @!p3 $0x100000, s0  }
0x477: {  	[sflag:s0] =	ssyncadd.tile.s32 @!p3 $0x1;
	_ =	shalt  }
.Lfunc_end3:
_tile_overlayer_lowered:
.L_overlay_start_3:
0x478: {  	(tag) =	ssettag $0x3  }
0x479: {  	s0 =	rddreg [dreg:$0x0];
	s2 =	stileid.u32  }
0x47a: {  	s1 =	rddreg [dreg:$0x1];
	p0 =	sne.s32 s2, $0x0  }
0x47b: {  	s3 =	rddreg [dreg:$0x2];
	[bflag:$0x3] =	sbarrier.arrive $0xFFFF;
	s2 =	simm.s32 @!p0 $0x1C03  }
0x47c: {  	[timem:s3], [sflag:s2] =	dma.local @!p0 [hbm:s0], s1  }
0x47d: {  	s0 =	simm.s32 @!p0 $0x3  }
0x47e: {  	_ =	swait.ge @!p0 [sflag:s0], s1  }
0x47f: {  	s1 =	ssub.s32 @!p0 $0x0, s1;
	[sflag:s0] =	ssyncset.done @!p0 $0x0  }
0x480: {  	[sflag:s0] =	ssyncadd.s32 @!p0 s1  }
0x481: {  	[bflag:$0x3] =	sbarrier.arrive $0xFFFF  }
0x482: {  	_ =	shalt  }

// kernel: kernel.15.cloned.1.call-start
scs
__scs_entry_jumppad:
0x0: {  	(pc) =	sbr.rel $0x88, $3  }
0x1: {  	(tag) =	ssettag $0x0;
	lr =	simm.s32 $0x1  }
0x2: {  	[smem:$0x3F9B] =	sst lr;
	_ =	strace $0xD0000000  }
0x3: {  	_ = 	snop  }
0x4: {  	_ = 	snop  }
0x5: {  	_ = 	snop  }
0x6: {  	_ = 	snop  }
0x7: {  	_ = 	snop  }
__scs_overlays_trampoline_lowered:
0x8: {  	[smem:$0x3FAA] =	sst s0  }
0x9: {  	[smem:$0x3FAB] =	sst s1  }
0xa: {  	[smem:$0x3FAC] =	sst s2  }
0xb: {  	[smem:$0x3FAD] =	sst s3  }
0xc: {  	[smem:$0x3FAE] =	sst s4  }
0xd: {  	[smem:$0x3FAF] =	sst s5  }
0xe: {  	[smem:$0x3FB0] =	sst s6  }
0xf: {  	[smem:$0x3FB1] =	sst s7  }
0x10: {  	[smem:$0x3FB2] =	sst s8  }
0x11: {  	[smem:$0x3FB3] =	sst s9;
	s0 =	simm.s32 @!p0 $0x0  }
0x12: {  	s1 =	sld [smem:$0x3F99];
	s0 =	simm.s32 @p0 $0x1  }
0x13: {  	[smem:$0x3FB4] =	sst s0;
	s0 =	simm.s32 @!p1 $0x0  }
0x14: {  	s2 =	sld [smem:$0x3F98];
	s0 =	simm.s32 @p1 $0x1  }
0x15: {  	[smem:$0x3FB5] =	sst s0;
	s0 =	simm.s32 @!p2 $0x0  }
0x16: {  	s3 =	sld [smem:$0x3FDB];
	s0 =	simm.s32 @p2 $0x1  }
0x17: {  	s4 =	simm.s32 $0x1BF5;
	[smem:$0x3FB7] =	sst s0  }
0x18: {  	s0 =	sld [smem:$0x3F9A];
	_ =	swait.ge [sflag:s4], $0x0  }
0x19: {  	s7 =	sld [smem:$0x3F9B]  }
0x1a: {  	s8 =	sadd.s32 $0xFFFFE003, lr  }
0x1b: {  	s9 =	sadd.s32 $0xFFFFFEF7, lr;
	s5 =	simm.s32 $0xFFFFFFFF;
	p2 =	slt.u32 s8, $0xFFFFF086  }
0x1c: {  	p1 =	slt.u32 s9, $0xF7A;
	s5 =	simm.s32 @!p2 $0x0  }
0x1d: {  	s5 =	simm.s32 @p1 $0x1;
	p0 =	seq.s32 s7, s2  }
0x1e: {  	s7 =	smul.u32 @!p0 $0xF7A, s2;
	p2 =	seq.s32 @!p0 s5, $0x0  }
0x1f: {  	s9 =	smul.u32 $0xF7A, s1;
	s8 =	simm.s32 @!p0 $0x1BF5;
	p2 =	por !p2, p0  }
0x20: {  	[sflag:s8] =	ssyncset.s32 @!p0 $0xFFFFF086;
	s6 =	sadd.s32 @!p0 s3, s7;
	s7 =	simm.s32 @!p0 $0x108  }
0x21: {  	s3 =	sadd.s32 s3, s9;
	s6 =	sadd.s32 @!p0 $0x88, s6;
	s7 =	simm.s32 @p2 $0x1082  }
0x22: {  	[simem:s7], [sflag:s8] =	dma.local @!p0 [hbm:s6], $0xF7A  }
0x23: {  	s9 =	sor.u32 $0xD0000000, s2;
	s6 =	simm.s32 $0x108;
	_ =	swait.ge @!p0 [sflag:s8], $0x0  }
0x24: {  	s3 =	sadd.s32 $0x88, s3;
	s6 =	simm.s32 @!p1 $0x1082;
	[sflag:s4] =	ssyncset.s32 $0xFFFFF086  }
0x25: {  	[simem:s6], [sflag:s4] =	dma.local [hbm:s3], $0xF7A  }
0x26: {  	[smem:$0x3F9B] =	sst s1;
	(tag) =	ssettag s2;
	_ =	strace s9  }
0x27: {  	s1 =	sld [smem:$0x3FAB]  }
0x28: {  	s2 =	sld [smem:$0x3FAC]  }
0x29: {  	s4 =	sld [smem:$0x3FAE]  }
0x2a: {  	p0 =	seq.s32 s5, $0x0;
	s5 =	sld [smem:$0x3FAF]  }
0x2b: {  	s6 =	sld [smem:$0x3FB0]  }
0x2c: {  	s7 =	sld [smem:$0x3FB1]  }
0x2d: {  	s3 =	simm.s32 $0x108;
	s8 =	sld [smem:$0x3FB2]  }
0x2e: {  	s3 =	simm.s32 @!p0 $0x1082;
	s9 =	sld [smem:$0x3FB3]  }
0x2f: {  	lr =	sadd.s32 s0, s3;
	s0 =	sld [smem:$0x3FAA]  }
0x30: {  	s3 =	sld [smem:$0x3FAD]  }
0x31: {  	[smem:$0x3FB6] =	sst s10  }
0x32: {  	s10 =	sld [smem:$0x3FB4];
	_ =	sdelay $0x3  }
0x33: {  	p0 =	seq.s32 s10, $0x1;
	s10 =	sld [smem:$0x3FB6];
	_ =	sdelay $0x3  }
0x34: {  	[smem:$0x3FB6] =	sst s10  }
0x35: {  	s10 =	sld [smem:$0x3FB5];
	_ =	sdelay $0x3  }
0x36: {  	p1 =	seq.s32 s10, $0x1;
	s10 =	sld [smem:$0x3FB6];
	_ =	sdelay $0x3  }
0x37: {  	[smem:$0x3FB6] =	sst s10  }
0x38: {  	s10 =	sld [smem:$0x3FB7]  }
0x39: {  	_ = 	snop;
	(pc) =	sbr.ind lr, $3  }
0x3a: {  	_ = 	snop  }
0x3b: {  	_ = 	snop  }
0x3c: {  	p2 =	seq.s32 s10, $0x1;
	s10 =	sld [smem:$0x3FB6]  }
0x3d: {  	_ =	shalt  }
0x3e: {  	_ =	shalt  }
0x3f: {  	_ =	shalt  }
0x40: {  	_ =	shalt  }
0x41: {  	_ =	shalt  }
0x42: {  	_ =	shalt  }
0x43: {  	_ =	shalt  }
0x44: {  	_ =	shalt  }
0x45: {  	_ =	shalt  }
0x46: {  	_ =	shalt  }
0x47: {  	_ =	shalt  }
0x48: {  	_ =	shalt  }
0x49: {  	_ =	shalt  }
0x4a: {  	_ =	shalt  }
0x4b: {  	_ =	shalt  }
0x4c: {  	_ =	shalt  }
0x4d: {  	_ =	shalt  }
0x4e: {  	_ =	shalt  }
0x4f: {  	_ =	shalt  }
0x50: {  	_ =	shalt  }
0x51: {  	_ =	shalt  }
0x52: {  	_ =	shalt  }
0x53: {  	_ =	shalt  }
0x54: {  	_ =	shalt  }
0x55: {  	_ =	shalt  }
0x56: {  	_ =	shalt  }
0x57: {  	_ =	shalt  }
0x58: {  	_ =	shalt  }
0x59: {  	_ =	shalt  }
0x5a: {  	_ =	shalt  }
0x5b: {  	_ =	shalt  }
0x5c: {  	_ =	shalt  }
0x5d: {  	_ =	shalt  }
0x5e: {  	_ =	shalt  }
0x5f: {  	_ =	shalt  }
0x60: {  	_ =	shalt  }
0x61: {  	_ =	shalt  }
0x62: {  	_ =	shalt  }
0x63: {  	_ =	shalt  }
0x64: {  	_ =	shalt  }
0x65: {  	_ =	shalt  }
0x66: {  	_ =	shalt  }
0x67: {  	_ =	shalt  }
0x68: {  	_ =	shalt  }
0x69: {  	_ =	shalt  }
0x6a: {  	_ =	shalt  }
0x6b: {  	_ =	shalt  }
0x6c: {  	_ =	shalt  }
0x6d: {  	_ =	shalt  }
0x6e: {  	_ =	shalt  }
0x6f: {  	_ =	shalt  }
0x70: {  	_ =	shalt  }
0x71: {  	_ =	shalt  }
0x72: {  	_ =	shalt  }
0x73: {  	_ =	shalt  }
0x74: {  	_ =	shalt  }
0x75: {  	_ =	shalt  }
0x76: {  	_ =	shalt  }
0x77: {  	_ =	shalt  }
0x78: {  	_ =	shalt  }
0x79: {  	_ =	shalt  }
0x7a: {  	_ =	shalt  }
0x7b: {  	_ =	shalt  }
0x7c: {  	_ =	shalt  }
0x7d: {  	_ =	shalt  }
0x7e: {  	_ =	shalt  }
0x7f: {  	_ =	shalt  }
0x80: {  	_ =	shalt  }
0x81: {  	_ =	shalt  }
0x82: {  	_ =	shalt  }
0x83: {  	_ =	shalt  }
0x84: {  	_ =	shalt  }
0x85: {  	_ =	shalt  }
0x86: {  	_ =	shalt  }
0x87: {  	_ =	shalt  }
.Lfunc_end0:
.L_simem_size_0:
called_computation.2_lowered:
.L_overlay_start_0:
0x88: {  	s2 =	sld [smem:$0x3FD9]  }
0x89: {  	s3 =	sld [smem:$0x3FFE];
	_ =	sdelay $0x1  }
0x8a: {  	s1 =	srdreg.scid  }
0x8b: {  	s0 =	sand.u32 $0x1, s1  }
0x8c: {  	s16 =	sshll.u32 s0, $0xA;
	s2 =	sadd.s32 s3, s2  }
0x8d: {  	s2 =	sadd.s32 s2, s16  }
0x8e: {  	[smem:$0x3FC2] =	sst s2  }
0x8f: {  	_ = 	snop  }
0x90: {  	(tm) =	ssettm $0x1  }
0x91: {  	s17 =	sld [smem:$0x3FFB];
	_ =	sdelay $0x3  }
0x92: {  	_ =	strace s17  }
0x93: {  	s2 =	sld [smem:$0x3FFC];
	_ =	sdelay $0x3  }
0x94: {  	_ =	strace s2  }
0x95: {  	s2 =	sld [smem:$0x3FFD];
	_ =	sdelay $0x3  }
0x96: {  	_ =	strace s2  }
0x97: {  	_ =	strace $0x8FFFFFFF  }
0x98: {  	s18 =	sld [smem:$0x3FDB];
	_ =	sdelay $0x1  }
0x99: {  	s19 =	simm.s32 $_scs_section_size  }
0x9a: {  	s4 =	simm.s32 $_size__tile_overlayer_lowered;
	s5 =	simm.s32 $_tile_overlayer_lowered  }
0x9b: {  	s22 =	simm.s32 $0x1BFF;
	s21 =	sshll.u32 s5, $0x1;
	s2 =	sadd.s32 s19, s18  }
0x9c: {  	s6 =	simm.s32 $0x0;
	s20 =	sshll.u32 s4, $0x1;
	s4 =	sadd.s32 s21, s2  }
0x9d: {  	[timem:s6], [sflag:s22] =	dma.local [hbm:s4], s20  }
0x9e: {  	_ =	swait.ge [sflag:s22], s20  }
0x9f: {  	s3 =	ssub.s32 $0x0, s20;
	[sflag:s22] =	ssyncset.done $0x0  }
0xa0: {  	[sflag:s22] =	ssyncadd.s32 s3;
	_ =	sdelay $0x1  }
0xa1: {  	s23 =	simm.s32 $0x1B8B  }
0xa2: {  	_ =	swait.ge [sflag:s23], $0x1  }
0xa3: {  	[sflag:s23] =	ssyncset.done $0x0  }
0xa4: {  	s25 =	simm.s32 $0x1B8E;
	s24 =	sld [smem:$0x3FFE];
	[sflag:s23] =	ssyncadd.s32 $0xFFFFFFFF  }
0xa5: {  	s26 =	simm.s32 $execute0_lowered;
	[smem:$0x3FD2] =	sst s25  }
0xa6: {  	s4 =	sshll.u32 s26, $0x1;
	_ =	strace $0x8000004C;
	[dreg:$0x1] =	wrdreg $0xFFFFFFFF  }
0xa7: {  	s28 =	simm.s32 $_size_execute0_lowered;
	s2 =	sadd.s32 s2, s4;
	[dreg:$0x0] =	wrdreg $0x0  }
0xa8: {  	s4 =	sshll.u32 s28, $0x1;
	[dreg:$0x2] =	wrdreg s2  }
0xa9: {  	[dreg:$0x3] =	wrdreg s4  }
0xaa: {  	[dreg:$0x4] =	wrdreg $0xC0  }
0xab: {  	_ =	task [dreg:s6], $0x5FFFF  }
0xac: {  	[dreg:$0x1] =	wrdreg $0xFFFFFFFF  }
0xad: {  	[dreg:$0x0] =	wrdreg $0x60  }
0xae: {  	[dreg:$0x2] =	wrdreg s24  }
0xaf: {  	[dreg:$0x3] =	wrdreg $0x50800  }
0xb0: {  	[dreg:$0x4] =	wrdreg $0x52F80  }
0xb1: {  	[dreg:$0x5] =	wrdreg $0x9  }
0xb2: {  	_ =	task.clear_ibuf [dreg:s6], $0x6FFFF;
	_ =	strace $0x9000004C  }
0xb3: {  	s29 =	simm.s32 $0x9;
	_ =	strace $0x8000004E  }
0xb4: {  	_ =	swait.ge [sflag:s29], $0x1  }
0xb5: {  	[sflag:s29] =	ssyncadd.s32 $0xFFFFFFFF  }
0xb6: {  	_ =	strace $0x9000004E  }
0xb7: {  	_ =	sfence  }
0xb8: {  	s30 =	sld [smem:$0x0];
	_ =	sdelay $0x2  }
0xb9: {  	s31 =	sshll.u32 s1, $0xD;
	s1 =	sshrl.u32 s1, $0x2  }
0xba: {  	s3 =	sand.u32 $0x4000, s31;
	s1 =	sadd.s32 s1, s30  }
0xbb: {  	s0 =	sor.u32 s3, s0;
	s1 =	sshll.u32 s1, $0x11  }
0xbc: {  	s0 =	sor.u32 s1, s0  }
0xbd: {  	s0 =	sadd.s32 $0x8F2B, s0  }
0xbe: {  	[sflag:s0] =	ssyncadd.remote.s32 $0x1  }
0xbf: {  	_ =	sfence.sel $0xFFFF  }
0xc0: {  	[dreg:$0x0] =	wrdreg $0xFFFFFFFF;
	(pc) =	sbr.abs _section_cstart, $3  }
0xc1: {  	[dreg:$0x1] =	wrdreg $0xFFFFFFFF  }
0xc2: {  	_ =	task.clear_ibuf [dreg:s6], $0x2FFFF;
	_ =	strace $0x9FFFFFFF  }
0xc3: {  	(tm) =	ssettm $0x7FFFFFFF  }
tec
execute0_lowered:
.L_overlay_start_1:
0x0: {  	(tag) =	ssettag $0x1  }
0x1: {  	s6 =	rddreg [dreg:$0x0]  }
0x2: {  	s0 =	rddreg [dreg:$0x1];
	s1 =	srdreg.scid  }
0x3: {  	s16 =	stileid.u32;
	s2 =	rddreg [dreg:$0x2];
	s3 =	simm.s32 $0x0  }
0x4: {  	s13 =	simm.s32 $0x1C43;
	s14 =	simm.s32 $0x80;
	s15 =	simm.s32 $0x5000  }
0x5: {  	s17 =	simm.s32 $0x2;
	s20 =	simm.s32 $0x1C03;
	s21 =	simm.s32 $0x0  }
0x6: {  	s4 =	sand.u32 $0x1, s1;
	s5 =	sshll.u32 s16, $0x1;
	s1 =	rddreg [dreg:$0x3]  }
0x7: {  	[smem:$0x7FF] =	sst s3;
	p1 =	seq.s32 s16, $0x1;
	s12 =	sshrl.u32 s2, $0x3  }
0x8: {  	p0 =	sne.s32 s16, $0x0;
	s16 =	simm.s32 $0x1;
	s19 =	sshrl.u32 s0, $0x3  }
0x9: {  	s5 =	sor.u32 s4, s5;
	_ =	strace $0x8000004D;
	s7 =	smul.u32 $0x4F0, s4  }
0xa: {  	s8 =	ssub.s32 $0x2, s4;
	s4 =	sadd.s32 $0x16200, s6;
	s5 =	smul.u32 $0x500, s5  }
0xb: {  	s18 =	sshrl.u32 @!p0 s2, $0x3;
	s10 =	sshrl.u32 s8, $0x1;
	s11 =	sadd.s32 s7, s6  }
0xc: {  	s10 =	ssub.s32 s8, s10;
	s9 =	sadd.s32 s5, s6;
	s5 =	sadd.s32 $0x15C00, s6  }
0xd: {  	s8 =	sadd.s32 $0x16800, s11;
	s11 =	simm.s32 $0x2800;
	s6 =	sadd.s32 $0xBC00, s9  }
0xe: {  	s7 =	sadd.s32 $0x1C00, s9;
	s9 =	smax.u32 s10, $0x1;
	s10 =	simm.s32 $0x3  }
.LBB2_1:
0xf: {  	[tilespmem:s3], [sflag:$0x3] =	stream.linear.gather [hbm4b:s6+s3], $0x2800, $0x38;
	[tilespmem:$0x5570] =	vst v63  }
0x10: {  	_ =	swait.ge [sflag:s10], $0x2800  }
0x11: {  	[sflag:s10] =	ssyncset.done $0x0  }
.Ltmp0:
0x12: {  	[sflag:s10] =	ssyncadd.s32 $0xFFFFD800;
	(pc) =	sbr.rel @p1 .LBB2_4-.Ltmp0, $4  }
0x13: {  	[tilespmem:s11], [sflag:$0x3] =	stream.linear.gather [hbm4b:s7+s3], $0x2800, $0x38;
	[tilespmem:$0x5570] =	vst v63  }
0x14: {  	_ =	swait.ge [sflag:s10], $0x2800  }
0x15: {  	[sflag:s10] =	ssyncset.done $0x0  }
0x16: {  	[sflag:s10] =	ssyncadd.s32 $0xFFFFD800  }
.Ltmp1:
0x17: {  	(pc) =	sbr.rel @p0 .LBB2_6-.Ltmp1, $1  }
0x18: {  	_ =	sdelay $0x3  }
.Ltmp2:
0x19: {  	(pc) =	sbr.rel .LBB2_5-.Ltmp2, $2  }
0x1a: {  	_ =	sdelay $0x2  }
0x1b: {  	[spmem:s19], [sflag:s20] =	dma.local [hbm:s4], $0x4F0  }
.LBB2_4:
0x1c: {  	[spmem:s12], [sflag:s13] =	dma.local [hbm:s5], $0x4F0  }
.LBB2_5:
0x1d: {  	_ =	swait.ge [sflag:s10], $0x4F0  }
0x1e: {  	[sflag:s10] =	ssyncset.done $0x0  }
0x1f: {  	[sflag:s10] =	ssyncadd.s32 $0xFFFFFB10  }
.LBB2_6:
0x20: {  	[bflag:$0x0] =	sbarrier.arrive $0xFFFF  }
0x21: {  	[tilespmem:s15], [sflag:$0x1] =	stream.indirect.gather [spmem:s0], $0x1, s3, s14, $0xb8;
	[tilespmem:$0x5570] =	vst v63  }
0x22: {  	_ =	swait.ge [sflag:s16], $0x80  }
0x23: {  	[sflag:s16] =	ssyncset.done $0x0  }
0x24: {  	[sflag:s16] =	ssyncadd.s32 $0xFFFFFF80  }
0x25: {  	[spmem:s2] =	stream.indirect.scatter.add.f32 [tilespmem:s15], [sflag:$0x2], $0x1, s11, s14, $0xb8;
	[tilespmem:$0x5570] =	vst v63  }
0x26: {  	_ =	swait.ge [sflag:s17], $0x80  }
0x27: {  	[sflag:s17] =	ssyncset.done $0x0  }
0x28: {  	s22 =	simm.s32 $0x80;
	[sflag:s17] =	ssyncadd.s32 $0xFFFFFF80  }
0x29: {  	[tilespmem:s15], [sflag:$0x1] =	stream.indirect.gather [spmem:s0], $0x1, s22, s14, $0xb8;
	[tilespmem:$0x5570] =	vst v63  }
0x2a: {  	_ =	swait.ge [sflag:s16], $0x80  }
0x2b: {  	[sflag:s16] =	ssyncset.done $0x0  }
0x2c: {  	s23 =	simm.s32 $0x2880;
	s22 =	simm.s32 $0x400;
	[sflag:s16] =	ssyncadd.s32 $0xFFFFFF80  }
.LBB2_7:
0x2d: {  	[spmem:s2] =	stream.indirect.scatter.add.f32 [tilespmem:s15], [sflag:$0x2], $0x1, s23, s14, $0xb8;
	[tilespmem:$0x5570] =	vst v63  }
0x2e: {  	s23 =	smov.u32 s22  }
0x2f: {  	p2 =	sne.s32 s22, $0x9E00;
	s22 =	sadd.s32 $0x200, s22;
	_ =	swait.ge [sflag:s17], $0x80  }
0x30: {  	[sflag:s17] =	ssyncset.done $0x0  }
.Ltmp3:
0x31: {  	s23 =	sshra.s32 s23, $0x2;
	[sflag:s17] =	ssyncadd.s32 $0xFFFFFF80;
	(pc) =	sbr.rel @p2 .LBB2_7-.Ltmp3, $4  }
0x32: {  	[tilespmem:s15], [sflag:$0x1] =	stream.indirect.gather [spmem:s0], $0x1, s23, s14, $0xb8;
	[tilespmem:$0x5570] =	vst v63  }
0x33: {  	_ =	swait.ge [sflag:s16], $0x80  }
0x34: {  	[sflag:s16] =	ssyncset.done $0x0  }
0x35: {  	s23 =	sadd.s32 $0x2800, s23;
	[sflag:s16] =	ssyncadd.s32 $0xFFFFFF80  }
0x36: {  	[spmem:s2] =	stream.indirect.scatter.add.f32 [tilespmem:s15], [sflag:$0x2], $0x1, s23, s14, $0xb8;
	[tilespmem:$0x5570] =	vst v63  }
0x37: {  	_ =	swait.ge [sflag:s17], $0x80  }
0x38: {  	[sflag:s17] =	ssyncset.done $0x0  }
0x39: {  	s21 =	sadd.s32 $0x1, s21;
	[sflag:s17] =	ssyncadd.s32 $0xFFFFFF80  }
0x3a: {  	s22 =	simm.s32 @!p0 $0x1C03;
	p2 =	sne.s32 s21, s9;
	[bflag:$0x0] =	sbarrier.arrive $0xFFFF  }
0x3b: {  	[hbm:s8], [sflag:s22] =	dma.local @!p0 [spmem:s18], $0x4F0  }
.Ltmp4:
0x3c: {  	_ = 	snop;
	(pc) =	sbr.rel @p2 .LBB2_1-.Ltmp4, $4  }
0x3d: {  	s22 =	simm.s32 @!p0 $0x3  }
0x3e: {  	_ =	swait.ge @!p0 [sflag:s22], $0x4F0  }
0x3f: {  	[sflag:s22] =	ssyncset.done @!p0 $0x0  }
0x40: {  	[sflag:s22] =	ssyncadd.s32 @!p0 $0xFFFFFB10  }
0x41: {  	_ =	sfence.sel $0x180000  }
0x42: {  	[bflag:$0x0] =	sbarrier.arrive $0xFFFF  }
0x43: {  	_ =	strace $0x9000004D  }
0x44: {  	s0 =	sadd.s32 @!p0 $0x100000, s1;
	[bflag:$0x2] =	sbarrier.arrive $0xFFFF  }
0x45: {  	[sflag:s0] =	ssyncadd.tile.s32 @!p0 $0x1;
	_ =	shalt  }
.Lfunc_end2:
_tile_overlayer_lowered:
.L_overlay_start_2:
0x46: {  	(tag) =	ssettag $0x2  }
0x47: {  	s0 =	rddreg [dreg:$0x0];
	s2 =	stileid.u32  }
0x48: {  	s1 =	rddreg [dreg:$0x1];
	p0 =	sne.s32 s2, $0x0  }
0x49: {  	s3 =	rddreg [dreg:$0x2];
	[bflag:$0x3] =	sbarrier.arrive $0xFFFF;
	s2 =	simm.s32 @!p0 $0x1C03  }
0x4a: {  	[timem:s3], [sflag:s2] =	dma.local @!p0 [hbm:s0], s1  }
0x4b: {  	s0 =	simm.s32 @!p0 $0x3  }
0x4c: {  	_ =	swait.ge @!p0 [sflag:s0], s1  }
0x4d: {  	s1 =	ssub.s32 @!p0 $0x0, s1;
	[sflag:s0] =	ssyncset.done @!p0 $0x0  }
0x4e: {  	[sflag:s0] =	ssyncadd.s32 @!p0 s1  }
0x4f: {  	[bflag:$0x3] =	sbarrier.arrive $0xFFFF  }
0x50: {  	_ =	shalt  }

// kernel: kernel.9.cloned.1.call-start
scs
__scs_entry_jumppad:
0x0: {  	(pc) =	sbr.rel $0x88, $3  }
0x1: {  	(tag) =	ssettag $0x0;
	lr =	simm.s32 $0x1  }
0x2: {  	[smem:$0x3F9B] =	sst lr;
	_ =	strace $0xD0000000  }
0x3: {  	_ = 	snop  }
0x4: {  	_ = 	snop  }
0x5: {  	_ = 	snop  }
0x6: {  	_ = 	snop  }
0x7: {  	_ = 	snop  }
__scs_overlays_trampoline_lowered:
0x8: {  	[smem:$0x3FAA] =	sst s0  }
0x9: {  	[smem:$0x3FAB] =	sst s1  }
0xa: {  	[smem:$0x3FAC] =	sst s2  }
0xb: {  	[smem:$0x3FAD] =	sst s3  }
0xc: {  	[smem:$0x3FAE] =	sst s4  }
0xd: {  	[smem:$0x3FAF] =	sst s5  }
0xe: {  	[smem:$0x3FB0] =	sst s6  }
0xf: {  	[smem:$0x3FB1] =	sst s7  }
0x10: {  	[smem:$0x3FB2] =	sst s8  }
0x11: {  	[smem:$0x3FB3] =	sst s9;
	s0 =	simm.s32 @!p0 $0x0  }
0x12: {  	s1 =	sld [smem:$0x3F99];
	s0 =	simm.s32 @p0 $0x1  }
0x13: {  	[smem:$0x3FB4] =	sst s0;
	s0 =	simm.s32 @!p1 $0x0  }
0x14: {  	s2 =	sld [smem:$0x3F98];
	s0 =	simm.s32 @p1 $0x1  }
0x15: {  	[smem:$0x3FB5] =	sst s0;
	s0 =	simm.s32 @!p2 $0x0  }
0x16: {  	s3 =	sld [smem:$0x3FDB];
	s0 =	simm.s32 @p2 $0x1  }
0x17: {  	s4 =	simm.s32 $0x1BF5;
	[smem:$0x3FB7] =	sst s0  }
0x18: {  	s0 =	sld [smem:$0x3F9A];
	_ =	swait.ge [sflag:s4], $0x0  }
0x19: {  	s7 =	sld [smem:$0x3F9B]  }
0x1a: {  	s8 =	sadd.s32 $0xFFFFE003, lr  }
0x1b: {  	s9 =	sadd.s32 $0xFFFFFEF7, lr;
	s5 =	simm.s32 $0xFFFFFFFF;
	p2 =	slt.u32 s8, $0xFFFFF086  }
0x1c: {  	p1 =	slt.u32 s9, $0xF7A;
	s5 =	simm.s32 @!p2 $0x0  }
0x1d: {  	s5 =	simm.s32 @p1 $0x1;
	p0 =	seq.s32 s7, s2  }
0x1e: {  	s7 =	smul.u32 @!p0 $0xF7A, s2;
	p2 =	seq.s32 @!p0 s5, $0x0  }
0x1f: {  	s9 =	smul.u32 $0xF7A, s1;
	s8 =	simm.s32 @!p0 $0x1BF5;
	p2 =	por !p2, p0  }
0x20: {  	[sflag:s8] =	ssyncset.s32 @!p0 $0xFFFFF086;
	s6 =	sadd.s32 @!p0 s3, s7;
	s7 =	simm.s32 @!p0 $0x108  }
0x21: {  	s3 =	sadd.s32 s3, s9;
	s6 =	sadd.s32 @!p0 $0x88, s6;
	s7 =	simm.s32 @p2 $0x1082  }
0x22: {  	[simem:s7], [sflag:s8] =	dma.local @!p0 [hbm:s6], $0xF7A  }
0x23: {  	s9 =	sor.u32 $0xD0000000, s2;
	s6 =	simm.s32 $0x108;
	_ =	swait.ge @!p0 [sflag:s8], $0x0  }
0x24: {  	s3 =	sadd.s32 $0x88, s3;
	s6 =	simm.s32 @!p1 $0x1082;
	[sflag:s4] =	ssyncset.s32 $0xFFFFF086  }
0x25: {  	[simem:s6], [sflag:s4] =	dma.local [hbm:s3], $0xF7A  }
0x26: {  	[smem:$0x3F9B] =	sst s1;
	(tag) =	ssettag s2;
	_ =	strace s9  }
0x27: {  	s1 =	sld [smem:$0x3FAB]  }
0x28: {  	s2 =	sld [smem:$0x3FAC]  }
0x29: {  	s4 =	sld [smem:$0x3FAE]  }
0x2a: {  	p0 =	seq.s32 s5, $0x0;
	s5 =	sld [smem:$0x3FAF]  }
0x2b: {  	s6 =	sld [smem:$0x3FB0]  }
0x2c: {  	s7 =	sld [smem:$0x3FB1]  }
0x2d: {  	s3 =	simm.s32 $0x108;
	s8 =	sld [smem:$0x3FB2]  }
0x2e: {  	s3 =	simm.s32 @!p0 $0x1082;
	s9 =	sld [smem:$0x3FB3]  }
0x2f: {  	lr =	sadd.s32 s0, s3;
	s0 =	sld [smem:$0x3FAA]  }
0x30: {  	s3 =	sld [smem:$0x3FAD]  }
0x31: {  	[smem:$0x3FB6] =	sst s10  }
0x32: {  	s10 =	sld [smem:$0x3FB4];
	_ =	sdelay $0x3  }
0x33: {  	p0 =	seq.s32 s10, $0x1;
	s10 =	sld [smem:$0x3FB6];
	_ =	sdelay $0x3  }
0x34: {  	[smem:$0x3FB6] =	sst s10  }
0x35: {  	s10 =	sld [smem:$0x3FB5];
	_ =	sdelay $0x3  }
0x36: {  	p1 =	seq.s32 s10, $0x1;
	s10 =	sld [smem:$0x3FB6];
	_ =	sdelay $0x3  }
0x37: {  	[smem:$0x3FB6] =	sst s10  }
0x38: {  	s10 =	sld [smem:$0x3FB7]  }
0x39: {  	_ = 	snop;
	(pc) =	sbr.ind lr, $3  }
0x3a: {  	_ = 	snop  }
0x3b: {  	_ = 	snop  }
0x3c: {  	p2 =	seq.s32 s10, $0x1;
	s10 =	sld [smem:$0x3FB6]  }
0x3d: {  	_ =	shalt  }
0x3e: {  	_ =	shalt  }
0x3f: {  	_ =	shalt  }
0x40: {  	_ =	shalt  }
0x41: {  	_ =	shalt  }
0x42: {  	_ =	shalt  }
0x43: {  	_ =	shalt  }
0x44: {  	_ =	shalt  }
0x45: {  	_ =	shalt  }
0x46: {  	_ =	shalt  }
0x47: {  	_ =	shalt  }
0x48: {  	_ =	shalt  }
0x49: {  	_ =	shalt  }
0x4a: {  	_ =	shalt  }
0x4b: {  	_ =	shalt  }
0x4c: {  	_ =	shalt  }
0x4d: {  	_ =	shalt  }
0x4e: {  	_ =	shalt  }
0x4f: {  	_ =	shalt  }
0x50: {  	_ =	shalt  }
0x51: {  	_ =	shalt  }
0x52: {  	_ =	shalt  }
0x53: {  	_ =	shalt  }
0x54: {  	_ =	shalt  }
0x55: {  	_ =	shalt  }
0x56: {  	_ =	shalt  }
0x57: {  	_ =	shalt  }
0x58: {  	_ =	shalt  }
0x59: {  	_ =	shalt  }
0x5a: {  	_ =	shalt  }
0x5b: {  	_ =	shalt  }
0x5c: {  	_ =	shalt  }
0x5d: {  	_ =	shalt  }
0x5e: {  	_ =	shalt  }
0x5f: {  	_ =	shalt  }
0x60: {  	_ =	shalt  }
0x61: {  	_ =	shalt  }
0x62: {  	_ =	shalt  }
0x63: {  	_ =	shalt  }
0x64: {  	_ =	shalt  }
0x65: {  	_ =	shalt  }
0x66: {  	_ =	shalt  }
0x67: {  	_ =	shalt  }
0x68: {  	_ =	shalt  }
0x69: {  	_ =	shalt  }
0x6a: {  	_ =	shalt  }
0x6b: {  	_ =	shalt  }
0x6c: {  	_ =	shalt  }
0x6d: {  	_ =	shalt  }
0x6e: {  	_ =	shalt  }
0x6f: {  	_ =	shalt  }
0x70: {  	_ =	shalt  }
0x71: {  	_ =	shalt  }
0x72: {  	_ =	shalt  }
0x73: {  	_ =	shalt  }
0x74: {  	_ =	shalt  }
0x75: {  	_ =	shalt  }
0x76: {  	_ =	shalt  }
0x77: {  	_ =	shalt  }
0x78: {  	_ =	shalt  }
0x79: {  	_ =	shalt  }
0x7a: {  	_ =	shalt  }
0x7b: {  	_ =	shalt  }
0x7c: {  	_ =	shalt  }
0x7d: {  	_ =	shalt  }
0x7e: {  	_ =	shalt  }
0x7f: {  	_ =	shalt  }
0x80: {  	_ =	shalt  }
0x81: {  	_ =	shalt  }
0x82: {  	_ =	shalt  }
0x83: {  	_ =	shalt  }
0x84: {  	_ =	shalt  }
0x85: {  	_ =	shalt  }
0x86: {  	_ =	shalt  }
0x87: {  	_ =	shalt  }
.Lfunc_end0:
.L_simem_size_0:
called_computation_lowered:
.L_overlay_start_0:
0x88: {  	s2 =	sld [smem:$0x3FD9]  }
0x89: {  	s3 =	sld [smem:$0x3FFE];
	_ =	sdelay $0x1  }
0x8a: {  	s1 =	srdreg.scid  }
0x8b: {  	s0 =	sand.u32 $0x1, s1  }
0x8c: {  	s17 =	sshll.u32 s0, $0xA;
	s2 =	sadd.s32 s3, s2  }
0x8d: {  	s2 =	sadd.s32 s2, s17  }
0x8e: {  	[smem:$0x3FC2] =	sst s2  }
0x8f: {  	_ = 	snop  }
0x90: {  	s2 =	sld [smem:$0x3FD0];
	(tm) =	ssettm $0x1  }
0x91: {  	s18 =	sld [smem:$0x3FFB];
	_ =	sdelay $0x3  }
0x92: {  	_ =	strace s18  }
0x93: {  	s3 =	sld [smem:$0x3FFC];
	_ =	sdelay $0x3  }
0x94: {  	_ =	strace s3  }
0x95: {  	s3 =	sld [smem:$0x3FFD];
	_ =	sdelay $0x3  }
0x96: {  	_ =	strace s3  }
0x97: {  	_ =	strace $0x8FFFFFFF  }
0x98: {  	s19 =	sld [smem:$0x3FDB];
	_ =	sdelay $0x1  }
0x99: {  	s4 =	simm.s32 $_scs_section_size  }
0x9a: {  	s5 =	simm.s32 $_size__tile_overlayer_lowered;
	s6 =	simm.s32 $_tile_overlayer_lowered  }
0x9b: {  	s22 =	simm.s32 $0x1BFF;
	s21 =	sshll.u32 s6, $0x1;
	s3 =	sadd.s32 s4, s19  }
0x9c: {  	s7 =	simm.s32 $0x0;
	s20 =	sshll.u32 s5, $0x1;
	s5 =	sadd.s32 s21, s3  }
0x9d: {  	[timem:s7], [sflag:s22] =	dma.local [hbm:s5], s20  }
0x9e: {  	_ =	swait.ge [sflag:s22], s20  }
0x9f: {  	s4 =	ssub.s32 $0x0, s20;
	[sflag:s22] =	ssyncset.done $0x0  }
0xa0: {  	[sflag:s22] =	ssyncadd.s32 s4;
	_ =	sdelay $0x1  }
0xa1: {  	s23 =	simm.s32 $0x1B8B  }
0xa2: {  	_ =	swait.ge [sflag:s23], $0x1  }
0xa3: {  	[sflag:s23] =	ssyncset.done $0x0  }
0xa4: {  	s25 =	simm.s32 $0x1B8E;
	s24 =	sld [smem:$0x3FFE];
	[sflag:s23] =	ssyncadd.s32 $0xFFFFFFFF  }
0xa5: {  	s26 =	simm.s32 $execute0_lowered;
	[smem:$0x3FD2] =	sst s25  }
0xa6: {  	s5 =	sshll.u32 s26, $0x1;
	_ =	strace $0x80000046;
	[dreg:$0x1] =	wrdreg $0xFFFFFFFF  }
0xa7: {  	s28 =	simm.s32 $_size_execute0_lowered;
	s3 =	sadd.s32 s3, s5;
	[dreg:$0x0] =	wrdreg $0x0  }
0xa8: {  	s5 =	sshll.u32 s28, $0x1;
	[dreg:$0x2] =	wrdreg s3  }
0xa9: {  	[dreg:$0x3] =	wrdreg s5  }
0xaa: {  	[dreg:$0x4] =	wrdreg $0xC0  }
0xab: {  	_ =	task [dreg:s7], $0x5FFFF  }
0xac: {  	[dreg:$0x1] =	wrdreg $0xFFFFFFFF  }
0xad: {  	[dreg:$0x0] =	wrdreg $0x60  }
0xae: {  	[dreg:$0x2] =	wrdreg s24  }
0xaf: {  	[dreg:$0x3] =	wrdreg s2  }
0xb0: {  	[dreg:$0x4] =	wrdreg $0x50800  }
0xb1: {  	[dreg:$0x5] =	wrdreg $0x52F80  }
0xb2: {  	[dreg:$0x6] =	wrdreg $0x9  }
0xb3: {  	_ =	task.clear_ibuf [dreg:s7], $0x7FFFF;
	_ =	strace $0x90000046  }
0xb4: {  	s29 =	simm.s32 $0x9;
	_ =	strace $0x80000048  }
0xb5: {  	_ =	swait.ge [sflag:s29], $0x1  }
0xb6: {  	[sflag:s29] =	ssyncadd.s32 $0xFFFFFFFF  }
0xb7: {  	_ =	strace $0x90000048  }
0xb8: {  	_ =	sfence  }
0xb9: {  	s30 =	sld [smem:$0x0];
	_ =	sdelay $0x2  }
0xba: {  	s31 =	sshll.u32 s1, $0xD;
	s1 =	sshrl.u32 s1, $0x2  }
0xbb: {  	s3 =	sand.u32 $0x4000, s31;
	s1 =	sadd.s32 s1, s30  }
0xbc: {  	s0 =	sor.u32 s3, s0;
	s1 =	sshll.u32 s1, $0x11  }
0xbd: {  	s0 =	sor.u32 s1, s0  }
0xbe: {  	s0 =	sadd.s32 $0x8F2B, s0  }
0xbf: {  	[sflag:s0] =	ssyncadd.remote.s32 $0x1  }
0xc0: {  	_ =	sfence.sel $0xFFFF  }
0xc1: {  	[dreg:$0x0] =	wrdreg $0xFFFFFFFF;
	(pc) =	sbr.abs _section_cstart, $3  }
0xc2: {  	[dreg:$0x1] =	wrdreg $0xFFFFFFFF  }
0xc3: {  	_ =	task.clear_ibuf [dreg:s7], $0x2FFFF;
	_ =	strace $0x9FFFFFFF  }
0xc4: {  	(tm) =	ssettm $0x7FFFFFFF  }
0xc5: {  	_ =	shalt  }
tec
execute0_lowered:
.L_overlay_start_1:
0x0: {  	(tag) =	ssettag $0x1  }
0x1: {  	s7 =	rddreg [dreg:$0x0]  }
0x2: {  	s1 =	rddreg [dreg:$0x1]  }
0x3: {  	s2 =	srdreg.scid;
	s3 =	rddreg [dreg:$0x2]  }
0x4: {  	s0 =	stileid.u32;
	s4 =	rddreg [dreg:$0x3]  }
0x5: {  	s5 =	simm.s32 $0x0;
	s13 =	simm.s32 $0x2800;
	s14 =	simm.s32 $0x5000  }
0x6: {  	s16 =	simm.s32 $0x1C42;
	s17 =	simm.s32 $0x80;
	s18 =	simm.s32 $0x1  }
0x7: {  	s21 =	simm.s32 $0x1C02;
	s6 =	sand.u32 $0x1, s2;
	s2 =	rddreg [dreg:$0x4]  }
0x8: {  	s22 =	simm.s32 $0x0;
	s31 =	sshll.u32 s0, $0x1;
	[smem:$0x7FF] =	sst s5  }
0x9: {  	p0 =	sne.s32 s0, $0x0;
	p1 =	seq.s32 s0, $0x1;
	s15 =	sshrl.u32 s4, $0x3  }
0xa: {  	s20 =	sshrl.u32 s3, $0x3;
	s8 =	sor.u32 s6, s31;
	s9 =	smul.u32 $0x4F0, s6  }
0xb: {  	s10 =	ssub.s32 $0x2, s6;
	_ =	strace $0x80000047;
	s8 =	smul.u32 $0x500, s8  }
0xc: {  	s6 =	sadd.s32 $0x15C00, s7;
	s19 =	sshrl.u32 @!p0 s3, $0x3;
	s11 =	sshrl.u32 s10, $0x1  }
0xd: {  	s12 =	sadd.s32 s9, s7;
	s11 =	ssub.s32 s10, s11;
	s8 =	sadd.s32 s8, s7  }
0xe: {  	s9 =	sadd.s32 $0x16200, s12;
	s10 =	sadd.s32 $0x16C00, s12;
	s11 =	smax.u32 s11, $0x1  }
0xf: {  	s12 =	simm.s32 $0x2;
	s7 =	sadd.s32 $0xBC00, s8;
	s8 =	sadd.s32 $0x1C00, s8  }
.LBB2_1:
0x10: {  	[tilespmem:s5], [sflag:$0x2] =	stream.linear.gather [hbm4b:s7+s5], $0x2800, $0x38;
	[tilespmem:$0x5570] =	vst v63  }
0x11: {  	_ =	swait.ge [sflag:s12], $0x2800  }
0x12: {  	[sflag:s12] =	ssyncset.done $0x0  }
0x13: {  	[sflag:s12] =	ssyncadd.s32 $0xFFFFD800  }
0x14: {  	[tilespmem:s13], [sflag:$0x2] =	stream.linear.gather [hbm4b:s8+s5], $0x2800, $0x38;
	[tilespmem:$0x5570] =	vst v63  }
0x15: {  	_ =	swait.ge [sflag:s12], $0x2800  }
0x16: {  	[sflag:s12] =	ssyncset.done $0x0  }
.Ltmp0:
0x17: {  	[sflag:s12] =	ssyncadd.s32 $0xFFFFD800;
	(pc) =	sbr.rel @p1 .LBB2_4-.Ltmp0, $4  }
0x18: {  	[tilespmem:s14], [sflag:$0x2] =	stream.linear.gather [hbm4b:s1+s5], $0x80, $0x38;
	[tilespmem:$0x5570] =	vst v63  }
0x19: {  	_ =	swait.ge [sflag:s12], $0x80  }
0x1a: {  	[sflag:s12] =	ssyncset.done $0x0  }
0x1b: {  	[sflag:s12] =	ssyncadd.s32 $0xFFFFFF80  }
.Ltmp1:
0x1c: {  	(pc) =	sbr.rel @p0 .LBB2_6-.Ltmp1, $2  }
0x1d: {  	_ =	sdelay $0x2  }
0x1e: {  	p2 =	por $0x0, $0x0  }
.Ltmp2:
0x1f: {  	(pc) =	sbr.rel .LBB2_5-.Ltmp2, $2  }
0x20: {  	_ =	sdelay $0x2  }
0x21: {  	[spmem:s20], [sflag:s21] =	dma.local [hbm:s6], $0x4F0  }
.LBB2_4:
0x22: {  	[spmem:s15], [sflag:s16] =	dma.local [hbm:s6], $0x4F0  }
.LBB2_5:
0x23: {  	_ =	swait.ge [sflag:s12], $0x4F0  }
0x24: {  	[sflag:s12] =	ssyncset.done $0x0  }
0x25: {  	p2 =	por p0, p0;
	[sflag:s12] =	ssyncadd.s32 $0xFFFFFB10  }
.LBB2_6:
0x26: {  	[bflag:$0x0] =	sbarrier.arrive $0xFFFF  }
0x27: {  	[spmem:s3] =	stream.indirect.scatter.add.f32 [tilespmem:s14], [sflag:$0x1], $0x1, s5, s17, $0xb8;
	[tilespmem:$0x5570] =	vst v63  }
0x28: {  	_ = 	snop  }
0x29: {  	[spmem:s4] =	stream.indirect.scatter.add.f32 [tilespmem:s14], [sflag:$0x1], $0x1, s13, s17, $0xb8;
	[tilespmem:$0x5570] =	vst v63  }
0x2a: {  	_ =	swait.ge [sflag:s18], $0x80  }
0x2b: {  	[sflag:s18] =	ssyncset.done $0x0  }
0x2c: {  	[sflag:s18] =	ssyncadd.s32 $0xFFFFFF80  }
0x2d: {  	_ =	swait.ge [sflag:s18], $0x80  }
0x2e: {  	[sflag:s18] =	ssyncset.done $0x0  }
0x2f: {  	s23 =	simm.s32 $0x80;
	[sflag:s18] =	ssyncadd.s32 $0xFFFFFF80  }
0x30: {  	[spmem:s3] =	stream.indirect.scatter.add.f32 [tilespmem:s14], [sflag:$0x1], $0x1, s23, s17, $0xb8;
	[tilespmem:$0x5570] =	vst v63  }
0x31: {  	s24 =	simm.s32 $0x2880;
	s23 =	simm.s32 $0x400  }
.LBB2_7:
0x32: {  	[spmem:s4] =	stream.indirect.scatter.add.f32 [tilespmem:s14], [sflag:$0x1], $0x1, s24, s17, $0xb8;
	[tilespmem:$0x5570] =	vst v63  }
0x33: {  	s24 =	smov.u32 s23  }
0x34: {  	p3 =	sne.s32 s23, $0x9E00;
	s23 =	sadd.s32 $0x200, s23;
	_ =	swait.ge [sflag:s18], $0x80  }
0x35: {  	[sflag:s18] =	ssyncset.done $0x0  }
0x36: {  	[sflag:s18] =	ssyncadd.s32 $0xFFFFFF80  }
.Ltmp3:
0x37: {  	_ =	swait.ge [sflag:s18], $0x80;
	(pc) =	sbr.rel @p3 .LBB2_7-.Ltmp3, $4  }
0x38: {  	[sflag:s18] =	ssyncset.done $0x0  }
0x39: {  	s24 =	sshra.s32 s24, $0x2;
	[sflag:s18] =	ssyncadd.s32 $0xFFFFFF80  }
0x3a: {  	[spmem:s3] =	stream.indirect.scatter.add.f32 [tilespmem:s14], [sflag:$0x1], $0x1, s24, s17, $0xb8;
	[tilespmem:$0x5570] =	vst v63  }
0x3b: {  	s24 =	sadd.s32 $0x2800, s24  }
0x3c: {  	[spmem:s4] =	stream.indirect.scatter.add.f32 [tilespmem:s14], [sflag:$0x1], $0x1, s24, s17, $0xb8;
	[tilespmem:$0x5570] =	vst v63  }
0x3d: {  	_ =	swait.ge [sflag:s18], $0x80  }
0x3e: {  	[sflag:s18] =	ssyncset.done $0x0  }
0x3f: {  	[sflag:s18] =	ssyncadd.s32 $0xFFFFFF80  }
0x40: {  	_ =	swait.ge [sflag:s18], $0x80  }
0x41: {  	[sflag:s18] =	ssyncset.done $0x0  }
0x42: {  	[sflag:s18] =	ssyncadd.s32 $0xFFFFFF80  }
0x43: {  	s23 =	simm.s32 @!p0 $0x1C02;
	[bflag:$0x0] =	sbarrier.arrive $0xFFFF  }
0x44: {  	[hbm:s9], [sflag:s23] =	dma.local @!p0 [spmem:s19], $0x4F0  }
0x45: {  	s23 =	simm.s32 @!p0 $0x2  }
0x46: {  	s22 =	sadd.s32 $0x1, s22;
	_ =	swait.ge @!p0 [sflag:s23], $0x4F0  }
0x47: {  	s24 =	sshll.u32 @p2 s0, $0x6;
	p3 =	sne.s32 s22, s11;
	[sflag:s23] =	ssyncset.done @!p0 $0x0  }
0x48: {  	[sflag:s23] =	ssyncadd.s32 @!p0 $0xFFFFFB10;
	s23 =	sor.u32 @p2 $0x1C02, s24;
	s24 =	sshrl.u32 @p2 s4, $0x3  }
0x49: {  	[hbm:s10], [sflag:s23] =	dma.local @p2 [spmem:s24], $0x4F0  }
.Ltmp4:
0x4a: {  	_ = 	snop;
	(pc) =	sbr.rel @p3 .LBB2_1-.Ltmp4, $4  }
0x4b: {  	s23 =	simm.s32 @p2 $0x2  }
0x4c: {  	_ =	swait.ge @p2 [sflag:s23], $0x4F0  }
0x4d: {  	[sflag:s23] =	ssyncset.done @p2 $0x0  }
0x4e: {  	[sflag:s23] =	ssyncadd.s32 @p2 $0xFFFFFB10  }
0x4f: {  	_ =	sfence.sel $0x180000  }
0x50: {  	[bflag:$0x0] =	sbarrier.arrive $0xFFFF  }
0x51: {  	p0 =	sne.s32 s0, $0x0;
	_ =	strace $0x90000047  }
0x52: {  	s0 =	sadd.s32 @!p0 $0x100000, s2;
	[bflag:$0x2] =	sbarrier.arrive $0xFFFF  }
0x53: {  	[sflag:s0] =	ssyncadd.tile.s32 @!p0 $0x1;
	_ =	shalt  }
.Lfunc_end2:
_tile_overlayer_lowered:
.L_overlay_start_2:
0x54: {  	(tag) =	ssettag $0x2  }
0x55: {  	s0 =	rddreg [dreg:$0x0];
	s2 =	stileid.u32  }
0x56: {  	s1 =	rddreg [dreg:$0x1];
	p0 =	sne.s32 s2, $0x0  }
0x57: {  	s3 =	rddreg [dreg:$0x2];
	[bflag:$0x3] =	sbarrier.arrive $0xFFFF;
	s2 =	simm.s32 @!p0 $0x1C02  }
0x58: {  	[timem:s3], [sflag:s2] =	dma.local @!p0 [hbm:s0], s1  }
0x59: {  	s0 =	simm.s32 @!p0 $0x2  }
0x5a: {  	_ =	swait.ge @!p0 [sflag:s0], s1  }
0x5b: {  	s1 =	ssub.s32 @!p0 $0x0, s1;
	[sflag:s0] =	ssyncset.done @!p0 $0x0  }
0x5c: {  	[sflag:s0] =	ssyncadd.s32 @!p0 s1  }
0x5d: {  	[bflag:$0x3] =	sbarrier.arrive $0xFFFF  }
0x5e: {  	_ =	shalt  }

</sc_bundles>
